<compile_context>
chip_gen: v7x
topology: tpu7x:2x2x1
jax: 0.10.2.dev20260603
libtpu: 0.0.44.dev20260713+nightly
codegen_flags: <defaults>
</compile_context>

<pallas_src>
import functools

import jax
import jax.numpy as jnp
from jax import lax
from jax.experimental import pallas as pl
from jax.experimental.pallas import tpu as pltpu
from jax.experimental.pallas import tpu_sc as plsc

DIM = 768
LANES = 16
NVEC = DIM // LANES
EPS = 1e-7


def _rsqrt_newton(x):
    i = lax.bitcast_convert_type(x, jnp.int32)
    y = lax.bitcast_convert_type(jnp.int32(0x5F3759DF) - (i >> 1), jnp.float32)
    for _ in range(3):
        y = y * (1.5 - 0.5 * x * y * y)
    return y


def _lane_allreduce_sum(v):
    lane = lax.iota(jnp.int32, LANES)
    for sh in (8, 4, 2, 1):
        v = v + jnp.take_along_axis(v, (lane + sh) & (LANES - 1), axis=0)
    return v


def _word_sc(idx_flat, word_table, g, b):
    n = idx_flat.shape[0]
    info = plsc.get_sparse_core_info()
    nw = info.num_cores * info.num_subcores
    per_w = n // nw
    chunk = 64
    n_chunks = per_w // chunk
    mesh = plsc.VectorSubcoreMesh(core_axis_name="c", subcore_axis_name="s")

    @functools.partial(
        pl.kernel,
        mesh=mesh,
        out_type=jax.ShapeDtypeStruct((n, DIM), jnp.float32),
        scratch_types=[
            pltpu.VMEM((per_w,), jnp.int32),
            pltpu.VMEM((chunk, DIM), jnp.float32),
            pltpu.VMEM((chunk, DIM), jnp.float32),
            pltpu.VMEM((DIM,), jnp.float32),
            pltpu.VMEM((DIM,), jnp.float32),
            pltpu.SemaphoreType.DMA,
            pltpu.SemaphoreType.DMA,
            pltpu.SemaphoreType.DMA,
            pltpu.SemaphoreType.DMA,
        ],
    )
    def k(idx_hbm, tab_hbm, g_hbm, b_hbm, out_hbm,
          idx_v, buf0, buf1, g_v, b_v, gs0, gs1, ws0, ws1):
        wid = lax.axis_index("s") * info.num_cores + lax.axis_index("c")
        base = wid * per_w
        pltpu.sync_copy(g_hbm, g_v)
        pltpu.sync_copy(b_hbm, b_v)
        pltpu.sync_copy(idx_hbm.at[pl.ds(base, per_w)], idx_v)
        bufs = (buf0, buf1)
        gsem = (gs0, gs1)
        wsem = (ws0, ws1)

        def process(rows_v):
            jam = 4
            @plsc.parallel_loop(0, chunk, step=jam, carry=jnp.int32(0))
            def row_body(r, cr):
                z = jnp.zeros((LANES,), jnp.float32)
                rows = [r + i for i in range(jam)]

                @plsc.parallel_loop(0, NVEC, unroll=4, carry=(z,) * (2 * jam))
                def acc_body(kk, c):
                    sl = pl.ds(kk * LANES, LANES)
                    out = []
                    for i in range(jam):
                        v = rows_v[rows[i], sl]
                        out.append(c[2 * i] + v)
                        out.append(c[2 * i + 1] + v * v)
                    return tuple(out)

                acc = acc_body
                rstd = []
                shift = []
                for i in range(jam):
                    mu = _lane_allreduce_sum(acc[2 * i]) * (1.0 / DIM)
                    var = (_lane_allreduce_sum(acc[2 * i + 1]) * (1.0 / DIM)
                           - mu * mu)
                    rs = _rsqrt_newton(var + EPS)
                    rstd.append(rs)
                    shift.append(mu * rs)

                @plsc.parallel_loop(0, NVEC, unroll=4)
                def norm_body(kk):
                    sl = pl.ds(kk * LANES, LANES)
                    gv = g_v[sl]
                    bv = b_v[sl]
                    for i in range(jam):
                        v = rows_v[rows[i], sl]
                        rows_v[rows[i], sl] = (v * rstd[i] - shift[i]) * gv + bv

                return cr

        gathers = [None] * n_chunks
        writes = [None] * n_chunks
        gathers[0] = pltpu.async_copy(
            tab_hbm.at[idx_v.at[pl.ds(0, chunk)]], bufs[0], gsem[0])
        for c in range(n_chunks):
            pb = c % 2
            nb = (c + 1) % 2
            if c + 1 < n_chunks:
                if c >= 1:
                    writes[c - 1].wait()
                gathers[c + 1] = pltpu.async_copy(
                    tab_hbm.at[idx_v.at[pl.ds((c + 1) * chunk, chunk)]],
                    bufs[nb], gsem[nb])
            gathers[c].wait()
            process(bufs[pb])
            writes[c] = pltpu.async_copy(
                bufs[pb], out_hbm.at[pl.ds(base + c * chunk, chunk)], wsem[pb])
        writes[n_chunks - 2].wait()
        writes[n_chunks - 1].wait()

    return k(idx_flat, word_table, g, b)


def _rel_embeddings_tc(rel_table, g, b, n_tiles):
    rows = rel_table.shape[0]
    blk = 1024
    nb = rows // blk

    def body(x_ref, g_ref, b_ref, o_ref):
        x = x_ref[...]
        mu = jnp.mean(x, axis=-1, keepdims=True)
        var = jnp.mean((x - mu) ** 2, axis=-1, keepdims=True)
        o_ref[...] = (x - mu) * lax.rsqrt(var + EPS) * g_ref[...] + b_ref[...]

    return pl.pallas_call(
        body,
        grid=(nb, n_tiles),
        in_specs=[
            pl.BlockSpec((blk, DIM), lambda j, i: (j, 0)),
            pl.BlockSpec((1, DIM), lambda j, i: (0, 0)),
            pl.BlockSpec((1, DIM), lambda j, i: (0, 0)),
        ],
        out_specs=pl.BlockSpec((blk, DIM), lambda j, i: (i * nb + j, 0)),
        out_shape=jax.ShapeDtypeStruct((n_tiles * rows, DIM), jnp.float32),
    )(rel_table, g.reshape(1, DIM), b.reshape(1, DIM))


def _abs_embeddings_tc(abs_table, n_tiles):
    rows = abs_table.shape[0]
    blk = 1024
    nb = rows // blk

    def body(x_ref, o_ref):
        o_ref[...] = x_ref[...]

    return pl.pallas_call(
        body,
        grid=(nb, n_tiles),
        in_specs=[pl.BlockSpec((blk, DIM), lambda j, i: (j, 0))],
        out_specs=pl.BlockSpec((blk, DIM), lambda j, i: (i * nb + j, 0)),
        out_shape=jax.ShapeDtypeStruct((n_tiles * rows, DIM), jnp.float32),
    )(abs_table)


def kernel(inputs, word_table, rel_table, abs_table, ln1_g, ln1_b, ln2_g, ln2_b):
    bsz, seq = inputs.shape
    word = _word_sc(inputs.reshape(-1), word_table, ln1_g, ln1_b)
    rel = _rel_embeddings_tc(rel_table, ln2_g, ln2_b, bsz)
    abs_ = _abs_embeddings_tc(abs_table, bsz)
    return (word.reshape(bsz, seq, DIM), rel, abs_)

# --- scband reference (transcript-rebuilt; emitter-appended) ---
"""Pipeline reference for scband-embedding-75728863363314 (READ-ONLY COPY).

The authoritative reference and input builder live on the scoring server;
editing this copy changes nothing except your own understanding.
"""

import jax, jax.numpy as jnp
import numpy as np

B = 4
MAX_SEQ = 2048
MAX_REL = 2 * MAX_SEQ
VOCAB = 100000
DIM = 768
EPS = 1e-7


def layer_norm(x, g, b):
    mu = jnp.mean(x, axis=-1, keepdims=True)
    var = jnp.mean((x - mu) ** 2, axis=-1, keepdims=True)
    return (x - mu) / jnp.sqrt(var + EPS) * g + b


def setup_inputs(seed: int = 0) -> dict:
    key = jax.random.key(seed)
    k1, k2, k3, k4 = jax.random.split(key, 4)
    inputs = jax.random.randint(k1, (B, MAX_SEQ), 0, VOCAB, dtype=jnp.int32)
    word_table = jax.random.normal(k2, (VOCAB, DIM), dtype=jnp.float32) * 0.02
    rel_table = jax.random.normal(k3, (MAX_REL, DIM), dtype=jnp.float32) * 0.02
    abs_table = jax.random.normal(k4, (MAX_SEQ, DIM), dtype=jnp.float32) * 0.02
    ln1_g = jnp.ones((DIM,), dtype=jnp.float32)
    ln1_b = jnp.zeros((DIM,), dtype=jnp.float32)
    ln2_g = jnp.ones((DIM,), dtype=jnp.float32)
    ln2_b = jnp.zeros((DIM,), dtype=jnp.float32)
    return {
        "inputs": inputs,
        "word_table": word_table,
        "rel_table": rel_table,
        "abs_table": abs_table,
        "ln1_g": ln1_g,
        "ln1_b": ln1_b,
        "ln2_g": ln2_g,
        "ln2_b": ln2_b,
    }


def reference(inputs, word_table, rel_table, abs_table, ln1_g, ln1_b, ln2_g, ln2_b):
    # word embeddings: gather + layernorm (dropout p=0.0 -> identity)
    word_embeddings = layer_norm(jnp.take(word_table, inputs, axis=0), ln1_g, ln1_b)
    # relative positional embeddings: arange(max_rel).repeat(batch) -> tile, then gather + layernorm
    rel_idx = jnp.tile(jnp.arange(MAX_REL, dtype=jnp.int32), B)
    rel_pos_emb = layer_norm(jnp.take(rel_table, rel_idx, axis=0), ln2_g, ln2_b)
    # absolute positional embeddings: gather only (no norm)
    abs_idx = jnp.tile(jnp.arange(MAX_SEQ, dtype=jnp.int32), B)
    abs_pos_emb = jnp.take(abs_table, abs_idx, axis=0)
    return (word_embeddings, rel_pos_emb, abs_pos_emb)

if __name__ == "__main__":
    import jax
    _d = setup_inputs()
    print(jax.jit(kernel)(*tuple(_d.values())))

</pallas_src>

<mosaic_0001>
#map = affine_map<(d0, d1) -> (0)>
#map1 = affine_map<(d0, d1) -> (0, 0)>
module attributes {stable_mosaic.version = 14 : i64} {
  func.func @k(%arg0: i32, %arg1: i32, %arg2: memref<8192xi32, #tpu.memory_space<hbm>>, %arg3: memref<100000x768xf32, #tpu.memory_space<hbm>>, %arg4: memref<768xf32, #tpu.memory_space<hbm>>, %arg5: memref<768xf32, #tpu.memory_space<hbm>>, %arg6: memref<8192x768xf32, #tpu.memory_space<hbm>>, %arg7: memref<256xi32, #tpu.memory_space<vmem>>, %arg8: memref<64x768xf32, #tpu.memory_space<vmem>>, %arg9: memref<64x768xf32, #tpu.memory_space<vmem>>, %arg10: memref<768xf32, #tpu.memory_space<vmem>>, %arg11: memref<768xf32, #tpu.memory_space<vmem>>, %arg12: memref<!tpu.dma_semaphore, #tpu.memory_space<semaphore_mem>>, %arg13: memref<!tpu.dma_semaphore, #tpu.memory_space<semaphore_mem>>, %arg14: memref<!tpu.dma_semaphore, #tpu.memory_space<semaphore_mem>>, %arg15: memref<!tpu.dma_semaphore, #tpu.memory_space<semaphore_mem>>) attributes {dimension_semantics = [#tpu.dimension_semantics<core_parallel>, #tpu.dimension_semantics<subcore_parallel>], iteration_bounds = array<i64: 2, 16>, scalar_prefetch = 0 : i64, scratch_operands = 9 : i64, tpu.core_type = #tpu.core_type<sc_vector_subcore>, window_params = [{transform_indices = #map}, {transform_indices = #map1}, {transform_indices = #map}, {transform_indices = #map}, {transform_indices = #map1}]} {
    %mul3A = arith.constant 2 : i32
    %mul3A_0 = arith.muli %arg1, %mul3A : i32
    %add3A = arith.addi %mul3A_0, %arg0 : i32
    %mul3A_1 = arith.constant 256 : i32
    %mul3A_2 = arith.muli %add3A, %mul3A_1 : i32
    "tpu.region"() ({
      %run_scoped3A = tpu.sem_alloc : memref<!tpu.dma_semaphore, #tpu.memory_space<semaphore_mem>>
      tpu.enqueue_dma source(%arg4 : memref<768xf32, #tpu.memory_space<hbm>>) target(%arg10 : memref<768xf32, #tpu.memory_space<vmem>>) target_semaphore(%run_scoped3A : memref<!tpu.dma_semaphore, #tpu.memory_space<semaphore_mem>>)
      tpu.wait_dma2 semaphore(%run_scoped3A : memref<!tpu.dma_semaphore, #tpu.memory_space<semaphore_mem>>) src(%arg4 : memref<768xf32, #tpu.memory_space<hbm>>) dst(%arg10 : memref<768xf32, #tpu.memory_space<vmem>>)
      tpu.yield
    }) : () -> ()
    "tpu.region"() ({
      %run_scoped3A = tpu.sem_alloc : memref<!tpu.dma_semaphore, #tpu.memory_space<semaphore_mem>>
      tpu.enqueue_dma source(%arg5 : memref<768xf32, #tpu.memory_space<hbm>>) target(%arg11 : memref<768xf32, #tpu.memory_space<vmem>>) target_semaphore(%run_scoped3A : memref<!tpu.dma_semaphore, #tpu.memory_space<semaphore_mem>>)
      tpu.wait_dma2 semaphore(%run_scoped3A : memref<!tpu.dma_semaphore, #tpu.memory_space<semaphore_mem>>) src(%arg5 : memref<768xf32, #tpu.memory_space<hbm>>) dst(%arg11 : memref<768xf32, #tpu.memory_space<vmem>>)
      tpu.yield
    }) : () -> ()
    "tpu.region"() ({
      %run_scoped3A = tpu.sem_alloc : memref<!tpu.dma_semaphore, #tpu.memory_space<semaphore_mem>>
      %dma_start3A_100 = tpu.memref_slice %arg2[%mul3A_2] : memref<8192xi32, #tpu.memory_space<hbm>> -> memref<256xi32, #tpu.memory_space<hbm>>
      %dma_start3A_101 = tpu.memref_slice %arg2[%mul3A_2] : memref<8192xi32, #tpu.memory_space<hbm>> -> memref<256xi32, #tpu.memory_space<hbm>>
      tpu.enqueue_dma source(%dma_start3A_101 : memref<256xi32, #tpu.memory_space<hbm>>) target(%arg7 : memref<256xi32, #tpu.memory_space<vmem>>) target_semaphore(%run_scoped3A : memref<!tpu.dma_semaphore, #tpu.memory_space<semaphore_mem>>)
      %dma_wait3A_102 = tpu.memref_slice %arg2[%mul3A_2] : memref<8192xi32, #tpu.memory_space<hbm>> -> memref<256xi32, #tpu.memory_space<hbm>>
      %dma_wait3A_103 = tpu.memref_slice %arg2[%mul3A_2] : memref<8192xi32, #tpu.memory_space<hbm>> -> memref<256xi32, #tpu.memory_space<hbm>>
      tpu.wait_dma2 semaphore(%run_scoped3A : memref<!tpu.dma_semaphore, #tpu.memory_space<semaphore_mem>>) src(%dma_wait3A_103 : memref<256xi32, #tpu.memory_space<hbm>>) dst(%arg7 : memref<256xi32, #tpu.memory_space<vmem>>)
      tpu.yield
    }) : () -> ()
    %dma_start3A = arith.constant 0 : i32
    %dma_start3A_3 = tpu.memref_slice %arg7[%dma_start3A] : memref<256xi32, #tpu.memory_space<vmem>> -> memref<64xi32, #tpu.memory_space<vmem>>
    %dma_start3A_4 = arith.constant 0 : i32
    %dma_start3A_5 = arith.constant 0 : i32
    %dma_start3A_6 = tpu.memref_slice %arg3[%dma_start3A_4, %dma_start3A_5] : memref<100000x768xf32, #tpu.memory_space<hbm>> -> memref<100000x768xf32, #tpu.memory_space<hbm>>
    tpu.enqueue_indirect_dma source(%dma_start3A_6 : memref<100000x768xf32, #tpu.memory_space<hbm>>) target(%arg8 : memref<64x768xf32, #tpu.memory_space<vmem>>) offsets(%dma_start3A_3 : memref<64xi32, #tpu.memory_space<vmem>>) semaphore(%arg12 : memref<!tpu.dma_semaphore, #tpu.memory_space<semaphore_mem>>)
    %dma_start3A_7 = arith.constant 64 : i32
    %dma_start3A_8 = tpu.memref_slice %arg7[%dma_start3A_7] : memref<256xi32, #tpu.memory_space<vmem>> -> memref<64xi32, #tpu.memory_space<vmem>>
    %dma_start3A_9 = arith.constant 0 : i32
    %dma_start3A_10 = arith.constant 0 : i32
    %dma_start3A_11 = tpu.memref_slice %arg3[%dma_start3A_9, %dma_start3A_10] : memref<100000x768xf32, #tpu.memory_space<hbm>> -> memref<100000x768xf32, #tpu.memory_space<hbm>>
    tpu.enqueue_indirect_dma source(%dma_start3A_11 : memref<100000x768xf32, #tpu.memory_space<hbm>>) target(%arg9 : memref<64x768xf32, #tpu.memory_space<vmem>>) offsets(%dma_start3A_8 : memref<64xi32, #tpu.memory_space<vmem>>) semaphore(%arg13 : memref<!tpu.dma_semaphore, #tpu.memory_space<semaphore_mem>>)
    %dma_wait3A = arith.constant 0 : i32
    %dma_wait3A_12 = tpu.memref_slice %arg7[%dma_wait3A] : memref<256xi32, #tpu.memory_space<vmem>> -> memref<64xi32, #tpu.memory_space<vmem>>
    %dma_wait3A_13 = arith.constant 0 : i32
    %dma_wait3A_14 = arith.constant 0 : i32
    %dma_wait3A_15 = tpu.memref_slice %arg3[%dma_wait3A_13, %dma_wait3A_14] : memref<100000x768xf32, #tpu.memory_space<hbm>> -> memref<100000x768xf32, #tpu.memory_space<hbm>>
    tpu.wait_indirect_dma semaphore(%arg12 : memref<!tpu.dma_semaphore, #tpu.memory_space<semaphore_mem>>) src(%dma_wait3A_15 : memref<100000x768xf32, #tpu.memory_space<hbm>>) dst(%arg8 : memref<64x768xf32, #tpu.memory_space<vmem>>)
    %parallel_loop3A = arith.constant 0 : i32
    %parallel_loop3A_16 = arith.constant 64 : i32
    %parallel_loop3A_17 = arith.constant 4 : i32
    %parallel_loop3A_18 = arith.constant 0 : i32
    %parallel_loop3A_19 = scf.for %parallel_loop3A_100 = %parallel_loop3A to %parallel_loop3A_16 step %parallel_loop3A_17 iter_args(%parallel_loop3A_101 = %parallel_loop3A_18) -> (i32)  : i32 {
      %parallel_loop3A_102 = arith.constant 0.000000e+00 : f32
      %parallel_loop3A_103 = vector.broadcast %parallel_loop3A_102 : f32 to vector<16xf32>
      %parallel_loop3A_104 = arith.constant 0 : i32
      %parallel_loop3A_105 = arith.addi %parallel_loop3A_100, %parallel_loop3A_104 : i32
      %parallel_loop3A_106 = arith.constant 1 : i32
      %parallel_loop3A_107 = arith.addi %parallel_loop3A_100, %parallel_loop3A_106 : i32
      %parallel_loop3A_108 = arith.constant 2 : i32
      %parallel_loop3A_109 = arith.addi %parallel_loop3A_100, %parallel_loop3A_108 : i32
      %parallel_loop3A_110 = arith.constant 3 : i32
      %parallel_loop3A_111 = arith.addi %parallel_loop3A_100, %parallel_loop3A_110 : i32
      %parallel_loop3A_112 = arith.constant 0 : i32
      %parallel_loop3A_113 = arith.constant 48 : i32
      %parallel_loop3A_114 = arith.constant 1 : i32
      %parallel_loop3A_115:8 = scf.for %parallel_loop3A_859 = %parallel_loop3A_112 to %parallel_loop3A_113 step %parallel_loop3A_114 iter_args(%parallel_loop3A_860 = %parallel_loop3A_103, %parallel_loop3A_861 = %parallel_loop3A_103, %parallel_loop3A_862 = %parallel_loop3A_103, %parallel_loop3A_863 = %parallel_loop3A_103, %parallel_loop3A_864 = %parallel_loop3A_103, %parallel_loop3A_865 = %parallel_loop3A_103, %parallel_loop3A_866 = %parallel_loop3A_103, %parallel_loop3A_867 = %parallel_loop3A_103) -> (vector<16xf32>, vector<16xf32>, vector<16xf32>, vector<16xf32>, vector<16xf32>, vector<16xf32>, vector<16xf32>, vector<16xf32>)  : i32 {
        %parallel_loop3A_868 = arith.constant 16 : i32
        %parallel_loop3A_869 = arith.muli %parallel_loop3A_859, %parallel_loop3A_868 : i32
        %parallel_loop3A_870 = arith.index_cast %parallel_loop3A_105 : i32 to index
        %parallel_loop3A_871 = arith.index_cast %parallel_loop3A_869 : i32 to index
        %parallel_loop3A_872 = tpu.vector_load %arg8[%parallel_loop3A_870, %parallel_loop3A_871] {strides = array<i32>} : memref<64x768xf32, #tpu.memory_space<vmem>>, vector<1x16xf32>,
        %parallel_loop3A_873 = vector.shape_cast %parallel_loop3A_872 : vector<1x16xf32> to vector<16xf32>
        %parallel_loop3A_874 = arith.addf %parallel_loop3A_860, %parallel_loop3A_873 : vector<16xf32>
        %parallel_loop3A_875 = arith.mulf %parallel_loop3A_873, %parallel_loop3A_873 : vector<16xf32>
        %parallel_loop3A_876 = arith.addf %parallel_loop3A_861, %parallel_loop3A_875 : vector<16xf32>
        %parallel_loop3A_877 = arith.index_cast %parallel_loop3A_107 : i32 to index
        %parallel_loop3A_878 = arith.index_cast %parallel_loop3A_869 : i32 to index
        %parallel_loop3A_879 = tpu.vector_load %arg8[%parallel_loop3A_877, %parallel_loop3A_878] {strides = array<i32>} : memref<64x768xf32, #tpu.memory_space<vmem>>, vector<1x16xf32>,
        %parallel_loop3A_880 = vector.shape_cast %parallel_loop3A_879 : vector<1x16xf32> to vector<16xf32>
        %parallel_loop3A_881 = arith.addf %parallel_loop3A_862, %parallel_loop3A_880 : vector<16xf32>
        %parallel_loop3A_882 = arith.mulf %parallel_loop3A_880, %parallel_loop3A_880 : vector<16xf32>
        %parallel_loop3A_883 = arith.addf %parallel_loop3A_863, %parallel_loop3A_882 : vector<16xf32>
        %parallel_loop3A_884 = arith.index_cast %parallel_loop3A_109 : i32 to index
        %parallel_loop3A_885 = arith.index_cast %parallel_loop3A_869 : i32 to index
        %parallel_loop3A_886 = tpu.vector_load %arg8[%parallel_loop3A_884, %parallel_loop3A_885] {strides = array<i32>} : memref<64x768xf32, #tpu.memory_space<vmem>>, vector<1x16xf32>,
        %parallel_loop3A_887 = vector.shape_cast %parallel_loop3A_886 : vector<1x16xf32> to vector<16xf32>
        %parallel_loop3A_888 = arith.addf %parallel_loop3A_864, %parallel_loop3A_887 : vector<16xf32>
        %parallel_loop3A_889 = arith.mulf %parallel_loop3A_887, %parallel_loop3A_887 : vector<16xf32>
        %parallel_loop3A_890 = arith.addf %parallel_loop3A_865, %parallel_loop3A_889 : vector<16xf32>
        %parallel_loop3A_891 = arith.index_cast %parallel_loop3A_111 : i32 to index
        %parallel_loop3A_892 = arith.index_cast %parallel_loop3A_869 : i32 to index
        %parallel_loop3A_893 = tpu.vector_load %arg8[%parallel_loop3A_891, %parallel_loop3A_892] {strides = array<i32>} : memref<64x768xf32, #tpu.memory_space<vmem>>, vector<1x16xf32>,
        %parallel_loop3A_894 = vector.shape_cast %parallel_loop3A_893 : vector<1x16xf32> to vector<16xf32>
        %parallel_loop3A_895 = arith.addf %parallel_loop3A_866, %parallel_loop3A_894 : vector<16xf32>
        %parallel_loop3A_896 = arith.mulf %parallel_loop3A_894, %parallel_loop3A_894 : vector<16xf32>
        %parallel_loop3A_897 = arith.addf %parallel_loop3A_867, %parallel_loop3A_896 : vector<16xf32>
        scf.yield %parallel_loop3A_874, %parallel_loop3A_876, %parallel_loop3A_881, %parallel_loop3A_883, %parallel_loop3A_888, %parallel_loop3A_890, %parallel_loop3A_895, %parallel_loop3A_897 : vector<16xf32>, vector<16xf32>, vector<16xf32>, vector<16xf32>, vector<16xf32>, vector<16xf32>, vector<16xf32>, vector<16xf32>
      } {sc.loop_unroll_factor = 4 : i64, sc.parallel_access}
      %parallel_loop3A_116 = tpu.iota {dimensions = array<i32: 0>} : vector<16xi32>
      %parallel_loop3A_117 = arith.constant 8 : i32
      %parallel_loop3A_118 = vector.broadcast %parallel_loop3A_117 : i32 to vector<16xi32>
      %parallel_loop3A_119 = arith.addi %parallel_loop3A_116, %parallel_loop3A_118 : vector<16xi32>
      %parallel_loop3A_120 = arith.constant 15 : i32
      %parallel_loop3A_121 = vector.broadcast %parallel_loop3A_120 : i32 to vector<16xi32>
      %parallel_loop3A_122 = arith.andi %parallel_loop3A_119, %parallel_loop3A_121 : vector<16xi32>
      %parallel_loop3A_123 = arith.constant 0 : i32
      %parallel_loop3A_124 = vector.broadcast %parallel_loop3A_123 : i32 to vector<16xi32>
      %parallel_loop3A_125 = arith.cmpi slt, %parallel_loop3A_122, %parallel_loop3A_124 : vector<16xi32>
      %parallel_loop3A_126 = arith.constant 16 : i32
      %parallel_loop3A_127 = vector.broadcast %parallel_loop3A_126 : i32 to vector<16xi32>
      %parallel_loop3A_128 = arith.addi %parallel_loop3A_122, %parallel_loop3A_127 : vector<16xi32>
      %parallel_loop3A_129 = arith.select %parallel_loop3A_125, %parallel_loop3A_128, %parallel_loop3A_122 : vector<16xi1>, vector<16xi32>
      %parallel_loop3A_130 = vector.shape_cast %parallel_loop3A_129 : vector<16xi32> to vector<16x1xi32>
      %parallel_loop3A_131 = vector.shape_cast %parallel_loop3A_130 : vector<16x1xi32> to vector<16xi32>
      %parallel_loop3A_132 = tpu.dynamic_gather %parallel_loop3A_115#0[%parallel_loop3A_131] in [0] : vector<16xf32>, vector<16xi32> -> vector<16xf32>
      %parallel_loop3A_133 = arith.addf %parallel_loop3A_115#0, %parallel_loop3A_132 : vector<16xf32>
      %parallel_loop3A_134 = arith.constant 4 : i32
      %parallel_loop3A_135 = vector.broadcast %parallel_loop3A_134 : i32 to vector<16xi32>
      %parallel_loop3A_136 = arith.addi %parallel_loop3A_116, %parallel_loop3A_135 : vector<16xi32>
      %parallel_loop3A_137 = arith.constant 15 : i32
      %parallel_loop3A_138 = vector.broadcast %parallel_loop3A_137 : i32 to vector<16xi32>
      %parallel_loop3A_139 = arith.andi %parallel_loop3A_136, %parallel_loop3A_138 : vector<16xi32>
      %parallel_loop3A_140 = arith.constant 0 : i32
      %parallel_loop3A_141 = vector.broadcast %parallel_loop3A_140 : i32 to vector<16xi32>
      %parallel_loop3A_142 = arith.cmpi slt, %parallel_loop3A_139, %parallel_loop3A_141 : vector<16xi32>
      %parallel_loop3A_143 = arith.constant 16 : i32
      %parallel_loop3A_144 = vector.broadcast %parallel_loop3A_143 : i32 to vector<16xi32>
      %parallel_loop3A_145 = arith.addi %parallel_loop3A_139, %parallel_loop3A_144 : vector<16xi32>
      %parallel_loop3A_146 = arith.select %parallel_loop3A_142, %parallel_loop3A_145, %parallel_loop3A_139 : vector<16xi1>, vector<16xi32>
      %parallel_loop3A_147 = vector.shape_cast %parallel_loop3A_146 : vector<16xi32> to vector<16x1xi32>
      %parallel_loop3A_148 = vector.shape_cast %parallel_loop3A_147 : vector<16x1xi32> to vector<16xi32>
      %parallel_loop3A_149 = tpu.dynamic_gather %parallel_loop3A_133[%parallel_loop3A_148] in [0] : vector<16xf32>, vector<16xi32> -> vector<16xf32>
      %parallel_loop3A_150 = arith.addf %parallel_loop3A_133, %parallel_loop3A_149 : vector<16xf32>
      %parallel_loop3A_151 = arith.constant 2 : i32
      %parallel_loop3A_152 = vector.broadcast %parallel_loop3A_151 : i32 to vector<16xi32>
      %parallel_loop3A_153 = arith.addi %parallel_loop3A_116, %parallel_loop3A_152 : vector<16xi32>
      %parallel_loop3A_154 = arith.constant 15 : i32
      %parallel_loop3A_155 = vector.broadcast %parallel_loop3A_154 : i32 to vector<16xi32>
      %parallel_loop3A_156 = arith.andi %parallel_loop3A_153, %parallel_loop3A_155 : vector<16xi32>
      %parallel_loop3A_157 = arith.constant 0 : i32
      %parallel_loop3A_158 = vector.broadcast %parallel_loop3A_157 : i32 to vector<16xi32>
      %parallel_loop3A_159 = arith.cmpi slt, %parallel_loop3A_156, %parallel_loop3A_158 : vector<16xi32>
      %parallel_loop3A_160 = arith.constant 16 : i32
      %parallel_loop3A_161 = vector.broadcast %parallel_loop3A_160 : i32 to vector<16xi32>
      %parallel_loop3A_162 = arith.addi %parallel_loop3A_156, %parallel_loop3A_161 : vector<16xi32>
      %parallel_loop3A_163 = arith.select %parallel_loop3A_159, %parallel_loop3A_162, %parallel_loop3A_156 : vector<16xi1>, vector<16xi32>
      %parallel_loop3A_164 = vector.shape_cast %parallel_loop3A_163 : vector<16xi32> to vector<16x1xi32>
      %parallel_loop3A_165 = vector.shape_cast %parallel_loop3A_164 : vector<16x1xi32> to vector<16xi32>
      %parallel_loop3A_166 = tpu.dynamic_gather %parallel_loop3A_150[%parallel_loop3A_165] in [0] : vector<16xf32>, vector<16xi32> -> vector<16xf32>
      %parallel_loop3A_167 = arith.addf %parallel_loop3A_150, %parallel_loop3A_166 : vector<16xf32>
      %parallel_loop3A_168 = arith.constant 1 : i32
      %parallel_loop3A_169 = vector.broadcast %parallel_loop3A_168 : i32 to vector<16xi32>
      %parallel_loop3A_170 = arith.addi %parallel_loop3A_116, %parallel_loop3A_169 : vector<16xi32>
      %parallel_loop3A_171 = arith.constant 15 : i32
      %parallel_loop3A_172 = vector.broadcast %parallel_loop3A_171 : i32 to vector<16xi32>
      %parallel_loop3A_173 = arith.andi %parallel_loop3A_170, %parallel_loop3A_172 : vector<16xi32>
      %parallel_loop3A_174 = arith.constant 0 : i32
      %parallel_loop3A_175 = vector.broadcast %parallel_loop3A_174 : i32 to vector<16xi32>
      %parallel_loop3A_176 = arith.cmpi slt, %parallel_loop3A_173, %parallel_loop3A_175 : vector<16xi32>
      %parallel_loop3A_177 = arith.constant 16 : i32
      %parallel_loop3A_178 = vector.broadcast %parallel_loop3A_177 : i32 to vector<16xi32>
      %parallel_loop3A_179 = arith.addi %parallel_loop3A_173, %parallel_loop3A_178 : vector<16xi32>
      %parallel_loop3A_180 = arith.select %parallel_loop3A_176, %parallel_loop3A_179, %parallel_loop3A_173 : vector<16xi1>, vector<16xi32>
      %parallel_loop3A_181 = vector.shape_cast %parallel_loop3A_180 : vector<16xi32> to vector<16x1xi32>
      %parallel_loop3A_182 = vector.shape_cast %parallel_loop3A_181 : vector<16x1xi32> to vector<16xi32>
      %parallel_loop3A_183 = tpu.dynamic_gather %parallel_loop3A_167[%parallel_loop3A_182] in [0] : vector<16xf32>, vector<16xi32> -> vector<16xf32>
      %parallel_loop3A_184 = arith.addf %parallel_loop3A_167, %parallel_loop3A_183 : vector<16xf32>
      %parallel_loop3A_185 = arith.constant 0.00130208337 : f32
      %parallel_loop3A_186 = vector.broadcast %parallel_loop3A_185 : f32 to vector<16xf32>
      %parallel_loop3A_187 = arith.mulf %parallel_loop3A_184, %parallel_loop3A_186 : vector<16xf32>
      %parallel_loop3A_188 = tpu.iota {dimensions = array<i32: 0>} : vector<16xi32>
      %parallel_loop3A_189 = arith.constant 8 : i32
      %parallel_loop3A_190 = vector.broadcast %parallel_loop3A_189 : i32 to vector<16xi32>
      %parallel_loop3A_191 = arith.addi %parallel_loop3A_188, %parallel_loop3A_190 : vector<16xi32>
      %parallel_loop3A_192 = arith.constant 15 : i32
      %parallel_loop3A_193 = vector.broadcast %parallel_loop3A_192 : i32 to vector<16xi32>
      %parallel_loop3A_194 = arith.andi %parallel_loop3A_191, %parallel_loop3A_193 : vector<16xi32>
      %parallel_loop3A_195 = arith.constant 0 : i32
      %parallel_loop3A_196 = vector.broadcast %parallel_loop3A_195 : i32 to vector<16xi32>
      %parallel_loop3A_197 = arith.cmpi slt, %parallel_loop3A_194, %parallel_loop3A_196 : vector<16xi32>
      %parallel_loop3A_198 = arith.constant 16 : i32
      %parallel_loop3A_199 = vector.broadcast %parallel_loop3A_198 : i32 to vector<16xi32>
      %parallel_loop3A_200 = arith.addi %parallel_loop3A_194, %parallel_loop3A_199 : vector<16xi32>
      %parallel_loop3A_201 = arith.select %parallel_loop3A_197, %parallel_loop3A_200, %parallel_loop3A_194 : vector<16xi1>, vector<16xi32>
      %parallel_loop3A_202 = vector.shape_cast %parallel_loop3A_201 : vector<16xi32> to vector<16x1xi32>
      %parallel_loop3A_203 = vector.shape_cast %parallel_loop3A_202 : vector<16x1xi32> to vector<16xi32>
      %parallel_loop3A_204 = tpu.dynamic_gather %parallel_loop3A_115#1[%parallel_loop3A_203] in [0] : vector<16xf32>, vector<16xi32> -> vector<16xf32>
      %parallel_loop3A_205 = arith.addf %parallel_loop3A_115#1, %parallel_loop3A_204 : vector<16xf32>
      %parallel_loop3A_206 = arith.constant 4 : i32
      %parallel_loop3A_207 = vector.broadcast %parallel_loop3A_206 : i32 to vector<16xi32>
      %parallel_loop3A_208 = arith.addi %parallel_loop3A_188, %parallel_loop3A_207 : vector<16xi32>
      %parallel_loop3A_209 = arith.constant 15 : i32
      %parallel_loop3A_210 = vector.broadcast %parallel_loop3A_209 : i32 to vector<16xi32>
      %parallel_loop3A_211 = arith.andi %parallel_loop3A_208, %parallel_loop3A_210 : vector<16xi32>
      %parallel_loop3A_212 = arith.constant 0 : i32
      %parallel_loop3A_213 = vector.broadcast %parallel_loop3A_212 : i32 to vector<16xi32>
      %parallel_loop3A_214 = arith.cmpi slt, %parallel_loop3A_211, %parallel_loop3A_213 : vector<16xi32>
      %parallel_loop3A_215 = arith.constant 16 : i32
      %parallel_loop3A_216 = vector.broadcast %parallel_loop3A_215 : i32 to vector<16xi32>
      %parallel_loop3A_217 = arith.addi %parallel_loop3A_211, %parallel_loop3A_216 : vector<16xi32>
      %parallel_loop3A_218 = arith.select %parallel_loop3A_214, %parallel_loop3A_217, %parallel_loop3A_211 : vector<16xi1>, vector<16xi32>
      %parallel_loop3A_219 = vector.shape_cast %parallel_loop3A_218 : vector<16xi32> to vector<16x1xi32>
      %parallel_loop3A_220 = vector.shape_cast %parallel_loop3A_219 : vector<16x1xi32> to vector<16xi32>
      %parallel_loop3A_221 = tpu.dynamic_gather %parallel_loop3A_205[%parallel_loop3A_220] in [0] : vector<16xf32>, vector<16xi32> -> vector<16xf32>
      %parallel_loop3A_222 = arith.addf %parallel_loop3A_205, %parallel_loop3A_221 : vector<16xf32>
      %parallel_loop3A_223 = arith.constant 2 : i32
      %parallel_loop3A_224 = vector.broadcast %parallel_loop3A_223 : i32 to vector<16xi32>
      %parallel_loop3A_225 = arith.addi %parallel_loop3A_188, %parallel_loop3A_224 : vector<16xi32>
      %parallel_loop3A_226 = arith.constant 15 : i32
      %parallel_loop3A_227 = vector.broadcast %parallel_loop3A_226 : i32 to vector<16xi32>
      %parallel_loop3A_228 = arith.andi %parallel_loop3A_225, %parallel_loop3A_227 : vector<16xi32>
      %parallel_loop3A_229 = arith.constant 0 : i32
      %parallel_loop3A_230 = vector.broadcast %parallel_loop3A_229 : i32 to vector<16xi32>
      %parallel_loop3A_231 = arith.cmpi slt, %parallel_loop3A_228, %parallel_loop3A_230 : vector<16xi32>
      %parallel_loop3A_232 = arith.constant 16 : i32
      %parallel_loop3A_233 = vector.broadcast %parallel_loop3A_232 : i32 to vector<16xi32>
      %parallel_loop3A_234 = arith.addi %parallel_loop3A_228, %parallel_loop3A_233 : vector<16xi32>
      %parallel_loop3A_235 = arith.select %parallel_loop3A_231, %parallel_loop3A_234, %parallel_loop3A_228 : vector<16xi1>, vector<16xi32>
      %parallel_loop3A_236 = vector.shape_cast %parallel_loop3A_235 : vector<16xi32> to vector<16x1xi32>
      %parallel_loop3A_237 = vector.shape_cast %parallel_loop3A_236 : vector<16x1xi32> to vector<16xi32>
      %parallel_loop3A_238 = tpu.dynamic_gather %parallel_loop3A_222[%parallel_loop3A_237] in [0] : vector<16xf32>, vector<16xi32> -> vector<16xf32>
      %parallel_loop3A_239 = arith.addf %parallel_loop3A_222, %parallel_loop3A_238 : vector<16xf32>
      %parallel_loop3A_240 = arith.constant 1 : i32
      %parallel_loop3A_241 = vector.broadcast %parallel_loop3A_240 : i32 to vector<16xi32>
      %parallel_loop3A_242 = arith.addi %parallel_loop3A_188, %parallel_loop3A_241 : vector<16xi32>
      %parallel_loop3A_243 = arith.constant 15 : i32
      %parallel_loop3A_244 = vector.broadcast %parallel_loop3A_243 : i32 to vector<16xi32>
      %parallel_loop3A_245 = arith.andi %parallel_loop3A_242, %parallel_loop3A_244 : vector<16xi32>
      %parallel_loop3A_246 = arith.constant 0 : i32
      %parallel_loop3A_247 = vector.broadcast %parallel_loop3A_246 : i32 to vector<16xi32>
      %parallel_loop3A_248 = arith.cmpi slt, %parallel_loop3A_245, %parallel_loop3A_247 : vector<16xi32>
      %parallel_loop3A_249 = arith.constant 16 : i32
      %parallel_loop3A_250 = vector.broadcast %parallel_loop3A_249 : i32 to vector<16xi32>
      %parallel_loop3A_251 = arith.addi %parallel_loop3A_245, %parallel_loop3A_250 : vector<16xi32>
      %parallel_loop3A_252 = arith.select %parallel_loop3A_248, %parallel_loop3A_251, %parallel_loop3A_245 : vector<16xi1>, vector<16xi32>
      %parallel_loop3A_253 = vector.shape_cast %parallel_loop3A_252 : vector<16xi32> to vector<16x1xi32>
      %parallel_loop3A_254 = vector.shape_cast %parallel_loop3A_253 : vector<16x1xi32> to vector<16xi32>
      %parallel_loop3A_255 = tpu.dynamic_gather %parallel_loop3A_239[%parallel_loop3A_254] in [0] : vector<16xf32>, vector<16xi32> -> vector<16xf32>
      %parallel_loop3A_256 = arith.addf %parallel_loop3A_239, %parallel_loop3A_255 : vector<16xf32>
      %parallel_loop3A_257 = arith.constant 0.00130208337 : f32
      %parallel_loop3A_258 = vector.broadcast %parallel_loop3A_257 : f32 to vector<16xf32>
      %parallel_loop3A_259 = arith.mulf %parallel_loop3A_256, %parallel_loop3A_258 : vector<16xf32>
      %parallel_loop3A_260 = arith.mulf %parallel_loop3A_187, %parallel_loop3A_187 : vector<16xf32>
      %parallel_loop3A_261 = arith.subf %parallel_loop3A_259, %parallel_loop3A_260 : vector<16xf32>
      %parallel_loop3A_262 = arith.constant 1.000000e-07 : f32
      %parallel_loop3A_263 = vector.broadcast %parallel_loop3A_262 : f32 to vector<16xf32>
      %parallel_loop3A_264 = arith.addf %parallel_loop3A_261, %parallel_loop3A_263 : vector<16xf32>
      %parallel_loop3A_265 = tpu.bitcast %parallel_loop3A_264 : vector<16xf32> -> vector<16xi32>
      %parallel_loop3A_266 = arith.constant 1 : i32
      %parallel_loop3A_267 = vector.broadcast %parallel_loop3A_266 : i32 to vector<16xi32>
      %parallel_loop3A_268 = arith.shrsi %parallel_loop3A_265, %parallel_loop3A_267 : vector<16xi32>
      %parallel_loop3A_269 = arith.constant 1597463007 : i32
      %parallel_loop3A_270 = vector.broadcast %parallel_loop3A_269 : i32 to vector<16xi32>
      %parallel_loop3A_271 = arith.subi %parallel_loop3A_270, %parallel_loop3A_268 : vector<16xi32>
      %parallel_loop3A_272 = tpu.bitcast %parallel_loop3A_271 : vector<16xi32> -> vector<16xf32>
      %parallel_loop3A_273 = arith.constant 5.000000e-01 : f32
      %parallel_loop3A_274 = vector.broadcast %parallel_loop3A_273 : f32 to vector<16xf32>
      %parallel_loop3A_275 = arith.mulf %parallel_loop3A_274, %parallel_loop3A_264 : vector<16xf32>
      %parallel_loop3A_276 = arith.mulf %parallel_loop3A_275, %parallel_loop3A_272 : vector<16xf32>
      %parallel_loop3A_277 = arith.mulf %parallel_loop3A_276, %parallel_loop3A_272 : vector<16xf32>
      %parallel_loop3A_278 = arith.constant 1.500000e+00 : f32
      %parallel_loop3A_279 = vector.broadcast %parallel_loop3A_278 : f32 to vector<16xf32>
      %parallel_loop3A_280 = arith.subf %parallel_loop3A_279, %parallel_loop3A_277 : vector<16xf32>
      %parallel_loop3A_281 = arith.mulf %parallel_loop3A_272, %parallel_loop3A_280 : vector<16xf32>
      %parallel_loop3A_282 = arith.constant 5.000000e-01 : f32
      %parallel_loop3A_283 = vector.broadcast %parallel_loop3A_282 : f32 to vector<16xf32>
      %parallel_loop3A_284 = arith.mulf %parallel_loop3A_283, %parallel_loop3A_264 : vector<16xf32>
      %parallel_loop3A_285 = arith.mulf %parallel_loop3A_284, %parallel_loop3A_281 : vector<16xf32>
      %parallel_loop3A_286 = arith.mulf %parallel_loop3A_285, %parallel_loop3A_281 : vector<16xf32>
      %parallel_loop3A_287 = arith.constant 1.500000e+00 : f32
      %parallel_loop3A_288 = vector.broadcast %parallel_loop3A_287 : f32 to vector<16xf32>
      %parallel_loop3A_289 = arith.subf %parallel_loop3A_288, %parallel_loop3A_286 : vector<16xf32>
      %parallel_loop3A_290 = arith.mulf %parallel_loop3A_281, %parallel_loop3A_289 : vector<16xf32>
      %parallel_loop3A_291 = arith.constant 5.000000e-01 : f32
      %parallel_loop3A_292 = vector.broadcast %parallel_loop3A_291 : f32 to vector<16xf32>
      %parallel_loop3A_293 = arith.mulf %parallel_loop3A_292, %parallel_loop3A_264 : vector<16xf32>
      %parallel_loop3A_294 = arith.mulf %parallel_loop3A_293, %parallel_loop3A_290 : vector<16xf32>
      %parallel_loop3A_295 = arith.mulf %parallel_loop3A_294, %parallel_loop3A_290 : vector<16xf32>
      %parallel_loop3A_296 = arith.constant 1.500000e+00 : f32
      %parallel_loop3A_297 = vector.broadcast %parallel_loop3A_296 : f32 to vector<16xf32>
      %parallel_loop3A_298 = arith.subf %parallel_loop3A_297, %parallel_loop3A_295 : vector<16xf32>
      %parallel_loop3A_299 = arith.mulf %parallel_loop3A_290, %parallel_loop3A_298 : vector<16xf32>
      %parallel_loop3A_300 = arith.mulf %parallel_loop3A_187, %parallel_loop3A_299 : vector<16xf32>
      %parallel_loop3A_301 = tpu.iota {dimensions = array<i32: 0>} : vector<16xi32>
      %parallel_loop3A_302 = arith.constant 8 : i32
      %parallel_loop3A_303 = vector.broadcast %parallel_loop3A_302 : i32 to vector<16xi32>
      %parallel_loop3A_304 = arith.addi %parallel_loop3A_301, %parallel_loop3A_303 : vector<16xi32>
      %parallel_loop3A_305 = arith.constant 15 : i32
      %parallel_loop3A_306 = vector.broadcast %parallel_loop3A_305 : i32 to vector<16xi32>
      %parallel_loop3A_307 = arith.andi %parallel_loop3A_304, %parallel_loop3A_306 : vector<16xi32>
      %parallel_loop3A_308 = arith.constant 0 : i32
      %parallel_loop3A_309 = vector.broadcast %parallel_loop3A_308 : i32 to vector<16xi32>
      %parallel_loop3A_310 = arith.cmpi slt, %parallel_loop3A_307, %parallel_loop3A_309 : vector<16xi32>
      %parallel_loop3A_311 = arith.constant 16 : i32
      %parallel_loop3A_312 = vector.broadcast %parallel_loop3A_311 : i32 to vector<16xi32>
      %parallel_loop3A_313 = arith.addi %parallel_loop3A_307, %parallel_loop3A_312 : vector<16xi32>
      %parallel_loop3A_314 = arith.select %parallel_loop3A_310, %parallel_loop3A_313, %parallel_loop3A_307 : vector<16xi1>, vector<16xi32>
      %parallel_loop3A_315 = vector.shape_cast %parallel_loop3A_314 : vector<16xi32> to vector<16x1xi32>
      %parallel_loop3A_316 = vector.shape_cast %parallel_loop3A_315 : vector<16x1xi32> to vector<16xi32>
      %parallel_loop3A_317 = tpu.dynamic_gather %parallel_loop3A_115#2[%parallel_loop3A_316] in [0] : vector<16xf32>, vector<16xi32> -> vector<16xf32>
      %parallel_loop3A_318 = arith.addf %parallel_loop3A_115#2, %parallel_loop3A_317 : vector<16xf32>
      %parallel_loop3A_319 = arith.constant 4 : i32
      %parallel_loop3A_320 = vector.broadcast %parallel_loop3A_319 : i32 to vector<16xi32>
      %parallel_loop3A_321 = arith.addi %parallel_loop3A_301, %parallel_loop3A_320 : vector<16xi32>
      %parallel_loop3A_322 = arith.constant 15 : i32
      %parallel_loop3A_323 = vector.broadcast %parallel_loop3A_322 : i32 to vector<16xi32>
      %parallel_loop3A_324 = arith.andi %parallel_loop3A_321, %parallel_loop3A_323 : vector<16xi32>
      %parallel_loop3A_325 = arith.constant 0 : i32
      %parallel_loop3A_326 = vector.broadcast %parallel_loop3A_325 : i32 to vector<16xi32>
      %parallel_loop3A_327 = arith.cmpi slt, %parallel_loop3A_324, %parallel_loop3A_326 : vector<16xi32>
      %parallel_loop3A_328 = arith.constant 16 : i32
      %parallel_loop3A_329 = vector.broadcast %parallel_loop3A_328 : i32 to vector<16xi32>
      %parallel_loop3A_330 = arith.addi %parallel_loop3A_324, %parallel_loop3A_329 : vector<16xi32>
      %parallel_loop3A_331 = arith.select %parallel_loop3A_327, %parallel_loop3A_330, %parallel_loop3A_324 : vector<16xi1>, vector<16xi32>
      %parallel_loop3A_332 = vector.shape_cast %parallel_loop3A_331 : vector<16xi32> to vector<16x1xi32>
      %parallel_loop3A_333 = vector.shape_cast %parallel_loop3A_332 : vector<16x1xi32> to vector<16xi32>
      %parallel_loop3A_334 = tpu.dynamic_gather %parallel_loop3A_318[%parallel_loop3A_333] in [0] : vector<16xf32>, vector<16xi32> -> vector<16xf32>
      %parallel_loop3A_335 = arith.addf %parallel_loop3A_318, %parallel_loop3A_334 : vector<16xf32>
      %parallel_loop3A_336 = arith.constant 2 : i32
      %parallel_loop3A_337 = vector.broadcast %parallel_loop3A_336 : i32 to vector<16xi32>
      %parallel_loop3A_338 = arith.addi %parallel_loop3A_301, %parallel_loop3A_337 : vector<16xi32>
      %parallel_loop3A_339 = arith.constant 15 : i32
      %parallel_loop3A_340 = vector.broadcast %parallel_loop3A_339 : i32 to vector<16xi32>
      %parallel_loop3A_341 = arith.andi %parallel_loop3A_338, %parallel_loop3A_340 : vector<16xi32>
      %parallel_loop3A_342 = arith.constant 0 : i32
      %parallel_loop3A_343 = vector.broadcast %parallel_loop3A_342 : i32 to vector<16xi32>
      %parallel_loop3A_344 = arith.cmpi slt, %parallel_loop3A_341, %parallel_loop3A_343 : vector<16xi32>
      %parallel_loop3A_345 = arith.constant 16 : i32
      %parallel_loop3A_346 = vector.broadcast %parallel_loop3A_345 : i32 to vector<16xi32>
      %parallel_loop3A_347 = arith.addi %parallel_loop3A_341, %parallel_loop3A_346 : vector<16xi32>
      %parallel_loop3A_348 = arith.select %parallel_loop3A_344, %parallel_loop3A_347, %parallel_loop3A_341 : vector<16xi1>, vector<16xi32>
      %parallel_loop3A_349 = vector.shape_cast %parallel_loop3A_348 : vector<16xi32> to vector<16x1xi32>
      %parallel_loop3A_350 = vector.shape_cast %parallel_loop3A_349 : vector<16x1xi32> to vector<16xi32>
      %parallel_loop3A_351 = tpu.dynamic_gather %parallel_loop3A_335[%parallel_loop3A_350] in [0] : vector<16xf32>, vector<16xi32> -> vector<16xf32>
      %parallel_loop3A_352 = arith.addf %parallel_loop3A_335, %parallel_loop3A_351 : vector<16xf32>
      %parallel_loop3A_353 = arith.constant 1 : i32
      %parallel_loop3A_354 = vector.broadcast %parallel_loop3A_353 : i32 to vector<16xi32>
      %parallel_loop3A_355 = arith.addi %parallel_loop3A_301, %parallel_loop3A_354 : vector<16xi32>
      %parallel_loop3A_356 = arith.constant 15 : i32
      %parallel_loop3A_357 = vector.broadcast %parallel_loop3A_356 : i32 to vector<16xi32>
      %parallel_loop3A_358 = arith.andi %parallel_loop3A_355, %parallel_loop3A_357 : vector<16xi32>
      %parallel_loop3A_359 = arith.constant 0 : i32
      %parallel_loop3A_360 = vector.broadcast %parallel_loop3A_359 : i32 to vector<16xi32>
      %parallel_loop3A_361 = arith.cmpi slt, %parallel_loop3A_358, %parallel_loop3A_360 : vector<16xi32>
      %parallel_loop3A_362 = arith.constant 16 : i32
      %parallel_loop3A_363 = vector.broadcast %parallel_loop3A_362 : i32 to vector<16xi32>
      %parallel_loop3A_364 = arith.addi %parallel_loop3A_358, %parallel_loop3A_363 : vector<16xi32>
      %parallel_loop3A_365 = arith.select %parallel_loop3A_361, %parallel_loop3A_364, %parallel_loop3A_358 : vector<16xi1>, vector<16xi32>
      %parallel_loop3A_366 = vector.shape_cast %parallel_loop3A_365 : vector<16xi32> to vector<16x1xi32>
      %parallel_loop3A_367 = vector.shape_cast %parallel_loop3A_366 : vector<16x1xi32> to vector<16xi32>
      %parallel_loop3A_368 = tpu.dynamic_gather %parallel_loop3A_352[%parallel_loop3A_367] in [0] : vector<16xf32>, vector<16xi32> -> vector<16xf32>
      %parallel_loop3A_369 = arith.addf %parallel_loop3A_352, %parallel_loop3A_368 : vector<16xf32>
      %parallel_loop3A_370 = arith.constant 0.00130208337 : f32
      %parallel_loop3A_371 = vector.broadcast %parallel_loop3A_370 : f32 to vector<16xf32>
      %parallel_loop3A_372 = arith.mulf %parallel_loop3A_369, %parallel_loop3A_371 : vector<16xf32>
      %parallel_loop3A_373 = tpu.iota {dimensions = array<i32: 0>} : vector<16xi32>
      %parallel_loop3A_374 = arith.constant 8 : i32
      %parallel_loop3A_375 = vector.broadcast %parallel_loop3A_374 : i32 to vector<16xi32>
      %parallel_loop3A_376 = arith.addi %parallel_loop3A_373, %parallel_loop3A_375 : vector<16xi32>
      %parallel_loop3A_377 = arith.constant 15 : i32
      %parallel_loop3A_378 = vector.broadcast %parallel_loop3A_377 : i32 to vector<16xi32>
      %parallel_loop3A_379 = arith.andi %parallel_loop3A_376, %parallel_loop3A_378 : vector<16xi32>
      %parallel_loop3A_380 = arith.constant 0 : i32
      %parallel_loop3A_381 = vector.broadcast %parallel_loop3A_380 : i32 to vector<16xi32>
      %parallel_loop3A_382 = arith.cmpi slt, %parallel_loop3A_379, %parallel_loop3A_381 : vector<16xi32>
      %parallel_loop3A_383 = arith.constant 16 : i32
      %parallel_loop3A_384 = vector.broadcast %parallel_loop3A_383 : i32 to vector<16xi32>
      %parallel_loop3A_385 = arith.addi %parallel_loop3A_379, %parallel_loop3A_384 : vector<16xi32>
      %parallel_loop3A_386 = arith.select %parallel_loop3A_382, %parallel_loop3A_385, %parallel_loop3A_379 : vector<16xi1>, vector<16xi32>
      %parallel_loop3A_387 = vector.shape_cast %parallel_loop3A_386 : vector<16xi32> to vector<16x1xi32>
      %parallel_loop3A_388 = vector.shape_cast %parallel_loop3A_387 : vector<16x1xi32> to vector<16xi32>
      %parallel_loop3A_389 = tpu.dynamic_gather %parallel_loop3A_115#3[%parallel_loop3A_388] in [0] : vector<16xf32>, vector<16xi32> -> vector<16xf32>
      %parallel_loop3A_390 = arith.addf %parallel_loop3A_115#3, %parallel_loop3A_389 : vector<16xf32>
      %parallel_loop3A_391 = arith.constant 4 : i32
      %parallel_loop3A_392 = vector.broadcast %parallel_loop3A_391 : i32 to vector<16xi32>
      %parallel_loop3A_393 = arith.addi %parallel_loop3A_373, %parallel_loop3A_392 : vector<16xi32>
      %parallel_loop3A_394 = arith.constant 15 : i32
      %parallel_loop3A_395 = vector.broadcast %parallel_loop3A_394 : i32 to vector<16xi32>
      %parallel_loop3A_396 = arith.andi %parallel_loop3A_393, %parallel_loop3A_395 : vector<16xi32>
      %parallel_loop3A_397 = arith.constant 0 : i32
      %parallel_loop3A_398 = vector.broadcast %parallel_loop3A_397 : i32 to vector<16xi32>
      %parallel_loop3A_399 = arith.cmpi slt, %parallel_loop3A_396, %parallel_loop3A_398 : vector<16xi32>
      %parallel_loop3A_400 = arith.constant 16 : i32
      %parallel_loop3A_401 = vector.broadcast %parallel_loop3A_400 : i32 to vector<16xi32>
      %parallel_loop3A_402 = arith.addi %parallel_loop3A_396, %parallel_loop3A_401 : vector<16xi32>
      %parallel_loop3A_403 = arith.select %parallel_loop3A_399, %parallel_loop3A_402, %parallel_loop3A_396 : vector<16xi1>, vector<16xi32>
      %parallel_loop3A_404 = vector.shape_cast %parallel_loop3A_403 : vector<16xi32> to vector<16x1xi32>
      %parallel_loop3A_405 = vector.shape_cast %parallel_loop3A_404 : vector<16x1xi32> to vector<16xi32>
      %parallel_loop3A_406 = tpu.dynamic_gather %parallel_loop3A_390[%parallel_loop3A_405] in [0] : vector<16xf32>, vector<16xi32> -> vector<16xf32>
      %parallel_loop3A_407 = arith.addf %parallel_loop3A_390, %parallel_loop3A_406 : vector<16xf32>
      %parallel_loop3A_408 = arith.constant 2 : i32
      %parallel_loop3A_409 = vector.broadcast %parallel_loop3A_408 : i32 to vector<16xi32>
      %parallel_loop3A_410 = arith.addi %parallel_loop3A_373, %parallel_loop3A_409 : vector<16xi32>
      %parallel_loop3A_411 = arith.constant 15 : i32
      %parallel_loop3A_412 = vector.broadcast %parallel_loop3A_411 : i32 to vector<16xi32>
      %parallel_loop3A_413 = arith.andi %parallel_loop3A_410, %parallel_loop3A_412 : vector<16xi32>
      %parallel_loop3A_414 = arith.constant 0 : i32
      %parallel_loop3A_415 = vector.broadcast %parallel_loop3A_414 : i32 to vector<16xi32>
      %parallel_loop3A_416 = arith.cmpi slt, %parallel_loop3A_413, %parallel_loop3A_415 : vector<16xi32>
      %parallel_loop3A_417 = arith.constant 16 : i32
      %parallel_loop3A_418 = vector.broadcast %parallel_loop3A_417 : i32 to vector<16xi32>
      %parallel_loop3A_419 = arith.addi %parallel_loop3A_413, %parallel_loop3A_418 : vector<16xi32>
      %parallel_loop3A_420 = arith.select %parallel_loop3A_416, %parallel_loop3A_419, %parallel_loop3A_413 : vector<16xi1>, vector<16xi32>
      %parallel_loop3A_421 = vector.shape_cast %parallel_loop3A_420 : vector<16xi32> to vector<16x1xi32>
      %parallel_loop3A_422 = vector.shape_cast %parallel_loop3A_421 : vector<16x1xi32> to vector<16xi32>
      %parallel_loop3A_423 = tpu.dynamic_gather %parallel_loop3A_407[%parallel_loop3A_422] in [0] : vector<16xf32>, vector<16xi32> -> vector<16xf32>
      %parallel_loop3A_424 = arith.addf %parallel_loop3A_407, %parallel_loop3A_423 : vector<16xf32>
      %parallel_loop3A_425 = arith.constant 1 : i32
      %parallel_loop3A_426 = vector.broadcast %parallel_loop3A_425 : i32 to vector<16xi32>
      %parallel_loop3A_427 = arith.addi %parallel_loop3A_373, %parallel_loop3A_426 : vector<16xi32>
      %parallel_loop3A_428 = arith.constant 15 : i32
      %parallel_loop3A_429 = vector.broadcast %parallel_loop3A_428 : i32 to vector<16xi32>
      %parallel_loop3A_430 = arith.andi %parallel_loop3A_427, %parallel_loop3A_429 : vector<16xi32>
      %parallel_loop3A_431 = arith.constant 0 : i32
      %parallel_loop3A_432 = vector.broadcast %parallel_loop3A_431 : i32 to vector<16xi32>
      %parallel_loop3A_433 = arith.cmpi slt, %parallel_loop3A_430, %parallel_loop3A_432 : vector<16xi32>
      %parallel_loop3A_434 = arith.constant 16 : i32
      %parallel_loop3A_435 = vector.broadcast %parallel_loop3A_434 : i32 to vector<16xi32>
      %parallel_loop3A_436 = arith.addi %parallel_loop3A_430, %parallel_loop3A_435 : vector<16xi32>
      %parallel_loop3A_437 = arith.select %parallel_loop3A_433, %parallel_loop3A_436, %parallel_loop3A_430 : vector<16xi1>, vector<16xi32>
      %parallel_loop3A_438 = vector.shape_cast %parallel_loop3A_437 : vector<16xi32> to vector<16x1xi32>
      %parallel_loop3A_439 = vector.shape_cast %parallel_loop3A_438 : vector<16x1xi32> to vector<16xi32>
      %parallel_loop3A_440 = tpu.dynamic_gather %parallel_loop3A_424[%parallel_loop3A_439] in [0] : vector<16xf32>, vector<16xi32> -> vector<16xf32>
      %parallel_loop3A_441 = arith.addf %parallel_loop3A_424, %parallel_loop3A_440 : vector<16xf32>
      %parallel_loop3A_442 = arith.constant 0.00130208337 : f32
      %parallel_loop3A_443 = vector.broadcast %parallel_loop3A_442 : f32 to vector<16xf32>
      %parallel_loop3A_444 = arith.mulf %parallel_loop3A_441, %parallel_loop3A_443 : vector<16xf32>
      %parallel_loop3A_445 = arith.mulf %parallel_loop3A_372, %parallel_loop3A_372 : vector<16xf32>
      %parallel_loop3A_446 = arith.subf %parallel_loop3A_444, %parallel_loop3A_445 : vector<16xf32>
      %parallel_loop3A_447 = arith.constant 1.000000e-07 : f32
      %parallel_loop3A_448 = vector.broadcast %parallel_loop3A_447 : f32 to vector<16xf32>
      %parallel_loop3A_449 = arith.addf %parallel_loop3A_446, %parallel_loop3A_448 : vector<16xf32>
      %parallel_loop3A_450 = tpu.bitcast %parallel_loop3A_449 : vector<16xf32> -> vector<16xi32>
      %parallel_loop3A_451 = arith.constant 1 : i32
      %parallel_loop3A_452 = vector.broadcast %parallel_loop3A_451 : i32 to vector<16xi32>
      %parallel_loop3A_453 = arith.shrsi %parallel_loop3A_450, %parallel_loop3A_452 : vector<16xi32>
      %parallel_loop3A_454 = arith.constant 1597463007 : i32
      %parallel_loop3A_455 = vector.broadcast %parallel_loop3A_454 : i32 to vector<16xi32>
      %parallel_loop3A_456 = arith.subi %parallel_loop3A_455, %parallel_loop3A_453 : vector<16xi32>
      %parallel_loop3A_457 = tpu.bitcast %parallel_loop3A_456 : vector<16xi32> -> vector<16xf32>
      %parallel_loop3A_458 = arith.constant 5.000000e-01 : f32
      %parallel_loop3A_459 = vector.broadcast %parallel_loop3A_458 : f32 to vector<16xf32>
      %parallel_loop3A_460 = arith.mulf %parallel_loop3A_459, %parallel_loop3A_449 : vector<16xf32>
      %parallel_loop3A_461 = arith.mulf %parallel_loop3A_460, %parallel_loop3A_457 : vector<16xf32>
      %parallel_loop3A_462 = arith.mulf %parallel_loop3A_461, %parallel_loop3A_457 : vector<16xf32>
      %parallel_loop3A_463 = arith.constant 1.500000e+00 : f32
      %parallel_loop3A_464 = vector.broadcast %parallel_loop3A_463 : f32 to vector<16xf32>
      %parallel_loop3A_465 = arith.subf %parallel_loop3A_464, %parallel_loop3A_462 : vector<16xf32>
      %parallel_loop3A_466 = arith.mulf %parallel_loop3A_457, %parallel_loop3A_465 : vector<16xf32>
      %parallel_loop3A_467 = arith.constant 5.000000e-01 : f32
      %parallel_loop3A_468 = vector.broadcast %parallel_loop3A_467 : f32 to vector<16xf32>
      %parallel_loop3A_469 = arith.mulf %parallel_loop3A_468, %parallel_loop3A_449 : vector<16xf32>
      %parallel_loop3A_470 = arith.mulf %parallel_loop3A_469, %parallel_loop3A_466 : vector<16xf32>
      %parallel_loop3A_471 = arith.mulf %parallel_loop3A_470, %parallel_loop3A_466 : vector<16xf32>
      %parallel_loop3A_472 = arith.constant 1.500000e+00 : f32
      %parallel_loop3A_473 = vector.broadcast %parallel_loop3A_472 : f32 to vector<16xf32>
      %parallel_loop3A_474 = arith.subf %parallel_loop3A_473, %parallel_loop3A_471 : vector<16xf32>
      %parallel_loop3A_475 = arith.mulf %parallel_loop3A_466, %parallel_loop3A_474 : vector<16xf32>
      %parallel_loop3A_476 = arith.constant 5.000000e-01 : f32
      %parallel_loop3A_477 = vector.broadcast %parallel_loop3A_476 : f32 to vector<16xf32>
      %parallel_loop3A_478 = arith.mulf %parallel_loop3A_477, %parallel_loop3A_449 : vector<16xf32>
      %parallel_loop3A_479 = arith.mulf %parallel_loop3A_478, %parallel_loop3A_475 : vector<16xf32>
      %parallel_loop3A_480 = arith.mulf %parallel_loop3A_479, %parallel_loop3A_475 : vector<16xf32>
      %parallel_loop3A_481 = arith.constant 1.500000e+00 : f32
      %parallel_loop3A_482 = vector.broadcast %parallel_loop3A_481 : f32 to vector<16xf32>
      %parallel_loop3A_483 = arith.subf %parallel_loop3A_482, %parallel_loop3A_480 : vector<16xf32>
      %parallel_loop3A_484 = arith.mulf %parallel_loop3A_475, %parallel_loop3A_483 : vector<16xf32>
      %parallel_loop3A_485 = arith.mulf %parallel_loop3A_372, %parallel_loop3A_484 : vector<16xf32>
      %parallel_loop3A_486 = tpu.iota {dimensions = array<i32: 0>} : vector<16xi32>
      %parallel_loop3A_487 = arith.constant 8 : i32
      %parallel_loop3A_488 = vector.broadcast %parallel_loop3A_487 : i32 to vector<16xi32>
      %parallel_loop3A_489 = arith.addi %parallel_loop3A_486, %parallel_loop3A_488 : vector<16xi32>
      %parallel_loop3A_490 = arith.constant 15 : i32
      %parallel_loop3A_491 = vector.broadcast %parallel_loop3A_490 : i32 to vector<16xi32>
      %parallel_loop3A_492 = arith.andi %parallel_loop3A_489, %parallel_loop3A_491 : vector<16xi32>
      %parallel_loop3A_493 = arith.constant 0 : i32
      %parallel_loop3A_494 = vector.broadcast %parallel_loop3A_493 : i32 to vector<16xi32>
      %parallel_loop3A_495 = arith.cmpi slt, %parallel_loop3A_492, %parallel_loop3A_494 : vector<16xi32>
      %parallel_loop3A_496 = arith.constant 16 : i32
      %parallel_loop3A_497 = vector.broadcast %parallel_loop3A_496 : i32 to vector<16xi32>
      %parallel_loop3A_498 = arith.addi %parallel_loop3A_492, %parallel_loop3A_497 : vector<16xi32>
      %parallel_loop3A_499 = arith.select %parallel_loop3A_495, %parallel_loop3A_498, %parallel_loop3A_492 : vector<16xi1>, vector<16xi32>
      %parallel_loop3A_500 = vector.shape_cast %parallel_loop3A_499 : vector<16xi32> to vector<16x1xi32>
      %parallel_loop3A_501 = vector.shape_cast %parallel_loop3A_500 : vector<16x1xi32> to vector<16xi32>
      %parallel_loop3A_502 = tpu.dynamic_gather %parallel_loop3A_115#4[%parallel_loop3A_501] in [0] : vector<16xf32>, vector<16xi32> -> vector<16xf32>
      %parallel_loop3A_503 = arith.addf %parallel_loop3A_115#4, %parallel_loop3A_502 : vector<16xf32>
      %parallel_loop3A_504 = arith.constant 4 : i32
      %parallel_loop3A_505 = vector.broadcast %parallel_loop3A_504 : i32 to vector<16xi32>
      %parallel_loop3A_506 = arith.addi %parallel_loop3A_486, %parallel_loop3A_505 : vector<16xi32>
      %parallel_loop3A_507 = arith.constant 15 : i32
      %parallel_loop3A_508 = vector.broadcast %parallel_loop3A_507 : i32 to vector<16xi32>
      %parallel_loop3A_509 = arith.andi %parallel_loop3A_506, %parallel_loop3A_508 : vector<16xi32>
      %parallel_loop3A_510 = arith.constant 0 : i32
      %parallel_loop3A_511 = vector.broadcast %parallel_loop3A_510 : i32 to vector<16xi32>
      %parallel_loop3A_512 = arith.cmpi slt, %parallel_loop3A_509, %parallel_loop3A_511 : vector<16xi32>
      %parallel_loop3A_513 = arith.constant 16 : i32
      %parallel_loop3A_514 = vector.broadcast %parallel_loop3A_513 : i32 to vector<16xi32>
      %parallel_loop3A_515 = arith.addi %parallel_loop3A_509, %parallel_loop3A_514 : vector<16xi32>
      %parallel_loop3A_516 = arith.select %parallel_loop3A_512, %parallel_loop3A_515, %parallel_loop3A_509 : vector<16xi1>, vector<16xi32>
      %parallel_loop3A_517 = vector.shape_cast %parallel_loop3A_516 : vector<16xi32> to vector<16x1xi32>
      %parallel_loop3A_518 = vector.shape_cast %parallel_loop3A_517 : vector<16x1xi32> to vector<16xi32>
      %parallel_loop3A_519 = tpu.dynamic_gather %parallel_loop3A_503[%parallel_loop3A_518] in [0] : vector<16xf32>, vector<16xi32> -> vector<16xf32>
      %parallel_loop3A_520 = arith.addf %parallel_loop3A_503, %parallel_loop3A_519 : vector<16xf32>
      %parallel_loop3A_521 = arith.constant 2 : i32
      %parallel_loop3A_522 = vector.broadcast %parallel_loop3A_521 : i32 to vector<16xi32>
      %parallel_loop3A_523 = arith.addi %parallel_loop3A_486, %parallel_loop3A_522 : vector<16xi32>
      %parallel_loop3A_524 = arith.constant 15 : i32
      %parallel_loop3A_525 = vector.broadcast %parallel_loop3A_524 : i32 to vector<16xi32>
      %parallel_loop3A_526 = arith.andi %parallel_loop3A_523, %parallel_loop3A_525 : vector<16xi32>
      %parallel_loop3A_527 = arith.constant 0 : i32
      %parallel_loop3A_528 = vector.broadcast %parallel_loop3A_527 : i32 to vector<16xi32>
      %parallel_loop3A_529 = arith.cmpi slt, %parallel_loop3A_526, %parallel_loop3A_528 : vector<16xi32>
      %parallel_loop3A_530 = arith.constant 16 : i32
      %parallel_loop3A_531 = vector.broadcast %parallel_loop3A_530 : i32 to vector<16xi32>
      %parallel_loop3A_532 = arith.addi %parallel_loop3A_526, %parallel_loop3A_531 : vector<16xi32>
      %parallel_loop3A_533 = arith.select %parallel_loop3A_529, %parallel_loop3A_532, %parallel_loop3A_526 : vector<16xi1>, vector<16xi32>
      %parallel_loop3A_534 = vector.shape_cast %parallel_loop3A_533 : vector<16xi32> to vector<16x1xi32>
      %parallel_loop3A_535 = vector.shape_cast %parallel_loop3A_534 : vector<16x1xi32> to vector<16xi32>
      %parallel_loop3A_536 = tpu.dynamic_gather %parallel_loop3A_520[%parallel_loop3A_535] in [0] : vector<16xf32>, vector<16xi32> -> vector<16xf32>
      %parallel_loop3A_537 = arith.addf %parallel_loop3A_520, %parallel_loop3A_536 : vector<16xf32>
      %parallel_loop3A_538 = arith.constant 1 : i32
      %parallel_loop3A_539 = vector.broadcast %parallel_loop3A_538 : i32 to vector<16xi32>
      %parallel_loop3A_540 = arith.addi %parallel_loop3A_486, %parallel_loop3A_539 : vector<16xi32>
      %parallel_loop3A_541 = arith.constant 15 : i32
      %parallel_loop3A_542 = vector.broadcast %parallel_loop3A_541 : i32 to vector<16xi32>
      %parallel_loop3A_543 = arith.andi %parallel_loop3A_540, %parallel_loop3A_542 : vector<16xi32>
      %parallel_loop3A_544 = arith.constant 0 : i32
      %parallel_loop3A_545 = vector.broadcast %parallel_loop3A_544 : i32 to vector<16xi32>
      %parallel_loop3A_546 = arith.cmpi slt, %parallel_loop3A_543, %parallel_loop3A_545 : vector<16xi32>
      %parallel_loop3A_547 = arith.constant 16 : i32
      %parallel_loop3A_548 = vector.broadcast %parallel_loop3A_547 : i32 to vector<16xi32>
      %parallel_loop3A_549 = arith.addi %parallel_loop3A_543, %parallel_loop3A_548 : vector<16xi32>
      %parallel_loop3A_550 = arith.select %parallel_loop3A_546, %parallel_loop3A_549, %parallel_loop3A_543 : vector<16xi1>, vector<16xi32>
      %parallel_loop3A_551 = vector.shape_cast %parallel_loop3A_550 : vector<16xi32> to vector<16x1xi32>
      %parallel_loop3A_552 = vector.shape_cast %parallel_loop3A_551 : vector<16x1xi32> to vector<16xi32>
      %parallel_loop3A_553 = tpu.dynamic_gather %parallel_loop3A_537[%parallel_loop3A_552] in [0] : vector<16xf32>, vector<16xi32> -> vector<16xf32>
      %parallel_loop3A_554 = arith.addf %parallel_loop3A_537, %parallel_loop3A_553 : vector<16xf32>
      %parallel_loop3A_555 = arith.constant 0.00130208337 : f32
      %parallel_loop3A_556 = vector.broadcast %parallel_loop3A_555 : f32 to vector<16xf32>
      %parallel_loop3A_557 = arith.mulf %parallel_loop3A_554, %parallel_loop3A_556 : vector<16xf32>
      %parallel_loop3A_558 = tpu.iota {dimensions = array<i32: 0>} : vector<16xi32>
      %parallel_loop3A_559 = arith.constant 8 : i32
      %parallel_loop3A_560 = vector.broadcast %parallel_loop3A_559 : i32 to vector<16xi32>
      %parallel_loop3A_561 = arith.addi %parallel_loop3A_558, %parallel_loop3A_560 : vector<16xi32>
      %parallel_loop3A_562 = arith.constant 15 : i32
      %parallel_loop3A_563 = vector.broadcast %parallel_loop3A_562 : i32 to vector<16xi32>
      %parallel_loop3A_564 = arith.andi %parallel_loop3A_561, %parallel_loop3A_563 : vector<16xi32>
      %parallel_loop3A_565 = arith.constant 0 : i32
      %parallel_loop3A_566 = vector.broadcast %parallel_loop3A_565 : i32 to vector<16xi32>
      %parallel_loop3A_567 = arith.cmpi slt, %parallel_loop3A_564, %parallel_loop3A_566 : vector<16xi32>
      %parallel_loop3A_568 = arith.constant 16 : i32
      %parallel_loop3A_569 = vector.broadcast %parallel_loop3A_568 : i32 to vector<16xi32>
      %parallel_loop3A_570 = arith.addi %parallel_loop3A_564, %parallel_loop3A_569 : vector<16xi32>
      %parallel_loop3A_571 = arith.select %parallel_loop3A_567, %parallel_loop3A_570, %parallel_loop3A_564 : vector<16xi1>, vector<16xi32>
      %parallel_loop3A_572 = vector.shape_cast %parallel_loop3A_571 : vector<16xi32> to vector<16x1xi32>
      %parallel_loop3A_573 = vector.shape_cast %parallel_loop3A_572 : vector<16x1xi32> to vector<16xi32>
      %parallel_loop3A_574 = tpu.dynamic_gather %parallel_loop3A_115#5[%parallel_loop3A_573] in [0] : vector<16xf32>, vector<16xi32> -> vector<16xf32>
      %parallel_loop3A_575 = arith.addf %parallel_loop3A_115#5, %parallel_loop3A_574 : vector<16xf32>
      %parallel_loop3A_576 = arith.constant 4 : i32
      %parallel_loop3A_577 = vector.broadcast %parallel_loop3A_576 : i32 to vector<16xi32>
      %parallel_loop3A_578 = arith.addi %parallel_loop3A_558, %parallel_loop3A_577 : vector<16xi32>
      %parallel_loop3A_579 = arith.constant 15 : i32
      %parallel_loop3A_580 = vector.broadcast %parallel_loop3A_579 : i32 to vector<16xi32>
      %parallel_loop3A_581 = arith.andi %parallel_loop3A_578, %parallel_loop3A_580 : vector<16xi32>
      %parallel_loop3A_582 = arith.constant 0 : i32
      %parallel_loop3A_583 = vector.broadcast %parallel_loop3A_582 : i32 to vector<16xi32>
      %parallel_loop3A_584 = arith.cmpi slt, %parallel_loop3A_581, %parallel_loop3A_583 : vector<16xi32>
      %parallel_loop3A_585 = arith.constant 16 : i32
      %parallel_loop3A_586 = vector.broadcast %parallel_loop3A_585 : i32 to vector<16xi32>
      %parallel_loop3A_587 = arith.addi %parallel_loop3A_581, %parallel_loop3A_586 : vector<16xi32>
      %parallel_loop3A_588 = arith.select %parallel_loop3A_584, %parallel_loop3A_587, %parallel_loop3A_581 : vector<16xi1>, vector<16xi32>
      %parallel_loop3A_589 = vector.shape_cast %parallel_loop3A_588 : vector<16xi32> to vector<16x1xi32>
      %parallel_loop3A_590 = vector.shape_cast %parallel_loop3A_589 : vector<16x1xi32> to vector<16xi32>
      %parallel_loop3A_591 = tpu.dynamic_gather %parallel_loop3A_575[%parallel_loop3A_590] in [0] : vector<16xf32>, vector<16xi32> -> vector<16xf32>
      %parallel_loop3A_592 = arith.addf %parallel_loop3A_575, %parallel_loop3A_591 : vector<16xf32>
      %parallel_loop3A_593 = arith.constant 2 : i32
      %parallel_loop3A_594 = vector.broadcast %parallel_loop3A_593 : i32 to vector<16xi32>
      %parallel_loop3A_595 = arith.addi %parallel_loop3A_558, %parallel_loop3A_594 : vector<16xi32>
      %parallel_loop3A_596 = arith.constant 15 : i32
      %parallel_loop3A_597 = vector.broadcast %parallel_loop3A_596 : i32 to vector<16xi32>
      %parallel_loop3A_598 = arith.andi %parallel_loop3A_595, %parallel_loop3A_597 : vector<16xi32>
      %parallel_loop3A_599 = arith.constant 0 : i32
      %parallel_loop3A_600 = vector.broadcast %parallel_loop3A_599 : i32 to vector<16xi32>
      %parallel_loop3A_601 = arith.cmpi slt, %parallel_loop3A_598, %parallel_loop3A_600 : vector<16xi32>
      %parallel_loop3A_602 = arith.constant 16 : i32
      %parallel_loop3A_603 = vector.broadcast %parallel_loop3A_602 : i32 to vector<16xi32>
      %parallel_loop3A_604 = arith.addi %parallel_loop3A_598, %parallel_loop3A_603 : vector<16xi32>
      %parallel_loop3A_605 = arith.select %parallel_loop3A_601, %parallel_loop3A_604, %parallel_loop3A_598 : vector<16xi1>, vector<16xi32>
      %parallel_loop3A_606 = vector.shape_cast %parallel_loop3A_605 : vector<16xi32> to vector<16x1xi32>
      %parallel_loop3A_607 = vector.shape_cast %parallel_loop3A_606 : vector<16x1xi32> to vector<16xi32>
      %parallel_loop3A_608 = tpu.dynamic_gather %parallel_loop3A_592[%parallel_loop3A_607] in [0] : vector<16xf32>, vector<16xi32> -> vector<16xf32>
      %parallel_loop3A_609 = arith.addf %parallel_loop3A_592, %parallel_loop3A_608 : vector<16xf32>
      %parallel_loop3A_610 = arith.constant 1 : i32
      %parallel_loop3A_611 = vector.broadcast %parallel_loop3A_610 : i32 to vector<16xi32>
      %parallel_loop3A_612 = arith.addi %parallel_loop3A_558, %parallel_loop3A_611 : vector<16xi32>
      %parallel_loop3A_613 = arith.constant 15 : i32
      %parallel_loop3A_614 = vector.broadcast %parallel_loop3A_613 : i32 to vector<16xi32>
      %parallel_loop3A_615 = arith.andi %parallel_loop3A_612, %parallel_loop3A_614 : vector<16xi32>
      %parallel_loop3A_616 = arith.constant 0 : i32
      %parallel_loop3A_617 = vector.broadcast %parallel_loop3A_616 : i32 to vector<16xi32>
      %parallel_loop3A_618 = arith.cmpi slt, %parallel_loop3A_615, %parallel_loop3A_617 : vector<16xi32>
      %parallel_loop3A_619 = arith.constant 16 : i32
      %parallel_loop3A_620 = vector.broadcast %parallel_loop3A_619 : i32 to vector<16xi32>
      %parallel_loop3A_621 = arith.addi %parallel_loop3A_615, %parallel_loop3A_620 : vector<16xi32>
      %parallel_loop3A_622 = arith.select %parallel_loop3A_618, %parallel_loop3A_621, %parallel_loop3A_615 : vector<16xi1>, vector<16xi32>
      %parallel_loop3A_623 = vector.shape_cast %parallel_loop3A_622 : vector<16xi32> to vector<16x1xi32>
      %parallel_loop3A_624 = vector.shape_cast %parallel_loop3A_623 : vector<16x1xi32> to vector<16xi32>
      %parallel_loop3A_625 = tpu.dynamic_gather %parallel_loop3A_609[%parallel_loop3A_624] in [0] : vector<16xf32>, vector<16xi32> -> vector<16xf32>
      %parallel_loop3A_626 = arith.addf %parallel_loop3A_609, %parallel_loop3A_625 : vector<16xf32>
      %parallel_loop3A_627 = arith.constant 0.00130208337 : f32
      %parallel_loop3A_628 = vector.broadcast %parallel_loop3A_627 : f32 to vector<16xf32>
      %parallel_loop3A_629 = arith.mulf %parallel_loop3A_626, %parallel_loop3A_628 : vector<16xf32>
      %parallel_loop3A_630 = arith.mulf %parallel_loop3A_557, %parallel_loop3A_557 : vector<16xf32>
      %parallel_loop3A_631 = arith.subf %parallel_loop3A_629, %parallel_loop3A_630 : vector<16xf32>
      %parallel_loop3A_632 = arith.constant 1.000000e-07 : f32
      %parallel_loop3A_633 = vector.broadcast %parallel_loop3A_632 : f32 to vector<16xf32>
      %parallel_loop3A_634 = arith.addf %parallel_loop3A_631, %parallel_loop3A_633 : vector<16xf32>
      %parallel_loop3A_635 = tpu.bitcast %parallel_loop3A_634 : vector<16xf32> -> vector<16xi32>
      %parallel_loop3A_636 = arith.constant 1 : i32
      %parallel_loop3A_637 = vector.broadcast %parallel_loop3A_636 : i32 to vector<16xi32>
      %parallel_loop3A_638 = arith.shrsi %parallel_loop3A_635, %parallel_loop3A_637 : vector<16xi32>
      %parallel_loop3A_639 = arith.constant 1597463007 : i32
      %parallel_loop3A_640 = vector.broadcast %parallel_loop3A_639 : i32 to vector<16xi32>
      %parallel_loop3A_641 = arith.subi %parallel_loop3A_640, %parallel_loop3A_638 : vector<16xi32>
      %parallel_loop3A_642 = tpu.bitcast %parallel_loop3A_641 : vector<16xi32> -> vector<16xf32>
      %parallel_loop3A_643 = arith.constant 5.000000e-01 : f32
      %parallel_loop3A_644 = vector.broadcast %parallel_loop3A_643 : f32 to vector<16xf32>
      %parallel_loop3A_645 = arith.mulf %parallel_loop3A_644, %parallel_loop3A_634 : vector<16xf32>
      %parallel_loop3A_646 = arith.mulf %parallel_loop3A_645, %parallel_loop3A_642 : vector<16xf32>
      %parallel_loop3A_647 = arith.mulf %parallel_loop3A_646, %parallel_loop3A_642 : vector<16xf32>
      %parallel_loop3A_648 = arith.constant 1.500000e+00 : f32
      %parallel_loop3A_649 = vector.broadcast %parallel_loop3A_648 : f32 to vector<16xf32>
      %parallel_loop3A_650 = arith.subf %parallel_loop3A_649, %parallel_loop3A_647 : vector<16xf32>
      %parallel_loop3A_651 = arith.mulf %parallel_loop3A_642, %parallel_loop3A_650 : vector<16xf32>
      %parallel_loop3A_652 = arith.constant 5.000000e-01 : f32
      %parallel_loop3A_653 = vector.broadcast %parallel_loop3A_652 : f32 to vector<16xf32>
      %parallel_loop3A_654 = arith.mulf %parallel_loop3A_653, %parallel_loop3A_634 : vector<16xf32>
      %parallel_loop3A_655 = arith.mulf %parallel_loop3A_654, %parallel_loop3A_651 : vector<16xf32>
      %parallel_loop3A_656 = arith.mulf %parallel_loop3A_655, %parallel_loop3A_651 : vector<16xf32>
      %parallel_loop3A_657 = arith.constant 1.500000e+00 : f32
      %parallel_loop3A_658 = vector.broadcast %parallel_loop3A_657 : f32 to vector<16xf32>
      %parallel_loop3A_659 = arith.subf %parallel_loop3A_658, %parallel_loop3A_656 : vector<16xf32>
      %parallel_loop3A_660 = arith.mulf %parallel_loop3A_651, %parallel_loop3A_659 : vector<16xf32>
      %parallel_loop3A_661 = arith.constant 5.000000e-01 : f32
      %parallel_loop3A_662 = vector.broadcast %parallel_loop3A_661 : f32 to vector<16xf32>
      %parallel_loop3A_663 = arith.mulf %parallel_loop3A_662, %parallel_loop3A_634 : vector<16xf32>
      %parallel_loop3A_664 = arith.mulf %parallel_loop3A_663, %parallel_loop3A_660 : vector<16xf32>
      %parallel_loop3A_665 = arith.mulf %parallel_loop3A_664, %parallel_loop3A_660 : vector<16xf32>
      %parallel_loop3A_666 = arith.constant 1.500000e+00 : f32
      %parallel_loop3A_667 = vector.broadcast %parallel_loop3A_666 : f32 to vector<16xf32>
      %parallel_loop3A_668 = arith.subf %parallel_loop3A_667, %parallel_loop3A_665 : vector<16xf32>
      %parallel_loop3A_669 = arith.mulf %parallel_loop3A_660, %parallel_loop3A_668 : vector<16xf32>
      %parallel_loop3A_670 = arith.mulf %parallel_loop3A_557, %parallel_loop3A_669 : vector<16xf32>
      %parallel_loop3A_671 = tpu.iota {dimensions = array<i32: 0>} : vector<16xi32>
      %parallel_loop3A_672 = arith.constant 8 : i32
      %parallel_loop3A_673 = vector.broadcast %parallel_loop3A_672 : i32 to vector<16xi32>
      %parallel_loop3A_674 = arith.addi %parallel_loop3A_671, %parallel_loop3A_673 : vector<16xi32>
      %parallel_loop3A_675 = arith.constant 15 : i32
      %parallel_loop3A_676 = vector.broadcast %parallel_loop3A_675 : i32 to vector<16xi32>
      %parallel_loop3A_677 = arith.andi %parallel_loop3A_674, %parallel_loop3A_676 : vector<16xi32>
      %parallel_loop3A_678 = arith.constant 0 : i32
      %parallel_loop3A_679 = vector.broadcast %parallel_loop3A_678 : i32 to vector<16xi32>
      %parallel_loop3A_680 = arith.cmpi slt, %parallel_loop3A_677, %parallel_loop3A_679 : vector<16xi32>
      %parallel_loop3A_681 = arith.constant 16 : i32
      %parallel_loop3A_682 = vector.broadcast %parallel_loop3A_681 : i32 to vector<16xi32>
      %parallel_loop3A_683 = arith.addi %parallel_loop3A_677, %parallel_loop3A_682 : vector<16xi32>
      %parallel_loop3A_684 = arith.select %parallel_loop3A_680, %parallel_loop3A_683, %parallel_loop3A_677 : vector<16xi1>, vector<16xi32>
      %parallel_loop3A_685 = vector.shape_cast %parallel_loop3A_684 : vector<16xi32> to vector<16x1xi32>
      %parallel_loop3A_686 = vector.shape_cast %parallel_loop3A_685 : vector<16x1xi32> to vector<16xi32>
      %parallel_loop3A_687 = tpu.dynamic_gather %parallel_loop3A_115#6[%parallel_loop3A_686] in [0] : vector<16xf32>, vector<16xi32> -> vector<16xf32>
      %parallel_loop3A_688 = arith.addf %parallel_loop3A_115#6, %parallel_loop3A_687 : vector<16xf32>
      %parallel_loop3A_689 = arith.constant 4 : i32
      %parallel_loop3A_690 = vector.broadcast %parallel_loop3A_689 : i32 to vector<16xi32>
      %parallel_loop3A_691 = arith.addi %parallel_loop3A_671, %parallel_loop3A_690 : vector<16xi32>
      %parallel_loop3A_692 = arith.constant 15 : i32
      %parallel_loop3A_693 = vector.broadcast %parallel_loop3A_692 : i32 to vector<16xi32>
      %parallel_loop3A_694 = arith.andi %parallel_loop3A_691, %parallel_loop3A_693 : vector<16xi32>
      %parallel_loop3A_695 = arith.constant 0 : i32
      %parallel_loop3A_696 = vector.broadcast %parallel_loop3A_695 : i32 to vector<16xi32>
      %parallel_loop3A_697 = arith.cmpi slt, %parallel_loop3A_694, %parallel_loop3A_696 : vector<16xi32>
      %parallel_loop3A_698 = arith.constant 16 : i32
      %parallel_loop3A_699 = vector.broadcast %parallel_loop3A_698 : i32 to vector<16xi32>
      %parallel_loop3A_700 = arith.addi %parallel_loop3A_694, %parallel_loop3A_699 : vector<16xi32>
      %parallel_loop3A_701 = arith.select %parallel_loop3A_697, %parallel_loop3A_700, %parallel_loop3A_694 : vector<16xi1>, vector<16xi32>
      %parallel_loop3A_702 = vector.shape_cast %parallel_loop3A_701 : vector<16xi32> to vector<16x1xi32>
      %parallel_loop3A_703 = vector.shape_cast %parallel_loop3A_702 : vector<16x1xi32> to vector<16xi32>
      %parallel_loop3A_704 = tpu.dynamic_gather %parallel_loop3A_688[%parallel_loop3A_703] in [0] : vector<16xf32>, vector<16xi32> -> vector<16xf32>
      %parallel_loop3A_705 = arith.addf %parallel_loop3A_688, %parallel_loop3A_704 : vector<16xf32>
      %parallel_loop3A_706 = arith.constant 2 : i32
      %parallel_loop3A_707 = vector.broadcast %parallel_loop3A_706 : i32 to vector<16xi32>
      %parallel_loop3A_708 = arith.addi %parallel_loop3A_671, %parallel_loop3A_707 : vector<16xi32>
      %parallel_loop3A_709 = arith.constant 15 : i32
      %parallel_loop3A_710 = vector.broadcast %parallel_loop3A_709 : i32 to vector<16xi32>
      %parallel_loop3A_711 = arith.andi %parallel_loop3A_708, %parallel_loop3A_710 : vector<16xi32>
      %parallel_loop3A_712 = arith.constant 0 : i32
      %parallel_loop3A_713 = vector.broadcast %parallel_loop3A_712 : i32 to vector<16xi32>
      %parallel_loop3A_714 = arith.cmpi slt, %parallel_loop3A_711, %parallel_loop3A_713 : vector<16xi32>
      %parallel_loop3A_715 = arith.constant 16 : i32
      %parallel_loop3A_716 = vector.broadcast %parallel_loop3A_715 : i32 to vector<16xi32>
      %parallel_loop3A_717 = arith.addi %parallel_loop3A_711, %parallel_loop3A_716 : vector<16xi32>
      %parallel_loop3A_718 = arith.select %parallel_loop3A_714, %parallel_loop3A_717, %parallel_loop3A_711 : vector<16xi1>, vector<16xi32>
      %parallel_loop3A_719 = vector.shape_cast %parallel_loop3A_718 : vector<16xi32> to vector<16x1xi32>
      %parallel_loop3A_720 = vector.shape_cast %parallel_loop3A_719 : vector<16x1xi32> to vector<16xi32>
      %parallel_loop3A_721 = tpu.dynamic_gather %parallel_loop3A_705[%parallel_loop3A_720] in [0] : vector<16xf32>, vector<16xi32> -> vector<16xf32>
      %parallel_loop3A_722 = arith.addf %parallel_loop3A_705, %parallel_loop3A_721 : vector<16xf32>
      %parallel_loop3A_723 = arith.constant 1 : i32
      %parallel_loop3A_724 = vector.broadcast %parallel_loop3A_723 : i32 to vector<16xi32>
      %parallel_loop3A_725 = arith.addi %parallel_loop3A_671, %parallel_loop3A_724 : vector<16xi32>
      %parallel_loop3A_726 = arith.constant 15 : i32
      %parallel_loop3A_727 = vector.broadcast %parallel_loop3A_726 : i32 to vector<16xi32>
      %parallel_loop3A_728 = arith.andi %parallel_loop3A_725, %parallel_loop3A_727 : vector<16xi32>
      %parallel_loop3A_729 = arith.constant 0 : i32
      %parallel_loop3A_730 = vector.broadcast %parallel_loop3A_729 : i32 to vector<16xi32>
      %parallel_loop3A_731 = arith.cmpi slt, %parallel_loop3A_728, %parallel_loop3A_730 : vector<16xi32>
      %parallel_loop3A_732 = arith.constant 16 : i32
      %parallel_loop3A_733 = vector.broadcast %parallel_loop3A_732 : i32 to vector<16xi32>
      %parallel_loop3A_734 = arith.addi %parallel_loop3A_728, %parallel_loop3A_733 : vector<16xi32>
      %parallel_loop3A_735 = arith.select %parallel_loop3A_731, %parallel_loop3A_734, %parallel_loop3A_728 : vector<16xi1>, vector<16xi32>
      %parallel_loop3A_736 = vector.shape_cast %parallel_loop3A_735 : vector<16xi32> to vector<16x1xi32>
      %parallel_loop3A_737 = vector.shape_cast %parallel_loop3A_736 : vector<16x1xi32> to vector<16xi32>
      %parallel_loop3A_738 = tpu.dynamic_gather %parallel_loop3A_722[%parallel_loop3A_737] in [0] : vector<16xf32>, vector<16xi32> -> vector<16xf32>
      %parallel_loop3A_739 = arith.addf %parallel_loop3A_722, %parallel_loop3A_738 : vector<16xf32>
      %parallel_loop3A_740 = arith.constant 0.00130208337 : f32
      %parallel_loop3A_741 = vector.broadcast %parallel_loop3A_740 : f32 to vector<16xf32>
      %parallel_loop3A_742 = arith.mulf %parallel_loop3A_739, %parallel_loop3A_741 : vector<16xf32>
      %parallel_loop3A_743 = tpu.iota {dimensions = array<i32: 0>} : vector<16xi32>
      %parallel_loop3A_744 = arith.constant 8 : i32
      %parallel_loop3A_745 = vector.broadcast %parallel_loop3A_744 : i32 to vector<16xi32>
      %parallel_loop3A_746 = arith.addi %parallel_loop3A_743, %parallel_loop3A_745 : vector<16xi32>
      %parallel_loop3A_747 = arith.constant 15 : i32
      %parallel_loop3A_748 = vector.broadcast %parallel_loop3A_747 : i32 to vector<16xi32>
      %parallel_loop3A_749 = arith.andi %parallel_loop3A_746, %parallel_loop3A_748 : vector<16xi32>
      %parallel_loop3A_750 = arith.constant 0 : i32
      %parallel_loop3A_751 = vector.broadcast %parallel_loop3A_750 : i32 to vector<16xi32>
      %parallel_loop3A_752 = arith.cmpi slt, %parallel_loop3A_749, %parallel_loop3A_751 : vector<16xi32>
      %parallel_loop3A_753 = arith.constant 16 : i32
      %parallel_loop3A_754 = vector.broadcast %parallel_loop3A_753 : i32 to vector<16xi32>
      %parallel_loop3A_755 = arith.addi %parallel_loop3A_749, %parallel_loop3A_754 : vector<16xi32>
      %parallel_loop3A_756 = arith.select %parallel_loop3A_752, %parallel_loop3A_755, %parallel_loop3A_749 : vector<16xi1>, vector<16xi32>
      %parallel_loop3A_757 = vector.shape_cast %parallel_loop3A_756 : vector<16xi32> to vector<16x1xi32>
      %parallel_loop3A_758 = vector.shape_cast %parallel_loop3A_757 : vector<16x1xi32> to vector<16xi32>
      %parallel_loop3A_759 = tpu.dynamic_gather %parallel_loop3A_115#7[%parallel_loop3A_758] in [0] : vector<16xf32>, vector<16xi32> -> vector<16xf32>
      %parallel_loop3A_760 = arith.addf %parallel_loop3A_115#7, %parallel_loop3A_759 : vector<16xf32>
      %parallel_loop3A_761 = arith.constant 4 : i32
      %parallel_loop3A_762 = vector.broadcast %parallel_loop3A_761 : i32 to vector<16xi32>
      %parallel_loop3A_763 = arith.addi %parallel_loop3A_743, %parallel_loop3A_762 : vector<16xi32>
      %parallel_loop3A_764 = arith.constant 15 : i32
      %parallel_loop3A_765 = vector.broadcast %parallel_loop3A_764 : i32 to vector<16xi32>
      %parallel_loop3A_766 = arith.andi %parallel_loop3A_763, %parallel_loop3A_765 : vector<16xi32>
      %parallel_loop3A_767 = arith.constant 0 : i32
      %parallel_loop3A_768 = vector.broadcast %parallel_loop3A_767 : i32 to vector<16xi32>
      %parallel_loop3A_769 = arith.cmpi slt, %parallel_loop3A_766, %parallel_loop3A_768 : vector<16xi32>
      %parallel_loop3A_770 = arith.constant 16 : i32
      %parallel_loop3A_771 = vector.broadcast %parallel_loop3A_770 : i32 to vector<16xi32>
      %parallel_loop3A_772 = arith.addi %parallel_loop3A_766, %parallel_loop3A_771 : vector<16xi32>
      %parallel_loop3A_773 = arith.select %parallel_loop3A_769, %parallel_loop3A_772, %parallel_loop3A_766 : vector<16xi1>, vector<16xi32>
      %parallel_loop3A_774 = vector.shape_cast %parallel_loop3A_773 : vector<16xi32> to vector<16x1xi32>
      %parallel_loop3A_775 = vector.shape_cast %parallel_loop3A_774 : vector<16x1xi32> to vector<16xi32>
      %parallel_loop3A_776 = tpu.dynamic_gather %parallel_loop3A_760[%parallel_loop3A_775] in [0] : vector<16xf32>, vector<16xi32> -> vector<16xf32>
      %parallel_loop3A_777 = arith.addf %parallel_loop3A_760, %parallel_loop3A_776 : vector<16xf32>
      %parallel_loop3A_778 = arith.constant 2 : i32
      %parallel_loop3A_779 = vector.broadcast %parallel_loop3A_778 : i32 to vector<16xi32>
      %parallel_loop3A_780 = arith.addi %parallel_loop3A_743, %parallel_loop3A_779 : vector<16xi32>
      %parallel_loop3A_781 = arith.constant 15 : i32
      %parallel_loop3A_782 = vector.broadcast %parallel_loop3A_781 : i32 to vector<16xi32>
      %parallel_loop3A_783 = arith.andi %parallel_loop3A_780, %parallel_loop3A_782 : vector<16xi32>
      %parallel_loop3A_784 = arith.constant 0 : i32
      %parallel_loop3A_785 = vector.broadcast %parallel_loop3A_784 : i32 to vector<16xi32>
      %parallel_loop3A_786 = arith.cmpi slt, %parallel_loop3A_783, %parallel_loop3A_785 : vector<16xi32>
      %parallel_loop3A_787 = arith.constant 16 : i32
      %parallel_loop3A_788 = vector.broadcast %parallel_loop3A_787 : i32 to vector<16xi32>
      %parallel_loop3A_789 = arith.addi %parallel_loop3A_783, %parallel_loop3A_788 : vector<16xi32>
      %parallel_loop3A_790 = arith.select %parallel_loop3A_786, %parallel_loop3A_789, %parallel_loop3A_783 : vector<16xi1>, vector<16xi32>
      %parallel_loop3A_791 = vector.shape_cast %parallel_loop3A_790 : vector<16xi32> to vector<16x1xi32>
      %parallel_loop3A_792 = vector.shape_cast %parallel_loop3A_791 : vector<16x1xi32> to vector<16xi32>
      %parallel_loop3A_793 = tpu.dynamic_gather %parallel_loop3A_777[%parallel_loop3A_792] in [0] : vector<16xf32>, vector<16xi32> -> vector<16xf32>
      %parallel_loop3A_794 = arith.addf %parallel_loop3A_777, %parallel_loop3A_793 : vector<16xf32>
      %parallel_loop3A_795 = arith.constant 1 : i32
      %parallel_loop3A_796 = vector.broadcast %parallel_loop3A_795 : i32 to vector<16xi32>
      %parallel_loop3A_797 = arith.addi %parallel_loop3A_743, %parallel_loop3A_796 : vector<16xi32>
      %parallel_loop3A_798 = arith.constant 15 : i32
      %parallel_loop3A_799 = vector.broadcast %parallel_loop3A_798 : i32 to vector<16xi32>
      %parallel_loop3A_800 = arith.andi %parallel_loop3A_797, %parallel_loop3A_799 : vector<16xi32>
      %parallel_loop3A_801 = arith.constant 0 : i32
      %parallel_loop3A_802 = vector.broadcast %parallel_loop3A_801 : i32 to vector<16xi32>
      %parallel_loop3A_803 = arith.cmpi slt, %parallel_loop3A_800, %parallel_loop3A_802 : vector<16xi32>
      %parallel_loop3A_804 = arith.constant 16 : i32
      %parallel_loop3A_805 = vector.broadcast %parallel_loop3A_804 : i32 to vector<16xi32>
      %parallel_loop3A_806 = arith.addi %parallel_loop3A_800, %parallel_loop3A_805 : vector<16xi32>
      %parallel_loop3A_807 = arith.select %parallel_loop3A_803, %parallel_loop3A_806, %parallel_loop3A_800 : vector<16xi1>, vector<16xi32>
      %parallel_loop3A_808 = vector.shape_cast %parallel_loop3A_807 : vector<16xi32> to vector<16x1xi32>
      %parallel_loop3A_809 = vector.shape_cast %parallel_loop3A_808 : vector<16x1xi32> to vector<16xi32>
      %parallel_loop3A_810 = tpu.dynamic_gather %parallel_loop3A_794[%parallel_loop3A_809] in [0] : vector<16xf32>, vector<16xi32> -> vector<16xf32>
      %parallel_loop3A_811 = arith.addf %parallel_loop3A_794, %parallel_loop3A_810 : vector<16xf32>
      %parallel_loop3A_812 = arith.constant 0.00130208337 : f32
      %parallel_loop3A_813 = vector.broadcast %parallel_loop3A_812 : f32 to vector<16xf32>
      %parallel_loop3A_814 = arith.mulf %parallel_loop3A_811, %parallel_loop3A_813 : vector<16xf32>
      %parallel_loop3A_815 = arith.mulf %parallel_loop3A_742, %parallel_loop3A_742 : vector<16xf32>
      %parallel_loop3A_816 = arith.subf %parallel_loop3A_814, %parallel_loop3A_815 : vector<16xf32>
      %parallel_loop3A_817 = arith.constant 1.000000e-07 : f32
      %parallel_loop3A_818 = vector.broadcast %parallel_loop3A_817 : f32 to vector<16xf32>
      %parallel_loop3A_819 = arith.addf %parallel_loop3A_816, %parallel_loop3A_818 : vector<16xf32>
      %parallel_loop3A_820 = tpu.bitcast %parallel_loop3A_819 : vector<16xf32> -> vector<16xi32>
      %parallel_loop3A_821 = arith.constant 1 : i32
      %parallel_loop3A_822 = vector.broadcast %parallel_loop3A_821 : i32 to vector<16xi32>
      %parallel_loop3A_823 = arith.shrsi %parallel_loop3A_820, %parallel_loop3A_822 : vector<16xi32>
      %parallel_loop3A_824 = arith.constant 1597463007 : i32
      %parallel_loop3A_825 = vector.broadcast %parallel_loop3A_824 : i32 to vector<16xi32>
      %parallel_loop3A_826 = arith.subi %parallel_loop3A_825, %parallel_loop3A_823 : vector<16xi32>
      %parallel_loop3A_827 = tpu.bitcast %parallel_loop3A_826 : vector<16xi32> -> vector<16xf32>
      %parallel_loop3A_828 = arith.constant 5.000000e-01 : f32
      %parallel_loop3A_829 = vector.broadcast %parallel_loop3A_828 : f32 to vector<16xf32>
      %parallel_loop3A_830 = arith.mulf %parallel_loop3A_829, %parallel_loop3A_819 : vector<16xf32>
      %parallel_loop3A_831 = arith.mulf %parallel_loop3A_830, %parallel_loop3A_827 : vector<16xf32>
      %parallel_loop3A_832 = arith.mulf %parallel_loop3A_831, %parallel_loop3A_827 : vector<16xf32>
      %parallel_loop3A_833 = arith.constant 1.500000e+00 : f32
      %parallel_loop3A_834 = vector.broadcast %parallel_loop3A_833 : f32 to vector<16xf32>
      %parallel_loop3A_835 = arith.subf %parallel_loop3A_834, %parallel_loop3A_832 : vector<16xf32>
      %parallel_loop3A_836 = arith.mulf %parallel_loop3A_827, %parallel_loop3A_835 : vector<16xf32>
      %parallel_loop3A_837 = arith.constant 5.000000e-01 : f32
      %parallel_loop3A_838 = vector.broadcast %parallel_loop3A_837 : f32 to vector<16xf32>
      %parallel_loop3A_839 = arith.mulf %parallel_loop3A_838, %parallel_loop3A_819 : vector<16xf32>
      %parallel_loop3A_840 = arith.mulf %parallel_loop3A_839, %parallel_loop3A_836 : vector<16xf32>
      %parallel_loop3A_841 = arith.mulf %parallel_loop3A_840, %parallel_loop3A_836 : vector<16xf32>
      %parallel_loop3A_842 = arith.constant 1.500000e+00 : f32
      %parallel_loop3A_843 = vector.broadcast %parallel_loop3A_842 : f32 to vector<16xf32>
      %parallel_loop3A_844 = arith.subf %parallel_loop3A_843, %parallel_loop3A_841 : vector<16xf32>
      %parallel_loop3A_845 = arith.mulf %parallel_loop3A_836, %parallel_loop3A_844 : vector<16xf32>
      %parallel_loop3A_846 = arith.constant 5.000000e-01 : f32
      %parallel_loop3A_847 = vector.broadcast %parallel_loop3A_846 : f32 to vector<16xf32>
      %parallel_loop3A_848 = arith.mulf %parallel_loop3A_847, %parallel_loop3A_819 : vector<16xf32>
      %parallel_loop3A_849 = arith.mulf %parallel_loop3A_848, %parallel_loop3A_845 : vector<16xf32>
      %parallel_loop3A_850 = arith.mulf %parallel_loop3A_849, %parallel_loop3A_845 : vector<16xf32>
      %parallel_loop3A_851 = arith.constant 1.500000e+00 : f32
      %parallel_loop3A_852 = vector.broadcast %parallel_loop3A_851 : f32 to vector<16xf32>
      %parallel_loop3A_853 = arith.subf %parallel_loop3A_852, %parallel_loop3A_850 : vector<16xf32>
      %parallel_loop3A_854 = arith.mulf %parallel_loop3A_845, %parallel_loop3A_853 : vector<16xf32>
      %parallel_loop3A_855 = arith.mulf %parallel_loop3A_742, %parallel_loop3A_854 : vector<16xf32>
      %parallel_loop3A_856 = arith.constant 0 : i32
      %parallel_loop3A_857 = arith.constant 48 : i32
      %parallel_loop3A_858 = arith.constant 1 : i32
      scf.for %parallel_loop3A_859 = %parallel_loop3A_856 to %parallel_loop3A_857 step %parallel_loop3A_858  : i32 {
        %parallel_loop3A_860 = arith.constant 16 : i32
        %parallel_loop3A_861 = arith.muli %parallel_loop3A_859, %parallel_loop3A_860 : i32
        %parallel_loop3A_862 = arith.index_cast %parallel_loop3A_861 : i32 to index
        %parallel_loop3A_863 = tpu.vector_load %arg10[%parallel_loop3A_862] {strides = array<i32>} : memref<768xf32, #tpu.memory_space<vmem>>, vector<16xf32>,
        %parallel_loop3A_864 = vector.shape_cast %parallel_loop3A_863 : vector<16xf32> to vector<16xf32>
        %parallel_loop3A_865 = arith.index_cast %parallel_loop3A_861 : i32 to index
        %parallel_loop3A_866 = tpu.vector_load %arg11[%parallel_loop3A_865] {strides = array<i32>} : memref<768xf32, #tpu.memory_space<vmem>>, vector<16xf32>,
        %parallel_loop3A_867 = vector.shape_cast %parallel_loop3A_866 : vector<16xf32> to vector<16xf32>
        %parallel_loop3A_868 = arith.index_cast %parallel_loop3A_105 : i32 to index
        %parallel_loop3A_869 = arith.index_cast %parallel_loop3A_861 : i32 to index
        %parallel_loop3A_870 = tpu.vector_load %arg8[%parallel_loop3A_868, %parallel_loop3A_869] {strides = array<i32>} : memref<64x768xf32, #tpu.memory_space<vmem>>, vector<1x16xf32>,
        %parallel_loop3A_871 = vector.shape_cast %parallel_loop3A_870 : vector<1x16xf32> to vector<16xf32>
        %parallel_loop3A_872 = arith.mulf %parallel_loop3A_871, %parallel_loop3A_299 : vector<16xf32>
        %parallel_loop3A_873 = arith.subf %parallel_loop3A_872, %parallel_loop3A_300 : vector<16xf32>
        %parallel_loop3A_874 = arith.mulf %parallel_loop3A_873, %parallel_loop3A_864 : vector<16xf32>
        %parallel_loop3A_875 = arith.addf %parallel_loop3A_874, %parallel_loop3A_867 : vector<16xf32>
        %parallel_loop3A_876 = arith.index_cast %parallel_loop3A_105 : i32 to index
        %parallel_loop3A_877 = arith.index_cast %parallel_loop3A_861 : i32 to index
        %parallel_loop3A_878 = tpu.vector_load %arg8[%parallel_loop3A_876, %parallel_loop3A_877] {strides = array<i32>} : memref<64x768xf32, #tpu.memory_space<vmem>>, vector<1x16xf32>,
        %parallel_loop3A_879 = vector.shape_cast %parallel_loop3A_878 : vector<1x16xf32> to vector<16xf32>
        %parallel_loop3A_880 = vector.shape_cast %parallel_loop3A_875 : vector<16xf32> to vector<1x16xf32>
        tpu.vector_store %arg8[%parallel_loop3A_876, %parallel_loop3A_877], %parallel_loop3A_880 {strides = array<i32>} : memref<64x768xf32, #tpu.memory_space<vmem>>, vector<1x16xf32>,
        %parallel_loop3A_881 = arith.index_cast %parallel_loop3A_107 : i32 to index
        %parallel_loop3A_882 = arith.index_cast %parallel_loop3A_861 : i32 to index
        %parallel_loop3A_883 = tpu.vector_load %arg8[%parallel_loop3A_881, %parallel_loop3A_882] {strides = array<i32>} : memref<64x768xf32, #tpu.memory_space<vmem>>, vector<1x16xf32>,
        %parallel_loop3A_884 = vector.shape_cast %parallel_loop3A_883 : vector<1x16xf32> to vector<16xf32>
        %parallel_loop3A_885 = arith.mulf %parallel_loop3A_884, %parallel_loop3A_484 : vector<16xf32>
        %parallel_loop3A_886 = arith.subf %parallel_loop3A_885, %parallel_loop3A_485 : vector<16xf32>
        %parallel_loop3A_887 = arith.mulf %parallel_loop3A_886, %parallel_loop3A_864 : vector<16xf32>
        %parallel_loop3A_888 = arith.addf %parallel_loop3A_887, %parallel_loop3A_867 : vector<16xf32>
        %parallel_loop3A_889 = arith.index_cast %parallel_loop3A_107 : i32 to index
        %parallel_loop3A_890 = arith.index_cast %parallel_loop3A_861 : i32 to index
        %parallel_loop3A_891 = tpu.vector_load %arg8[%parallel_loop3A_889, %parallel_loop3A_890] {strides = array<i32>} : memref<64x768xf32, #tpu.memory_space<vmem>>, vector<1x16xf32>,
        %parallel_loop3A_892 = vector.shape_cast %parallel_loop3A_891 : vector<1x16xf32> to vector<16xf32>
        %parallel_loop3A_893 = vector.shape_cast %parallel_loop3A_888 : vector<16xf32> to vector<1x16xf32>
        tpu.vector_store %arg8[%parallel_loop3A_889, %parallel_loop3A_890], %parallel_loop3A_893 {strides = array<i32>} : memref<64x768xf32, #tpu.memory_space<vmem>>, vector<1x16xf32>,
        %parallel_loop3A_894 = arith.index_cast %parallel_loop3A_109 : i32 to index
        %parallel_loop3A_895 = arith.index_cast %parallel_loop3A_861 : i32 to index
        %parallel_loop3A_896 = tpu.vector_load %arg8[%parallel_loop3A_894, %parallel_loop3A_895] {strides = array<i32>} : memref<64x768xf32, #tpu.memory_space<vmem>>, vector<1x16xf32>,
        %parallel_loop3A_897 = vector.shape_cast %parallel_loop3A_896 : vector<1x16xf32> to vector<16xf32>
        %parallel_loop3A_898 = arith.mulf %parallel_loop3A_897, %parallel_loop3A_669 : vector<16xf32>
        %parallel_loop3A_899 = arith.subf %parallel_loop3A_898, %parallel_loop3A_670 : vector<16xf32>
        %parallel_loop3A_900 = arith.mulf %parallel_loop3A_899, %parallel_loop3A_864 : vector<16xf32>
        %parallel_loop3A_901 = arith.addf %parallel_loop3A_900, %parallel_loop3A_867 : vector<16xf32>
        %parallel_loop3A_902 = arith.index_cast %parallel_loop3A_109 : i32 to index
        %parallel_loop3A_903 = arith.index_cast %parallel_loop3A_861 : i32 to index
        %parallel_loop3A_904 = tpu.vector_load %arg8[%parallel_loop3A_902, %parallel_loop3A_903] {strides = array<i32>} : memref<64x768xf32, #tpu.memory_space<vmem>>, vector<1x16xf32>,
        %parallel_loop3A_905 = vector.shape_cast %parallel_loop3A_904 : vector<1x16xf32> to vector<16xf32>
        %parallel_loop3A_906 = vector.shape_cast %parallel_loop3A_901 : vector<16xf32> to vector<1x16xf32>
        tpu.vector_store %arg8[%parallel_loop3A_902, %parallel_loop3A_903], %parallel_loop3A_906 {strides = array<i32>} : memref<64x768xf32, #tpu.memory_space<vmem>>, vector<1x16xf32>,
        %parallel_loop3A_907 = arith.index_cast %parallel_loop3A_111 : i32 to index
        %parallel_loop3A_908 = arith.index_cast %parallel_loop3A_861 : i32 to index
        %parallel_loop3A_909 = tpu.vector_load %arg8[%parallel_loop3A_907, %parallel_loop3A_908] {strides = array<i32>} : memref<64x768xf32, #tpu.memory_space<vmem>>, vector<1x16xf32>,
        %parallel_loop3A_910 = vector.shape_cast %parallel_loop3A_909 : vector<1x16xf32> to vector<16xf32>
        %parallel_loop3A_911 = arith.mulf %parallel_loop3A_910, %parallel_loop3A_854 : vector<16xf32>
        %parallel_loop3A_912 = arith.subf %parallel_loop3A_911, %parallel_loop3A_855 : vector<16xf32>
        %parallel_loop3A_913 = arith.mulf %parallel_loop3A_912, %parallel_loop3A_864 : vector<16xf32>
        %parallel_loop3A_914 = arith.addf %parallel_loop3A_913, %parallel_loop3A_867 : vector<16xf32>
        %parallel_loop3A_915 = arith.index_cast %parallel_loop3A_111 : i32 to index
        %parallel_loop3A_916 = arith.index_cast %parallel_loop3A_861 : i32 to index
        %parallel_loop3A_917 = tpu.vector_load %arg8[%parallel_loop3A_915, %parallel_loop3A_916] {strides = array<i32>} : memref<64x768xf32, #tpu.memory_space<vmem>>, vector<1x16xf32>,
        %parallel_loop3A_918 = vector.shape_cast %parallel_loop3A_917 : vector<1x16xf32> to vector<16xf32>
        %parallel_loop3A_919 = vector.shape_cast %parallel_loop3A_914 : vector<16xf32> to vector<1x16xf32>
        tpu.vector_store %arg8[%parallel_loop3A_915, %parallel_loop3A_916], %parallel_loop3A_919 {strides = array<i32>} : memref<64x768xf32, #tpu.memory_space<vmem>>, vector<1x16xf32>,
      } {sc.loop_unroll_factor = 4 : i64, sc.parallel_access}
      scf.yield %parallel_loop3A_101 : i32
    } {sc.loop_unroll_factor = 1 : i64, sc.parallel_access}
    %add3A_20 = arith.constant 0 : i32
    %add3A_21 = arith.addi %mul3A_2, %add3A_20 : i32
    %dma_start3A_22 = arith.constant 0 : i32
    %dma_start3A_23 = tpu.memref_slice %arg6[%add3A_21, %dma_start3A_22] : memref<8192x768xf32, #tpu.memory_space<hbm>> -> memref<64x768xf32, #tpu.memory_space<hbm>>
    %dma_start3A_24 = arith.constant 0 : i32
    %dma_start3A_25 = tpu.memref_slice %arg6[%add3A_21, %dma_start3A_24] : memref<8192x768xf32, #tpu.memory_space<hbm>> -> memref<64x768xf32, #tpu.memory_space<hbm>>
    tpu.enqueue_dma source(%arg8 : memref<64x768xf32, #tpu.memory_space<vmem>>) target(%dma_start3A_25 : memref<64x768xf32, #tpu.memory_space<hbm>>) target_semaphore(%arg14 : memref<!tpu.dma_semaphore, #tpu.memory_space<semaphore_mem>>)
    %dma_wait3A_26 = arith.constant 0 : i32
    %dma_wait3A_27 = tpu.memref_slice %arg6[%add3A_21, %dma_wait3A_26] : memref<8192x768xf32, #tpu.memory_space<hbm>> -> memref<64x768xf32, #tpu.memory_space<hbm>>
    %dma_wait3A_28 = arith.constant 0 : i32
    %dma_wait3A_29 = tpu.memref_slice %arg6[%add3A_21, %dma_wait3A_28] : memref<8192x768xf32, #tpu.memory_space<hbm>> -> memref<64x768xf32, #tpu.memory_space<hbm>>
    tpu.wait_dma2 semaphore(%arg14 : memref<!tpu.dma_semaphore, #tpu.memory_space<semaphore_mem>>) src(%arg8 : memref<64x768xf32, #tpu.memory_space<vmem>>) dst(%dma_wait3A_29 : memref<64x768xf32, #tpu.memory_space<hbm>>)
    %dma_start3A_30 = arith.constant 128 : i32
    %dma_start3A_31 = tpu.memref_slice %arg7[%dma_start3A_30] : memref<256xi32, #tpu.memory_space<vmem>> -> memref<64xi32, #tpu.memory_space<vmem>>
    %dma_start3A_32 = arith.constant 0 : i32
    %dma_start3A_33 = arith.constant 0 : i32
    %dma_start3A_34 = tpu.memref_slice %arg3[%dma_start3A_32, %dma_start3A_33] : memref<100000x768xf32, #tpu.memory_space<hbm>> -> memref<100000x768xf32, #tpu.memory_space<hbm>>
    tpu.enqueue_indirect_dma source(%dma_start3A_34 : memref<100000x768xf32, #tpu.memory_space<hbm>>) target(%arg8 : memref<64x768xf32, #tpu.memory_space<vmem>>) offsets(%dma_start3A_31 : memref<64xi32, #tpu.memory_space<vmem>>) semaphore(%arg12 : memref<!tpu.dma_semaphore, #tpu.memory_space<semaphore_mem>>)
    %dma_wait3A_35 = arith.constant 64 : i32
    %dma_wait3A_36 = tpu.memref_slice %arg7[%dma_wait3A_35] : memref<256xi32, #tpu.memory_space<vmem>> -> memref<64xi32, #tpu.memory_space<vmem>>
    %dma_wait3A_37 = arith.constant 0 : i32
    %dma_wait3A_38 = arith.constant 0 : i32
    %dma_wait3A_39 = tpu.memref_slice %arg3[%dma_wait3A_37, %dma_wait3A_38] : memref<100000x768xf32, #tpu.memory_space<hbm>> -> memref<100000x768xf32, #tpu.memory_space<hbm>>
    tpu.wait_indirect_dma semaphore(%arg13 : memref<!tpu.dma_semaphore, #tpu.memory_space<semaphore_mem>>) src(%dma_wait3A_39 : memref<100000x768xf32, #tpu.memory_space<hbm>>) dst(%arg9 : memref<64x768xf32, #tpu.memory_space<vmem>>)
    %parallel_loop3A_40 = arith.constant 0 : i32
    %parallel_loop3A_41 = arith.constant 64 : i32
    %parallel_loop3A_42 = arith.constant 4 : i32
    %parallel_loop3A_43 = arith.constant 0 : i32
    %parallel_loop3A_44 = scf.for %parallel_loop3A_100 = %parallel_loop3A_40 to %parallel_loop3A_41 step %parallel_loop3A_42 iter_args(%parallel_loop3A_101 = %parallel_loop3A_43) -> (i32)  : i32 {
      %parallel_loop3A_102 = arith.constant 0.000000e+00 : f32
      %parallel_loop3A_103 = vector.broadcast %parallel_loop3A_102 : f32 to vector<16xf32>
      %parallel_loop3A_104 = arith.constant 0 : i32
      %parallel_loop3A_105 = arith.addi %parallel_loop3A_100, %parallel_loop3A_104 : i32
      %parallel_loop3A_106 = arith.constant 1 : i32
      %parallel_loop3A_107 = arith.addi %parallel_loop3A_100, %parallel_loop3A_106 : i32
      %parallel_loop3A_108 = arith.constant 2 : i32
      %parallel_loop3A_109 = arith.addi %parallel_loop3A_100, %parallel_loop3A_108 : i32
      %parallel_loop3A_110 = arith.constant 3 : i32
      %parallel_loop3A_111 = arith.addi %parallel_loop3A_100, %parallel_loop3A_110 : i32
      %parallel_loop3A_112 = arith.constant 0 : i32
      %parallel_loop3A_113 = arith.constant 48 : i32
      %parallel_loop3A_114 = arith.constant 1 : i32
      %parallel_loop3A_115:8 = scf.for %parallel_loop3A_859 = %parallel_loop3A_112 to %parallel_loop3A_113 step %parallel_loop3A_114 iter_args(%parallel_loop3A_860 = %parallel_loop3A_103, %parallel_loop3A_861 = %parallel_loop3A_103, %parallel_loop3A_862 = %parallel_loop3A_103, %parallel_loop3A_863 = %parallel_loop3A_103, %parallel_loop3A_864 = %parallel_loop3A_103, %parallel_loop3A_865 = %parallel_loop3A_103, %parallel_loop3A_866 = %parallel_loop3A_103, %parallel_loop3A_867 = %parallel_loop3A_103) -> (vector<16xf32>, vector<16xf32>, vector<16xf32>, vector<16xf32>, vector<16xf32>, vector<16xf32>, vector<16xf32>, vector<16xf32>)  : i32 {
        %parallel_loop3A_868 = arith.constant 16 : i32
        %parallel_loop3A_869 = arith.muli %parallel_loop3A_859, %parallel_loop3A_868 : i32
        %parallel_loop3A_870 = arith.index_cast %parallel_loop3A_105 : i32 to index
        %parallel_loop3A_871 = arith.index_cast %parallel_loop3A_869 : i32 to index
        %parallel_loop3A_872 = tpu.vector_load %arg9[%parallel_loop3A_870, %parallel_loop3A_871] {strides = array<i32>} : memref<64x768xf32, #tpu.memory_space<vmem>>, vector<1x16xf32>,
        %parallel_loop3A_873 = vector.shape_cast %parallel_loop3A_872 : vector<1x16xf32> to vector<16xf32>
        %parallel_loop3A_874 = arith.addf %parallel_loop3A_860, %parallel_loop3A_873 : vector<16xf32>
        %parallel_loop3A_875 = arith.mulf %parallel_loop3A_873, %parallel_loop3A_873 : vector<16xf32>
        %parallel_loop3A_876 = arith.addf %parallel_loop3A_861, %parallel_loop3A_875 : vector<16xf32>
        %parallel_loop3A_877 = arith.index_cast %parallel_loop3A_107 : i32 to index
        %parallel_loop3A_878 = arith.index_cast %parallel_loop3A_869 : i32 to index
        %parallel_loop3A_879 = tpu.vector_load %arg9[%parallel_loop3A_877, %parallel_loop3A_878] {strides = array<i32>} : memref<64x768xf32, #tpu.memory_space<vmem>>, vector<1x16xf32>,
        %parallel_loop3A_880 = vector.shape_cast %parallel_loop3A_879 : vector<1x16xf32> to vector<16xf32>
        %parallel_loop3A_881 = arith.addf %parallel_loop3A_862, %parallel_loop3A_880 : vector<16xf32>
        %parallel_loop3A_882 = arith.mulf %parallel_loop3A_880, %parallel_loop3A_880 : vector<16xf32>
        %parallel_loop3A_883 = arith.addf %parallel_loop3A_863, %parallel_loop3A_882 : vector<16xf32>
        %parallel_loop3A_884 = arith.index_cast %parallel_loop3A_109 : i32 to index
        %parallel_loop3A_885 = arith.index_cast %parallel_loop3A_869 : i32 to index
        %parallel_loop3A_886 = tpu.vector_load %arg9[%parallel_loop3A_884, %parallel_loop3A_885] {strides = array<i32>} : memref<64x768xf32, #tpu.memory_space<vmem>>, vector<1x16xf32>,
        %parallel_loop3A_887 = vector.shape_cast %parallel_loop3A_886 : vector<1x16xf32> to vector<16xf32>
        %parallel_loop3A_888 = arith.addf %parallel_loop3A_864, %parallel_loop3A_887 : vector<16xf32>
        %parallel_loop3A_889 = arith.mulf %parallel_loop3A_887, %parallel_loop3A_887 : vector<16xf32>
        %parallel_loop3A_890 = arith.addf %parallel_loop3A_865, %parallel_loop3A_889 : vector<16xf32>
        %parallel_loop3A_891 = arith.index_cast %parallel_loop3A_111 : i32 to index
        %parallel_loop3A_892 = arith.index_cast %parallel_loop3A_869 : i32 to index
        %parallel_loop3A_893 = tpu.vector_load %arg9[%parallel_loop3A_891, %parallel_loop3A_892] {strides = array<i32>} : memref<64x768xf32, #tpu.memory_space<vmem>>, vector<1x16xf32>,
        %parallel_loop3A_894 = vector.shape_cast %parallel_loop3A_893 : vector<1x16xf32> to vector<16xf32>
        %parallel_loop3A_895 = arith.addf %parallel_loop3A_866, %parallel_loop3A_894 : vector<16xf32>
        %parallel_loop3A_896 = arith.mulf %parallel_loop3A_894, %parallel_loop3A_894 : vector<16xf32>
        %parallel_loop3A_897 = arith.addf %parallel_loop3A_867, %parallel_loop3A_896 : vector<16xf32>
        scf.yield %parallel_loop3A_874, %parallel_loop3A_876, %parallel_loop3A_881, %parallel_loop3A_883, %parallel_loop3A_888, %parallel_loop3A_890, %parallel_loop3A_895, %parallel_loop3A_897 : vector<16xf32>, vector<16xf32>, vector<16xf32>, vector<16xf32>, vector<16xf32>, vector<16xf32>, vector<16xf32>, vector<16xf32>
      } {sc.loop_unroll_factor = 4 : i64, sc.parallel_access}
      %parallel_loop3A_116 = tpu.iota {dimensions = array<i32: 0>} : vector<16xi32>
      %parallel_loop3A_117 = arith.constant 8 : i32
      %parallel_loop3A_118 = vector.broadcast %parallel_loop3A_117 : i32 to vector<16xi32>
      %parallel_loop3A_119 = arith.addi %parallel_loop3A_116, %parallel_loop3A_118 : vector<16xi32>
      %parallel_loop3A_120 = arith.constant 15 : i32
      %parallel_loop3A_121 = vector.broadcast %parallel_loop3A_120 : i32 to vector<16xi32>
      %parallel_loop3A_122 = arith.andi %parallel_loop3A_119, %parallel_loop3A_121 : vector<16xi32>
      %parallel_loop3A_123 = arith.constant 0 : i32
      %parallel_loop3A_124 = vector.broadcast %parallel_loop3A_123 : i32 to vector<16xi32>
      %parallel_loop3A_125 = arith.cmpi slt, %parallel_loop3A_122, %parallel_loop3A_124 : vector<16xi32>
      %parallel_loop3A_126 = arith.constant 16 : i32
      %parallel_loop3A_127 = vector.broadcast %parallel_loop3A_126 : i32 to vector<16xi32>
      %parallel_loop3A_128 = arith.addi %parallel_loop3A_122, %parallel_loop3A_127 : vector<16xi32>
      %parallel_loop3A_129 = arith.select %parallel_loop3A_125, %parallel_loop3A_128, %parallel_loop3A_122 : vector<16xi1>, vector<16xi32>
      %parallel_loop3A_130 = vector.shape_cast %parallel_loop3A_129 : vector<16xi32> to vector<16x1xi32>
      %parallel_loop3A_131 = vector.shape_cast %parallel_loop3A_130 : vector<16x1xi32> to vector<16xi32>
      %parallel_loop3A_132 = tpu.dynamic_gather %parallel_loop3A_115#0[%parallel_loop3A_131] in [0] : vector<16xf32>, vector<16xi32> -> vector<16xf32>
      %parallel_loop3A_133 = arith.addf %parallel_loop3A_115#0, %parallel_loop3A_132 : vector<16xf32>
      %parallel_loop3A_134 = arith.constant 4 : i32
      %parallel_loop3A_135 = vector.broadcast %parallel_loop3A_134 : i32 to vector<16xi32>
      %parallel_loop3A_136 = arith.addi %parallel_loop3A_116, %parallel_loop3A_135 : vector<16xi32>
      %parallel_loop3A_137 = arith.constant 15 : i32
      %parallel_loop3A_138 = vector.broadcast %parallel_loop3A_137 : i32 to vector<16xi32>
      %parallel_loop3A_139 = arith.andi %parallel_loop3A_136, %parallel_loop3A_138 : vector<16xi32>
      %parallel_loop3A_140 = arith.constant 0 : i32
      %parallel_loop3A_141 = vector.broadcast %parallel_loop3A_140 : i32 to vector<16xi32>
      %parallel_loop3A_142 = arith.cmpi slt, %parallel_loop3A_139, %parallel_loop3A_141 : vector<16xi32>
      %parallel_loop3A_143 = arith.constant 16 : i32
      %parallel_loop3A_144 = vector.broadcast %parallel_loop3A_143 : i32 to vector<16xi32>
      %parallel_loop3A_145 = arith.addi %parallel_loop3A_139, %parallel_loop3A_144 : vector<16xi32>
      %parallel_loop3A_146 = arith.select %parallel_loop3A_142, %parallel_loop3A_145, %parallel_loop3A_139 : vector<16xi1>, vector<16xi32>
      %parallel_loop3A_147 = vector.shape_cast %parallel_loop3A_146 : vector<16xi32> to vector<16x1xi32>
      %parallel_loop3A_148 = vector.shape_cast %parallel_loop3A_147 : vector<16x1xi32> to vector<16xi32>
      %parallel_loop3A_149 = tpu.dynamic_gather %parallel_loop3A_133[%parallel_loop3A_148] in [0] : vector<16xf32>, vector<16xi32> -> vector<16xf32>
      %parallel_loop3A_150 = arith.addf %parallel_loop3A_133, %parallel_loop3A_149 : vector<16xf32>
      %parallel_loop3A_151 = arith.constant 2 : i32
      %parallel_loop3A_152 = vector.broadcast %parallel_loop3A_151 : i32 to vector<16xi32>
      %parallel_loop3A_153 = arith.addi %parallel_loop3A_116, %parallel_loop3A_152 : vector<16xi32>
      %parallel_loop3A_154 = arith.constant 15 : i32
      %parallel_loop3A_155 = vector.broadcast %parallel_loop3A_154 : i32 to vector<16xi32>
      %parallel_loop3A_156 = arith.andi %parallel_loop3A_153, %parallel_loop3A_155 : vector<16xi32>
      %parallel_loop3A_157 = arith.constant 0 : i32
      %parallel_loop3A_158 = vector.broadcast %parallel_loop3A_157 : i32 to vector<16xi32>
      %parallel_loop3A_159 = arith.cmpi slt, %parallel_loop3A_156, %parallel_loop3A_158 : vector<16xi32>
      %parallel_loop3A_160 = arith.constant 16 : i32
      %parallel_loop3A_161 = vector.broadcast %parallel_loop3A_160 : i32 to vector<16xi32>
      %parallel_loop3A_162 = arith.addi %parallel_loop3A_156, %parallel_loop3A_161 : vector<16xi32>
      %parallel_loop3A_163 = arith.select %parallel_loop3A_159, %parallel_loop3A_162, %parallel_loop3A_156 : vector<16xi1>, vector<16xi32>
      %parallel_loop3A_164 = vector.shape_cast %parallel_loop3A_163 : vector<16xi32> to vector<16x1xi32>
      %parallel_loop3A_165 = vector.shape_cast %parallel_loop3A_164 : vector<16x1xi32> to vector<16xi32>
      %parallel_loop3A_166 = tpu.dynamic_gather %parallel_loop3A_150[%parallel_loop3A_165] in [0] : vector<16xf32>, vector<16xi32> -> vector<16xf32>
      %parallel_loop3A_167 = arith.addf %parallel_loop3A_150, %parallel_loop3A_166 : vector<16xf32>
      %parallel_loop3A_168 = arith.constant 1 : i32
      %parallel_loop3A_169 = vector.broadcast %parallel_loop3A_168 : i32 to vector<16xi32>
      %parallel_loop3A_170 = arith.addi %parallel_loop3A_116, %parallel_loop3A_169 : vector<16xi32>
      %parallel_loop3A_171 = arith.constant 15 : i32
      %parallel_loop3A_172 = vector.broadcast %parallel_loop3A_171 : i32 to vector<16xi32>
      %parallel_loop3A_173 = arith.andi %parallel_loop3A_170, %parallel_loop3A_172 : vector<16xi32>
      %parallel_loop3A_174 = arith.constant 0 : i32
      %parallel_loop3A_175 = vector.broadcast %parallel_loop3A_174 : i32 to vector<16xi32>
      %parallel_loop3A_176 = arith.cmpi slt, %parallel_loop3A_173, %parallel_loop3A_175 : vector<16xi32>
      %parallel_loop3A_177 = arith.constant 16 : i32
      %parallel_loop3A_178 = vector.broadcast %parallel_loop3A_177 : i32 to vector<16xi32>
      %parallel_loop3A_179 = arith.addi %parallel_loop3A_173, %parallel_loop3A_178 : vector<16xi32>
      %parallel_loop3A_180 = arith.select %parallel_loop3A_176, %parallel_loop3A_179, %parallel_loop3A_173 : vector<16xi1>, vector<16xi32>
      %parallel_loop3A_181 = vector.shape_cast %parallel_loop3A_180 : vector<16xi32> to vector<16x1xi32>
      %parallel_loop3A_182 = vector.shape_cast %parallel_loop3A_181 : vector<16x1xi32> to vector<16xi32>
      %parallel_loop3A_183 = tpu.dynamic_gather %parallel_loop3A_167[%parallel_loop3A_182] in [0] : vector<16xf32>, vector<16xi32> -> vector<16xf32>
      %parallel_loop3A_184 = arith.addf %parallel_loop3A_167, %parallel_loop3A_183 : vector<16xf32>
      %parallel_loop3A_185 = arith.constant 0.00130208337 : f32
      %parallel_loop3A_186 = vector.broadcast %parallel_loop3A_185 : f32 to vector<16xf32>
      %parallel_loop3A_187 = arith.mulf %parallel_loop3A_184, %parallel_loop3A_186 : vector<16xf32>
      %parallel_loop3A_188 = tpu.iota {dimensions = array<i32: 0>} : vector<16xi32>
      %parallel_loop3A_189 = arith.constant 8 : i32
      %parallel_loop3A_190 = vector.broadcast %parallel_loop3A_189 : i32 to vector<16xi32>
      %parallel_loop3A_191 = arith.addi %parallel_loop3A_188, %parallel_loop3A_190 : vector<16xi32>
      %parallel_loop3A_192 = arith.constant 15 : i32
      %parallel_loop3A_193 = vector.broadcast %parallel_loop3A_192 : i32 to vector<16xi32>
      %parallel_loop3A_194 = arith.andi %parallel_loop3A_191, %parallel_loop3A_193 : vector<16xi32>
      %parallel_loop3A_195 = arith.constant 0 : i32
      %parallel_loop3A_196 = vector.broadcast %parallel_loop3A_195 : i32 to vector<16xi32>
      %parallel_loop3A_197 = arith.cmpi slt, %parallel_loop3A_194, %parallel_loop3A_196 : vector<16xi32>
      %parallel_loop3A_198 = arith.constant 16 : i32
      %parallel_loop3A_199 = vector.broadcast %parallel_loop3A_198 : i32 to vector<16xi32>
      %parallel_loop3A_200 = arith.addi %parallel_loop3A_194, %parallel_loop3A_199 : vector<16xi32>
      %parallel_loop3A_201 = arith.select %parallel_loop3A_197, %parallel_loop3A_200, %parallel_loop3A_194 : vector<16xi1>, vector<16xi32>
      %parallel_loop3A_202 = vector.shape_cast %parallel_loop3A_201 : vector<16xi32> to vector<16x1xi32>
      %parallel_loop3A_203 = vector.shape_cast %parallel_loop3A_202 : vector<16x1xi32> to vector<16xi32>
      %parallel_loop3A_204 = tpu.dynamic_gather %parallel_loop3A_115#1[%parallel_loop3A_203] in [0] : vector<16xf32>, vector<16xi32> -> vector<16xf32>
      %parallel_loop3A_205 = arith.addf %parallel_loop3A_115#1, %parallel_loop3A_204 : vector<16xf32>
      %parallel_loop3A_206 = arith.constant 4 : i32
      %parallel_loop3A_207 = vector.broadcast %parallel_loop3A_206 : i32 to vector<16xi32>
      %parallel_loop3A_208 = arith.addi %parallel_loop3A_188, %parallel_loop3A_207 : vector<16xi32>
      %parallel_loop3A_209 = arith.constant 15 : i32
      %parallel_loop3A_210 = vector.broadcast %parallel_loop3A_209 : i32 to vector<16xi32>
      %parallel_loop3A_211 = arith.andi %parallel_loop3A_208, %parallel_loop3A_210 : vector<16xi32>
      %parallel_loop3A_212 = arith.constant 0 : i32
      %parallel_loop3A_213 = vector.broadcast %parallel_loop3A_212 : i32 to vector<16xi32>
      %parallel_loop3A_214 = arith.cmpi slt, %parallel_loop3A_211, %parallel_loop3A_213 : vector<16xi32>
      %parallel_loop3A_215 = arith.constant 16 : i32
      %parallel_loop3A_216 = vector.broadcast %parallel_loop3A_215 : i32 to vector<16xi32>
      %parallel_loop3A_217 = arith.addi %parallel_loop3A_211, %parallel_loop3A_216 : vector<16xi32>
      %parallel_loop3A_218 = arith.select %parallel_loop3A_214, %parallel_loop3A_217, %parallel_loop3A_211 : vector<16xi1>, vector<16xi32>
      %parallel_loop3A_219 = vector.shape_cast %parallel_loop3A_218 : vector<16xi32> to vector<16x1xi32>
      %parallel_loop3A_220 = vector.shape_cast %parallel_loop3A_219 : vector<16x1xi32> to vector<16xi32>
      %parallel_loop3A_221 = tpu.dynamic_gather %parallel_loop3A_205[%parallel_loop3A_220] in [0] : vector<16xf32>, vector<16xi32> -> vector<16xf32>
      %parallel_loop3A_222 = arith.addf %parallel_loop3A_205, %parallel_loop3A_221 : vector<16xf32>
      %parallel_loop3A_223 = arith.constant 2 : i32
      %parallel_loop3A_224 = vector.broadcast %parallel_loop3A_223 : i32 to vector<16xi32>
      %parallel_loop3A_225 = arith.addi %parallel_loop3A_188, %parallel_loop3A_224 : vector<16xi32>
      %parallel_loop3A_226 = arith.constant 15 : i32
      %parallel_loop3A_227 = vector.broadcast %parallel_loop3A_226 : i32 to vector<16xi32>
      %parallel_loop3A_228 = arith.andi %parallel_loop3A_225, %parallel_loop3A_227 : vector<16xi32>
      %parallel_loop3A_229 = arith.constant 0 : i32
      %parallel_loop3A_230 = vector.broadcast %parallel_loop3A_229 : i32 to vector<16xi32>
      %parallel_loop3A_231 = arith.cmpi slt, %parallel_loop3A_228, %parallel_loop3A_230 : vector<16xi32>
      %parallel_loop3A_232 = arith.constant 16 : i32
      %parallel_loop3A_233 = vector.broadcast %parallel_loop3A_232 : i32 to vector<16xi32>
      %parallel_loop3A_234 = arith.addi %parallel_loop3A_228, %parallel_loop3A_233 : vector<16xi32>
      %parallel_loop3A_235 = arith.select %parallel_loop3A_231, %parallel_loop3A_234, %parallel_loop3A_228 : vector<16xi1>, vector<16xi32>
      %parallel_loop3A_236 = vector.shape_cast %parallel_loop3A_235 : vector<16xi32> to vector<16x1xi32>
      %parallel_loop3A_237 = vector.shape_cast %parallel_loop3A_236 : vector<16x1xi32> to vector<16xi32>
      %parallel_loop3A_238 = tpu.dynamic_gather %parallel_loop3A_222[%parallel_loop3A_237] in [0] : vector<16xf32>, vector<16xi32> -> vector<16xf32>
      %parallel_loop3A_239 = arith.addf %parallel_loop3A_222, %parallel_loop3A_238 : vector<16xf32>
      %parallel_loop3A_240 = arith.constant 1 : i32
      %parallel_loop3A_241 = vector.broadcast %parallel_loop3A_240 : i32 to vector<16xi32>
      %parallel_loop3A_242 = arith.addi %parallel_loop3A_188, %parallel_loop3A_241 : vector<16xi32>
      %parallel_loop3A_243 = arith.constant 15 : i32
      %parallel_loop3A_244 = vector.broadcast %parallel_loop3A_243 : i32 to vector<16xi32>
      %parallel_loop3A_245 = arith.andi %parallel_loop3A_242, %parallel_loop3A_244 : vector<16xi32>
      %parallel_loop3A_246 = arith.constant 0 : i32
      %parallel_loop3A_247 = vector.broadcast %parallel_loop3A_246 : i32 to vector<16xi32>
      %parallel_loop3A_248 = arith.cmpi slt, %parallel_loop3A_245, %parallel_loop3A_247 : vector<16xi32>
      %parallel_loop3A_249 = arith.constant 16 : i32
      %parallel_loop3A_250 = vector.broadcast %parallel_loop3A_249 : i32 to vector<16xi32>
      %parallel_loop3A_251 = arith.addi %parallel_loop3A_245, %parallel_loop3A_250 : vector<16xi32>
      %parallel_loop3A_252 = arith.select %parallel_loop3A_248, %parallel_loop3A_251, %parallel_loop3A_245 : vector<16xi1>, vector<16xi32>
      %parallel_loop3A_253 = vector.shape_cast %parallel_loop3A_252 : vector<16xi32> to vector<16x1xi32>
      %parallel_loop3A_254 = vector.shape_cast %parallel_loop3A_253 : vector<16x1xi32> to vector<16xi32>
      %parallel_loop3A_255 = tpu.dynamic_gather %parallel_loop3A_239[%parallel_loop3A_254] in [0] : vector<16xf32>, vector<16xi32> -> vector<16xf32>
      %parallel_loop3A_256 = arith.addf %parallel_loop3A_239, %parallel_loop3A_255 : vector<16xf32>
      %parallel_loop3A_257 = arith.constant 0.00130208337 : f32
      %parallel_loop3A_258 = vector.broadcast %parallel_loop3A_257 : f32 to vector<16xf32>
      %parallel_loop3A_259 = arith.mulf %parallel_loop3A_256, %parallel_loop3A_258 : vector<16xf32>
      %parallel_loop3A_260 = arith.mulf %parallel_loop3A_187, %parallel_loop3A_187 : vector<16xf32>
      %parallel_loop3A_261 = arith.subf %parallel_loop3A_259, %parallel_loop3A_260 : vector<16xf32>
      %parallel_loop3A_262 = arith.constant 1.000000e-07 : f32
      %parallel_loop3A_263 = vector.broadcast %parallel_loop3A_262 : f32 to vector<16xf32>
      %parallel_loop3A_264 = arith.addf %parallel_loop3A_261, %parallel_loop3A_263 : vector<16xf32>
      %parallel_loop3A_265 = tpu.bitcast %parallel_loop3A_264 : vector<16xf32> -> vector<16xi32>
      %parallel_loop3A_266 = arith.constant 1 : i32
      %parallel_loop3A_267 = vector.broadcast %parallel_loop3A_266 : i32 to vector<16xi32>
      %parallel_loop3A_268 = arith.shrsi %parallel_loop3A_265, %parallel_loop3A_267 : vector<16xi32>
      %parallel_loop3A_269 = arith.constant 1597463007 : i32
      %parallel_loop3A_270 = vector.broadcast %parallel_loop3A_269 : i32 to vector<16xi32>
      %parallel_loop3A_271 = arith.subi %parallel_loop3A_270, %parallel_loop3A_268 : vector<16xi32>
      %parallel_loop3A_272 = tpu.bitcast %parallel_loop3A_271 : vector<16xi32> -> vector<16xf32>
      %parallel_loop3A_273 = arith.constant 5.000000e-01 : f32
      %parallel_loop3A_274 = vector.broadcast %parallel_loop3A_273 : f32 to vector<16xf32>
      %parallel_loop3A_275 = arith.mulf %parallel_loop3A_274, %parallel_loop3A_264 : vector<16xf32>
      %parallel_loop3A_276 = arith.mulf %parallel_loop3A_275, %parallel_loop3A_272 : vector<16xf32>
      %parallel_loop3A_277 = arith.mulf %parallel_loop3A_276, %parallel_loop3A_272 : vector<16xf32>
      %parallel_loop3A_278 = arith.constant 1.500000e+00 : f32
      %parallel_loop3A_279 = vector.broadcast %parallel_loop3A_278 : f32 to vector<16xf32>
      %parallel_loop3A_280 = arith.subf %parallel_loop3A_279, %parallel_loop3A_277 : vector<16xf32>
      %parallel_loop3A_281 = arith.mulf %parallel_loop3A_272, %parallel_loop3A_280 : vector<16xf32>
      %parallel_loop3A_282 = arith.constant 5.000000e-01 : f32
      %parallel_loop3A_283 = vector.broadcast %parallel_loop3A_282 : f32 to vector<16xf32>
      %parallel_loop3A_284 = arith.mulf %parallel_loop3A_283, %parallel_loop3A_264 : vector<16xf32>
      %parallel_loop3A_285 = arith.mulf %parallel_loop3A_284, %parallel_loop3A_281 : vector<16xf32>
      %parallel_loop3A_286 = arith.mulf %parallel_loop3A_285, %parallel_loop3A_281 : vector<16xf32>
      %parallel_loop3A_287 = arith.constant 1.500000e+00 : f32
      %parallel_loop3A_288 = vector.broadcast %parallel_loop3A_287 : f32 to vector<16xf32>
      %parallel_loop3A_289 = arith.subf %parallel_loop3A_288, %parallel_loop3A_286 : vector<16xf32>
      %parallel_loop3A_290 = arith.mulf %parallel_loop3A_281, %parallel_loop3A_289 : vector<16xf32>
      %parallel_loop3A_291 = arith.constant 5.000000e-01 : f32
      %parallel_loop3A_292 = vector.broadcast %parallel_loop3A_291 : f32 to vector<16xf32>
      %parallel_loop3A_293 = arith.mulf %parallel_loop3A_292, %parallel_loop3A_264 : vector<16xf32>
      %parallel_loop3A_294 = arith.mulf %parallel_loop3A_293, %parallel_loop3A_290 : vector<16xf32>
      %parallel_loop3A_295 = arith.mulf %parallel_loop3A_294, %parallel_loop3A_290 : vector<16xf32>
      %parallel_loop3A_296 = arith.constant 1.500000e+00 : f32
      %parallel_loop3A_297 = vector.broadcast %parallel_loop3A_296 : f32 to vector<16xf32>
      %parallel_loop3A_298 = arith.subf %parallel_loop3A_297, %parallel_loop3A_295 : vector<16xf32>
      %parallel_loop3A_299 = arith.mulf %parallel_loop3A_290, %parallel_loop3A_298 : vector<16xf32>
      %parallel_loop3A_300 = arith.mulf %parallel_loop3A_187, %parallel_loop3A_299 : vector<16xf32>
      %parallel_loop3A_301 = tpu.iota {dimensions = array<i32: 0>} : vector<16xi32>
      %parallel_loop3A_302 = arith.constant 8 : i32
      %parallel_loop3A_303 = vector.broadcast %parallel_loop3A_302 : i32 to vector<16xi32>
      %parallel_loop3A_304 = arith.addi %parallel_loop3A_301, %parallel_loop3A_303 : vector<16xi32>
      %parallel_loop3A_305 = arith.constant 15 : i32
      %parallel_loop3A_306 = vector.broadcast %parallel_loop3A_305 : i32 to vector<16xi32>
      %parallel_loop3A_307 = arith.andi %parallel_loop3A_304, %parallel_loop3A_306 : vector<16xi32>
      %parallel_loop3A_308 = arith.constant 0 : i32
      %parallel_loop3A_309 = vector.broadcast %parallel_loop3A_308 : i32 to vector<16xi32>
      %parallel_loop3A_310 = arith.cmpi slt, %parallel_loop3A_307, %parallel_loop3A_309 : vector<16xi32>
      %parallel_loop3A_311 = arith.constant 16 : i32
      %parallel_loop3A_312 = vector.broadcast %parallel_loop3A_311 : i32 to vector<16xi32>
      %parallel_loop3A_313 = arith.addi %parallel_loop3A_307, %parallel_loop3A_312 : vector<16xi32>
      %parallel_loop3A_314 = arith.select %parallel_loop3A_310, %parallel_loop3A_313, %parallel_loop3A_307 : vector<16xi1>, vector<16xi32>
      %parallel_loop3A_315 = vector.shape_cast %parallel_loop3A_314 : vector<16xi32> to vector<16x1xi32>
      %parallel_loop3A_316 = vector.shape_cast %parallel_loop3A_315 : vector<16x1xi32> to vector<16xi32>
      %parallel_loop3A_317 = tpu.dynamic_gather %parallel_loop3A_115#2[%parallel_loop3A_316] in [0] : vector<16xf32>, vector<16xi32> -> vector<16xf32>
      %parallel_loop3A_318 = arith.addf %parallel_loop3A_115#2, %parallel_loop3A_317 : vector<16xf32>
      %parallel_loop3A_319 = arith.constant 4 : i32
      %parallel_loop3A_320 = vector.broadcast %parallel_loop3A_319 : i32 to vector<16xi32>
      %parallel_loop3A_321 = arith.addi %parallel_loop3A_301, %parallel_loop3A_320 : vector<16xi32>
      %parallel_loop3A_322 = arith.constant 15 : i32
      %parallel_loop3A_323 = vector.broadcast %parallel_loop3A_322 : i32 to vector<16xi32>
      %parallel_loop3A_324 = arith.andi %parallel_loop3A_321, %parallel_loop3A_323 : vector<16xi32>
      %parallel_loop3A_325 = arith.constant 0 : i32
      %parallel_loop3A_326 = vector.broadcast %parallel_loop3A_325 : i32 to vector<16xi32>
      %parallel_loop3A_327 = arith.cmpi slt, %parallel_loop3A_324, %parallel_loop3A_326 : vector<16xi32>
      %parallel_loop3A_328 = arith.constant 16 : i32
      %parallel_loop3A_329 = vector.broadcast %parallel_loop3A_328 : i32 to vector<16xi32>
      %parallel_loop3A_330 = arith.addi %parallel_loop3A_324, %parallel_loop3A_329 : vector<16xi32>
      %parallel_loop3A_331 = arith.select %parallel_loop3A_327, %parallel_loop3A_330, %parallel_loop3A_324 : vector<16xi1>, vector<16xi32>
      %parallel_loop3A_332 = vector.shape_cast %parallel_loop3A_331 : vector<16xi32> to vector<16x1xi32>
      %parallel_loop3A_333 = vector.shape_cast %parallel_loop3A_332 : vector<16x1xi32> to vector<16xi32>
      %parallel_loop3A_334 = tpu.dynamic_gather %parallel_loop3A_318[%parallel_loop3A_333] in [0] : vector<16xf32>, vector<16xi32> -> vector<16xf32>
      %parallel_loop3A_335 = arith.addf %parallel_loop3A_318, %parallel_loop3A_334 : vector<16xf32>
      %parallel_loop3A_336 = arith.constant 2 : i32
      %parallel_loop3A_337 = vector.broadcast %parallel_loop3A_336 : i32 to vector<16xi32>
      %parallel_loop3A_338 = arith.addi %parallel_loop3A_301, %parallel_loop3A_337 : vector<16xi32>
      %parallel_loop3A_339 = arith.constant 15 : i32
      %parallel_loop3A_340 = vector.broadcast %parallel_loop3A_339 : i32 to vector<16xi32>
      %parallel_loop3A_341 = arith.andi %parallel_loop3A_338, %parallel_loop3A_340 : vector<16xi32>
      %parallel_loop3A_342 = arith.constant 0 : i32
      %parallel_loop3A_343 = vector.broadcast %parallel_loop3A_342 : i32 to vector<16xi32>
      %parallel_loop3A_344 = arith.cmpi slt, %parallel_loop3A_341, %parallel_loop3A_343 : vector<16xi32>
      %parallel_loop3A_345 = arith.constant 16 : i32
      %parallel_loop3A_346 = vector.broadcast %parallel_loop3A_345 : i32 to vector<16xi32>
      %parallel_loop3A_347 = arith.addi %parallel_loop3A_341, %parallel_loop3A_346 : vector<16xi32>
      %parallel_loop3A_348 = arith.select %parallel_loop3A_344, %parallel_loop3A_347, %parallel_loop3A_341 : vector<16xi1>, vector<16xi32>
      %parallel_loop3A_349 = vector.shape_cast %parallel_loop3A_348 : vector<16xi32> to vector<16x1xi32>
      %parallel_loop3A_350 = vector.shape_cast %parallel_loop3A_349 : vector<16x1xi32> to vector<16xi32>
      %parallel_loop3A_351 = tpu.dynamic_gather %parallel_loop3A_335[%parallel_loop3A_350] in [0] : vector<16xf32>, vector<16xi32> -> vector<16xf32>
      %parallel_loop3A_352 = arith.addf %parallel_loop3A_335, %parallel_loop3A_351 : vector<16xf32>
      %parallel_loop3A_353 = arith.constant 1 : i32
      %parallel_loop3A_354 = vector.broadcast %parallel_loop3A_353 : i32 to vector<16xi32>
      %parallel_loop3A_355 = arith.addi %parallel_loop3A_301, %parallel_loop3A_354 : vector<16xi32>
      %parallel_loop3A_356 = arith.constant 15 : i32
      %parallel_loop3A_357 = vector.broadcast %parallel_loop3A_356 : i32 to vector<16xi32>
      %parallel_loop3A_358 = arith.andi %parallel_loop3A_355, %parallel_loop3A_357 : vector<16xi32>
      %parallel_loop3A_359 = arith.constant 0 : i32
      %parallel_loop3A_360 = vector.broadcast %parallel_loop3A_359 : i32 to vector<16xi32>
      %parallel_loop3A_361 = arith.cmpi slt, %parallel_loop3A_358, %parallel_loop3A_360 : vector<16xi32>
      %parallel_loop3A_362 = arith.constant 16 : i32
      %parallel_loop3A_363 = vector.broadcast %parallel_loop3A_362 : i32 to vector<16xi32>
      %parallel_loop3A_364 = arith.addi %parallel_loop3A_358, %parallel_loop3A_363 : vector<16xi32>
      %parallel_loop3A_365 = arith.select %parallel_loop3A_361, %parallel_loop3A_364, %parallel_loop3A_358 : vector<16xi1>, vector<16xi32>
      %parallel_loop3A_366 = vector.shape_cast %parallel_loop3A_365 : vector<16xi32> to vector<16x1xi32>
      %parallel_loop3A_367 = vector.shape_cast %parallel_loop3A_366 : vector<16x1xi32> to vector<16xi32>
      %parallel_loop3A_368 = tpu.dynamic_gather %parallel_loop3A_352[%parallel_loop3A_367] in [0] : vector<16xf32>, vector<16xi32> -> vector<16xf32>
      %parallel_loop3A_369 = arith.addf %parallel_loop3A_352, %parallel_loop3A_368 : vector<16xf32>
      %parallel_loop3A_370 = arith.constant 0.00130208337 : f32
      %parallel_loop3A_371 = vector.broadcast %parallel_loop3A_370 : f32 to vector<16xf32>
      %parallel_loop3A_372 = arith.mulf %parallel_loop3A_369, %parallel_loop3A_371 : vector<16xf32>
      %parallel_loop3A_373 = tpu.iota {dimensions = array<i32: 0>} : vector<16xi32>
      %parallel_loop3A_374 = arith.constant 8 : i32
      %parallel_loop3A_375 = vector.broadcast %parallel_loop3A_374 : i32 to vector<16xi32>
      %parallel_loop3A_376 = arith.addi %parallel_loop3A_373, %parallel_loop3A_375 : vector<16xi32>
      %parallel_loop3A_377 = arith.constant 15 : i32
      %parallel_loop3A_378 = vector.broadcast %parallel_loop3A_377 : i32 to vector<16xi32>
      %parallel_loop3A_379 = arith.andi %parallel_loop3A_376, %parallel_loop3A_378 : vector<16xi32>
      %parallel_loop3A_380 = arith.constant 0 : i32
      %parallel_loop3A_381 = vector.broadcast %parallel_loop3A_380 : i32 to vector<16xi32>
      %parallel_loop3A_382 = arith.cmpi slt, %parallel_loop3A_379, %parallel_loop3A_381 : vector<16xi32>
      %parallel_loop3A_383 = arith.constant 16 : i32
      %parallel_loop3A_384 = vector.broadcast %parallel_loop3A_383 : i32 to vector<16xi32>
      %parallel_loop3A_385 = arith.addi %parallel_loop3A_379, %parallel_loop3A_384 : vector<16xi32>
      %parallel_loop3A_386 = arith.select %parallel_loop3A_382, %parallel_loop3A_385, %parallel_loop3A_379 : vector<16xi1>, vector<16xi32>
      %parallel_loop3A_387 = vector.shape_cast %parallel_loop3A_386 : vector<16xi32> to vector<16x1xi32>
      %parallel_loop3A_388 = vector.shape_cast %parallel_loop3A_387 : vector<16x1xi32> to vector<16xi32>
      %parallel_loop3A_389 = tpu.dynamic_gather %parallel_loop3A_115#3[%parallel_loop3A_388] in [0] : vector<16xf32>, vector<16xi32> -> vector<16xf32>
      %parallel_loop3A_390 = arith.addf %parallel_loop3A_115#3, %parallel_loop3A_389 : vector<16xf32>
      %parallel_loop3A_391 = arith.constant 4 : i32
      %parallel_loop3A_392 = vector.broadcast %parallel_loop3A_391 : i32 to vector<16xi32>
      %parallel_loop3A_393 = arith.addi %parallel_loop3A_373, %parallel_loop3A_392 : vector<16xi32>
      %parallel_loop3A_394 = arith.constant 15 : i32
      %parallel_loop3A_395 = vector.broadcast %parallel_loop3A_394 : i32 to vector<16xi32>
      %parallel_loop3A_396 = arith.andi %parallel_loop3A_393, %parallel_loop3A_395 : vector<16xi32>
      %parallel_loop3A_397 = arith.constant 0 : i32
      %parallel_loop3A_398 = vector.broadcast %parallel_loop3A_397 : i32 to vector<16xi32>
      %parallel_loop3A_399 = arith.cmpi slt, %parallel_loop3A_396, %parallel_loop3A_398 : vector<16xi32>
      %parallel_loop3A_400 = arith.constant 16 : i32
      %parallel_loop3A_401 = vector.broadcast %parallel_loop3A_400 : i32 to vector<16xi32>
      %parallel_loop3A_402 = arith.addi %parallel_loop3A_396, %parallel_loop3A_401 : vector<16xi32>
      %parallel_loop3A_403 = arith.select %parallel_loop3A_399, %parallel_loop3A_402, %parallel_loop3A_396 : vector<16xi1>, vector<16xi32>
      %parallel_loop3A_404 = vector.shape_cast %parallel_loop3A_403 : vector<16xi32> to vector<16x1xi32>
      %parallel_loop3A_405 = vector.shape_cast %parallel_loop3A_404 : vector<16x1xi32> to vector<16xi32>
      %parallel_loop3A_406 = tpu.dynamic_gather %parallel_loop3A_390[%parallel_loop3A_405] in [0] : vector<16xf32>, vector<16xi32> -> vector<16xf32>
      %parallel_loop3A_407 = arith.addf %parallel_loop3A_390, %parallel_loop3A_406 : vector<16xf32>
      %parallel_loop3A_408 = arith.constant 2 : i32
      %parallel_loop3A_409 = vector.broadcast %parallel_loop3A_408 : i32 to vector<16xi32>
      %parallel_loop3A_410 = arith.addi %parallel_loop3A_373, %parallel_loop3A_409 : vector<16xi32>
      %parallel_loop3A_411 = arith.constant 15 : i32
      %parallel_loop3A_412 = vector.broadcast %parallel_loop3A_411 : i32 to vector<16xi32>
      %parallel_loop3A_413 = arith.andi %parallel_loop3A_410, %parallel_loop3A_412 : vector<16xi32>
      %parallel_loop3A_414 = arith.constant 0 : i32
      %parallel_loop3A_415 = vector.broadcast %parallel_loop3A_414 : i32 to vector<16xi32>
      %parallel_loop3A_416 = arith.cmpi slt, %parallel_loop3A_413, %parallel_loop3A_415 : vector<16xi32>
      %parallel_loop3A_417 = arith.constant 16 : i32
      %parallel_loop3A_418 = vector.broadcast %parallel_loop3A_417 : i32 to vector<16xi32>
      %parallel_loop3A_419 = arith.addi %parallel_loop3A_413, %parallel_loop3A_418 : vector<16xi32>
      %parallel_loop3A_420 = arith.select %parallel_loop3A_416, %parallel_loop3A_419, %parallel_loop3A_413 : vector<16xi1>, vector<16xi32>
      %parallel_loop3A_421 = vector.shape_cast %parallel_loop3A_420 : vector<16xi32> to vector<16x1xi32>
      %parallel_loop3A_422 = vector.shape_cast %parallel_loop3A_421 : vector<16x1xi32> to vector<16xi32>
      %parallel_loop3A_423 = tpu.dynamic_gather %parallel_loop3A_407[%parallel_loop3A_422] in [0] : vector<16xf32>, vector<16xi32> -> vector<16xf32>
      %parallel_loop3A_424 = arith.addf %parallel_loop3A_407, %parallel_loop3A_423 : vector<16xf32>
      %parallel_loop3A_425 = arith.constant 1 : i32
      %parallel_loop3A_426 = vector.broadcast %parallel_loop3A_425 : i32 to vector<16xi32>
      %parallel_loop3A_427 = arith.addi %parallel_loop3A_373, %parallel_loop3A_426 : vector<16xi32>
      %parallel_loop3A_428 = arith.constant 15 : i32
      %parallel_loop3A_429 = vector.broadcast %parallel_loop3A_428 : i32 to vector<16xi32>
      %parallel_loop3A_430 = arith.andi %parallel_loop3A_427, %parallel_loop3A_429 : vector<16xi32>
      %parallel_loop3A_431 = arith.constant 0 : i32
      %parallel_loop3A_432 = vector.broadcast %parallel_loop3A_431 : i32 to vector<16xi32>
      %parallel_loop3A_433 = arith.cmpi slt, %parallel_loop3A_430, %parallel_loop3A_432 : vector<16xi32>
      %parallel_loop3A_434 = arith.constant 16 : i32
      %parallel_loop3A_435 = vector.broadcast %parallel_loop3A_434 : i32 to vector<16xi32>
      %parallel_loop3A_436 = arith.addi %parallel_loop3A_430, %parallel_loop3A_435 : vector<16xi32>
      %parallel_loop3A_437 = arith.select %parallel_loop3A_433, %parallel_loop3A_436, %parallel_loop3A_430 : vector<16xi1>, vector<16xi32>
      %parallel_loop3A_438 = vector.shape_cast %parallel_loop3A_437 : vector<16xi32> to vector<16x1xi32>
      %parallel_loop3A_439 = vector.shape_cast %parallel_loop3A_438 : vector<16x1xi32> to vector<16xi32>
      %parallel_loop3A_440 = tpu.dynamic_gather %parallel_loop3A_424[%parallel_loop3A_439] in [0] : vector<16xf32>, vector<16xi32> -> vector<16xf32>
      %parallel_loop3A_441 = arith.addf %parallel_loop3A_424, %parallel_loop3A_440 : vector<16xf32>
      %parallel_loop3A_442 = arith.constant 0.00130208337 : f32
      %parallel_loop3A_443 = vector.broadcast %parallel_loop3A_442 : f32 to vector<16xf32>
      %parallel_loop3A_444 = arith.mulf %parallel_loop3A_441, %parallel_loop3A_443 : vector<16xf32>
      %parallel_loop3A_445 = arith.mulf %parallel_loop3A_372, %parallel_loop3A_372 : vector<16xf32>
      %parallel_loop3A_446 = arith.subf %parallel_loop3A_444, %parallel_loop3A_445 : vector<16xf32>
      %parallel_loop3A_447 = arith.constant 1.000000e-07 : f32
      %parallel_loop3A_448 = vector.broadcast %parallel_loop3A_447 : f32 to vector<16xf32>
      %parallel_loop3A_449 = arith.addf %parallel_loop3A_446, %parallel_loop3A_448 : vector<16xf32>
      %parallel_loop3A_450 = tpu.bitcast %parallel_loop3A_449 : vector<16xf32> -> vector<16xi32>
      %parallel_loop3A_451 = arith.constant 1 : i32
      %parallel_loop3A_452 = vector.broadcast %parallel_loop3A_451 : i32 to vector<16xi32>
      %parallel_loop3A_453 = arith.shrsi %parallel_loop3A_450, %parallel_loop3A_452 : vector<16xi32>
      %parallel_loop3A_454 = arith.constant 1597463007 : i32
      %parallel_loop3A_455 = vector.broadcast %parallel_loop3A_454 : i32 to vector<16xi32>
      %parallel_loop3A_456 = arith.subi %parallel_loop3A_455, %parallel_loop3A_453 : vector<16xi32>
      %parallel_loop3A_457 = tpu.bitcast %parallel_loop3A_456 : vector<16xi32> -> vector<16xf32>
      %parallel_loop3A_458 = arith.constant 5.000000e-01 : f32
      %parallel_loop3A_459 = vector.broadcast %parallel_loop3A_458 : f32 to vector<16xf32>
      %parallel_loop3A_460 = arith.mulf %parallel_loop3A_459, %parallel_loop3A_449 : vector<16xf32>
      %parallel_loop3A_461 = arith.mulf %parallel_loop3A_460, %parallel_loop3A_457 : vector<16xf32>
      %parallel_loop3A_462 = arith.mulf %parallel_loop3A_461, %parallel_loop3A_457 : vector<16xf32>
      %parallel_loop3A_463 = arith.constant 1.500000e+00 : f32
      %parallel_loop3A_464 = vector.broadcast %parallel_loop3A_463 : f32 to vector<16xf32>
      %parallel_loop3A_465 = arith.subf %parallel_loop3A_464, %parallel_loop3A_462 : vector<16xf32>
      %parallel_loop3A_466 = arith.mulf %parallel_loop3A_457, %parallel_loop3A_465 : vector<16xf32>
      %parallel_loop3A_467 = arith.constant 5.000000e-01 : f32
      %parallel_loop3A_468 = vector.broadcast %parallel_loop3A_467 : f32 to vector<16xf32>
      %parallel_loop3A_469 = arith.mulf %parallel_loop3A_468, %parallel_loop3A_449 : vector<16xf32>
      %parallel_loop3A_470 = arith.mulf %parallel_loop3A_469, %parallel_loop3A_466 : vector<16xf32>
      %parallel_loop3A_471 = arith.mulf %parallel_loop3A_470, %parallel_loop3A_466 : vector<16xf32>
      %parallel_loop3A_472 = arith.constant 1.500000e+00 : f32
      %parallel_loop3A_473 = vector.broadcast %parallel_loop3A_472 : f32 to vector<16xf32>
      %parallel_loop3A_474 = arith.subf %parallel_loop3A_473, %parallel_loop3A_471 : vector<16xf32>
      %parallel_loop3A_475 = arith.mulf %parallel_loop3A_466, %parallel_loop3A_474 : vector<16xf32>
      %parallel_loop3A_476 = arith.constant 5.000000e-01 : f32
      %parallel_loop3A_477 = vector.broadcast %parallel_loop3A_476 : f32 to vector<16xf32>
      %parallel_loop3A_478 = arith.mulf %parallel_loop3A_477, %parallel_loop3A_449 : vector<16xf32>
      %parallel_loop3A_479 = arith.mulf %parallel_loop3A_478, %parallel_loop3A_475 : vector<16xf32>
      %parallel_loop3A_480 = arith.mulf %parallel_loop3A_479, %parallel_loop3A_475 : vector<16xf32>
      %parallel_loop3A_481 = arith.constant 1.500000e+00 : f32
      %parallel_loop3A_482 = vector.broadcast %parallel_loop3A_481 : f32 to vector<16xf32>
      %parallel_loop3A_483 = arith.subf %parallel_loop3A_482, %parallel_loop3A_480 : vector<16xf32>
      %parallel_loop3A_484 = arith.mulf %parallel_loop3A_475, %parallel_loop3A_483 : vector<16xf32>
      %parallel_loop3A_485 = arith.mulf %parallel_loop3A_372, %parallel_loop3A_484 : vector<16xf32>
      %parallel_loop3A_486 = tpu.iota {dimensions = array<i32: 0>} : vector<16xi32>
      %parallel_loop3A_487 = arith.constant 8 : i32
      %parallel_loop3A_488 = vector.broadcast %parallel_loop3A_487 : i32 to vector<16xi32>
      %parallel_loop3A_489 = arith.addi %parallel_loop3A_486, %parallel_loop3A_488 : vector<16xi32>
      %parallel_loop3A_490 = arith.constant 15 : i32
      %parallel_loop3A_491 = vector.broadcast %parallel_loop3A_490 : i32 to vector<16xi32>
      %parallel_loop3A_492 = arith.andi %parallel_loop3A_489, %parallel_loop3A_491 : vector<16xi32>
      %parallel_loop3A_493 = arith.constant 0 : i32
      %parallel_loop3A_494 = vector.broadcast %parallel_loop3A_493 : i32 to vector<16xi32>
      %parallel_loop3A_495 = arith.cmpi slt, %parallel_loop3A_492, %parallel_loop3A_494 : vector<16xi32>
      %parallel_loop3A_496 = arith.constant 16 : i32
      %parallel_loop3A_497 = vector.broadcast %parallel_loop3A_496 : i32 to vector<16xi32>
      %parallel_loop3A_498 = arith.addi %parallel_loop3A_492, %parallel_loop3A_497 : vector<16xi32>
      %parallel_loop3A_499 = arith.select %parallel_loop3A_495, %parallel_loop3A_498, %parallel_loop3A_492 : vector<16xi1>, vector<16xi32>
      %parallel_loop3A_500 = vector.shape_cast %parallel_loop3A_499 : vector<16xi32> to vector<16x1xi32>
      %parallel_loop3A_501 = vector.shape_cast %parallel_loop3A_500 : vector<16x1xi32> to vector<16xi32>
      %parallel_loop3A_502 = tpu.dynamic_gather %parallel_loop3A_115#4[%parallel_loop3A_501] in [0] : vector<16xf32>, vector<16xi32> -> vector<16xf32>
      %parallel_loop3A_503 = arith.addf %parallel_loop3A_115#4, %parallel_loop3A_502 : vector<16xf32>
      %parallel_loop3A_504 = arith.constant 4 : i32
      %parallel_loop3A_505 = vector.broadcast %parallel_loop3A_504 : i32 to vector<16xi32>
      %parallel_loop3A_506 = arith.addi %parallel_loop3A_486, %parallel_loop3A_505 : vector<16xi32>
      %parallel_loop3A_507 = arith.constant 15 : i32
      %parallel_loop3A_508 = vector.broadcast %parallel_loop3A_507 : i32 to vector<16xi32>
      %parallel_loop3A_509 = arith.andi %parallel_loop3A_506, %parallel_loop3A_508 : vector<16xi32>
      %parallel_loop3A_510 = arith.constant 0 : i32
      %parallel_loop3A_511 = vector.broadcast %parallel_loop3A_510 : i32 to vector<16xi32>
      %parallel_loop3A_512 = arith.cmpi slt, %parallel_loop3A_509, %parallel_loop3A_511 : vector<16xi32>
      %parallel_loop3A_513 = arith.constant 16 : i32
      %parallel_loop3A_514 = vector.broadcast %parallel_loop3A_513 : i32 to vector<16xi32>
      %parallel_loop3A_515 = arith.addi %parallel_loop3A_509, %parallel_loop3A_514 : vector<16xi32>
      %parallel_loop3A_516 = arith.select %parallel_loop3A_512, %parallel_loop3A_515, %parallel_loop3A_509 : vector<16xi1>, vector<16xi32>
      %parallel_loop3A_517 = vector.shape_cast %parallel_loop3A_516 : vector<16xi32> to vector<16x1xi32>
      %parallel_loop3A_518 = vector.shape_cast %parallel_loop3A_517 : vector<16x1xi32> to vector<16xi32>
      %parallel_loop3A_519 = tpu.dynamic_gather %parallel_loop3A_503[%parallel_loop3A_518] in [0] : vector<16xf32>, vector<16xi32> -> vector<16xf32>
      %parallel_loop3A_520 = arith.addf %parallel_loop3A_503, %parallel_loop3A_519 : vector<16xf32>
      %parallel_loop3A_521 = arith.constant 2 : i32
      %parallel_loop3A_522 = vector.broadcast %parallel_loop3A_521 : i32 to vector<16xi32>
      %parallel_loop3A_523 = arith.addi %parallel_loop3A_486, %parallel_loop3A_522 : vector<16xi32>
      %parallel_loop3A_524 = arith.constant 15 : i32
      %parallel_loop3A_525 = vector.broadcast %parallel_loop3A_524 : i32 to vector<16xi32>
      %parallel_loop3A_526 = arith.andi %parallel_loop3A_523, %parallel_loop3A_525 : vector<16xi32>
      %parallel_loop3A_527 = arith.constant 0 : i32
      %parallel_loop3A_528 = vector.broadcast %parallel_loop3A_527 : i32 to vector<16xi32>
      %parallel_loop3A_529 = arith.cmpi slt, %parallel_loop3A_526, %parallel_loop3A_528 : vector<16xi32>
      %parallel_loop3A_530 = arith.constant 16 : i32
      %parallel_loop3A_531 = vector.broadcast %parallel_loop3A_530 : i32 to vector<16xi32>
      %parallel_loop3A_532 = arith.addi %parallel_loop3A_526, %parallel_loop3A_531 : vector<16xi32>
      %parallel_loop3A_533 = arith.select %parallel_loop3A_529, %parallel_loop3A_532, %parallel_loop3A_526 : vector<16xi1>, vector<16xi32>
      %parallel_loop3A_534 = vector.shape_cast %parallel_loop3A_533 : vector<16xi32> to vector<16x1xi32>
      %parallel_loop3A_535 = vector.shape_cast %parallel_loop3A_534 : vector<16x1xi32> to vector<16xi32>
      %parallel_loop3A_536 = tpu.dynamic_gather %parallel_loop3A_520[%parallel_loop3A_535] in [0] : vector<16xf32>, vector<16xi32> -> vector<16xf32>
      %parallel_loop3A_537 = arith.addf %parallel_loop3A_520, %parallel_loop3A_536 : vector<16xf32>
      %parallel_loop3A_538 = arith.constant 1 : i32
      %parallel_loop3A_539 = vector.broadcast %parallel_loop3A_538 : i32 to vector<16xi32>
      %parallel_loop3A_540 = arith.addi %parallel_loop3A_486, %parallel_loop3A_539 : vector<16xi32>
      %parallel_loop3A_541 = arith.constant 15 : i32
      %parallel_loop3A_542 = vector.broadcast %parallel_loop3A_541 : i32 to vector<16xi32>
      %parallel_loop3A_543 = arith.andi %parallel_loop3A_540, %parallel_loop3A_542 : vector<16xi32>
      %parallel_loop3A_544 = arith.constant 0 : i32
      %parallel_loop3A_545 = vector.broadcast %parallel_loop3A_544 : i32 to vector<16xi32>
      %parallel_loop3A_546 = arith.cmpi slt, %parallel_loop3A_543, %parallel_loop3A_545 : vector<16xi32>
      %parallel_loop3A_547 = arith.constant 16 : i32
      %parallel_loop3A_548 = vector.broadcast %parallel_loop3A_547 : i32 to vector<16xi32>
      %parallel_loop3A_549 = arith.addi %parallel_loop3A_543, %parallel_loop3A_548 : vector<16xi32>
      %parallel_loop3A_550 = arith.select %parallel_loop3A_546, %parallel_loop3A_549, %parallel_loop3A_543 : vector<16xi1>, vector<16xi32>
      %parallel_loop3A_551 = vector.shape_cast %parallel_loop3A_550 : vector<16xi32> to vector<16x1xi32>
      %parallel_loop3A_552 = vector.shape_cast %parallel_loop3A_551 : vector<16x1xi32> to vector<16xi32>
      %parallel_loop3A_553 = tpu.dynamic_gather %parallel_loop3A_537[%parallel_loop3A_552] in [0] : vector<16xf32>, vector<16xi32> -> vector<16xf32>
      %parallel_loop3A_554 = arith.addf %parallel_loop3A_537, %parallel_loop3A_553 : vector<16xf32>
      %parallel_loop3A_555 = arith.constant 0.00130208337 : f32
      %parallel_loop3A_556 = vector.broadcast %parallel_loop3A_555 : f32 to vector<16xf32>
      %parallel_loop3A_557 = arith.mulf %parallel_loop3A_554, %parallel_loop3A_556 : vector<16xf32>
      %parallel_loop3A_558 = tpu.iota {dimensions = array<i32: 0>} : vector<16xi32>
      %parallel_loop3A_559 = arith.constant 8 : i32
      %parallel_loop3A_560 = vector.broadcast %parallel_loop3A_559 : i32 to vector<16xi32>
      %parallel_loop3A_561 = arith.addi %parallel_loop3A_558, %parallel_loop3A_560 : vector<16xi32>
      %parallel_loop3A_562 = arith.constant 15 : i32
      %parallel_loop3A_563 = vector.broadcast %parallel_loop3A_562 : i32 to vector<16xi32>
      %parallel_loop3A_564 = arith.andi %parallel_loop3A_561, %parallel_loop3A_563 : vector<16xi32>
      %parallel_loop3A_565 = arith.constant 0 : i32
      %parallel_loop3A_566 = vector.broadcast %parallel_loop3A_565 : i32 to vector<16xi32>
      %parallel_loop3A_567 = arith.cmpi slt, %parallel_loop3A_564, %parallel_loop3A_566 : vector<16xi32>
      %parallel_loop3A_568 = arith.constant 16 : i32
      %parallel_loop3A_569 = vector.broadcast %parallel_loop3A_568 : i32 to vector<16xi32>
      %parallel_loop3A_570 = arith.addi %parallel_loop3A_564, %parallel_loop3A_569 : vector<16xi32>
      %parallel_loop3A_571 = arith.select %parallel_loop3A_567, %parallel_loop3A_570, %parallel_loop3A_564 : vector<16xi1>, vector<16xi32>
      %parallel_loop3A_572 = vector.shape_cast %parallel_loop3A_571 : vector<16xi32> to vector<16x1xi32>
      %parallel_loop3A_573 = vector.shape_cast %parallel_loop3A_572 : vector<16x1xi32> to vector<16xi32>
      %parallel_loop3A_574 = tpu.dynamic_gather %parallel_loop3A_115#5[%parallel_loop3A_573] in [0] : vector<16xf32>, vector<16xi32> -> vector<16xf32>
      %parallel_loop3A_575 = arith.addf %parallel_loop3A_115#5, %parallel_loop3A_574 : vector<16xf32>
      %parallel_loop3A_576 = arith.constant 4 : i32
      %parallel_loop3A_577 = vector.broadcast %parallel_loop3A_576 : i32 to vector<16xi32>
      %parallel_loop3A_578 = arith.addi %parallel_loop3A_558, %parallel_loop3A_577 : vector<16xi32>
      %parallel_loop3A_579 = arith.constant 15 : i32
      %parallel_loop3A_580 = vector.broadcast %parallel_loop3A_579 : i32 to vector<16xi32>
      %parallel_loop3A_581 = arith.andi %parallel_loop3A_578, %parallel_loop3A_580 : vector<16xi32>
      %parallel_loop3A_582 = arith.constant 0 : i32
      %parallel_loop3A_583 = vector.broadcast %parallel_loop3A_582 : i32 to vector<16xi32>
      %parallel_loop3A_584 = arith.cmpi slt, %parallel_loop3A_581, %parallel_loop3A_583 : vector<16xi32>
      %parallel_loop3A_585 = arith.constant 16 : i32
      %parallel_loop3A_586 = vector.broadcast %parallel_loop3A_585 : i32 to vector<16xi32>
      %parallel_loop3A_587 = arith.addi %parallel_loop3A_581, %parallel_loop3A_586 : vector<16xi32>
      %parallel_loop3A_588 = arith.select %parallel_loop3A_584, %parallel_loop3A_587, %parallel_loop3A_581 : vector<16xi1>, vector<16xi32>
      %parallel_loop3A_589 = vector.shape_cast %parallel_loop3A_588 : vector<16xi32> to vector<16x1xi32>
      %parallel_loop3A_590 = vector.shape_cast %parallel_loop3A_589 : vector<16x1xi32> to vector<16xi32>
      %parallel_loop3A_591 = tpu.dynamic_gather %parallel_loop3A_575[%parallel_loop3A_590] in [0] : vector<16xf32>, vector<16xi32> -> vector<16xf32>
      %parallel_loop3A_592 = arith.addf %parallel_loop3A_575, %parallel_loop3A_591 : vector<16xf32>
      %parallel_loop3A_593 = arith.constant 2 : i32
      %parallel_loop3A_594 = vector.broadcast %parallel_loop3A_593 : i32 to vector<16xi32>
      %parallel_loop3A_595 = arith.addi %parallel_loop3A_558, %parallel_loop3A_594 : vector<16xi32>
      %parallel_loop3A_596 = arith.constant 15 : i32
      %parallel_loop3A_597 = vector.broadcast %parallel_loop3A_596 : i32 to vector<16xi32>
      %parallel_loop3A_598 = arith.andi %parallel_loop3A_595, %parallel_loop3A_597 : vector<16xi32>
      %parallel_loop3A_599 = arith.constant 0 : i32
      %parallel_loop3A_600 = vector.broadcast %parallel_loop3A_599 : i32 to vector<16xi32>
      %parallel_loop3A_601 = arith.cmpi slt, %parallel_loop3A_598, %parallel_loop3A_600 : vector<16xi32>
      %parallel_loop3A_602 = arith.constant 16 : i32
      %parallel_loop3A_603 = vector.broadcast %parallel_loop3A_602 : i32 to vector<16xi32>
      %parallel_loop3A_604 = arith.addi %parallel_loop3A_598, %parallel_loop3A_603 : vector<16xi32>
      %parallel_loop3A_605 = arith.select %parallel_loop3A_601, %parallel_loop3A_604, %parallel_loop3A_598 : vector<16xi1>, vector<16xi32>
      %parallel_loop3A_606 = vector.shape_cast %parallel_loop3A_605 : vector<16xi32> to vector<16x1xi32>
      %parallel_loop3A_607 = vector.shape_cast %parallel_loop3A_606 : vector<16x1xi32> to vector<16xi32>
      %parallel_loop3A_608 = tpu.dynamic_gather %parallel_loop3A_592[%parallel_loop3A_607] in [0] : vector<16xf32>, vector<16xi32> -> vector<16xf32>
      %parallel_loop3A_609 = arith.addf %parallel_loop3A_592, %parallel_loop3A_608 : vector<16xf32>
      %parallel_loop3A_610 = arith.constant 1 : i32
      %parallel_loop3A_611 = vector.broadcast %parallel_loop3A_610 : i32 to vector<16xi32>
      %parallel_loop3A_612 = arith.addi %parallel_loop3A_558, %parallel_loop3A_611 : vector<16xi32>
      %parallel_loop3A_613 = arith.constant 15 : i32
      %parallel_loop3A_614 = vector.broadcast %parallel_loop3A_613 : i32 to vector<16xi32>
      %parallel_loop3A_615 = arith.andi %parallel_loop3A_612, %parallel_loop3A_614 : vector<16xi32>
      %parallel_loop3A_616 = arith.constant 0 : i32
      %parallel_loop3A_617 = vector.broadcast %parallel_loop3A_616 : i32 to vector<16xi32>
      %parallel_loop3A_618 = arith.cmpi slt, %parallel_loop3A_615, %parallel_loop3A_617 : vector<16xi32>
      %parallel_loop3A_619 = arith.constant 16 : i32
      %parallel_loop3A_620 = vector.broadcast %parallel_loop3A_619 : i32 to vector<16xi32>
      %parallel_loop3A_621 = arith.addi %parallel_loop3A_615, %parallel_loop3A_620 : vector<16xi32>
      %parallel_loop3A_622 = arith.select %parallel_loop3A_618, %parallel_loop3A_621, %parallel_loop3A_615 : vector<16xi1>, vector<16xi32>
      %parallel_loop3A_623 = vector.shape_cast %parallel_loop3A_622 : vector<16xi32> to vector<16x1xi32>
      %parallel_loop3A_624 = vector.shape_cast %parallel_loop3A_623 : vector<16x1xi32> to vector<16xi32>
      %parallel_loop3A_625 = tpu.dynamic_gather %parallel_loop3A_609[%parallel_loop3A_624] in [0] : vector<16xf32>, vector<16xi32> -> vector<16xf32>
      %parallel_loop3A_626 = arith.addf %parallel_loop3A_609, %parallel_loop3A_625 : vector<16xf32>
      %parallel_loop3A_627 = arith.constant 0.00130208337 : f32
      %parallel_loop3A_628 = vector.broadcast %parallel_loop3A_627 : f32 to vector<16xf32>
      %parallel_loop3A_629 = arith.mulf %parallel_loop3A_626, %parallel_loop3A_628 : vector<16xf32>
      %parallel_loop3A_630 = arith.mulf %parallel_loop3A_557, %parallel_loop3A_557 : vector<16xf32>
      %parallel_loop3A_631 = arith.subf %parallel_loop3A_629, %parallel_loop3A_630 : vector<16xf32>
      %parallel_loop3A_632 = arith.constant 1.000000e-07 : f32
      %parallel_loop3A_633 = vector.broadcast %parallel_loop3A_632 : f32 to vector<16xf32>
      %parallel_loop3A_634 = arith.addf %parallel_loop3A_631, %parallel_loop3A_633 : vector<16xf32>
      %parallel_loop3A_635 = tpu.bitcast %parallel_loop3A_634 : vector<16xf32> -> vector<16xi32>
      %parallel_loop3A_636 = arith.constant 1 : i32
      %parallel_loop3A_637 = vector.broadcast %parallel_loop3A_636 : i32 to vector<16xi32>
      %parallel_loop3A_638 = arith.shrsi %parallel_loop3A_635, %parallel_loop3A_637 : vector<16xi32>
      %parallel_loop3A_639 = arith.constant 1597463007 : i32
      %parallel_loop3A_640 = vector.broadcast %parallel_loop3A_639 : i32 to vector<16xi32>
      %parallel_loop3A_641 = arith.subi %parallel_loop3A_640, %parallel_loop3A_638 : vector<16xi32>
      %parallel_loop3A_642 = tpu.bitcast %parallel_loop3A_641 : vector<16xi32> -> vector<16xf32>
      %parallel_loop3A_643 = arith.constant 5.000000e-01 : f32
      %parallel_loop3A_644 = vector.broadcast %parallel_loop3A_643 : f32 to vector<16xf32>
      %parallel_loop3A_645 = arith.mulf %parallel_loop3A_644, %parallel_loop3A_634 : vector<16xf32>
      %parallel_loop3A_646 = arith.mulf %parallel_loop3A_645, %parallel_loop3A_642 : vector<16xf32>
      %parallel_loop3A_647 = arith.mulf %parallel_loop3A_646, %parallel_loop3A_642 : vector<16xf32>
      %parallel_loop3A_648 = arith.constant 1.500000e+00 : f32
      %parallel_loop3A_649 = vector.broadcast %parallel_loop3A_648 : f32 to vector<16xf32>
      %parallel_loop3A_650 = arith.subf %parallel_loop3A_649, %parallel_loop3A_647 : vector<16xf32>
      %parallel_loop3A_651 = arith.mulf %parallel_loop3A_642, %parallel_loop3A_650 : vector<16xf32>
      %parallel_loop3A_652 = arith.constant 5.000000e-01 : f32
      %parallel_loop3A_653 = vector.broadcast %parallel_loop3A_652 : f32 to vector<16xf32>
      %parallel_loop3A_654 = arith.mulf %parallel_loop3A_653, %parallel_loop3A_634 : vector<16xf32>
      %parallel_loop3A_655 = arith.mulf %parallel_loop3A_654, %parallel_loop3A_651 : vector<16xf32>
      %parallel_loop3A_656 = arith.mulf %parallel_loop3A_655, %parallel_loop3A_651 : vector<16xf32>
      %parallel_loop3A_657 = arith.constant 1.500000e+00 : f32
      %parallel_loop3A_658 = vector.broadcast %parallel_loop3A_657 : f32 to vector<16xf32>
      %parallel_loop3A_659 = arith.subf %parallel_loop3A_658, %parallel_loop3A_656 : vector<16xf32>
      %parallel_loop3A_660 = arith.mulf %parallel_loop3A_651, %parallel_loop3A_659 : vector<16xf32>
      %parallel_loop3A_661 = arith.constant 5.000000e-01 : f32
      %parallel_loop3A_662 = vector.broadcast %parallel_loop3A_661 : f32 to vector<16xf32>
      %parallel_loop3A_663 = arith.mulf %parallel_loop3A_662, %parallel_loop3A_634 : vector<16xf32>
      %parallel_loop3A_664 = arith.mulf %parallel_loop3A_663, %parallel_loop3A_660 : vector<16xf32>
      %parallel_loop3A_665 = arith.mulf %parallel_loop3A_664, %parallel_loop3A_660 : vector<16xf32>
      %parallel_loop3A_666 = arith.constant 1.500000e+00 : f32
      %parallel_loop3A_667 = vector.broadcast %parallel_loop3A_666 : f32 to vector<16xf32>
      %parallel_loop3A_668 = arith.subf %parallel_loop3A_667, %parallel_loop3A_665 : vector<16xf32>
      %parallel_loop3A_669 = arith.mulf %parallel_loop3A_660, %parallel_loop3A_668 : vector<16xf32>
      %parallel_loop3A_670 = arith.mulf %parallel_loop3A_557, %parallel_loop3A_669 : vector<16xf32>
      %parallel_loop3A_671 = tpu.iota {dimensions = array<i32: 0>} : vector<16xi32>
      %parallel_loop3A_672 = arith.constant 8 : i32
      %parallel_loop3A_673 = vector.broadcast %parallel_loop3A_672 : i32 to vector<16xi32>
      %parallel_loop3A_674 = arith.addi %parallel_loop3A_671, %parallel_loop3A_673 : vector<16xi32>
      %parallel_loop3A_675 = arith.constant 15 : i32
      %parallel_loop3A_676 = vector.broadcast %parallel_loop3A_675 : i32 to vector<16xi32>
      %parallel_loop3A_677 = arith.andi %parallel_loop3A_674, %parallel_loop3A_676 : vector<16xi32>
      %parallel_loop3A_678 = arith.constant 0 : i32
      %parallel_loop3A_679 = vector.broadcast %parallel_loop3A_678 : i32 to vector<16xi32>
      %parallel_loop3A_680 = arith.cmpi slt, %parallel_loop3A_677, %parallel_loop3A_679 : vector<16xi32>
      %parallel_loop3A_681 = arith.constant 16 : i32
      %parallel_loop3A_682 = vector.broadcast %parallel_loop3A_681 : i32 to vector<16xi32>
      %parallel_loop3A_683 = arith.addi %parallel_loop3A_677, %parallel_loop3A_682 : vector<16xi32>
      %parallel_loop3A_684 = arith.select %parallel_loop3A_680, %parallel_loop3A_683, %parallel_loop3A_677 : vector<16xi1>, vector<16xi32>
      %parallel_loop3A_685 = vector.shape_cast %parallel_loop3A_684 : vector<16xi32> to vector<16x1xi32>
      %parallel_loop3A_686 = vector.shape_cast %parallel_loop3A_685 : vector<16x1xi32> to vector<16xi32>
      %parallel_loop3A_687 = tpu.dynamic_gather %parallel_loop3A_115#6[%parallel_loop3A_686] in [0] : vector<16xf32>, vector<16xi32> -> vector<16xf32>
      %parallel_loop3A_688 = arith.addf %parallel_loop3A_115#6, %parallel_loop3A_687 : vector<16xf32>
      %parallel_loop3A_689 = arith.constant 4 : i32
      %parallel_loop3A_690 = vector.broadcast %parallel_loop3A_689 : i32 to vector<16xi32>
      %parallel_loop3A_691 = arith.addi %parallel_loop3A_671, %parallel_loop3A_690 : vector<16xi32>
      %parallel_loop3A_692 = arith.constant 15 : i32
      %parallel_loop3A_693 = vector.broadcast %parallel_loop3A_692 : i32 to vector<16xi32>
      %parallel_loop3A_694 = arith.andi %parallel_loop3A_691, %parallel_loop3A_693 : vector<16xi32>
      %parallel_loop3A_695 = arith.constant 0 : i32
      %parallel_loop3A_696 = vector.broadcast %parallel_loop3A_695 : i32 to vector<16xi32>
      %parallel_loop3A_697 = arith.cmpi slt, %parallel_loop3A_694, %parallel_loop3A_696 : vector<16xi32>
      %parallel_loop3A_698 = arith.constant 16 : i32
      %parallel_loop3A_699 = vector.broadcast %parallel_loop3A_698 : i32 to vector<16xi32>
      %parallel_loop3A_700 = arith.addi %parallel_loop3A_694, %parallel_loop3A_699 : vector<16xi32>
      %parallel_loop3A_701 = arith.select %parallel_loop3A_697, %parallel_loop3A_700, %parallel_loop3A_694 : vector<16xi1>, vector<16xi32>
      %parallel_loop3A_702 = vector.shape_cast %parallel_loop3A_701 : vector<16xi32> to vector<16x1xi32>
      %parallel_loop3A_703 = vector.shape_cast %parallel_loop3A_702 : vector<16x1xi32> to vector<16xi32>
      %parallel_loop3A_704 = tpu.dynamic_gather %parallel_loop3A_688[%parallel_loop3A_703] in [0] : vector<16xf32>, vector<16xi32> -> vector<16xf32>
      %parallel_loop3A_705 = arith.addf %parallel_loop3A_688, %parallel_loop3A_704 : vector<16xf32>
      %parallel_loop3A_706 = arith.constant 2 : i32
      %parallel_loop3A_707 = vector.broadcast %parallel_loop3A_706 : i32 to vector<16xi32>
      %parallel_loop3A_708 = arith.addi %parallel_loop3A_671, %parallel_loop3A_707 : vector<16xi32>
      %parallel_loop3A_709 = arith.constant 15 : i32
      %parallel_loop3A_710 = vector.broadcast %parallel_loop3A_709 : i32 to vector<16xi32>
      %parallel_loop3A_711 = arith.andi %parallel_loop3A_708, %parallel_loop3A_710 : vector<16xi32>
      %parallel_loop3A_712 = arith.constant 0 : i32
      %parallel_loop3A_713 = vector.broadcast %parallel_loop3A_712 : i32 to vector<16xi32>
      %parallel_loop3A_714 = arith.cmpi slt, %parallel_loop3A_711, %parallel_loop3A_713 : vector<16xi32>
      %parallel_loop3A_715 = arith.constant 16 : i32
      %parallel_loop3A_716 = vector.broadcast %parallel_loop3A_715 : i32 to vector<16xi32>
      %parallel_loop3A_717 = arith.addi %parallel_loop3A_711, %parallel_loop3A_716 : vector<16xi32>
      %parallel_loop3A_718 = arith.select %parallel_loop3A_714, %parallel_loop3A_717, %parallel_loop3A_711 : vector<16xi1>, vector<16xi32>
      %parallel_loop3A_719 = vector.shape_cast %parallel_loop3A_718 : vector<16xi32> to vector<16x1xi32>
      %parallel_loop3A_720 = vector.shape_cast %parallel_loop3A_719 : vector<16x1xi32> to vector<16xi32>
      %parallel_loop3A_721 = tpu.dynamic_gather %parallel_loop3A_705[%parallel_loop3A_720] in [0] : vector<16xf32>, vector<16xi32> -> vector<16xf32>
      %parallel_loop3A_722 = arith.addf %parallel_loop3A_705, %parallel_loop3A_721 : vector<16xf32>
      %parallel_loop3A_723 = arith.constant 1 : i32
      %parallel_loop3A_724 = vector.broadcast %parallel_loop3A_723 : i32 to vector<16xi32>
      %parallel_loop3A_725 = arith.addi %parallel_loop3A_671, %parallel_loop3A_724 : vector<16xi32>
      %parallel_loop3A_726 = arith.constant 15 : i32
      %parallel_loop3A_727 = vector.broadcast %parallel_loop3A_726 : i32 to vector<16xi32>
      %parallel_loop3A_728 = arith.andi %parallel_loop3A_725, %parallel_loop3A_727 : vector<16xi32>
      %parallel_loop3A_729 = arith.constant 0 : i32
      %parallel_loop3A_730 = vector.broadcast %parallel_loop3A_729 : i32 to vector<16xi32>
      %parallel_loop3A_731 = arith.cmpi slt, %parallel_loop3A_728, %parallel_loop3A_730 : vector<16xi32>
      %parallel_loop3A_732 = arith.constant 16 : i32
      %parallel_loop3A_733 = vector.broadcast %parallel_loop3A_732 : i32 to vector<16xi32>
      %parallel_loop3A_734 = arith.addi %parallel_loop3A_728, %parallel_loop3A_733 : vector<16xi32>
      %parallel_loop3A_735 = arith.select %parallel_loop3A_731, %parallel_loop3A_734, %parallel_loop3A_728 : vector<16xi1>, vector<16xi32>
      %parallel_loop3A_736 = vector.shape_cast %parallel_loop3A_735 : vector<16xi32> to vector<16x1xi32>
      %parallel_loop3A_737 = vector.shape_cast %parallel_loop3A_736 : vector<16x1xi32> to vector<16xi32>
      %parallel_loop3A_738 = tpu.dynamic_gather %parallel_loop3A_722[%parallel_loop3A_737] in [0] : vector<16xf32>, vector<16xi32> -> vector<16xf32>
      %parallel_loop3A_739 = arith.addf %parallel_loop3A_722, %parallel_loop3A_738 : vector<16xf32>
      %parallel_loop3A_740 = arith.constant 0.00130208337 : f32
      %parallel_loop3A_741 = vector.broadcast %parallel_loop3A_740 : f32 to vector<16xf32>
      %parallel_loop3A_742 = arith.mulf %parallel_loop3A_739, %parallel_loop3A_741 : vector<16xf32>
      %parallel_loop3A_743 = tpu.iota {dimensions = array<i32: 0>} : vector<16xi32>
      %parallel_loop3A_744 = arith.constant 8 : i32
      %parallel_loop3A_745 = vector.broadcast %parallel_loop3A_744 : i32 to vector<16xi32>
      %parallel_loop3A_746 = arith.addi %parallel_loop3A_743, %parallel_loop3A_745 : vector<16xi32>
      %parallel_loop3A_747 = arith.constant 15 : i32
      %parallel_loop3A_748 = vector.broadcast %parallel_loop3A_747 : i32 to vector<16xi32>
      %parallel_loop3A_749 = arith.andi %parallel_loop3A_746, %parallel_loop3A_748 : vector<16xi32>
      %parallel_loop3A_750 = arith.constant 0 : i32
      %parallel_loop3A_751 = vector.broadcast %parallel_loop3A_750 : i32 to vector<16xi32>
      %parallel_loop3A_752 = arith.cmpi slt, %parallel_loop3A_749, %parallel_loop3A_751 : vector<16xi32>
      %parallel_loop3A_753 = arith.constant 16 : i32
      %parallel_loop3A_754 = vector.broadcast %parallel_loop3A_753 : i32 to vector<16xi32>
      %parallel_loop3A_755 = arith.addi %parallel_loop3A_749, %parallel_loop3A_754 : vector<16xi32>
      %parallel_loop3A_756 = arith.select %parallel_loop3A_752, %parallel_loop3A_755, %parallel_loop3A_749 : vector<16xi1>, vector<16xi32>
      %parallel_loop3A_757 = vector.shape_cast %parallel_loop3A_756 : vector<16xi32> to vector<16x1xi32>
      %parallel_loop3A_758 = vector.shape_cast %parallel_loop3A_757 : vector<16x1xi32> to vector<16xi32>
      %parallel_loop3A_759 = tpu.dynamic_gather %parallel_loop3A_115#7[%parallel_loop3A_758] in [0] : vector<16xf32>, vector<16xi32> -> vector<16xf32>
      %parallel_loop3A_760 = arith.addf %parallel_loop3A_115#7, %parallel_loop3A_759 : vector<16xf32>
      %parallel_loop3A_761 = arith.constant 4 : i32
      %parallel_loop3A_762 = vector.broadcast %parallel_loop3A_761 : i32 to vector<16xi32>
      %parallel_loop3A_763 = arith.addi %parallel_loop3A_743, %parallel_loop3A_762 : vector<16xi32>
      %parallel_loop3A_764 = arith.constant 15 : i32
      %parallel_loop3A_765 = vector.broadcast %parallel_loop3A_764 : i32 to vector<16xi32>
      %parallel_loop3A_766 = arith.andi %parallel_loop3A_763, %parallel_loop3A_765 : vector<16xi32>
      %parallel_loop3A_767 = arith.constant 0 : i32
      %parallel_loop3A_768 = vector.broadcast %parallel_loop3A_767 : i32 to vector<16xi32>
      %parallel_loop3A_769 = arith.cmpi slt, %parallel_loop3A_766, %parallel_loop3A_768 : vector<16xi32>
      %parallel_loop3A_770 = arith.constant 16 : i32
      %parallel_loop3A_771 = vector.broadcast %parallel_loop3A_770 : i32 to vector<16xi32>
      %parallel_loop3A_772 = arith.addi %parallel_loop3A_766, %parallel_loop3A_771 : vector<16xi32>
      %parallel_loop3A_773 = arith.select %parallel_loop3A_769, %parallel_loop3A_772, %parallel_loop3A_766 : vector<16xi1>, vector<16xi32>
      %parallel_loop3A_774 = vector.shape_cast %parallel_loop3A_773 : vector<16xi32> to vector<16x1xi32>
      %parallel_loop3A_775 = vector.shape_cast %parallel_loop3A_774 : vector<16x1xi32> to vector<16xi32>
      %parallel_loop3A_776 = tpu.dynamic_gather %parallel_loop3A_760[%parallel_loop3A_775] in [0] : vector<16xf32>, vector<16xi32> -> vector<16xf32>
      %parallel_loop3A_777 = arith.addf %parallel_loop3A_760, %parallel_loop3A_776 : vector<16xf32>
      %parallel_loop3A_778 = arith.constant 2 : i32
      %parallel_loop3A_779 = vector.broadcast %parallel_loop3A_778 : i32 to vector<16xi32>
      %parallel_loop3A_780 = arith.addi %parallel_loop3A_743, %parallel_loop3A_779 : vector<16xi32>
      %parallel_loop3A_781 = arith.constant 15 : i32
      %parallel_loop3A_782 = vector.broadcast %parallel_loop3A_781 : i32 to vector<16xi32>
      %parallel_loop3A_783 = arith.andi %parallel_loop3A_780, %parallel_loop3A_782 : vector<16xi32>
      %parallel_loop3A_784 = arith.constant 0 : i32
      %parallel_loop3A_785 = vector.broadcast %parallel_loop3A_784 : i32 to vector<16xi32>
      %parallel_loop3A_786 = arith.cmpi slt, %parallel_loop3A_783, %parallel_loop3A_785 : vector<16xi32>
      %parallel_loop3A_787 = arith.constant 16 : i32
      %parallel_loop3A_788 = vector.broadcast %parallel_loop3A_787 : i32 to vector<16xi32>
      %parallel_loop3A_789 = arith.addi %parallel_loop3A_783, %parallel_loop3A_788 : vector<16xi32>
      %parallel_loop3A_790 = arith.select %parallel_loop3A_786, %parallel_loop3A_789, %parallel_loop3A_783 : vector<16xi1>, vector<16xi32>
      %parallel_loop3A_791 = vector.shape_cast %parallel_loop3A_790 : vector<16xi32> to vector<16x1xi32>
      %parallel_loop3A_792 = vector.shape_cast %parallel_loop3A_791 : vector<16x1xi32> to vector<16xi32>
      %parallel_loop3A_793 = tpu.dynamic_gather %parallel_loop3A_777[%parallel_loop3A_792] in [0] : vector<16xf32>, vector<16xi32> -> vector<16xf32>
      %parallel_loop3A_794 = arith.addf %parallel_loop3A_777, %parallel_loop3A_793 : vector<16xf32>
      %parallel_loop3A_795 = arith.constant 1 : i32
      %parallel_loop3A_796 = vector.broadcast %parallel_loop3A_795 : i32 to vector<16xi32>
      %parallel_loop3A_797 = arith.addi %parallel_loop3A_743, %parallel_loop3A_796 : vector<16xi32>
      %parallel_loop3A_798 = arith.constant 15 : i32
      %parallel_loop3A_799 = vector.broadcast %parallel_loop3A_798 : i32 to vector<16xi32>
      %parallel_loop3A_800 = arith.andi %parallel_loop3A_797, %parallel_loop3A_799 : vector<16xi32>
      %parallel_loop3A_801 = arith.constant 0 : i32
      %parallel_loop3A_802 = vector.broadcast %parallel_loop3A_801 : i32 to vector<16xi32>
      %parallel_loop3A_803 = arith.cmpi slt, %parallel_loop3A_800, %parallel_loop3A_802 : vector<16xi32>
      %parallel_loop3A_804 = arith.constant 16 : i32
      %parallel_loop3A_805 = vector.broadcast %parallel_loop3A_804 : i32 to vector<16xi32>
      %parallel_loop3A_806 = arith.addi %parallel_loop3A_800, %parallel_loop3A_805 : vector<16xi32>
      %parallel_loop3A_807 = arith.select %parallel_loop3A_803, %parallel_loop3A_806, %parallel_loop3A_800 : vector<16xi1>, vector<16xi32>
      %parallel_loop3A_808 = vector.shape_cast %parallel_loop3A_807 : vector<16xi32> to vector<16x1xi32>
      %parallel_loop3A_809 = vector.shape_cast %parallel_loop3A_808 : vector<16x1xi32> to vector<16xi32>
      %parallel_loop3A_810 = tpu.dynamic_gather %parallel_loop3A_794[%parallel_loop3A_809] in [0] : vector<16xf32>, vector<16xi32> -> vector<16xf32>
      %parallel_loop3A_811 = arith.addf %parallel_loop3A_794, %parallel_loop3A_810 : vector<16xf32>
      %parallel_loop3A_812 = arith.constant 0.00130208337 : f32
      %parallel_loop3A_813 = vector.broadcast %parallel_loop3A_812 : f32 to vector<16xf32>
      %parallel_loop3A_814 = arith.mulf %parallel_loop3A_811, %parallel_loop3A_813 : vector<16xf32>
      %parallel_loop3A_815 = arith.mulf %parallel_loop3A_742, %parallel_loop3A_742 : vector<16xf32>
      %parallel_loop3A_816 = arith.subf %parallel_loop3A_814, %parallel_loop3A_815 : vector<16xf32>
      %parallel_loop3A_817 = arith.constant 1.000000e-07 : f32
      %parallel_loop3A_818 = vector.broadcast %parallel_loop3A_817 : f32 to vector<16xf32>
      %parallel_loop3A_819 = arith.addf %parallel_loop3A_816, %parallel_loop3A_818 : vector<16xf32>
      %parallel_loop3A_820 = tpu.bitcast %parallel_loop3A_819 : vector<16xf32> -> vector<16xi32>
      %parallel_loop3A_821 = arith.constant 1 : i32
      %parallel_loop3A_822 = vector.broadcast %parallel_loop3A_821 : i32 to vector<16xi32>
      %parallel_loop3A_823 = arith.shrsi %parallel_loop3A_820, %parallel_loop3A_822 : vector<16xi32>
      %parallel_loop3A_824 = arith.constant 1597463007 : i32
      %parallel_loop3A_825 = vector.broadcast %parallel_loop3A_824 : i32 to vector<16xi32>
      %parallel_loop3A_826 = arith.subi %parallel_loop3A_825, %parallel_loop3A_823 : vector<16xi32>
      %parallel_loop3A_827 = tpu.bitcast %parallel_loop3A_826 : vector<16xi32> -> vector<16xf32>
      %parallel_loop3A_828 = arith.constant 5.000000e-01 : f32
      %parallel_loop3A_829 = vector.broadcast %parallel_loop3A_828 : f32 to vector<16xf32>
      %parallel_loop3A_830 = arith.mulf %parallel_loop3A_829, %parallel_loop3A_819 : vector<16xf32>
      %parallel_loop3A_831 = arith.mulf %parallel_loop3A_830, %parallel_loop3A_827 : vector<16xf32>
      %parallel_loop3A_832 = arith.mulf %parallel_loop3A_831, %parallel_loop3A_827 : vector<16xf32>
      %parallel_loop3A_833 = arith.constant 1.500000e+00 : f32
      %parallel_loop3A_834 = vector.broadcast %parallel_loop3A_833 : f32 to vector<16xf32>
      %parallel_loop3A_835 = arith.subf %parallel_loop3A_834, %parallel_loop3A_832 : vector<16xf32>
      %parallel_loop3A_836 = arith.mulf %parallel_loop3A_827, %parallel_loop3A_835 : vector<16xf32>
      %parallel_loop3A_837 = arith.constant 5.000000e-01 : f32
      %parallel_loop3A_838 = vector.broadcast %parallel_loop3A_837 : f32 to vector<16xf32>
      %parallel_loop3A_839 = arith.mulf %parallel_loop3A_838, %parallel_loop3A_819 : vector<16xf32>
      %parallel_loop3A_840 = arith.mulf %parallel_loop3A_839, %parallel_loop3A_836 : vector<16xf32>
      %parallel_loop3A_841 = arith.mulf %parallel_loop3A_840, %parallel_loop3A_836 : vector<16xf32>
      %parallel_loop3A_842 = arith.constant 1.500000e+00 : f32
      %parallel_loop3A_843 = vector.broadcast %parallel_loop3A_842 : f32 to vector<16xf32>
      %parallel_loop3A_844 = arith.subf %parallel_loop3A_843, %parallel_loop3A_841 : vector<16xf32>
      %parallel_loop3A_845 = arith.mulf %parallel_loop3A_836, %parallel_loop3A_844 : vector<16xf32>
      %parallel_loop3A_846 = arith.constant 5.000000e-01 : f32
      %parallel_loop3A_847 = vector.broadcast %parallel_loop3A_846 : f32 to vector<16xf32>
      %parallel_loop3A_848 = arith.mulf %parallel_loop3A_847, %parallel_loop3A_819 : vector<16xf32>
      %parallel_loop3A_849 = arith.mulf %parallel_loop3A_848, %parallel_loop3A_845 : vector<16xf32>
      %parallel_loop3A_850 = arith.mulf %parallel_loop3A_849, %parallel_loop3A_845 : vector<16xf32>
      %parallel_loop3A_851 = arith.constant 1.500000e+00 : f32
      %parallel_loop3A_852 = vector.broadcast %parallel_loop3A_851 : f32 to vector<16xf32>
      %parallel_loop3A_853 = arith.subf %parallel_loop3A_852, %parallel_loop3A_850 : vector<16xf32>
      %parallel_loop3A_854 = arith.mulf %parallel_loop3A_845, %parallel_loop3A_853 : vector<16xf32>
      %parallel_loop3A_855 = arith.mulf %parallel_loop3A_742, %parallel_loop3A_854 : vector<16xf32>
      %parallel_loop3A_856 = arith.constant 0 : i32
      %parallel_loop3A_857 = arith.constant 48 : i32
      %parallel_loop3A_858 = arith.constant 1 : i32
      scf.for %parallel_loop3A_859 = %parallel_loop3A_856 to %parallel_loop3A_857 step %parallel_loop3A_858  : i32 {
        %parallel_loop3A_860 = arith.constant 16 : i32
        %parallel_loop3A_861 = arith.muli %parallel_loop3A_859, %parallel_loop3A_860 : i32
        %parallel_loop3A_862 = arith.index_cast %parallel_loop3A_861 : i32 to index
        %parallel_loop3A_863 = tpu.vector_load %arg10[%parallel_loop3A_862] {strides = array<i32>} : memref<768xf32, #tpu.memory_space<vmem>>, vector<16xf32>,
        %parallel_loop3A_864 = vector.shape_cast %parallel_loop3A_863 : vector<16xf32> to vector<16xf32>
        %parallel_loop3A_865 = arith.index_cast %parallel_loop3A_861 : i32 to index
        %parallel_loop3A_866 = tpu.vector_load %arg11[%parallel_loop3A_865] {strides = array<i32>} : memref<768xf32, #tpu.memory_space<vmem>>, vector<16xf32>,
        %parallel_loop3A_867 = vector.shape_cast %parallel_loop3A_866 : vector<16xf32> to vector<16xf32>
        %parallel_loop3A_868 = arith.index_cast %parallel_loop3A_105 : i32 to index
        %parallel_loop3A_869 = arith.index_cast %parallel_loop3A_861 : i32 to index
        %parallel_loop3A_870 = tpu.vector_load %arg9[%parallel_loop3A_868, %parallel_loop3A_869] {strides = array<i32>} : memref<64x768xf32, #tpu.memory_space<vmem>>, vector<1x16xf32>,
        %parallel_loop3A_871 = vector.shape_cast %parallel_loop3A_870 : vector<1x16xf32> to vector<16xf32>
        %parallel_loop3A_872 = arith.mulf %parallel_loop3A_871, %parallel_loop3A_299 : vector<16xf32>
        %parallel_loop3A_873 = arith.subf %parallel_loop3A_872, %parallel_loop3A_300 : vector<16xf32>
        %parallel_loop3A_874 = arith.mulf %parallel_loop3A_873, %parallel_loop3A_864 : vector<16xf32>
        %parallel_loop3A_875 = arith.addf %parallel_loop3A_874, %parallel_loop3A_867 : vector<16xf32>
        %parallel_loop3A_876 = arith.index_cast %parallel_loop3A_105 : i32 to index
        %parallel_loop3A_877 = arith.index_cast %parallel_loop3A_861 : i32 to index
        %parallel_loop3A_878 = tpu.vector_load %arg9[%parallel_loop3A_876, %parallel_loop3A_877] {strides = array<i32>} : memref<64x768xf32, #tpu.memory_space<vmem>>, vector<1x16xf32>,
        %parallel_loop3A_879 = vector.shape_cast %parallel_loop3A_878 : vector<1x16xf32> to vector<16xf32>
        %parallel_loop3A_880 = vector.shape_cast %parallel_loop3A_875 : vector<16xf32> to vector<1x16xf32>
        tpu.vector_store %arg9[%parallel_loop3A_876, %parallel_loop3A_877], %parallel_loop3A_880 {strides = array<i32>} : memref<64x768xf32, #tpu.memory_space<vmem>>, vector<1x16xf32>,
        %parallel_loop3A_881 = arith.index_cast %parallel_loop3A_107 : i32 to index
        %parallel_loop3A_882 = arith.index_cast %parallel_loop3A_861 : i32 to index
        %parallel_loop3A_883 = tpu.vector_load %arg9[%parallel_loop3A_881, %parallel_loop3A_882] {strides = array<i32>} : memref<64x768xf32, #tpu.memory_space<vmem>>, vector<1x16xf32>,
        %parallel_loop3A_884 = vector.shape_cast %parallel_loop3A_883 : vector<1x16xf32> to vector<16xf32>
        %parallel_loop3A_885 = arith.mulf %parallel_loop3A_884, %parallel_loop3A_484 : vector<16xf32>
        %parallel_loop3A_886 = arith.subf %parallel_loop3A_885, %parallel_loop3A_485 : vector<16xf32>
        %parallel_loop3A_887 = arith.mulf %parallel_loop3A_886, %parallel_loop3A_864 : vector<16xf32>
        %parallel_loop3A_888 = arith.addf %parallel_loop3A_887, %parallel_loop3A_867 : vector<16xf32>
        %parallel_loop3A_889 = arith.index_cast %parallel_loop3A_107 : i32 to index
        %parallel_loop3A_890 = arith.index_cast %parallel_loop3A_861 : i32 to index
        %parallel_loop3A_891 = tpu.vector_load %arg9[%parallel_loop3A_889, %parallel_loop3A_890] {strides = array<i32>} : memref<64x768xf32, #tpu.memory_space<vmem>>, vector<1x16xf32>,
        %parallel_loop3A_892 = vector.shape_cast %parallel_loop3A_891 : vector<1x16xf32> to vector<16xf32>
        %parallel_loop3A_893 = vector.shape_cast %parallel_loop3A_888 : vector<16xf32> to vector<1x16xf32>
        tpu.vector_store %arg9[%parallel_loop3A_889, %parallel_loop3A_890], %parallel_loop3A_893 {strides = array<i32>} : memref<64x768xf32, #tpu.memory_space<vmem>>, vector<1x16xf32>,
        %parallel_loop3A_894 = arith.index_cast %parallel_loop3A_109 : i32 to index
        %parallel_loop3A_895 = arith.index_cast %parallel_loop3A_861 : i32 to index
        %parallel_loop3A_896 = tpu.vector_load %arg9[%parallel_loop3A_894, %parallel_loop3A_895] {strides = array<i32>} : memref<64x768xf32, #tpu.memory_space<vmem>>, vector<1x16xf32>,
        %parallel_loop3A_897 = vector.shape_cast %parallel_loop3A_896 : vector<1x16xf32> to vector<16xf32>
        %parallel_loop3A_898 = arith.mulf %parallel_loop3A_897, %parallel_loop3A_669 : vector<16xf32>
        %parallel_loop3A_899 = arith.subf %parallel_loop3A_898, %parallel_loop3A_670 : vector<16xf32>
        %parallel_loop3A_900 = arith.mulf %parallel_loop3A_899, %parallel_loop3A_864 : vector<16xf32>
        %parallel_loop3A_901 = arith.addf %parallel_loop3A_900, %parallel_loop3A_867 : vector<16xf32>
        %parallel_loop3A_902 = arith.index_cast %parallel_loop3A_109 : i32 to index
        %parallel_loop3A_903 = arith.index_cast %parallel_loop3A_861 : i32 to index
        %parallel_loop3A_904 = tpu.vector_load %arg9[%parallel_loop3A_902, %parallel_loop3A_903] {strides = array<i32>} : memref<64x768xf32, #tpu.memory_space<vmem>>, vector<1x16xf32>,
        %parallel_loop3A_905 = vector.shape_cast %parallel_loop3A_904 : vector<1x16xf32> to vector<16xf32>
        %parallel_loop3A_906 = vector.shape_cast %parallel_loop3A_901 : vector<16xf32> to vector<1x16xf32>
        tpu.vector_store %arg9[%parallel_loop3A_902, %parallel_loop3A_903], %parallel_loop3A_906 {strides = array<i32>} : memref<64x768xf32, #tpu.memory_space<vmem>>, vector<1x16xf32>,
        %parallel_loop3A_907 = arith.index_cast %parallel_loop3A_111 : i32 to index
        %parallel_loop3A_908 = arith.index_cast %parallel_loop3A_861 : i32 to index
        %parallel_loop3A_909 = tpu.vector_load %arg9[%parallel_loop3A_907, %parallel_loop3A_908] {strides = array<i32>} : memref<64x768xf32, #tpu.memory_space<vmem>>, vector<1x16xf32>,
        %parallel_loop3A_910 = vector.shape_cast %parallel_loop3A_909 : vector<1x16xf32> to vector<16xf32>
        %parallel_loop3A_911 = arith.mulf %parallel_loop3A_910, %parallel_loop3A_854 : vector<16xf32>
        %parallel_loop3A_912 = arith.subf %parallel_loop3A_911, %parallel_loop3A_855 : vector<16xf32>
        %parallel_loop3A_913 = arith.mulf %parallel_loop3A_912, %parallel_loop3A_864 : vector<16xf32>
        %parallel_loop3A_914 = arith.addf %parallel_loop3A_913, %parallel_loop3A_867 : vector<16xf32>
        %parallel_loop3A_915 = arith.index_cast %parallel_loop3A_111 : i32 to index
        %parallel_loop3A_916 = arith.index_cast %parallel_loop3A_861 : i32 to index
        %parallel_loop3A_917 = tpu.vector_load %arg9[%parallel_loop3A_915, %parallel_loop3A_916] {strides = array<i32>} : memref<64x768xf32, #tpu.memory_space<vmem>>, vector<1x16xf32>,
        %parallel_loop3A_918 = vector.shape_cast %parallel_loop3A_917 : vector<1x16xf32> to vector<16xf32>
        %parallel_loop3A_919 = vector.shape_cast %parallel_loop3A_914 : vector<16xf32> to vector<1x16xf32>
        tpu.vector_store %arg9[%parallel_loop3A_915, %parallel_loop3A_916], %parallel_loop3A_919 {strides = array<i32>} : memref<64x768xf32, #tpu.memory_space<vmem>>, vector<1x16xf32>,
      } {sc.loop_unroll_factor = 4 : i64, sc.parallel_access}
      scf.yield %parallel_loop3A_101 : i32
    } {sc.loop_unroll_factor = 1 : i64, sc.parallel_access}
    %add3A_45 = arith.constant 64 : i32
    %add3A_46 = arith.addi %mul3A_2, %add3A_45 : i32
    %dma_start3A_47 = arith.constant 0 : i32
    %dma_start3A_48 = tpu.memref_slice %arg6[%add3A_46, %dma_start3A_47] : memref<8192x768xf32, #tpu.memory_space<hbm>> -> memref<64x768xf32, #tpu.memory_space<hbm>>
    %dma_start3A_49 = arith.constant 0 : i32
    %dma_start3A_50 = tpu.memref_slice %arg6[%add3A_46, %dma_start3A_49] : memref<8192x768xf32, #tpu.memory_space<hbm>> -> memref<64x768xf32, #tpu.memory_space<hbm>>
    tpu.enqueue_dma source(%arg9 : memref<64x768xf32, #tpu.memory_space<vmem>>) target(%dma_start3A_50 : memref<64x768xf32, #tpu.memory_space<hbm>>) target_semaphore(%arg15 : memref<!tpu.dma_semaphore, #tpu.memory_space<semaphore_mem>>)
    %dma_wait3A_51 = arith.constant 0 : i32
    %dma_wait3A_52 = tpu.memref_slice %arg6[%add3A_46, %dma_wait3A_51] : memref<8192x768xf32, #tpu.memory_space<hbm>> -> memref<64x768xf32, #tpu.memory_space<hbm>>
    %dma_wait3A_53 = arith.constant 0 : i32
    %dma_wait3A_54 = tpu.memref_slice %arg6[%add3A_46, %dma_wait3A_53] : memref<8192x768xf32, #tpu.memory_space<hbm>> -> memref<64x768xf32, #tpu.memory_space<hbm>>
    tpu.wait_dma2 semaphore(%arg15 : memref<!tpu.dma_semaphore, #tpu.memory_space<semaphore_mem>>) src(%arg9 : memref<64x768xf32, #tpu.memory_space<vmem>>) dst(%dma_wait3A_54 : memref<64x768xf32, #tpu.memory_space<hbm>>)
    %dma_start3A_55 = arith.constant 192 : i32
    %dma_start3A_56 = tpu.memref_slice %arg7[%dma_start3A_55] : memref<256xi32, #tpu.memory_space<vmem>> -> memref<64xi32, #tpu.memory_space<vmem>>
    %dma_start3A_57 = arith.constant 0 : i32
    %dma_start3A_58 = arith.constant 0 : i32
    %dma_start3A_59 = tpu.memref_slice %arg3[%dma_start3A_57, %dma_start3A_58] : memref<100000x768xf32, #tpu.memory_space<hbm>> -> memref<100000x768xf32, #tpu.memory_space<hbm>>
    tpu.enqueue_indirect_dma source(%dma_start3A_59 : memref<100000x768xf32, #tpu.memory_space<hbm>>) target(%arg9 : memref<64x768xf32, #tpu.memory_space<vmem>>) offsets(%dma_start3A_56 : memref<64xi32, #tpu.memory_space<vmem>>) semaphore(%arg13 : memref<!tpu.dma_semaphore, #tpu.memory_space<semaphore_mem>>)
    %dma_wait3A_60 = arith.constant 128 : i32
    %dma_wait3A_61 = tpu.memref_slice %arg7[%dma_wait3A_60] : memref<256xi32, #tpu.memory_space<vmem>> -> memref<64xi32, #tpu.memory_space<vmem>>
    %dma_wait3A_62 = arith.constant 0 : i32
    %dma_wait3A_63 = arith.constant 0 : i32
    %dma_wait3A_64 = tpu.memref_slice %arg3[%dma_wait3A_62, %dma_wait3A_63] : memref<100000x768xf32, #tpu.memory_space<hbm>> -> memref<100000x768xf32, #tpu.memory_space<hbm>>
    tpu.wait_indirect_dma semaphore(%arg12 : memref<!tpu.dma_semaphore, #tpu.memory_space<semaphore_mem>>) src(%dma_wait3A_64 : memref<100000x768xf32, #tpu.memory_space<hbm>>) dst(%arg8 : memref<64x768xf32, #tpu.memory_space<vmem>>)
    %parallel_loop3A_65 = arith.constant 0 : i32
    %parallel_loop3A_66 = arith.constant 64 : i32
    %parallel_loop3A_67 = arith.constant 4 : i32
    %parallel_loop3A_68 = arith.constant 0 : i32
    %parallel_loop3A_69 = scf.for %parallel_loop3A_100 = %parallel_loop3A_65 to %parallel_loop3A_66 step %parallel_loop3A_67 iter_args(%parallel_loop3A_101 = %parallel_loop3A_68) -> (i32)  : i32 {
      %parallel_loop3A_102 = arith.constant 0.000000e+00 : f32
      %parallel_loop3A_103 = vector.broadcast %parallel_loop3A_102 : f32 to vector<16xf32>
      %parallel_loop3A_104 = arith.constant 0 : i32
      %parallel_loop3A_105 = arith.addi %parallel_loop3A_100, %parallel_loop3A_104 : i32
      %parallel_loop3A_106 = arith.constant 1 : i32
      %parallel_loop3A_107 = arith.addi %parallel_loop3A_100, %parallel_loop3A_106 : i32
      %parallel_loop3A_108 = arith.constant 2 : i32
      %parallel_loop3A_109 = arith.addi %parallel_loop3A_100, %parallel_loop3A_108 : i32
      %parallel_loop3A_110 = arith.constant 3 : i32
      %parallel_loop3A_111 = arith.addi %parallel_loop3A_100, %parallel_loop3A_110 : i32
      %parallel_loop3A_112 = arith.constant 0 : i32
      %parallel_loop3A_113 = arith.constant 48 : i32
      %parallel_loop3A_114 = arith.constant 1 : i32
      %parallel_loop3A_115:8 = scf.for %parallel_loop3A_859 = %parallel_loop3A_112 to %parallel_loop3A_113 step %parallel_loop3A_114 iter_args(%parallel_loop3A_860 = %parallel_loop3A_103, %parallel_loop3A_861 = %parallel_loop3A_103, %parallel_loop3A_862 = %parallel_loop3A_103, %parallel_loop3A_863 = %parallel_loop3A_103, %parallel_loop3A_864 = %parallel_loop3A_103, %parallel_loop3A_865 = %parallel_loop3A_103, %parallel_loop3A_866 = %parallel_loop3A_103, %parallel_loop3A_867 = %parallel_loop3A_103) -> (vector<16xf32>, vector<16xf32>, vector<16xf32>, vector<16xf32>, vector<16xf32>, vector<16xf32>, vector<16xf32>, vector<16xf32>)  : i32 {
        %parallel_loop3A_868 = arith.constant 16 : i32
        %parallel_loop3A_869 = arith.muli %parallel_loop3A_859, %parallel_loop3A_868 : i32
        %parallel_loop3A_870 = arith.index_cast %parallel_loop3A_105 : i32 to index
        %parallel_loop3A_871 = arith.index_cast %parallel_loop3A_869 : i32 to index
        %parallel_loop3A_872 = tpu.vector_load %arg8[%parallel_loop3A_870, %parallel_loop3A_871] {strides = array<i32>} : memref<64x768xf32, #tpu.memory_space<vmem>>, vector<1x16xf32>,
        %parallel_loop3A_873 = vector.shape_cast %parallel_loop3A_872 : vector<1x16xf32> to vector<16xf32>
        %parallel_loop3A_874 = arith.addf %parallel_loop3A_860, %parallel_loop3A_873 : vector<16xf32>
        %parallel_loop3A_875 = arith.mulf %parallel_loop3A_873, %parallel_loop3A_873 : vector<16xf32>
        %parallel_loop3A_876 = arith.addf %parallel_loop3A_861, %parallel_loop3A_875 : vector<16xf32>
        %parallel_loop3A_877 = arith.index_cast %parallel_loop3A_107 : i32 to index
        %parallel_loop3A_878 = arith.index_cast %parallel_loop3A_869 : i32 to index
        %parallel_loop3A_879 = tpu.vector_load %arg8[%parallel_loop3A_877, %parallel_loop3A_878] {strides = array<i32>} : memref<64x768xf32, #tpu.memory_space<vmem>>, vector<1x16xf32>,
        %parallel_loop3A_880 = vector.shape_cast %parallel_loop3A_879 : vector<1x16xf32> to vector<16xf32>
        %parallel_loop3A_881 = arith.addf %parallel_loop3A_862, %parallel_loop3A_880 : vector<16xf32>
        %parallel_loop3A_882 = arith.mulf %parallel_loop3A_880, %parallel_loop3A_880 : vector<16xf32>
        %parallel_loop3A_883 = arith.addf %parallel_loop3A_863, %parallel_loop3A_882 : vector<16xf32>
        %parallel_loop3A_884 = arith.index_cast %parallel_loop3A_109 : i32 to index
        %parallel_loop3A_885 = arith.index_cast %parallel_loop3A_869 : i32 to index
        %parallel_loop3A_886 = tpu.vector_load %arg8[%parallel_loop3A_884, %parallel_loop3A_885] {strides = array<i32>} : memref<64x768xf32, #tpu.memory_space<vmem>>, vector<1x16xf32>,
        %parallel_loop3A_887 = vector.shape_cast %parallel_loop3A_886 : vector<1x16xf32> to vector<16xf32>
        %parallel_loop3A_888 = arith.addf %parallel_loop3A_864, %parallel_loop3A_887 : vector<16xf32>
        %parallel_loop3A_889 = arith.mulf %parallel_loop3A_887, %parallel_loop3A_887 : vector<16xf32>
        %parallel_loop3A_890 = arith.addf %parallel_loop3A_865, %parallel_loop3A_889 : vector<16xf32>
        %parallel_loop3A_891 = arith.index_cast %parallel_loop3A_111 : i32 to index
        %parallel_loop3A_892 = arith.index_cast %parallel_loop3A_869 : i32 to index
        %parallel_loop3A_893 = tpu.vector_load %arg8[%parallel_loop3A_891, %parallel_loop3A_892] {strides = array<i32>} : memref<64x768xf32, #tpu.memory_space<vmem>>, vector<1x16xf32>,
        %parallel_loop3A_894 = vector.shape_cast %parallel_loop3A_893 : vector<1x16xf32> to vector<16xf32>
        %parallel_loop3A_895 = arith.addf %parallel_loop3A_866, %parallel_loop3A_894 : vector<16xf32>
        %parallel_loop3A_896 = arith.mulf %parallel_loop3A_894, %parallel_loop3A_894 : vector<16xf32>
        %parallel_loop3A_897 = arith.addf %parallel_loop3A_867, %parallel_loop3A_896 : vector<16xf32>
        scf.yield %parallel_loop3A_874, %parallel_loop3A_876, %parallel_loop3A_881, %parallel_loop3A_883, %parallel_loop3A_888, %parallel_loop3A_890, %parallel_loop3A_895, %parallel_loop3A_897 : vector<16xf32>, vector<16xf32>, vector<16xf32>, vector<16xf32>, vector<16xf32>, vector<16xf32>, vector<16xf32>, vector<16xf32>
      } {sc.loop_unroll_factor = 4 : i64, sc.parallel_access}
      %parallel_loop3A_116 = tpu.iota {dimensions = array<i32: 0>} : vector<16xi32>
      %parallel_loop3A_117 = arith.constant 8 : i32
      %parallel_loop3A_118 = vector.broadcast %parallel_loop3A_117 : i32 to vector<16xi32>
      %parallel_loop3A_119 = arith.addi %parallel_loop3A_116, %parallel_loop3A_118 : vector<16xi32>
      %parallel_loop3A_120 = arith.constant 15 : i32
      %parallel_loop3A_121 = vector.broadcast %parallel_loop3A_120 : i32 to vector<16xi32>
      %parallel_loop3A_122 = arith.andi %parallel_loop3A_119, %parallel_loop3A_121 : vector<16xi32>
      %parallel_loop3A_123 = arith.constant 0 : i32
      %parallel_loop3A_124 = vector.broadcast %parallel_loop3A_123 : i32 to vector<16xi32>
      %parallel_loop3A_125 = arith.cmpi slt, %parallel_loop3A_122, %parallel_loop3A_124 : vector<16xi32>
      %parallel_loop3A_126 = arith.constant 16 : i32
      %parallel_loop3A_127 = vector.broadcast %parallel_loop3A_126 : i32 to vector<16xi32>
      %parallel_loop3A_128 = arith.addi %parallel_loop3A_122, %parallel_loop3A_127 : vector<16xi32>
      %parallel_loop3A_129 = arith.select %parallel_loop3A_125, %parallel_loop3A_128, %parallel_loop3A_122 : vector<16xi1>, vector<16xi32>
      %parallel_loop3A_130 = vector.shape_cast %parallel_loop3A_129 : vector<16xi32> to vector<16x1xi32>
      %parallel_loop3A_131 = vector.shape_cast %parallel_loop3A_130 : vector<16x1xi32> to vector<16xi32>
      %parallel_loop3A_132 = tpu.dynamic_gather %parallel_loop3A_115#0[%parallel_loop3A_131] in [0] : vector<16xf32>, vector<16xi32> -> vector<16xf32>
      %parallel_loop3A_133 = arith.addf %parallel_loop3A_115#0, %parallel_loop3A_132 : vector<16xf32>
      %parallel_loop3A_134 = arith.constant 4 : i32
      %parallel_loop3A_135 = vector.broadcast %parallel_loop3A_134 : i32 to vector<16xi32>
      %parallel_loop3A_136 = arith.addi %parallel_loop3A_116, %parallel_loop3A_135 : vector<16xi32>
      %parallel_loop3A_137 = arith.constant 15 : i32
      %parallel_loop3A_138 = vector.broadcast %parallel_loop3A_137 : i32 to vector<16xi32>
      %parallel_loop3A_139 = arith.andi %parallel_loop3A_136, %parallel_loop3A_138 : vector<16xi32>
      %parallel_loop3A_140 = arith.constant 0 : i32
      %parallel_loop3A_141 = vector.broadcast %parallel_loop3A_140 : i32 to vector<16xi32>
      %parallel_loop3A_142 = arith.cmpi slt, %parallel_loop3A_139, %parallel_loop3A_141 : vector<16xi32>
      %parallel_loop3A_143 = arith.constant 16 : i32
      %parallel_loop3A_144 = vector.broadcast %parallel_loop3A_143 : i32 to vector<16xi32>
      %parallel_loop3A_145 = arith.addi %parallel_loop3A_139, %parallel_loop3A_144 : vector<16xi32>
      %parallel_loop3A_146 = arith.select %parallel_loop3A_142, %parallel_loop3A_145, %parallel_loop3A_139 : vector<16xi1>, vector<16xi32>
      %parallel_loop3A_147 = vector.shape_cast %parallel_loop3A_146 : vector<16xi32> to vector<16x1xi32>
      %parallel_loop3A_148 = vector.shape_cast %parallel_loop3A_147 : vector<16x1xi32> to vector<16xi32>
      %parallel_loop3A_149 = tpu.dynamic_gather %parallel_loop3A_133[%parallel_loop3A_148] in [0] : vector<16xf32>, vector<16xi32> -> vector<16xf32>
      %parallel_loop3A_150 = arith.addf %parallel_loop3A_133, %parallel_loop3A_149 : vector<16xf32>
      %parallel_loop3A_151 = arith.constant 2 : i32
      %parallel_loop3A_152 = vector.broadcast %parallel_loop3A_151 : i32 to vector<16xi32>
      %parallel_loop3A_153 = arith.addi %parallel_loop3A_116, %parallel_loop3A_152 : vector<16xi32>
      %parallel_loop3A_154 = arith.constant 15 : i32
      %parallel_loop3A_155 = vector.broadcast %parallel_loop3A_154 : i32 to vector<16xi32>
      %parallel_loop3A_156 = arith.andi %parallel_loop3A_153, %parallel_loop3A_155 : vector<16xi32>
      %parallel_loop3A_157 = arith.constant 0 : i32
      %parallel_loop3A_158 = vector.broadcast %parallel_loop3A_157 : i32 to vector<16xi32>
      %parallel_loop3A_159 = arith.cmpi slt, %parallel_loop3A_156, %parallel_loop3A_158 : vector<16xi32>
      %parallel_loop3A_160 = arith.constant 16 : i32
      %parallel_loop3A_161 = vector.broadcast %parallel_loop3A_160 : i32 to vector<16xi32>
      %parallel_loop3A_162 = arith.addi %parallel_loop3A_156, %parallel_loop3A_161 : vector<16xi32>
      %parallel_loop3A_163 = arith.select %parallel_loop3A_159, %parallel_loop3A_162, %parallel_loop3A_156 : vector<16xi1>, vector<16xi32>
      %parallel_loop3A_164 = vector.shape_cast %parallel_loop3A_163 : vector<16xi32> to vector<16x1xi32>
      %parallel_loop3A_165 = vector.shape_cast %parallel_loop3A_164 : vector<16x1xi32> to vector<16xi32>
      %parallel_loop3A_166 = tpu.dynamic_gather %parallel_loop3A_150[%parallel_loop3A_165] in [0] : vector<16xf32>, vector<16xi32> -> vector<16xf32>
      %parallel_loop3A_167 = arith.addf %parallel_loop3A_150, %parallel_loop3A_166 : vector<16xf32>
      %parallel_loop3A_168 = arith.constant 1 : i32
      %parallel_loop3A_169 = vector.broadcast %parallel_loop3A_168 : i32 to vector<16xi32>
      %parallel_loop3A_170 = arith.addi %parallel_loop3A_116, %parallel_loop3A_169 : vector<16xi32>
      %parallel_loop3A_171 = arith.constant 15 : i32
      %parallel_loop3A_172 = vector.broadcast %parallel_loop3A_171 : i32 to vector<16xi32>
      %parallel_loop3A_173 = arith.andi %parallel_loop3A_170, %parallel_loop3A_172 : vector<16xi32>
      %parallel_loop3A_174 = arith.constant 0 : i32
      %parallel_loop3A_175 = vector.broadcast %parallel_loop3A_174 : i32 to vector<16xi32>
      %parallel_loop3A_176 = arith.cmpi slt, %parallel_loop3A_173, %parallel_loop3A_175 : vector<16xi32>
      %parallel_loop3A_177 = arith.constant 16 : i32
      %parallel_loop3A_178 = vector.broadcast %parallel_loop3A_177 : i32 to vector<16xi32>
      %parallel_loop3A_179 = arith.addi %parallel_loop3A_173, %parallel_loop3A_178 : vector<16xi32>
      %parallel_loop3A_180 = arith.select %parallel_loop3A_176, %parallel_loop3A_179, %parallel_loop3A_173 : vector<16xi1>, vector<16xi32>
      %parallel_loop3A_181 = vector.shape_cast %parallel_loop3A_180 : vector<16xi32> to vector<16x1xi32>
      %parallel_loop3A_182 = vector.shape_cast %parallel_loop3A_181 : vector<16x1xi32> to vector<16xi32>
      %parallel_loop3A_183 = tpu.dynamic_gather %parallel_loop3A_167[%parallel_loop3A_182] in [0] : vector<16xf32>, vector<16xi32> -> vector<16xf32>
      %parallel_loop3A_184 = arith.addf %parallel_loop3A_167, %parallel_loop3A_183 : vector<16xf32>
      %parallel_loop3A_185 = arith.constant 0.00130208337 : f32
      %parallel_loop3A_186 = vector.broadcast %parallel_loop3A_185 : f32 to vector<16xf32>
      %parallel_loop3A_187 = arith.mulf %parallel_loop3A_184, %parallel_loop3A_186 : vector<16xf32>
      %parallel_loop3A_188 = tpu.iota {dimensions = array<i32: 0>} : vector<16xi32>
      %parallel_loop3A_189 = arith.constant 8 : i32
      %parallel_loop3A_190 = vector.broadcast %parallel_loop3A_189 : i32 to vector<16xi32>
      %parallel_loop3A_191 = arith.addi %parallel_loop3A_188, %parallel_loop3A_190 : vector<16xi32>
      %parallel_loop3A_192 = arith.constant 15 : i32
      %parallel_loop3A_193 = vector.broadcast %parallel_loop3A_192 : i32 to vector<16xi32>
      %parallel_loop3A_194 = arith.andi %parallel_loop3A_191, %parallel_loop3A_193 : vector<16xi32>
      %parallel_loop3A_195 = arith.constant 0 : i32
      %parallel_loop3A_196 = vector.broadcast %parallel_loop3A_195 : i32 to vector<16xi32>
      %parallel_loop3A_197 = arith.cmpi slt, %parallel_loop3A_194, %parallel_loop3A_196 : vector<16xi32>
      %parallel_loop3A_198 = arith.constant 16 : i32
      %parallel_loop3A_199 = vector.broadcast %parallel_loop3A_198 : i32 to vector<16xi32>
      %parallel_loop3A_200 = arith.addi %parallel_loop3A_194, %parallel_loop3A_199 : vector<16xi32>
      %parallel_loop3A_201 = arith.select %parallel_loop3A_197, %parallel_loop3A_200, %parallel_loop3A_194 : vector<16xi1>, vector<16xi32>
      %parallel_loop3A_202 = vector.shape_cast %parallel_loop3A_201 : vector<16xi32> to vector<16x1xi32>
      %parallel_loop3A_203 = vector.shape_cast %parallel_loop3A_202 : vector<16x1xi32> to vector<16xi32>
      %parallel_loop3A_204 = tpu.dynamic_gather %parallel_loop3A_115#1[%parallel_loop3A_203] in [0] : vector<16xf32>, vector<16xi32> -> vector<16xf32>
      %parallel_loop3A_205 = arith.addf %parallel_loop3A_115#1, %parallel_loop3A_204 : vector<16xf32>
      %parallel_loop3A_206 = arith.constant 4 : i32
      %parallel_loop3A_207 = vector.broadcast %parallel_loop3A_206 : i32 to vector<16xi32>
      %parallel_loop3A_208 = arith.addi %parallel_loop3A_188, %parallel_loop3A_207 : vector<16xi32>
      %parallel_loop3A_209 = arith.constant 15 : i32
      %parallel_loop3A_210 = vector.broadcast %parallel_loop3A_209 : i32 to vector<16xi32>
      %parallel_loop3A_211 = arith.andi %parallel_loop3A_208, %parallel_loop3A_210 : vector<16xi32>
      %parallel_loop3A_212 = arith.constant 0 : i32
      %parallel_loop3A_213 = vector.broadcast %parallel_loop3A_212 : i32 to vector<16xi32>
      %parallel_loop3A_214 = arith.cmpi slt, %parallel_loop3A_211, %parallel_loop3A_213 : vector<16xi32>
      %parallel_loop3A_215 = arith.constant 16 : i32
      %parallel_loop3A_216 = vector.broadcast %parallel_loop3A_215 : i32 to vector<16xi32>
      %parallel_loop3A_217 = arith.addi %parallel_loop3A_211, %parallel_loop3A_216 : vector<16xi32>
      %parallel_loop3A_218 = arith.select %parallel_loop3A_214, %parallel_loop3A_217, %parallel_loop3A_211 : vector<16xi1>, vector<16xi32>
      %parallel_loop3A_219 = vector.shape_cast %parallel_loop3A_218 : vector<16xi32> to vector<16x1xi32>
      %parallel_loop3A_220 = vector.shape_cast %parallel_loop3A_219 : vector<16x1xi32> to vector<16xi32>
      %parallel_loop3A_221 = tpu.dynamic_gather %parallel_loop3A_205[%parallel_loop3A_220] in [0] : vector<16xf32>, vector<16xi32> -> vector<16xf32>
      %parallel_loop3A_222 = arith.addf %parallel_loop3A_205, %parallel_loop3A_221 : vector<16xf32>
      %parallel_loop3A_223 = arith.constant 2 : i32
      %parallel_loop3A_224 = vector.broadcast %parallel_loop3A_223 : i32 to vector<16xi32>
      %parallel_loop3A_225 = arith.addi %parallel_loop3A_188, %parallel_loop3A_224 : vector<16xi32>
      %parallel_loop3A_226 = arith.constant 15 : i32
      %parallel_loop3A_227 = vector.broadcast %parallel_loop3A_226 : i32 to vector<16xi32>
      %parallel_loop3A_228 = arith.andi %parallel_loop3A_225, %parallel_loop3A_227 : vector<16xi32>
      %parallel_loop3A_229 = arith.constant 0 : i32
      %parallel_loop3A_230 = vector.broadcast %parallel_loop3A_229 : i32 to vector<16xi32>
      %parallel_loop3A_231 = arith.cmpi slt, %parallel_loop3A_228, %parallel_loop3A_230 : vector<16xi32>
      %parallel_loop3A_232 = arith.constant 16 : i32
      %parallel_loop3A_233 = vector.broadcast %parallel_loop3A_232 : i32 to vector<16xi32>
      %parallel_loop3A_234 = arith.addi %parallel_loop3A_228, %parallel_loop3A_233 : vector<16xi32>
      %parallel_loop3A_235 = arith.select %parallel_loop3A_231, %parallel_loop3A_234, %parallel_loop3A_228 : vector<16xi1>, vector<16xi32>
      %parallel_loop3A_236 = vector.shape_cast %parallel_loop3A_235 : vector<16xi32> to vector<16x1xi32>
      %parallel_loop3A_237 = vector.shape_cast %parallel_loop3A_236 : vector<16x1xi32> to vector<16xi32>
      %parallel_loop3A_238 = tpu.dynamic_gather %parallel_loop3A_222[%parallel_loop3A_237] in [0] : vector<16xf32>, vector<16xi32> -> vector<16xf32>
      %parallel_loop3A_239 = arith.addf %parallel_loop3A_222, %parallel_loop3A_238 : vector<16xf32>
      %parallel_loop3A_240 = arith.constant 1 : i32
      %parallel_loop3A_241 = vector.broadcast %parallel_loop3A_240 : i32 to vector<16xi32>
      %parallel_loop3A_242 = arith.addi %parallel_loop3A_188, %parallel_loop3A_241 : vector<16xi32>
      %parallel_loop3A_243 = arith.constant 15 : i32
      %parallel_loop3A_244 = vector.broadcast %parallel_loop3A_243 : i32 to vector<16xi32>
      %parallel_loop3A_245 = arith.andi %parallel_loop3A_242, %parallel_loop3A_244 : vector<16xi32>
      %parallel_loop3A_246 = arith.constant 0 : i32
      %parallel_loop3A_247 = vector.broadcast %parallel_loop3A_246 : i32 to vector<16xi32>
      %parallel_loop3A_248 = arith.cmpi slt, %parallel_loop3A_245, %parallel_loop3A_247 : vector<16xi32>
      %parallel_loop3A_249 = arith.constant 16 : i32
      %parallel_loop3A_250 = vector.broadcast %parallel_loop3A_249 : i32 to vector<16xi32>
      %parallel_loop3A_251 = arith.addi %parallel_loop3A_245, %parallel_loop3A_250 : vector<16xi32>
      %parallel_loop3A_252 = arith.select %parallel_loop3A_248, %parallel_loop3A_251, %parallel_loop3A_245 : vector<16xi1>, vector<16xi32>
      %parallel_loop3A_253 = vector.shape_cast %parallel_loop3A_252 : vector<16xi32> to vector<16x1xi32>
      %parallel_loop3A_254 = vector.shape_cast %parallel_loop3A_253 : vector<16x1xi32> to vector<16xi32>
      %parallel_loop3A_255 = tpu.dynamic_gather %parallel_loop3A_239[%parallel_loop3A_254] in [0] : vector<16xf32>, vector<16xi32> -> vector<16xf32>
      %parallel_loop3A_256 = arith.addf %parallel_loop3A_239, %parallel_loop3A_255 : vector<16xf32>
      %parallel_loop3A_257 = arith.constant 0.00130208337 : f32
      %parallel_loop3A_258 = vector.broadcast %parallel_loop3A_257 : f32 to vector<16xf32>
      %parallel_loop3A_259 = arith.mulf %parallel_loop3A_256, %parallel_loop3A_258 : vector<16xf32>
      %parallel_loop3A_260 = arith.mulf %parallel_loop3A_187, %parallel_loop3A_187 : vector<16xf32>
      %parallel_loop3A_261 = arith.subf %parallel_loop3A_259, %parallel_loop3A_260 : vector<16xf32>
      %parallel_loop3A_262 = arith.constant 1.000000e-07 : f32
      %parallel_loop3A_263 = vector.broadcast %parallel_loop3A_262 : f32 to vector<16xf32>
      %parallel_loop3A_264 = arith.addf %parallel_loop3A_261, %parallel_loop3A_263 : vector<16xf32>
      %parallel_loop3A_265 = tpu.bitcast %parallel_loop3A_264 : vector<16xf32> -> vector<16xi32>
      %parallel_loop3A_266 = arith.constant 1 : i32
      %parallel_loop3A_267 = vector.broadcast %parallel_loop3A_266 : i32 to vector<16xi32>
      %parallel_loop3A_268 = arith.shrsi %parallel_loop3A_265, %parallel_loop3A_267 : vector<16xi32>
      %parallel_loop3A_269 = arith.constant 1597463007 : i32
      %parallel_loop3A_270 = vector.broadcast %parallel_loop3A_269 : i32 to vector<16xi32>
      %parallel_loop3A_271 = arith.subi %parallel_loop3A_270, %parallel_loop3A_268 : vector<16xi32>
      %parallel_loop3A_272 = tpu.bitcast %parallel_loop3A_271 : vector<16xi32> -> vector<16xf32>
      %parallel_loop3A_273 = arith.constant 5.000000e-01 : f32
      %parallel_loop3A_274 = vector.broadcast %parallel_loop3A_273 : f32 to vector<16xf32>
      %parallel_loop3A_275 = arith.mulf %parallel_loop3A_274, %parallel_loop3A_264 : vector<16xf32>
      %parallel_loop3A_276 = arith.mulf %parallel_loop3A_275, %parallel_loop3A_272 : vector<16xf32>
      %parallel_loop3A_277 = arith.mulf %parallel_loop3A_276, %parallel_loop3A_272 : vector<16xf32>
      %parallel_loop3A_278 = arith.constant 1.500000e+00 : f32
      %parallel_loop3A_279 = vector.broadcast %parallel_loop3A_278 : f32 to vector<16xf32>
      %parallel_loop3A_280 = arith.subf %parallel_loop3A_279, %parallel_loop3A_277 : vector<16xf32>
      %parallel_loop3A_281 = arith.mulf %parallel_loop3A_272, %parallel_loop3A_280 : vector<16xf32>
      %parallel_loop3A_282 = arith.constant 5.000000e-01 : f32
      %parallel_loop3A_283 = vector.broadcast %parallel_loop3A_282 : f32 to vector<16xf32>
      %parallel_loop3A_284 = arith.mulf %parallel_loop3A_283, %parallel_loop3A_264 : vector<16xf32>
      %parallel_loop3A_285 = arith.mulf %parallel_loop3A_284, %parallel_loop3A_281 : vector<16xf32>
      %parallel_loop3A_286 = arith.mulf %parallel_loop3A_285, %parallel_loop3A_281 : vector<16xf32>
      %parallel_loop3A_287 = arith.constant 1.500000e+00 : f32
      %parallel_loop3A_288 = vector.broadcast %parallel_loop3A_287 : f32 to vector<16xf32>
      %parallel_loop3A_289 = arith.subf %parallel_loop3A_288, %parallel_loop3A_286 : vector<16xf32>
      %parallel_loop3A_290 = arith.mulf %parallel_loop3A_281, %parallel_loop3A_289 : vector<16xf32>
      %parallel_loop3A_291 = arith.constant 5.000000e-01 : f32
      %parallel_loop3A_292 = vector.broadcast %parallel_loop3A_291 : f32 to vector<16xf32>
      %parallel_loop3A_293 = arith.mulf %parallel_loop3A_292, %parallel_loop3A_264 : vector<16xf32>
      %parallel_loop3A_294 = arith.mulf %parallel_loop3A_293, %parallel_loop3A_290 : vector<16xf32>
      %parallel_loop3A_295 = arith.mulf %parallel_loop3A_294, %parallel_loop3A_290 : vector<16xf32>
      %parallel_loop3A_296 = arith.constant 1.500000e+00 : f32
      %parallel_loop3A_297 = vector.broadcast %parallel_loop3A_296 : f32 to vector<16xf32>
      %parallel_loop3A_298 = arith.subf %parallel_loop3A_297, %parallel_loop3A_295 : vector<16xf32>
      %parallel_loop3A_299 = arith.mulf %parallel_loop3A_290, %parallel_loop3A_298 : vector<16xf32>
      %parallel_loop3A_300 = arith.mulf %parallel_loop3A_187, %parallel_loop3A_299 : vector<16xf32>
      %parallel_loop3A_301 = tpu.iota {dimensions = array<i32: 0>} : vector<16xi32>
      %parallel_loop3A_302 = arith.constant 8 : i32
      %parallel_loop3A_303 = vector.broadcast %parallel_loop3A_302 : i32 to vector<16xi32>
      %parallel_loop3A_304 = arith.addi %parallel_loop3A_301, %parallel_loop3A_303 : vector<16xi32>
      %parallel_loop3A_305 = arith.constant 15 : i32
      %parallel_loop3A_306 = vector.broadcast %parallel_loop3A_305 : i32 to vector<16xi32>
      %parallel_loop3A_307 = arith.andi %parallel_loop3A_304, %parallel_loop3A_306 : vector<16xi32>
      %parallel_loop3A_308 = arith.constant 0 : i32
      %parallel_loop3A_309 = vector.broadcast %parallel_loop3A_308 : i32 to vector<16xi32>
      %parallel_loop3A_310 = arith.cmpi slt, %parallel_loop3A_307, %parallel_loop3A_309 : vector<16xi32>
      %parallel_loop3A_311 = arith.constant 16 : i32
      %parallel_loop3A_312 = vector.broadcast %parallel_loop3A_311 : i32 to vector<16xi32>
      %parallel_loop3A_313 = arith.addi %parallel_loop3A_307, %parallel_loop3A_312 : vector<16xi32>
      %parallel_loop3A_314 = arith.select %parallel_loop3A_310, %parallel_loop3A_313, %parallel_loop3A_307 : vector<16xi1>, vector<16xi32>
      %parallel_loop3A_315 = vector.shape_cast %parallel_loop3A_314 : vector<16xi32> to vector<16x1xi32>
      %parallel_loop3A_316 = vector.shape_cast %parallel_loop3A_315 : vector<16x1xi32> to vector<16xi32>
      %parallel_loop3A_317 = tpu.dynamic_gather %parallel_loop3A_115#2[%parallel_loop3A_316] in [0] : vector<16xf32>, vector<16xi32> -> vector<16xf32>
      %parallel_loop3A_318 = arith.addf %parallel_loop3A_115#2, %parallel_loop3A_317 : vector<16xf32>
      %parallel_loop3A_319 = arith.constant 4 : i32
      %parallel_loop3A_320 = vector.broadcast %parallel_loop3A_319 : i32 to vector<16xi32>
      %parallel_loop3A_321 = arith.addi %parallel_loop3A_301, %parallel_loop3A_320 : vector<16xi32>
      %parallel_loop3A_322 = arith.constant 15 : i32
      %parallel_loop3A_323 = vector.broadcast %parallel_loop3A_322 : i32 to vector<16xi32>
      %parallel_loop3A_324 = arith.andi %parallel_loop3A_321, %parallel_loop3A_323 : vector<16xi32>
      %parallel_loop3A_325 = arith.constant 0 : i32
      %parallel_loop3A_326 = vector.broadcast %parallel_loop3A_325 : i32 to vector<16xi32>
      %parallel_loop3A_327 = arith.cmpi slt, %parallel_loop3A_324, %parallel_loop3A_326 : vector<16xi32>
      %parallel_loop3A_328 = arith.constant 16 : i32
      %parallel_loop3A_329 = vector.broadcast %parallel_loop3A_328 : i32 to vector<16xi32>
      %parallel_loop3A_330 = arith.addi %parallel_loop3A_324, %parallel_loop3A_329 : vector<16xi32>
      %parallel_loop3A_331 = arith.select %parallel_loop3A_327, %parallel_loop3A_330, %parallel_loop3A_324 : vector<16xi1>, vector<16xi32>
      %parallel_loop3A_332 = vector.shape_cast %parallel_loop3A_331 : vector<16xi32> to vector<16x1xi32>
      %parallel_loop3A_333 = vector.shape_cast %parallel_loop3A_332 : vector<16x1xi32> to vector<16xi32>
      %parallel_loop3A_334 = tpu.dynamic_gather %parallel_loop3A_318[%parallel_loop3A_333] in [0] : vector<16xf32>, vector<16xi32> -> vector<16xf32>
      %parallel_loop3A_335 = arith.addf %parallel_loop3A_318, %parallel_loop3A_334 : vector<16xf32>
      %parallel_loop3A_336 = arith.constant 2 : i32
      %parallel_loop3A_337 = vector.broadcast %parallel_loop3A_336 : i32 to vector<16xi32>
      %parallel_loop3A_338 = arith.addi %parallel_loop3A_301, %parallel_loop3A_337 : vector<16xi32>
      %parallel_loop3A_339 = arith.constant 15 : i32
      %parallel_loop3A_340 = vector.broadcast %parallel_loop3A_339 : i32 to vector<16xi32>
      %parallel_loop3A_341 = arith.andi %parallel_loop3A_338, %parallel_loop3A_340 : vector<16xi32>
      %parallel_loop3A_342 = arith.constant 0 : i32
      %parallel_loop3A_343 = vector.broadcast %parallel_loop3A_342 : i32 to vector<16xi32>
      %parallel_loop3A_344 = arith.cmpi slt, %parallel_loop3A_341, %parallel_loop3A_343 : vector<16xi32>
      %parallel_loop3A_345 = arith.constant 16 : i32
      %parallel_loop3A_346 = vector.broadcast %parallel_loop3A_345 : i32 to vector<16xi32>
      %parallel_loop3A_347 = arith.addi %parallel_loop3A_341, %parallel_loop3A_346 : vector<16xi32>
      %parallel_loop3A_348 = arith.select %parallel_loop3A_344, %parallel_loop3A_347, %parallel_loop3A_341 : vector<16xi1>, vector<16xi32>
      %parallel_loop3A_349 = vector.shape_cast %parallel_loop3A_348 : vector<16xi32> to vector<16x1xi32>
      %parallel_loop3A_350 = vector.shape_cast %parallel_loop3A_349 : vector<16x1xi32> to vector<16xi32>
      %parallel_loop3A_351 = tpu.dynamic_gather %parallel_loop3A_335[%parallel_loop3A_350] in [0] : vector<16xf32>, vector<16xi32> -> vector<16xf32>
      %parallel_loop3A_352 = arith.addf %parallel_loop3A_335, %parallel_loop3A_351 : vector<16xf32>
      %parallel_loop3A_353 = arith.constant 1 : i32
      %parallel_loop3A_354 = vector.broadcast %parallel_loop3A_353 : i32 to vector<16xi32>
      %parallel_loop3A_355 = arith.addi %parallel_loop3A_301, %parallel_loop3A_354 : vector<16xi32>
      %parallel_loop3A_356 = arith.constant 15 : i32
      %parallel_loop3A_357 = vector.broadcast %parallel_loop3A_356 : i32 to vector<16xi32>
      %parallel_loop3A_358 = arith.andi %parallel_loop3A_355, %parallel_loop3A_357 : vector<16xi32>
      %parallel_loop3A_359 = arith.constant 0 : i32
      %parallel_loop3A_360 = vector.broadcast %parallel_loop3A_359 : i32 to vector<16xi32>
      %parallel_loop3A_361 = arith.cmpi slt, %parallel_loop3A_358, %parallel_loop3A_360 : vector<16xi32>
      %parallel_loop3A_362 = arith.constant 16 : i32
      %parallel_loop3A_363 = vector.broadcast %parallel_loop3A_362 : i32 to vector<16xi32>
      %parallel_loop3A_364 = arith.addi %parallel_loop3A_358, %parallel_loop3A_363 : vector<16xi32>
      %parallel_loop3A_365 = arith.select %parallel_loop3A_361, %parallel_loop3A_364, %parallel_loop3A_358 : vector<16xi1>, vector<16xi32>
      %parallel_loop3A_366 = vector.shape_cast %parallel_loop3A_365 : vector<16xi32> to vector<16x1xi32>
      %parallel_loop3A_367 = vector.shape_cast %parallel_loop3A_366 : vector<16x1xi32> to vector<16xi32>
      %parallel_loop3A_368 = tpu.dynamic_gather %parallel_loop3A_352[%parallel_loop3A_367] in [0] : vector<16xf32>, vector<16xi32> -> vector<16xf32>
      %parallel_loop3A_369 = arith.addf %parallel_loop3A_352, %parallel_loop3A_368 : vector<16xf32>
      %parallel_loop3A_370 = arith.constant 0.00130208337 : f32
      %parallel_loop3A_371 = vector.broadcast %parallel_loop3A_370 : f32 to vector<16xf32>
      %parallel_loop3A_372 = arith.mulf %parallel_loop3A_369, %parallel_loop3A_371 : vector<16xf32>
      %parallel_loop3A_373 = tpu.iota {dimensions = array<i32: 0>} : vector<16xi32>
      %parallel_loop3A_374 = arith.constant 8 : i32
      %parallel_loop3A_375 = vector.broadcast %parallel_loop3A_374 : i32 to vector<16xi32>
      %parallel_loop3A_376 = arith.addi %parallel_loop3A_373, %parallel_loop3A_375 : vector<16xi32>
      %parallel_loop3A_377 = arith.constant 15 : i32
      %parallel_loop3A_378 = vector.broadcast %parallel_loop3A_377 : i32 to vector<16xi32>
      %parallel_loop3A_379 = arith.andi %parallel_loop3A_376, %parallel_loop3A_378 : vector<16xi32>
      %parallel_loop3A_380 = arith.constant 0 : i32
      %parallel_loop3A_381 = vector.broadcast %parallel_loop3A_380 : i32 to vector<16xi32>
      %parallel_loop3A_382 = arith.cmpi slt, %parallel_loop3A_379, %parallel_loop3A_381 : vector<16xi32>
      %parallel_loop3A_383 = arith.constant 16 : i32
      %parallel_loop3A_384 = vector.broadcast %parallel_loop3A_383 : i32 to vector<16xi32>
      %parallel_loop3A_385 = arith.addi %parallel_loop3A_379, %parallel_loop3A_384 : vector<16xi32>
      %parallel_loop3A_386 = arith.select %parallel_loop3A_382, %parallel_loop3A_385, %parallel_loop3A_379 : vector<16xi1>, vector<16xi32>
      %parallel_loop3A_387 = vector.shape_cast %parallel_loop3A_386 : vector<16xi32> to vector<16x1xi32>
      %parallel_loop3A_388 = vector.shape_cast %parallel_loop3A_387 : vector<16x1xi32> to vector<16xi32>
      %parallel_loop3A_389 = tpu.dynamic_gather %parallel_loop3A_115#3[%parallel_loop3A_388] in [0] : vector<16xf32>, vector<16xi32> -> vector<16xf32>
      %parallel_loop3A_390 = arith.addf %parallel_loop3A_115#3, %parallel_loop3A_389 : vector<16xf32>
      %parallel_loop3A_391 = arith.constant 4 : i32
      %parallel_loop3A_392 = vector.broadcast %parallel_loop3A_391 : i32 to vector<16xi32>
      %parallel_loop3A_393 = arith.addi %parallel_loop3A_373, %parallel_loop3A_392 : vector<16xi32>
      %parallel_loop3A_394 = arith.constant 15 : i32
      %parallel_loop3A_395 = vector.broadcast %parallel_loop3A_394 : i32 to vector<16xi32>
      %parallel_loop3A_396 = arith.andi %parallel_loop3A_393, %parallel_loop3A_395 : vector<16xi32>
      %parallel_loop3A_397 = arith.constant 0 : i32
      %parallel_loop3A_398 = vector.broadcast %parallel_loop3A_397 : i32 to vector<16xi32>
      %parallel_loop3A_399 = arith.cmpi slt, %parallel_loop3A_396, %parallel_loop3A_398 : vector<16xi32>
      %parallel_loop3A_400 = arith.constant 16 : i32
      %parallel_loop3A_401 = vector.broadcast %parallel_loop3A_400 : i32 to vector<16xi32>
      %parallel_loop3A_402 = arith.addi %parallel_loop3A_396, %parallel_loop3A_401 : vector<16xi32>
      %parallel_loop3A_403 = arith.select %parallel_loop3A_399, %parallel_loop3A_402, %parallel_loop3A_396 : vector<16xi1>, vector<16xi32>
      %parallel_loop3A_404 = vector.shape_cast %parallel_loop3A_403 : vector<16xi32> to vector<16x1xi32>
      %parallel_loop3A_405 = vector.shape_cast %parallel_loop3A_404 : vector<16x1xi32> to vector<16xi32>
      %parallel_loop3A_406 = tpu.dynamic_gather %parallel_loop3A_390[%parallel_loop3A_405] in [0] : vector<16xf32>, vector<16xi32> -> vector<16xf32>
      %parallel_loop3A_407 = arith.addf %parallel_loop3A_390, %parallel_loop3A_406 : vector<16xf32>
      %parallel_loop3A_408 = arith.constant 2 : i32
      %parallel_loop3A_409 = vector.broadcast %parallel_loop3A_408 : i32 to vector<16xi32>
      %parallel_loop3A_410 = arith.addi %parallel_loop3A_373, %parallel_loop3A_409 : vector<16xi32>
      %parallel_loop3A_411 = arith.constant 15 : i32
      %parallel_loop3A_412 = vector.broadcast %parallel_loop3A_411 : i32 to vector<16xi32>
      %parallel_loop3A_413 = arith.andi %parallel_loop3A_410, %parallel_loop3A_412 : vector<16xi32>
      %parallel_loop3A_414 = arith.constant 0 : i32
      %parallel_loop3A_415 = vector.broadcast %parallel_loop3A_414 : i32 to vector<16xi32>
      %parallel_loop3A_416 = arith.cmpi slt, %parallel_loop3A_413, %parallel_loop3A_415 : vector<16xi32>
      %parallel_loop3A_417 = arith.constant 16 : i32
      %parallel_loop3A_418 = vector.broadcast %parallel_loop3A_417 : i32 to vector<16xi32>
      %parallel_loop3A_419 = arith.addi %parallel_loop3A_413, %parallel_loop3A_418 : vector<16xi32>
      %parallel_loop3A_420 = arith.select %parallel_loop3A_416, %parallel_loop3A_419, %parallel_loop3A_413 : vector<16xi1>, vector<16xi32>
      %parallel_loop3A_421 = vector.shape_cast %parallel_loop3A_420 : vector<16xi32> to vector<16x1xi32>
      %parallel_loop3A_422 = vector.shape_cast %parallel_loop3A_421 : vector<16x1xi32> to vector<16xi32>
      %parallel_loop3A_423 = tpu.dynamic_gather %parallel_loop3A_407[%parallel_loop3A_422] in [0] : vector<16xf32>, vector<16xi32> -> vector<16xf32>
      %parallel_loop3A_424 = arith.addf %parallel_loop3A_407, %parallel_loop3A_423 : vector<16xf32>
      %parallel_loop3A_425 = arith.constant 1 : i32
      %parallel_loop3A_426 = vector.broadcast %parallel_loop3A_425 : i32 to vector<16xi32>
      %parallel_loop3A_427 = arith.addi %parallel_loop3A_373, %parallel_loop3A_426 : vector<16xi32>
      %parallel_loop3A_428 = arith.constant 15 : i32
      %parallel_loop3A_429 = vector.broadcast %parallel_loop3A_428 : i32 to vector<16xi32>
      %parallel_loop3A_430 = arith.andi %parallel_loop3A_427, %parallel_loop3A_429 : vector<16xi32>
      %parallel_loop3A_431 = arith.constant 0 : i32
      %parallel_loop3A_432 = vector.broadcast %parallel_loop3A_431 : i32 to vector<16xi32>
      %parallel_loop3A_433 = arith.cmpi slt, %parallel_loop3A_430, %parallel_loop3A_432 : vector<16xi32>
      %parallel_loop3A_434 = arith.constant 16 : i32
      %parallel_loop3A_435 = vector.broadcast %parallel_loop3A_434 : i32 to vector<16xi32>
      %parallel_loop3A_436 = arith.addi %parallel_loop3A_430, %parallel_loop3A_435 : vector<16xi32>
      %parallel_loop3A_437 = arith.select %parallel_loop3A_433, %parallel_loop3A_436, %parallel_loop3A_430 : vector<16xi1>, vector<16xi32>
      %parallel_loop3A_438 = vector.shape_cast %parallel_loop3A_437 : vector<16xi32> to vector<16x1xi32>
      %parallel_loop3A_439 = vector.shape_cast %parallel_loop3A_438 : vector<16x1xi32> to vector<16xi32>
      %parallel_loop3A_440 = tpu.dynamic_gather %parallel_loop3A_424[%parallel_loop3A_439] in [0] : vector<16xf32>, vector<16xi32> -> vector<16xf32>
      %parallel_loop3A_441 = arith.addf %parallel_loop3A_424, %parallel_loop3A_440 : vector<16xf32>
      %parallel_loop3A_442 = arith.constant 0.00130208337 : f32
      %parallel_loop3A_443 = vector.broadcast %parallel_loop3A_442 : f32 to vector<16xf32>
      %parallel_loop3A_444 = arith.mulf %parallel_loop3A_441, %parallel_loop3A_443 : vector<16xf32>
      %parallel_loop3A_445 = arith.mulf %parallel_loop3A_372, %parallel_loop3A_372 : vector<16xf32>
      %parallel_loop3A_446 = arith.subf %parallel_loop3A_444, %parallel_loop3A_445 : vector<16xf32>
      %parallel_loop3A_447 = arith.constant 1.000000e-07 : f32
      %parallel_loop3A_448 = vector.broadcast %parallel_loop3A_447 : f32 to vector<16xf32>
      %parallel_loop3A_449 = arith.addf %parallel_loop3A_446, %parallel_loop3A_448 : vector<16xf32>
      %parallel_loop3A_450 = tpu.bitcast %parallel_loop3A_449 : vector<16xf32> -> vector<16xi32>
      %parallel_loop3A_451 = arith.constant 1 : i32
      %parallel_loop3A_452 = vector.broadcast %parallel_loop3A_451 : i32 to vector<16xi32>
      %parallel_loop3A_453 = arith.shrsi %parallel_loop3A_450, %parallel_loop3A_452 : vector<16xi32>
      %parallel_loop3A_454 = arith.constant 1597463007 : i32
      %parallel_loop3A_455 = vector.broadcast %parallel_loop3A_454 : i32 to vector<16xi32>
      %parallel_loop3A_456 = arith.subi %parallel_loop3A_455, %parallel_loop3A_453 : vector<16xi32>
      %parallel_loop3A_457 = tpu.bitcast %parallel_loop3A_456 : vector<16xi32> -> vector<16xf32>
      %parallel_loop3A_458 = arith.constant 5.000000e-01 : f32
      %parallel_loop3A_459 = vector.broadcast %parallel_loop3A_458 : f32 to vector<16xf32>
      %parallel_loop3A_460 = arith.mulf %parallel_loop3A_459, %parallel_loop3A_449 : vector<16xf32>
      %parallel_loop3A_461 = arith.mulf %parallel_loop3A_460, %parallel_loop3A_457 : vector<16xf32>
      %parallel_loop3A_462 = arith.mulf %parallel_loop3A_461, %parallel_loop3A_457 : vector<16xf32>
      %parallel_loop3A_463 = arith.constant 1.500000e+00 : f32
      %parallel_loop3A_464 = vector.broadcast %parallel_loop3A_463 : f32 to vector<16xf32>
      %parallel_loop3A_465 = arith.subf %parallel_loop3A_464, %parallel_loop3A_462 : vector<16xf32>
      %parallel_loop3A_466 = arith.mulf %parallel_loop3A_457, %parallel_loop3A_465 : vector<16xf32>
      %parallel_loop3A_467 = arith.constant 5.000000e-01 : f32
      %parallel_loop3A_468 = vector.broadcast %parallel_loop3A_467 : f32 to vector<16xf32>
      %parallel_loop3A_469 = arith.mulf %parallel_loop3A_468, %parallel_loop3A_449 : vector<16xf32>
      %parallel_loop3A_470 = arith.mulf %parallel_loop3A_469, %parallel_loop3A_466 : vector<16xf32>
      %parallel_loop3A_471 = arith.mulf %parallel_loop3A_470, %parallel_loop3A_466 : vector<16xf32>
      %parallel_loop3A_472 = arith.constant 1.500000e+00 : f32
      %parallel_loop3A_473 = vector.broadcast %parallel_loop3A_472 : f32 to vector<16xf32>
      %parallel_loop3A_474 = arith.subf %parallel_loop3A_473, %parallel_loop3A_471 : vector<16xf32>
      %parallel_loop3A_475 = arith.mulf %parallel_loop3A_466, %parallel_loop3A_474 : vector<16xf32>
      %parallel_loop3A_476 = arith.constant 5.000000e-01 : f32
      %parallel_loop3A_477 = vector.broadcast %parallel_loop3A_476 : f32 to vector<16xf32>
      %parallel_loop3A_478 = arith.mulf %parallel_loop3A_477, %parallel_loop3A_449 : vector<16xf32>
      %parallel_loop3A_479 = arith.mulf %parallel_loop3A_478, %parallel_loop3A_475 : vector<16xf32>
      %parallel_loop3A_480 = arith.mulf %parallel_loop3A_479, %parallel_loop3A_475 : vector<16xf32>
      %parallel_loop3A_481 = arith.constant 1.500000e+00 : f32
      %parallel_loop3A_482 = vector.broadcast %parallel_loop3A_481 : f32 to vector<16xf32>
      %parallel_loop3A_483 = arith.subf %parallel_loop3A_482, %parallel_loop3A_480 : vector<16xf32>
      %parallel_loop3A_484 = arith.mulf %parallel_loop3A_475, %parallel_loop3A_483 : vector<16xf32>
      %parallel_loop3A_485 = arith.mulf %parallel_loop3A_372, %parallel_loop3A_484 : vector<16xf32>
      %parallel_loop3A_486 = tpu.iota {dimensions = array<i32: 0>} : vector<16xi32>
      %parallel_loop3A_487 = arith.constant 8 : i32
      %parallel_loop3A_488 = vector.broadcast %parallel_loop3A_487 : i32 to vector<16xi32>
      %parallel_loop3A_489 = arith.addi %parallel_loop3A_486, %parallel_loop3A_488 : vector<16xi32>
      %parallel_loop3A_490 = arith.constant 15 : i32
      %parallel_loop3A_491 = vector.broadcast %parallel_loop3A_490 : i32 to vector<16xi32>
      %parallel_loop3A_492 = arith.andi %parallel_loop3A_489, %parallel_loop3A_491 : vector<16xi32>
      %parallel_loop3A_493 = arith.constant 0 : i32
      %parallel_loop3A_494 = vector.broadcast %parallel_loop3A_493 : i32 to vector<16xi32>
      %parallel_loop3A_495 = arith.cmpi slt, %parallel_loop3A_492, %parallel_loop3A_494 : vector<16xi32>
      %parallel_loop3A_496 = arith.constant 16 : i32
      %parallel_loop3A_497 = vector.broadcast %parallel_loop3A_496 : i32 to vector<16xi32>
      %parallel_loop3A_498 = arith.addi %parallel_loop3A_492, %parallel_loop3A_497 : vector<16xi32>
      %parallel_loop3A_499 = arith.select %parallel_loop3A_495, %parallel_loop3A_498, %parallel_loop3A_492 : vector<16xi1>, vector<16xi32>
      %parallel_loop3A_500 = vector.shape_cast %parallel_loop3A_499 : vector<16xi32> to vector<16x1xi32>
      %parallel_loop3A_501 = vector.shape_cast %parallel_loop3A_500 : vector<16x1xi32> to vector<16xi32>
      %parallel_loop3A_502 = tpu.dynamic_gather %parallel_loop3A_115#4[%parallel_loop3A_501] in [0] : vector<16xf32>, vector<16xi32> -> vector<16xf32>
      %parallel_loop3A_503 = arith.addf %parallel_loop3A_115#4, %parallel_loop3A_502 : vector<16xf32>
      %parallel_loop3A_504 = arith.constant 4 : i32
      %parallel_loop3A_505 = vector.broadcast %parallel_loop3A_504 : i32 to vector<16xi32>
      %parallel_loop3A_506 = arith.addi %parallel_loop3A_486, %parallel_loop3A_505 : vector<16xi32>
      %parallel_loop3A_507 = arith.constant 15 : i32
      %parallel_loop3A_508 = vector.broadcast %parallel_loop3A_507 : i32 to vector<16xi32>
      %parallel_loop3A_509 = arith.andi %parallel_loop3A_506, %parallel_loop3A_508 : vector<16xi32>
      %parallel_loop3A_510 = arith.constant 0 : i32
      %parallel_loop3A_511 = vector.broadcast %parallel_loop3A_510 : i32 to vector<16xi32>
      %parallel_loop3A_512 = arith.cmpi slt, %parallel_loop3A_509, %parallel_loop3A_511 : vector<16xi32>
      %parallel_loop3A_513 = arith.constant 16 : i32
      %parallel_loop3A_514 = vector.broadcast %parallel_loop3A_513 : i32 to vector<16xi32>
      %parallel_loop3A_515 = arith.addi %parallel_loop3A_509, %parallel_loop3A_514 : vector<16xi32>
      %parallel_loop3A_516 = arith.select %parallel_loop3A_512, %parallel_loop3A_515, %parallel_loop3A_509 : vector<16xi1>, vector<16xi32>
      %parallel_loop3A_517 = vector.shape_cast %parallel_loop3A_516 : vector<16xi32> to vector<16x1xi32>
      %parallel_loop3A_518 = vector.shape_cast %parallel_loop3A_517 : vector<16x1xi32> to vector<16xi32>
      %parallel_loop3A_519 = tpu.dynamic_gather %parallel_loop3A_503[%parallel_loop3A_518] in [0] : vector<16xf32>, vector<16xi32> -> vector<16xf32>
      %parallel_loop3A_520 = arith.addf %parallel_loop3A_503, %parallel_loop3A_519 : vector<16xf32>
      %parallel_loop3A_521 = arith.constant 2 : i32
      %parallel_loop3A_522 = vector.broadcast %parallel_loop3A_521 : i32 to vector<16xi32>
      %parallel_loop3A_523 = arith.addi %parallel_loop3A_486, %parallel_loop3A_522 : vector<16xi32>
      %parallel_loop3A_524 = arith.constant 15 : i32
      %parallel_loop3A_525 = vector.broadcast %parallel_loop3A_524 : i32 to vector<16xi32>
      %parallel_loop3A_526 = arith.andi %parallel_loop3A_523, %parallel_loop3A_525 : vector<16xi32>
      %parallel_loop3A_527 = arith.constant 0 : i32
      %parallel_loop3A_528 = vector.broadcast %parallel_loop3A_527 : i32 to vector<16xi32>
      %parallel_loop3A_529 = arith.cmpi slt, %parallel_loop3A_526, %parallel_loop3A_528 : vector<16xi32>
      %parallel_loop3A_530 = arith.constant 16 : i32
      %parallel_loop3A_531 = vector.broadcast %parallel_loop3A_530 : i32 to vector<16xi32>
      %parallel_loop3A_532 = arith.addi %parallel_loop3A_526, %parallel_loop3A_531 : vector<16xi32>
      %parallel_loop3A_533 = arith.select %parallel_loop3A_529, %parallel_loop3A_532, %parallel_loop3A_526 : vector<16xi1>, vector<16xi32>
      %parallel_loop3A_534 = vector.shape_cast %parallel_loop3A_533 : vector<16xi32> to vector<16x1xi32>
      %parallel_loop3A_535 = vector.shape_cast %parallel_loop3A_534 : vector<16x1xi32> to vector<16xi32>
      %parallel_loop3A_536 = tpu.dynamic_gather %parallel_loop3A_520[%parallel_loop3A_535] in [0] : vector<16xf32>, vector<16xi32> -> vector<16xf32>
      %parallel_loop3A_537 = arith.addf %parallel_loop3A_520, %parallel_loop3A_536 : vector<16xf32>
      %parallel_loop3A_538 = arith.constant 1 : i32
      %parallel_loop3A_539 = vector.broadcast %parallel_loop3A_538 : i32 to vector<16xi32>
      %parallel_loop3A_540 = arith.addi %parallel_loop3A_486, %parallel_loop3A_539 : vector<16xi32>
      %parallel_loop3A_541 = arith.constant 15 : i32
      %parallel_loop3A_542 = vector.broadcast %parallel_loop3A_541 : i32 to vector<16xi32>
      %parallel_loop3A_543 = arith.andi %parallel_loop3A_540, %parallel_loop3A_542 : vector<16xi32>
      %parallel_loop3A_544 = arith.constant 0 : i32
      %parallel_loop3A_545 = vector.broadcast %parallel_loop3A_544 : i32 to vector<16xi32>
      %parallel_loop3A_546 = arith.cmpi slt, %parallel_loop3A_543, %parallel_loop3A_545 : vector<16xi32>
      %parallel_loop3A_547 = arith.constant 16 : i32
      %parallel_loop3A_548 = vector.broadcast %parallel_loop3A_547 : i32 to vector<16xi32>
      %parallel_loop3A_549 = arith.addi %parallel_loop3A_543, %parallel_loop3A_548 : vector<16xi32>
      %parallel_loop3A_550 = arith.select %parallel_loop3A_546, %parallel_loop3A_549, %parallel_loop3A_543 : vector<16xi1>, vector<16xi32>
      %parallel_loop3A_551 = vector.shape_cast %parallel_loop3A_550 : vector<16xi32> to vector<16x1xi32>
      %parallel_loop3A_552 = vector.shape_cast %parallel_loop3A_551 : vector<16x1xi32> to vector<16xi32>
      %parallel_loop3A_553 = tpu.dynamic_gather %parallel_loop3A_537[%parallel_loop3A_552] in [0] : vector<16xf32>, vector<16xi32> -> vector<16xf32>
      %parallel_loop3A_554 = arith.addf %parallel_loop3A_537, %parallel_loop3A_553 : vector<16xf32>
      %parallel_loop3A_555 = arith.constant 0.00130208337 : f32
      %parallel_loop3A_556 = vector.broadcast %parallel_loop3A_555 : f32 to vector<16xf32>
      %parallel_loop3A_557 = arith.mulf %parallel_loop3A_554, %parallel_loop3A_556 : vector<16xf32>
      %parallel_loop3A_558 = tpu.iota {dimensions = array<i32: 0>} : vector<16xi32>
      %parallel_loop3A_559 = arith.constant 8 : i32
      %parallel_loop3A_560 = vector.broadcast %parallel_loop3A_559 : i32 to vector<16xi32>
      %parallel_loop3A_561 = arith.addi %parallel_loop3A_558, %parallel_loop3A_560 : vector<16xi32>
      %parallel_loop3A_562 = arith.constant 15 : i32
      %parallel_loop3A_563 = vector.broadcast %parallel_loop3A_562 : i32 to vector<16xi32>
      %parallel_loop3A_564 = arith.andi %parallel_loop3A_561, %parallel_loop3A_563 : vector<16xi32>
      %parallel_loop3A_565 = arith.constant 0 : i32
      %parallel_loop3A_566 = vector.broadcast %parallel_loop3A_565 : i32 to vector<16xi32>
      %parallel_loop3A_567 = arith.cmpi slt, %parallel_loop3A_564, %parallel_loop3A_566 : vector<16xi32>
      %parallel_loop3A_568 = arith.constant 16 : i32
      %parallel_loop3A_569 = vector.broadcast %parallel_loop3A_568 : i32 to vector<16xi32>
      %parallel_loop3A_570 = arith.addi %parallel_loop3A_564, %parallel_loop3A_569 : vector<16xi32>
      %parallel_loop3A_571 = arith.select %parallel_loop3A_567, %parallel_loop3A_570, %parallel_loop3A_564 : vector<16xi1>, vector<16xi32>
      %parallel_loop3A_572 = vector.shape_cast %parallel_loop3A_571 : vector<16xi32> to vector<16x1xi32>
      %parallel_loop3A_573 = vector.shape_cast %parallel_loop3A_572 : vector<16x1xi32> to vector<16xi32>
      %parallel_loop3A_574 = tpu.dynamic_gather %parallel_loop3A_115#5[%parallel_loop3A_573] in [0] : vector<16xf32>, vector<16xi32> -> vector<16xf32>
      %parallel_loop3A_575 = arith.addf %parallel_loop3A_115#5, %parallel_loop3A_574 : vector<16xf32>
      %parallel_loop3A_576 = arith.constant 4 : i32
      %parallel_loop3A_577 = vector.broadcast %parallel_loop3A_576 : i32 to vector<16xi32>
      %parallel_loop3A_578 = arith.addi %parallel_loop3A_558, %parallel_loop3A_577 : vector<16xi32>
      %parallel_loop3A_579 = arith.constant 15 : i32
      %parallel_loop3A_580 = vector.broadcast %parallel_loop3A_579 : i32 to vector<16xi32>
      %parallel_loop3A_581 = arith.andi %parallel_loop3A_578, %parallel_loop3A_580 : vector<16xi32>
      %parallel_loop3A_582 = arith.constant 0 : i32
      %parallel_loop3A_583 = vector.broadcast %parallel_loop3A_582 : i32 to vector<16xi32>
      %parallel_loop3A_584 = arith.cmpi slt, %parallel_loop3A_581, %parallel_loop3A_583 : vector<16xi32>
      %parallel_loop3A_585 = arith.constant 16 : i32
      %parallel_loop3A_586 = vector.broadcast %parallel_loop3A_585 : i32 to vector<16xi32>
      %parallel_loop3A_587 = arith.addi %parallel_loop3A_581, %parallel_loop3A_586 : vector<16xi32>
      %parallel_loop3A_588 = arith.select %parallel_loop3A_584, %parallel_loop3A_587, %parallel_loop3A_581 : vector<16xi1>, vector<16xi32>
      %parallel_loop3A_589 = vector.shape_cast %parallel_loop3A_588 : vector<16xi32> to vector<16x1xi32>
      %parallel_loop3A_590 = vector.shape_cast %parallel_loop3A_589 : vector<16x1xi32> to vector<16xi32>
      %parallel_loop3A_591 = tpu.dynamic_gather %parallel_loop3A_575[%parallel_loop3A_590] in [0] : vector<16xf32>, vector<16xi32> -> vector<16xf32>
      %parallel_loop3A_592 = arith.addf %parallel_loop3A_575, %parallel_loop3A_591 : vector<16xf32>
      %parallel_loop3A_593 = arith.constant 2 : i32
      %parallel_loop3A_594 = vector.broadcast %parallel_loop3A_593 : i32 to vector<16xi32>
      %parallel_loop3A_595 = arith.addi %parallel_loop3A_558, %parallel_loop3A_594 : vector<16xi32>
      %parallel_loop3A_596 = arith.constant 15 : i32
      %parallel_loop3A_597 = vector.broadcast %parallel_loop3A_596 : i32 to vector<16xi32>
      %parallel_loop3A_598 = arith.andi %parallel_loop3A_595, %parallel_loop3A_597 : vector<16xi32>
      %parallel_loop3A_599 = arith.constant 0 : i32
      %parallel_loop3A_600 = vector.broadcast %parallel_loop3A_599 : i32 to vector<16xi32>
      %parallel_loop3A_601 = arith.cmpi slt, %parallel_loop3A_598, %parallel_loop3A_600 : vector<16xi32>
      %parallel_loop3A_602 = arith.constant 16 : i32
      %parallel_loop3A_603 = vector.broadcast %parallel_loop3A_602 : i32 to vector<16xi32>
      %parallel_loop3A_604 = arith.addi %parallel_loop3A_598, %parallel_loop3A_603 : vector<16xi32>
      %parallel_loop3A_605 = arith.select %parallel_loop3A_601, %parallel_loop3A_604, %parallel_loop3A_598 : vector<16xi1>, vector<16xi32>
      %parallel_loop3A_606 = vector.shape_cast %parallel_loop3A_605 : vector<16xi32> to vector<16x1xi32>
      %parallel_loop3A_607 = vector.shape_cast %parallel_loop3A_606 : vector<16x1xi32> to vector<16xi32>
      %parallel_loop3A_608 = tpu.dynamic_gather %parallel_loop3A_592[%parallel_loop3A_607] in [0] : vector<16xf32>, vector<16xi32> -> vector<16xf32>
      %parallel_loop3A_609 = arith.addf %parallel_loop3A_592, %parallel_loop3A_608 : vector<16xf32>
      %parallel_loop3A_610 = arith.constant 1 : i32
      %parallel_loop3A_611 = vector.broadcast %parallel_loop3A_610 : i32 to vector<16xi32>
      %parallel_loop3A_612 = arith.addi %parallel_loop3A_558, %parallel_loop3A_611 : vector<16xi32>
      %parallel_loop3A_613 = arith.constant 15 : i32
      %parallel_loop3A_614 = vector.broadcast %parallel_loop3A_613 : i32 to vector<16xi32>
      %parallel_loop3A_615 = arith.andi %parallel_loop3A_612, %parallel_loop3A_614 : vector<16xi32>
      %parallel_loop3A_616 = arith.constant 0 : i32
      %parallel_loop3A_617 = vector.broadcast %parallel_loop3A_616 : i32 to vector<16xi32>
      %parallel_loop3A_618 = arith.cmpi slt, %parallel_loop3A_615, %parallel_loop3A_617 : vector<16xi32>
      %parallel_loop3A_619 = arith.constant 16 : i32
      %parallel_loop3A_620 = vector.broadcast %parallel_loop3A_619 : i32 to vector<16xi32>
      %parallel_loop3A_621 = arith.addi %parallel_loop3A_615, %parallel_loop3A_620 : vector<16xi32>
      %parallel_loop3A_622 = arith.select %parallel_loop3A_618, %parallel_loop3A_621, %parallel_loop3A_615 : vector<16xi1>, vector<16xi32>
      %parallel_loop3A_623 = vector.shape_cast %parallel_loop3A_622 : vector<16xi32> to vector<16x1xi32>
      %parallel_loop3A_624 = vector.shape_cast %parallel_loop3A_623 : vector<16x1xi32> to vector<16xi32>
      %parallel_loop3A_625 = tpu.dynamic_gather %parallel_loop3A_609[%parallel_loop3A_624] in [0] : vector<16xf32>, vector<16xi32> -> vector<16xf32>
      %parallel_loop3A_626 = arith.addf %parallel_loop3A_609, %parallel_loop3A_625 : vector<16xf32>
      %parallel_loop3A_627 = arith.constant 0.00130208337 : f32
      %parallel_loop3A_628 = vector.broadcast %parallel_loop3A_627 : f32 to vector<16xf32>
      %parallel_loop3A_629 = arith.mulf %parallel_loop3A_626, %parallel_loop3A_628 : vector<16xf32>
      %parallel_loop3A_630 = arith.mulf %parallel_loop3A_557, %parallel_loop3A_557 : vector<16xf32>
      %parallel_loop3A_631 = arith.subf %parallel_loop3A_629, %parallel_loop3A_630 : vector<16xf32>
      %parallel_loop3A_632 = arith.constant 1.000000e-07 : f32
      %parallel_loop3A_633 = vector.broadcast %parallel_loop3A_632 : f32 to vector<16xf32>
      %parallel_loop3A_634 = arith.addf %parallel_loop3A_631, %parallel_loop3A_633 : vector<16xf32>
      %parallel_loop3A_635 = tpu.bitcast %parallel_loop3A_634 : vector<16xf32> -> vector<16xi32>
      %parallel_loop3A_636 = arith.constant 1 : i32
      %parallel_loop3A_637 = vector.broadcast %parallel_loop3A_636 : i32 to vector<16xi32>
      %parallel_loop3A_638 = arith.shrsi %parallel_loop3A_635, %parallel_loop3A_637 : vector<16xi32>
      %parallel_loop3A_639 = arith.constant 1597463007 : i32
      %parallel_loop3A_640 = vector.broadcast %parallel_loop3A_639 : i32 to vector<16xi32>
      %parallel_loop3A_641 = arith.subi %parallel_loop3A_640, %parallel_loop3A_638 : vector<16xi32>
      %parallel_loop3A_642 = tpu.bitcast %parallel_loop3A_641 : vector<16xi32> -> vector<16xf32>
      %parallel_loop3A_643 = arith.constant 5.000000e-01 : f32
      %parallel_loop3A_644 = vector.broadcast %parallel_loop3A_643 : f32 to vector<16xf32>
      %parallel_loop3A_645 = arith.mulf %parallel_loop3A_644, %parallel_loop3A_634 : vector<16xf32>
      %parallel_loop3A_646 = arith.mulf %parallel_loop3A_645, %parallel_loop3A_642 : vector<16xf32>
      %parallel_loop3A_647 = arith.mulf %parallel_loop3A_646, %parallel_loop3A_642 : vector<16xf32>
      %parallel_loop3A_648 = arith.constant 1.500000e+00 : f32
      %parallel_loop3A_649 = vector.broadcast %parallel_loop3A_648 : f32 to vector<16xf32>
      %parallel_loop3A_650 = arith.subf %parallel_loop3A_649, %parallel_loop3A_647 : vector<16xf32>
      %parallel_loop3A_651 = arith.mulf %parallel_loop3A_642, %parallel_loop3A_650 : vector<16xf32>
      %parallel_loop3A_652 = arith.constant 5.000000e-01 : f32
      %parallel_loop3A_653 = vector.broadcast %parallel_loop3A_652 : f32 to vector<16xf32>
      %parallel_loop3A_654 = arith.mulf %parallel_loop3A_653, %parallel_loop3A_634 : vector<16xf32>
      %parallel_loop3A_655 = arith.mulf %parallel_loop3A_654, %parallel_loop3A_651 : vector<16xf32>
      %parallel_loop3A_656 = arith.mulf %parallel_loop3A_655, %parallel_loop3A_651 : vector<16xf32>
      %parallel_loop3A_657 = arith.constant 1.500000e+00 : f32
      %parallel_loop3A_658 = vector.broadcast %parallel_loop3A_657 : f32 to vector<16xf32>
      %parallel_loop3A_659 = arith.subf %parallel_loop3A_658, %parallel_loop3A_656 : vector<16xf32>
      %parallel_loop3A_660 = arith.mulf %parallel_loop3A_651, %parallel_loop3A_659 : vector<16xf32>
      %parallel_loop3A_661 = arith.constant 5.000000e-01 : f32
      %parallel_loop3A_662 = vector.broadcast %parallel_loop3A_661 : f32 to vector<16xf32>
      %parallel_loop3A_663 = arith.mulf %parallel_loop3A_662, %parallel_loop3A_634 : vector<16xf32>
      %parallel_loop3A_664 = arith.mulf %parallel_loop3A_663, %parallel_loop3A_660 : vector<16xf32>
      %parallel_loop3A_665 = arith.mulf %parallel_loop3A_664, %parallel_loop3A_660 : vector<16xf32>
      %parallel_loop3A_666 = arith.constant 1.500000e+00 : f32
      %parallel_loop3A_667 = vector.broadcast %parallel_loop3A_666 : f32 to vector<16xf32>
      %parallel_loop3A_668 = arith.subf %parallel_loop3A_667, %parallel_loop3A_665 : vector<16xf32>
      %parallel_loop3A_669 = arith.mulf %parallel_loop3A_660, %parallel_loop3A_668 : vector<16xf32>
      %parallel_loop3A_670 = arith.mulf %parallel_loop3A_557, %parallel_loop3A_669 : vector<16xf32>
      %parallel_loop3A_671 = tpu.iota {dimensions = array<i32: 0>} : vector<16xi32>
      %parallel_loop3A_672 = arith.constant 8 : i32
      %parallel_loop3A_673 = vector.broadcast %parallel_loop3A_672 : i32 to vector<16xi32>
      %parallel_loop3A_674 = arith.addi %parallel_loop3A_671, %parallel_loop3A_673 : vector<16xi32>
      %parallel_loop3A_675 = arith.constant 15 : i32
      %parallel_loop3A_676 = vector.broadcast %parallel_loop3A_675 : i32 to vector<16xi32>
      %parallel_loop3A_677 = arith.andi %parallel_loop3A_674, %parallel_loop3A_676 : vector<16xi32>
      %parallel_loop3A_678 = arith.constant 0 : i32
      %parallel_loop3A_679 = vector.broadcast %parallel_loop3A_678 : i32 to vector<16xi32>
      %parallel_loop3A_680 = arith.cmpi slt, %parallel_loop3A_677, %parallel_loop3A_679 : vector<16xi32>
      %parallel_loop3A_681 = arith.constant 16 : i32
      %parallel_loop3A_682 = vector.broadcast %parallel_loop3A_681 : i32 to vector<16xi32>
      %parallel_loop3A_683 = arith.addi %parallel_loop3A_677, %parallel_loop3A_682 : vector<16xi32>
      %parallel_loop3A_684 = arith.select %parallel_loop3A_680, %parallel_loop3A_683, %parallel_loop3A_677 : vector<16xi1>, vector<16xi32>
      %parallel_loop3A_685 = vector.shape_cast %parallel_loop3A_684 : vector<16xi32> to vector<16x1xi32>
      %parallel_loop3A_686 = vector.shape_cast %parallel_loop3A_685 : vector<16x1xi32> to vector<16xi32>
      %parallel_loop3A_687 = tpu.dynamic_gather %parallel_loop3A_115#6[%parallel_loop3A_686] in [0] : vector<16xf32>, vector<16xi32> -> vector<16xf32>
      %parallel_loop3A_688 = arith.addf %parallel_loop3A_115#6, %parallel_loop3A_687 : vector<16xf32>
      %parallel_loop3A_689 = arith.constant 4 : i32
      %parallel_loop3A_690 = vector.broadcast %parallel_loop3A_689 : i32 to vector<16xi32>
      %parallel_loop3A_691 = arith.addi %parallel_loop3A_671, %parallel_loop3A_690 : vector<16xi32>
      %parallel_loop3A_692 = arith.constant 15 : i32
      %parallel_loop3A_693 = vector.broadcast %parallel_loop3A_692 : i32 to vector<16xi32>
      %parallel_loop3A_694 = arith.andi %parallel_loop3A_691, %parallel_loop3A_693 : vector<16xi32>
      %parallel_loop3A_695 = arith.constant 0 : i32
      %parallel_loop3A_696 = vector.broadcast %parallel_loop3A_695 : i32 to vector<16xi32>
      %parallel_loop3A_697 = arith.cmpi slt, %parallel_loop3A_694, %parallel_loop3A_696 : vector<16xi32>
      %parallel_loop3A_698 = arith.constant 16 : i32
      %parallel_loop3A_699 = vector.broadcast %parallel_loop3A_698 : i32 to vector<16xi32>
      %parallel_loop3A_700 = arith.addi %parallel_loop3A_694, %parallel_loop3A_699 : vector<16xi32>
      %parallel_loop3A_701 = arith.select %parallel_loop3A_697, %parallel_loop3A_700, %parallel_loop3A_694 : vector<16xi1>, vector<16xi32>
      %parallel_loop3A_702 = vector.shape_cast %parallel_loop3A_701 : vector<16xi32> to vector<16x1xi32>
      %parallel_loop3A_703 = vector.shape_cast %parallel_loop3A_702 : vector<16x1xi32> to vector<16xi32>
      %parallel_loop3A_704 = tpu.dynamic_gather %parallel_loop3A_688[%parallel_loop3A_703] in [0] : vector<16xf32>, vector<16xi32> -> vector<16xf32>
      %parallel_loop3A_705 = arith.addf %parallel_loop3A_688, %parallel_loop3A_704 : vector<16xf32>
      %parallel_loop3A_706 = arith.constant 2 : i32
      %parallel_loop3A_707 = vector.broadcast %parallel_loop3A_706 : i32 to vector<16xi32>
      %parallel_loop3A_708 = arith.addi %parallel_loop3A_671, %parallel_loop3A_707 : vector<16xi32>
      %parallel_loop3A_709 = arith.constant 15 : i32
      %parallel_loop3A_710 = vector.broadcast %parallel_loop3A_709 : i32 to vector<16xi32>
      %parallel_loop3A_711 = arith.andi %parallel_loop3A_708, %parallel_loop3A_710 : vector<16xi32>
      %parallel_loop3A_712 = arith.constant 0 : i32
      %parallel_loop3A_713 = vector.broadcast %parallel_loop3A_712 : i32 to vector<16xi32>
      %parallel_loop3A_714 = arith.cmpi slt, %parallel_loop3A_711, %parallel_loop3A_713 : vector<16xi32>
      %parallel_loop3A_715 = arith.constant 16 : i32
      %parallel_loop3A_716 = vector.broadcast %parallel_loop3A_715 : i32 to vector<16xi32>
      %parallel_loop3A_717 = arith.addi %parallel_loop3A_711, %parallel_loop3A_716 : vector<16xi32>
      %parallel_loop3A_718 = arith.select %parallel_loop3A_714, %parallel_loop3A_717, %parallel_loop3A_711 : vector<16xi1>, vector<16xi32>
      %parallel_loop3A_719 = vector.shape_cast %parallel_loop3A_718 : vector<16xi32> to vector<16x1xi32>
      %parallel_loop3A_720 = vector.shape_cast %parallel_loop3A_719 : vector<16x1xi32> to vector<16xi32>
      %parallel_loop3A_721 = tpu.dynamic_gather %parallel_loop3A_705[%parallel_loop3A_720] in [0] : vector<16xf32>, vector<16xi32> -> vector<16xf32>
      %parallel_loop3A_722 = arith.addf %parallel_loop3A_705, %parallel_loop3A_721 : vector<16xf32>
      %parallel_loop3A_723 = arith.constant 1 : i32
      %parallel_loop3A_724 = vector.broadcast %parallel_loop3A_723 : i32 to vector<16xi32>
      %parallel_loop3A_725 = arith.addi %parallel_loop3A_671, %parallel_loop3A_724 : vector<16xi32>
      %parallel_loop3A_726 = arith.constant 15 : i32
      %parallel_loop3A_727 = vector.broadcast %parallel_loop3A_726 : i32 to vector<16xi32>
      %parallel_loop3A_728 = arith.andi %parallel_loop3A_725, %parallel_loop3A_727 : vector<16xi32>
      %parallel_loop3A_729 = arith.constant 0 : i32
      %parallel_loop3A_730 = vector.broadcast %parallel_loop3A_729 : i32 to vector<16xi32>
      %parallel_loop3A_731 = arith.cmpi slt, %parallel_loop3A_728, %parallel_loop3A_730 : vector<16xi32>
      %parallel_loop3A_732 = arith.constant 16 : i32
      %parallel_loop3A_733 = vector.broadcast %parallel_loop3A_732 : i32 to vector<16xi32>
      %parallel_loop3A_734 = arith.addi %parallel_loop3A_728, %parallel_loop3A_733 : vector<16xi32>
      %parallel_loop3A_735 = arith.select %parallel_loop3A_731, %parallel_loop3A_734, %parallel_loop3A_728 : vector<16xi1>, vector<16xi32>
      %parallel_loop3A_736 = vector.shape_cast %parallel_loop3A_735 : vector<16xi32> to vector<16x1xi32>
      %parallel_loop3A_737 = vector.shape_cast %parallel_loop3A_736 : vector<16x1xi32> to vector<16xi32>
      %parallel_loop3A_738 = tpu.dynamic_gather %parallel_loop3A_722[%parallel_loop3A_737] in [0] : vector<16xf32>, vector<16xi32> -> vector<16xf32>
      %parallel_loop3A_739 = arith.addf %parallel_loop3A_722, %parallel_loop3A_738 : vector<16xf32>
      %parallel_loop3A_740 = arith.constant 0.00130208337 : f32
      %parallel_loop3A_741 = vector.broadcast %parallel_loop3A_740 : f32 to vector<16xf32>
      %parallel_loop3A_742 = arith.mulf %parallel_loop3A_739, %parallel_loop3A_741 : vector<16xf32>
      %parallel_loop3A_743 = tpu.iota {dimensions = array<i32: 0>} : vector<16xi32>
      %parallel_loop3A_744 = arith.constant 8 : i32
      %parallel_loop3A_745 = vector.broadcast %parallel_loop3A_744 : i32 to vector<16xi32>
      %parallel_loop3A_746 = arith.addi %parallel_loop3A_743, %parallel_loop3A_745 : vector<16xi32>
      %parallel_loop3A_747 = arith.constant 15 : i32
      %parallel_loop3A_748 = vector.broadcast %parallel_loop3A_747 : i32 to vector<16xi32>
      %parallel_loop3A_749 = arith.andi %parallel_loop3A_746, %parallel_loop3A_748 : vector<16xi32>
      %parallel_loop3A_750 = arith.constant 0 : i32
      %parallel_loop3A_751 = vector.broadcast %parallel_loop3A_750 : i32 to vector<16xi32>
      %parallel_loop3A_752 = arith.cmpi slt, %parallel_loop3A_749, %parallel_loop3A_751 : vector<16xi32>
      %parallel_loop3A_753 = arith.constant 16 : i32
      %parallel_loop3A_754 = vector.broadcast %parallel_loop3A_753 : i32 to vector<16xi32>
      %parallel_loop3A_755 = arith.addi %parallel_loop3A_749, %parallel_loop3A_754 : vector<16xi32>
      %parallel_loop3A_756 = arith.select %parallel_loop3A_752, %parallel_loop3A_755, %parallel_loop3A_749 : vector<16xi1>, vector<16xi32>
      %parallel_loop3A_757 = vector.shape_cast %parallel_loop3A_756 : vector<16xi32> to vector<16x1xi32>
      %parallel_loop3A_758 = vector.shape_cast %parallel_loop3A_757 : vector<16x1xi32> to vector<16xi32>
      %parallel_loop3A_759 = tpu.dynamic_gather %parallel_loop3A_115#7[%parallel_loop3A_758] in [0] : vector<16xf32>, vector<16xi32> -> vector<16xf32>
      %parallel_loop3A_760 = arith.addf %parallel_loop3A_115#7, %parallel_loop3A_759 : vector<16xf32>
      %parallel_loop3A_761 = arith.constant 4 : i32
      %parallel_loop3A_762 = vector.broadcast %parallel_loop3A_761 : i32 to vector<16xi32>
      %parallel_loop3A_763 = arith.addi %parallel_loop3A_743, %parallel_loop3A_762 : vector<16xi32>
      %parallel_loop3A_764 = arith.constant 15 : i32
      %parallel_loop3A_765 = vector.broadcast %parallel_loop3A_764 : i32 to vector<16xi32>
      %parallel_loop3A_766 = arith.andi %parallel_loop3A_763, %parallel_loop3A_765 : vector<16xi32>
      %parallel_loop3A_767 = arith.constant 0 : i32
      %parallel_loop3A_768 = vector.broadcast %parallel_loop3A_767 : i32 to vector<16xi32>
      %parallel_loop3A_769 = arith.cmpi slt, %parallel_loop3A_766, %parallel_loop3A_768 : vector<16xi32>
      %parallel_loop3A_770 = arith.constant 16 : i32
      %parallel_loop3A_771 = vector.broadcast %parallel_loop3A_770 : i32 to vector<16xi32>
      %parallel_loop3A_772 = arith.addi %parallel_loop3A_766, %parallel_loop3A_771 : vector<16xi32>
      %parallel_loop3A_773 = arith.select %parallel_loop3A_769, %parallel_loop3A_772, %parallel_loop3A_766 : vector<16xi1>, vector<16xi32>
      %parallel_loop3A_774 = vector.shape_cast %parallel_loop3A_773 : vector<16xi32> to vector<16x1xi32>
      %parallel_loop3A_775 = vector.shape_cast %parallel_loop3A_774 : vector<16x1xi32> to vector<16xi32>
      %parallel_loop3A_776 = tpu.dynamic_gather %parallel_loop3A_760[%parallel_loop3A_775] in [0] : vector<16xf32>, vector<16xi32> -> vector<16xf32>
      %parallel_loop3A_777 = arith.addf %parallel_loop3A_760, %parallel_loop3A_776 : vector<16xf32>
      %parallel_loop3A_778 = arith.constant 2 : i32
      %parallel_loop3A_779 = vector.broadcast %parallel_loop3A_778 : i32 to vector<16xi32>
      %parallel_loop3A_780 = arith.addi %parallel_loop3A_743, %parallel_loop3A_779 : vector<16xi32>
      %parallel_loop3A_781 = arith.constant 15 : i32
      %parallel_loop3A_782 = vector.broadcast %parallel_loop3A_781 : i32 to vector<16xi32>
      %parallel_loop3A_783 = arith.andi %parallel_loop3A_780, %parallel_loop3A_782 : vector<16xi32>
      %parallel_loop3A_784 = arith.constant 0 : i32
      %parallel_loop3A_785 = vector.broadcast %parallel_loop3A_784 : i32 to vector<16xi32>
      %parallel_loop3A_786 = arith.cmpi slt, %parallel_loop3A_783, %parallel_loop3A_785 : vector<16xi32>
      %parallel_loop3A_787 = arith.constant 16 : i32
      %parallel_loop3A_788 = vector.broadcast %parallel_loop3A_787 : i32 to vector<16xi32>
      %parallel_loop3A_789 = arith.addi %parallel_loop3A_783, %parallel_loop3A_788 : vector<16xi32>
      %parallel_loop3A_790 = arith.select %parallel_loop3A_786, %parallel_loop3A_789, %parallel_loop3A_783 : vector<16xi1>, vector<16xi32>
      %parallel_loop3A_791 = vector.shape_cast %parallel_loop3A_790 : vector<16xi32> to vector<16x1xi32>
      %parallel_loop3A_792 = vector.shape_cast %parallel_loop3A_791 : vector<16x1xi32> to vector<16xi32>
      %parallel_loop3A_793 = tpu.dynamic_gather %parallel_loop3A_777[%parallel_loop3A_792] in [0] : vector<16xf32>, vector<16xi32> -> vector<16xf32>
      %parallel_loop3A_794 = arith.addf %parallel_loop3A_777, %parallel_loop3A_793 : vector<16xf32>
      %parallel_loop3A_795 = arith.constant 1 : i32
      %parallel_loop3A_796 = vector.broadcast %parallel_loop3A_795 : i32 to vector<16xi32>
      %parallel_loop3A_797 = arith.addi %parallel_loop3A_743, %parallel_loop3A_796 : vector<16xi32>
      %parallel_loop3A_798 = arith.constant 15 : i32
      %parallel_loop3A_799 = vector.broadcast %parallel_loop3A_798 : i32 to vector<16xi32>
      %parallel_loop3A_800 = arith.andi %parallel_loop3A_797, %parallel_loop3A_799 : vector<16xi32>
      %parallel_loop3A_801 = arith.constant 0 : i32
      %parallel_loop3A_802 = vector.broadcast %parallel_loop3A_801 : i32 to vector<16xi32>
      %parallel_loop3A_803 = arith.cmpi slt, %parallel_loop3A_800, %parallel_loop3A_802 : vector<16xi32>
      %parallel_loop3A_804 = arith.constant 16 : i32
      %parallel_loop3A_805 = vector.broadcast %parallel_loop3A_804 : i32 to vector<16xi32>
      %parallel_loop3A_806 = arith.addi %parallel_loop3A_800, %parallel_loop3A_805 : vector<16xi32>
      %parallel_loop3A_807 = arith.select %parallel_loop3A_803, %parallel_loop3A_806, %parallel_loop3A_800 : vector<16xi1>, vector<16xi32>
      %parallel_loop3A_808 = vector.shape_cast %parallel_loop3A_807 : vector<16xi32> to vector<16x1xi32>
      %parallel_loop3A_809 = vector.shape_cast %parallel_loop3A_808 : vector<16x1xi32> to vector<16xi32>
      %parallel_loop3A_810 = tpu.dynamic_gather %parallel_loop3A_794[%parallel_loop3A_809] in [0] : vector<16xf32>, vector<16xi32> -> vector<16xf32>
      %parallel_loop3A_811 = arith.addf %parallel_loop3A_794, %parallel_loop3A_810 : vector<16xf32>
      %parallel_loop3A_812 = arith.constant 0.00130208337 : f32
      %parallel_loop3A_813 = vector.broadcast %parallel_loop3A_812 : f32 to vector<16xf32>
      %parallel_loop3A_814 = arith.mulf %parallel_loop3A_811, %parallel_loop3A_813 : vector<16xf32>
      %parallel_loop3A_815 = arith.mulf %parallel_loop3A_742, %parallel_loop3A_742 : vector<16xf32>
      %parallel_loop3A_816 = arith.subf %parallel_loop3A_814, %parallel_loop3A_815 : vector<16xf32>
      %parallel_loop3A_817 = arith.constant 1.000000e-07 : f32
      %parallel_loop3A_818 = vector.broadcast %parallel_loop3A_817 : f32 to vector<16xf32>
      %parallel_loop3A_819 = arith.addf %parallel_loop3A_816, %parallel_loop3A_818 : vector<16xf32>
      %parallel_loop3A_820 = tpu.bitcast %parallel_loop3A_819 : vector<16xf32> -> vector<16xi32>
      %parallel_loop3A_821 = arith.constant 1 : i32
      %parallel_loop3A_822 = vector.broadcast %parallel_loop3A_821 : i32 to vector<16xi32>
      %parallel_loop3A_823 = arith.shrsi %parallel_loop3A_820, %parallel_loop3A_822 : vector<16xi32>
      %parallel_loop3A_824 = arith.constant 1597463007 : i32
      %parallel_loop3A_825 = vector.broadcast %parallel_loop3A_824 : i32 to vector<16xi32>
      %parallel_loop3A_826 = arith.subi %parallel_loop3A_825, %parallel_loop3A_823 : vector<16xi32>
      %parallel_loop3A_827 = tpu.bitcast %parallel_loop3A_826 : vector<16xi32> -> vector<16xf32>
      %parallel_loop3A_828 = arith.constant 5.000000e-01 : f32
      %parallel_loop3A_829 = vector.broadcast %parallel_loop3A_828 : f32 to vector<16xf32>
      %parallel_loop3A_830 = arith.mulf %parallel_loop3A_829, %parallel_loop3A_819 : vector<16xf32>
      %parallel_loop3A_831 = arith.mulf %parallel_loop3A_830, %parallel_loop3A_827 : vector<16xf32>
      %parallel_loop3A_832 = arith.mulf %parallel_loop3A_831, %parallel_loop3A_827 : vector<16xf32>
      %parallel_loop3A_833 = arith.constant 1.500000e+00 : f32
      %parallel_loop3A_834 = vector.broadcast %parallel_loop3A_833 : f32 to vector<16xf32>
      %parallel_loop3A_835 = arith.subf %parallel_loop3A_834, %parallel_loop3A_832 : vector<16xf32>
      %parallel_loop3A_836 = arith.mulf %parallel_loop3A_827, %parallel_loop3A_835 : vector<16xf32>
      %parallel_loop3A_837 = arith.constant 5.000000e-01 : f32
      %parallel_loop3A_838 = vector.broadcast %parallel_loop3A_837 : f32 to vector<16xf32>
      %parallel_loop3A_839 = arith.mulf %parallel_loop3A_838, %parallel_loop3A_819 : vector<16xf32>
      %parallel_loop3A_840 = arith.mulf %parallel_loop3A_839, %parallel_loop3A_836 : vector<16xf32>
      %parallel_loop3A_841 = arith.mulf %parallel_loop3A_840, %parallel_loop3A_836 : vector<16xf32>
      %parallel_loop3A_842 = arith.constant 1.500000e+00 : f32
      %parallel_loop3A_843 = vector.broadcast %parallel_loop3A_842 : f32 to vector<16xf32>
      %parallel_loop3A_844 = arith.subf %parallel_loop3A_843, %parallel_loop3A_841 : vector<16xf32>
      %parallel_loop3A_845 = arith.mulf %parallel_loop3A_836, %parallel_loop3A_844 : vector<16xf32>
      %parallel_loop3A_846 = arith.constant 5.000000e-01 : f32
      %parallel_loop3A_847 = vector.broadcast %parallel_loop3A_846 : f32 to vector<16xf32>
      %parallel_loop3A_848 = arith.mulf %parallel_loop3A_847, %parallel_loop3A_819 : vector<16xf32>
      %parallel_loop3A_849 = arith.mulf %parallel_loop3A_848, %parallel_loop3A_845 : vector<16xf32>
      %parallel_loop3A_850 = arith.mulf %parallel_loop3A_849, %parallel_loop3A_845 : vector<16xf32>
      %parallel_loop3A_851 = arith.constant 1.500000e+00 : f32
      %parallel_loop3A_852 = vector.broadcast %parallel_loop3A_851 : f32 to vector<16xf32>
      %parallel_loop3A_853 = arith.subf %parallel_loop3A_852, %parallel_loop3A_850 : vector<16xf32>
      %parallel_loop3A_854 = arith.mulf %parallel_loop3A_845, %parallel_loop3A_853 : vector<16xf32>
      %parallel_loop3A_855 = arith.mulf %parallel_loop3A_742, %parallel_loop3A_854 : vector<16xf32>
      %parallel_loop3A_856 = arith.constant 0 : i32
      %parallel_loop3A_857 = arith.constant 48 : i32
      %parallel_loop3A_858 = arith.constant 1 : i32
      scf.for %parallel_loop3A_859 = %parallel_loop3A_856 to %parallel_loop3A_857 step %parallel_loop3A_858  : i32 {
        %parallel_loop3A_860 = arith.constant 16 : i32
        %parallel_loop3A_861 = arith.muli %parallel_loop3A_859, %parallel_loop3A_860 : i32
        %parallel_loop3A_862 = arith.index_cast %parallel_loop3A_861 : i32 to index
        %parallel_loop3A_863 = tpu.vector_load %arg10[%parallel_loop3A_862] {strides = array<i32>} : memref<768xf32, #tpu.memory_space<vmem>>, vector<16xf32>,
        %parallel_loop3A_864 = vector.shape_cast %parallel_loop3A_863 : vector<16xf32> to vector<16xf32>
        %parallel_loop3A_865 = arith.index_cast %parallel_loop3A_861 : i32 to index
        %parallel_loop3A_866 = tpu.vector_load %arg11[%parallel_loop3A_865] {strides = array<i32>} : memref<768xf32, #tpu.memory_space<vmem>>, vector<16xf32>,
        %parallel_loop3A_867 = vector.shape_cast %parallel_loop3A_866 : vector<16xf32> to vector<16xf32>
        %parallel_loop3A_868 = arith.index_cast %parallel_loop3A_105 : i32 to index
        %parallel_loop3A_869 = arith.index_cast %parallel_loop3A_861 : i32 to index
        %parallel_loop3A_870 = tpu.vector_load %arg8[%parallel_loop3A_868, %parallel_loop3A_869] {strides = array<i32>} : memref<64x768xf32, #tpu.memory_space<vmem>>, vector<1x16xf32>,
        %parallel_loop3A_871 = vector.shape_cast %parallel_loop3A_870 : vector<1x16xf32> to vector<16xf32>
        %parallel_loop3A_872 = arith.mulf %parallel_loop3A_871, %parallel_loop3A_299 : vector<16xf32>
        %parallel_loop3A_873 = arith.subf %parallel_loop3A_872, %parallel_loop3A_300 : vector<16xf32>
        %parallel_loop3A_874 = arith.mulf %parallel_loop3A_873, %parallel_loop3A_864 : vector<16xf32>
        %parallel_loop3A_875 = arith.addf %parallel_loop3A_874, %parallel_loop3A_867 : vector<16xf32>
        %parallel_loop3A_876 = arith.index_cast %parallel_loop3A_105 : i32 to index
        %parallel_loop3A_877 = arith.index_cast %parallel_loop3A_861 : i32 to index
        %parallel_loop3A_878 = tpu.vector_load %arg8[%parallel_loop3A_876, %parallel_loop3A_877] {strides = array<i32>} : memref<64x768xf32, #tpu.memory_space<vmem>>, vector<1x16xf32>,
        %parallel_loop3A_879 = vector.shape_cast %parallel_loop3A_878 : vector<1x16xf32> to vector<16xf32>
        %parallel_loop3A_880 = vector.shape_cast %parallel_loop3A_875 : vector<16xf32> to vector<1x16xf32>
        tpu.vector_store %arg8[%parallel_loop3A_876, %parallel_loop3A_877], %parallel_loop3A_880 {strides = array<i32>} : memref<64x768xf32, #tpu.memory_space<vmem>>, vector<1x16xf32>,
        %parallel_loop3A_881 = arith.index_cast %parallel_loop3A_107 : i32 to index
        %parallel_loop3A_882 = arith.index_cast %parallel_loop3A_861 : i32 to index
        %parallel_loop3A_883 = tpu.vector_load %arg8[%parallel_loop3A_881, %parallel_loop3A_882] {strides = array<i32>} : memref<64x768xf32, #tpu.memory_space<vmem>>, vector<1x16xf32>,
        %parallel_loop3A_884 = vector.shape_cast %parallel_loop3A_883 : vector<1x16xf32> to vector<16xf32>
        %parallel_loop3A_885 = arith.mulf %parallel_loop3A_884, %parallel_loop3A_484 : vector<16xf32>
        %parallel_loop3A_886 = arith.subf %parallel_loop3A_885, %parallel_loop3A_485 : vector<16xf32>
        %parallel_loop3A_887 = arith.mulf %parallel_loop3A_886, %parallel_loop3A_864 : vector<16xf32>
        %parallel_loop3A_888 = arith.addf %parallel_loop3A_887, %parallel_loop3A_867 : vector<16xf32>
        %parallel_loop3A_889 = arith.index_cast %parallel_loop3A_107 : i32 to index
        %parallel_loop3A_890 = arith.index_cast %parallel_loop3A_861 : i32 to index
        %parallel_loop3A_891 = tpu.vector_load %arg8[%parallel_loop3A_889, %parallel_loop3A_890] {strides = array<i32>} : memref<64x768xf32, #tpu.memory_space<vmem>>, vector<1x16xf32>,
        %parallel_loop3A_892 = vector.shape_cast %parallel_loop3A_891 : vector<1x16xf32> to vector<16xf32>
        %parallel_loop3A_893 = vector.shape_cast %parallel_loop3A_888 : vector<16xf32> to vector<1x16xf32>
        tpu.vector_store %arg8[%parallel_loop3A_889, %parallel_loop3A_890], %parallel_loop3A_893 {strides = array<i32>} : memref<64x768xf32, #tpu.memory_space<vmem>>, vector<1x16xf32>,
        %parallel_loop3A_894 = arith.index_cast %parallel_loop3A_109 : i32 to index
        %parallel_loop3A_895 = arith.index_cast %parallel_loop3A_861 : i32 to index
        %parallel_loop3A_896 = tpu.vector_load %arg8[%parallel_loop3A_894, %parallel_loop3A_895] {strides = array<i32>} : memref<64x768xf32, #tpu.memory_space<vmem>>, vector<1x16xf32>,
        %parallel_loop3A_897 = vector.shape_cast %parallel_loop3A_896 : vector<1x16xf32> to vector<16xf32>
        %parallel_loop3A_898 = arith.mulf %parallel_loop3A_897, %parallel_loop3A_669 : vector<16xf32>
        %parallel_loop3A_899 = arith.subf %parallel_loop3A_898, %parallel_loop3A_670 : vector<16xf32>
        %parallel_loop3A_900 = arith.mulf %parallel_loop3A_899, %parallel_loop3A_864 : vector<16xf32>
        %parallel_loop3A_901 = arith.addf %parallel_loop3A_900, %parallel_loop3A_867 : vector<16xf32>
        %parallel_loop3A_902 = arith.index_cast %parallel_loop3A_109 : i32 to index
        %parallel_loop3A_903 = arith.index_cast %parallel_loop3A_861 : i32 to index
        %parallel_loop3A_904 = tpu.vector_load %arg8[%parallel_loop3A_902, %parallel_loop3A_903] {strides = array<i32>} : memref<64x768xf32, #tpu.memory_space<vmem>>, vector<1x16xf32>,
        %parallel_loop3A_905 = vector.shape_cast %parallel_loop3A_904 : vector<1x16xf32> to vector<16xf32>
        %parallel_loop3A_906 = vector.shape_cast %parallel_loop3A_901 : vector<16xf32> to vector<1x16xf32>
        tpu.vector_store %arg8[%parallel_loop3A_902, %parallel_loop3A_903], %parallel_loop3A_906 {strides = array<i32>} : memref<64x768xf32, #tpu.memory_space<vmem>>, vector<1x16xf32>,
        %parallel_loop3A_907 = arith.index_cast %parallel_loop3A_111 : i32 to index
        %parallel_loop3A_908 = arith.index_cast %parallel_loop3A_861 : i32 to index
        %parallel_loop3A_909 = tpu.vector_load %arg8[%parallel_loop3A_907, %parallel_loop3A_908] {strides = array<i32>} : memref<64x768xf32, #tpu.memory_space<vmem>>, vector<1x16xf32>,
        %parallel_loop3A_910 = vector.shape_cast %parallel_loop3A_909 : vector<1x16xf32> to vector<16xf32>
        %parallel_loop3A_911 = arith.mulf %parallel_loop3A_910, %parallel_loop3A_854 : vector<16xf32>
        %parallel_loop3A_912 = arith.subf %parallel_loop3A_911, %parallel_loop3A_855 : vector<16xf32>
        %parallel_loop3A_913 = arith.mulf %parallel_loop3A_912, %parallel_loop3A_864 : vector<16xf32>
        %parallel_loop3A_914 = arith.addf %parallel_loop3A_913, %parallel_loop3A_867 : vector<16xf32>
        %parallel_loop3A_915 = arith.index_cast %parallel_loop3A_111 : i32 to index
        %parallel_loop3A_916 = arith.index_cast %parallel_loop3A_861 : i32 to index
        %parallel_loop3A_917 = tpu.vector_load %arg8[%parallel_loop3A_915, %parallel_loop3A_916] {strides = array<i32>} : memref<64x768xf32, #tpu.memory_space<vmem>>, vector<1x16xf32>,
        %parallel_loop3A_918 = vector.shape_cast %parallel_loop3A_917 : vector<1x16xf32> to vector<16xf32>
        %parallel_loop3A_919 = vector.shape_cast %parallel_loop3A_914 : vector<16xf32> to vector<1x16xf32>
        tpu.vector_store %arg8[%parallel_loop3A_915, %parallel_loop3A_916], %parallel_loop3A_919 {strides = array<i32>} : memref<64x768xf32, #tpu.memory_space<vmem>>, vector<1x16xf32>,
      } {sc.loop_unroll_factor = 4 : i64, sc.parallel_access}
      scf.yield %parallel_loop3A_101 : i32
    } {sc.loop_unroll_factor = 1 : i64, sc.parallel_access}
    %add3A_70 = arith.constant 128 : i32
    %add3A_71 = arith.addi %mul3A_2, %add3A_70 : i32
    %dma_start3A_72 = arith.constant 0 : i32
    %dma_start3A_73 = tpu.memref_slice %arg6[%add3A_71, %dma_start3A_72] : memref<8192x768xf32, #tpu.memory_space<hbm>> -> memref<64x768xf32, #tpu.memory_space<hbm>>
    %dma_start3A_74 = arith.constant 0 : i32
    %dma_start3A_75 = tpu.memref_slice %arg6[%add3A_71, %dma_start3A_74] : memref<8192x768xf32, #tpu.memory_space<hbm>> -> memref<64x768xf32, #tpu.memory_space<hbm>>
    tpu.enqueue_dma source(%arg8 : memref<64x768xf32, #tpu.memory_space<vmem>>) target(%dma_start3A_75 : memref<64x768xf32, #tpu.memory_space<hbm>>) target_semaphore(%arg14 : memref<!tpu.dma_semaphore, #tpu.memory_space<semaphore_mem>>)
    %dma_wait3A_76 = arith.constant 192 : i32
    %dma_wait3A_77 = tpu.memref_slice %arg7[%dma_wait3A_76] : memref<256xi32, #tpu.memory_space<vmem>> -> memref<64xi32, #tpu.memory_space<vmem>>
    %dma_wait3A_78 = arith.constant 0 : i32
    %dma_wait3A_79 = arith.constant 0 : i32
    %dma_wait3A_80 = tpu.memref_slice %arg3[%dma_wait3A_78, %dma_wait3A_79] : memref<100000x768xf32, #tpu.memory_space<hbm>> -> memref<100000x768xf32, #tpu.memory_space<hbm>>
    tpu.wait_indirect_dma semaphore(%arg13 : memref<!tpu.dma_semaphore, #tpu.memory_space<semaphore_mem>>) src(%dma_wait3A_80 : memref<100000x768xf32, #tpu.memory_space<hbm>>) dst(%arg9 : memref<64x768xf32, #tpu.memory_space<vmem>>)
    %parallel_loop3A_81 = arith.constant 0 : i32
    %parallel_loop3A_82 = arith.constant 64 : i32
    %parallel_loop3A_83 = arith.constant 4 : i32
    %parallel_loop3A_84 = arith.constant 0 : i32
    %parallel_loop3A_85 = scf.for %parallel_loop3A_100 = %parallel_loop3A_81 to %parallel_loop3A_82 step %parallel_loop3A_83 iter_args(%parallel_loop3A_101 = %parallel_loop3A_84) -> (i32)  : i32 {
      %parallel_loop3A_102 = arith.constant 0.000000e+00 : f32
      %parallel_loop3A_103 = vector.broadcast %parallel_loop3A_102 : f32 to vector<16xf32>
      %parallel_loop3A_104 = arith.constant 0 : i32
      %parallel_loop3A_105 = arith.addi %parallel_loop3A_100, %parallel_loop3A_104 : i32
      %parallel_loop3A_106 = arith.constant 1 : i32
      %parallel_loop3A_107 = arith.addi %parallel_loop3A_100, %parallel_loop3A_106 : i32
      %parallel_loop3A_108 = arith.constant 2 : i32
      %parallel_loop3A_109 = arith.addi %parallel_loop3A_100, %parallel_loop3A_108 : i32
      %parallel_loop3A_110 = arith.constant 3 : i32
      %parallel_loop3A_111 = arith.addi %parallel_loop3A_100, %parallel_loop3A_110 : i32
      %parallel_loop3A_112 = arith.constant 0 : i32
      %parallel_loop3A_113 = arith.constant 48 : i32
      %parallel_loop3A_114 = arith.constant 1 : i32
      %parallel_loop3A_115:8 = scf.for %parallel_loop3A_859 = %parallel_loop3A_112 to %parallel_loop3A_113 step %parallel_loop3A_114 iter_args(%parallel_loop3A_860 = %parallel_loop3A_103, %parallel_loop3A_861 = %parallel_loop3A_103, %parallel_loop3A_862 = %parallel_loop3A_103, %parallel_loop3A_863 = %parallel_loop3A_103, %parallel_loop3A_864 = %parallel_loop3A_103, %parallel_loop3A_865 = %parallel_loop3A_103, %parallel_loop3A_866 = %parallel_loop3A_103, %parallel_loop3A_867 = %parallel_loop3A_103) -> (vector<16xf32>, vector<16xf32>, vector<16xf32>, vector<16xf32>, vector<16xf32>, vector<16xf32>, vector<16xf32>, vector<16xf32>)  : i32 {
        %parallel_loop3A_868 = arith.constant 16 : i32
        %parallel_loop3A_869 = arith.muli %parallel_loop3A_859, %parallel_loop3A_868 : i32
        %parallel_loop3A_870 = arith.index_cast %parallel_loop3A_105 : i32 to index
        %parallel_loop3A_871 = arith.index_cast %parallel_loop3A_869 : i32 to index
        %parallel_loop3A_872 = tpu.vector_load %arg9[%parallel_loop3A_870, %parallel_loop3A_871] {strides = array<i32>} : memref<64x768xf32, #tpu.memory_space<vmem>>, vector<1x16xf32>,
        %parallel_loop3A_873 = vector.shape_cast %parallel_loop3A_872 : vector<1x16xf32> to vector<16xf32>
        %parallel_loop3A_874 = arith.addf %parallel_loop3A_860, %parallel_loop3A_873 : vector<16xf32>
        %parallel_loop3A_875 = arith.mulf %parallel_loop3A_873, %parallel_loop3A_873 : vector<16xf32>
        %parallel_loop3A_876 = arith.addf %parallel_loop3A_861, %parallel_loop3A_875 : vector<16xf32>
        %parallel_loop3A_877 = arith.index_cast %parallel_loop3A_107 : i32 to index
        %parallel_loop3A_878 = arith.index_cast %parallel_loop3A_869 : i32 to index
        %parallel_loop3A_879 = tpu.vector_load %arg9[%parallel_loop3A_877, %parallel_loop3A_878] {strides = array<i32>} : memref<64x768xf32, #tpu.memory_space<vmem>>, vector<1x16xf32>,
        %parallel_loop3A_880 = vector.shape_cast %parallel_loop3A_879 : vector<1x16xf32> to vector<16xf32>
        %parallel_loop3A_881 = arith.addf %parallel_loop3A_862, %parallel_loop3A_880 : vector<16xf32>
        %parallel_loop3A_882 = arith.mulf %parallel_loop3A_880, %parallel_loop3A_880 : vector<16xf32>
        %parallel_loop3A_883 = arith.addf %parallel_loop3A_863, %parallel_loop3A_882 : vector<16xf32>
        %parallel_loop3A_884 = arith.index_cast %parallel_loop3A_109 : i32 to index
        %parallel_loop3A_885 = arith.index_cast %parallel_loop3A_869 : i32 to index
        %parallel_loop3A_886 = tpu.vector_load %arg9[%parallel_loop3A_884, %parallel_loop3A_885] {strides = array<i32>} : memref<64x768xf32, #tpu.memory_space<vmem>>, vector<1x16xf32>,
        %parallel_loop3A_887 = vector.shape_cast %parallel_loop3A_886 : vector<1x16xf32> to vector<16xf32>
        %parallel_loop3A_888 = arith.addf %parallel_loop3A_864, %parallel_loop3A_887 : vector<16xf32>
        %parallel_loop3A_889 = arith.mulf %parallel_loop3A_887, %parallel_loop3A_887 : vector<16xf32>
        %parallel_loop3A_890 = arith.addf %parallel_loop3A_865, %parallel_loop3A_889 : vector<16xf32>
        %parallel_loop3A_891 = arith.index_cast %parallel_loop3A_111 : i32 to index
        %parallel_loop3A_892 = arith.index_cast %parallel_loop3A_869 : i32 to index
        %parallel_loop3A_893 = tpu.vector_load %arg9[%parallel_loop3A_891, %parallel_loop3A_892] {strides = array<i32>} : memref<64x768xf32, #tpu.memory_space<vmem>>, vector<1x16xf32>,
        %parallel_loop3A_894 = vector.shape_cast %parallel_loop3A_893 : vector<1x16xf32> to vector<16xf32>
        %parallel_loop3A_895 = arith.addf %parallel_loop3A_866, %parallel_loop3A_894 : vector<16xf32>
        %parallel_loop3A_896 = arith.mulf %parallel_loop3A_894, %parallel_loop3A_894 : vector<16xf32>
        %parallel_loop3A_897 = arith.addf %parallel_loop3A_867, %parallel_loop3A_896 : vector<16xf32>
        scf.yield %parallel_loop3A_874, %parallel_loop3A_876, %parallel_loop3A_881, %parallel_loop3A_883, %parallel_loop3A_888, %parallel_loop3A_890, %parallel_loop3A_895, %parallel_loop3A_897 : vector<16xf32>, vector<16xf32>, vector<16xf32>, vector<16xf32>, vector<16xf32>, vector<16xf32>, vector<16xf32>, vector<16xf32>
      } {sc.loop_unroll_factor = 4 : i64, sc.parallel_access}
      %parallel_loop3A_116 = tpu.iota {dimensions = array<i32: 0>} : vector<16xi32>
      %parallel_loop3A_117 = arith.constant 8 : i32
      %parallel_loop3A_118 = vector.broadcast %parallel_loop3A_117 : i32 to vector<16xi32>
      %parallel_loop3A_119 = arith.addi %parallel_loop3A_116, %parallel_loop3A_118 : vector<16xi32>
      %parallel_loop3A_120 = arith.constant 15 : i32
      %parallel_loop3A_121 = vector.broadcast %parallel_loop3A_120 : i32 to vector<16xi32>
      %parallel_loop3A_122 = arith.andi %parallel_loop3A_119, %parallel_loop3A_121 : vector<16xi32>
      %parallel_loop3A_123 = arith.constant 0 : i32
      %parallel_loop3A_124 = vector.broadcast %parallel_loop3A_123 : i32 to vector<16xi32>
      %parallel_loop3A_125 = arith.cmpi slt, %parallel_loop3A_122, %parallel_loop3A_124 : vector<16xi32>
      %parallel_loop3A_126 = arith.constant 16 : i32
      %parallel_loop3A_127 = vector.broadcast %parallel_loop3A_126 : i32 to vector<16xi32>
      %parallel_loop3A_128 = arith.addi %parallel_loop3A_122, %parallel_loop3A_127 : vector<16xi32>
      %parallel_loop3A_129 = arith.select %parallel_loop3A_125, %parallel_loop3A_128, %parallel_loop3A_122 : vector<16xi1>, vector<16xi32>
      %parallel_loop3A_130 = vector.shape_cast %parallel_loop3A_129 : vector<16xi32> to vector<16x1xi32>
      %parallel_loop3A_131 = vector.shape_cast %parallel_loop3A_130 : vector<16x1xi32> to vector<16xi32>
      %parallel_loop3A_132 = tpu.dynamic_gather %parallel_loop3A_115#0[%parallel_loop3A_131] in [0] : vector<16xf32>, vector<16xi32> -> vector<16xf32>
      %parallel_loop3A_133 = arith.addf %parallel_loop3A_115#0, %parallel_loop3A_132 : vector<16xf32>
      %parallel_loop3A_134 = arith.constant 4 : i32
      %parallel_loop3A_135 = vector.broadcast %parallel_loop3A_134 : i32 to vector<16xi32>
      %parallel_loop3A_136 = arith.addi %parallel_loop3A_116, %parallel_loop3A_135 : vector<16xi32>
      %parallel_loop3A_137 = arith.constant 15 : i32
      %parallel_loop3A_138 = vector.broadcast %parallel_loop3A_137 : i32 to vector<16xi32>
      %parallel_loop3A_139 = arith.andi %parallel_loop3A_136, %parallel_loop3A_138 : vector<16xi32>
      %parallel_loop3A_140 = arith.constant 0 : i32
      %parallel_loop3A_141 = vector.broadcast %parallel_loop3A_140 : i32 to vector<16xi32>
      %parallel_loop3A_142 = arith.cmpi slt, %parallel_loop3A_139, %parallel_loop3A_141 : vector<16xi32>
      %parallel_loop3A_143 = arith.constant 16 : i32
      %parallel_loop3A_144 = vector.broadcast %parallel_loop3A_143 : i32 to vector<16xi32>
      %parallel_loop3A_145 = arith.addi %parallel_loop3A_139, %parallel_loop3A_144 : vector<16xi32>
      %parallel_loop3A_146 = arith.select %parallel_loop3A_142, %parallel_loop3A_145, %parallel_loop3A_139 : vector<16xi1>, vector<16xi32>
      %parallel_loop3A_147 = vector.shape_cast %parallel_loop3A_146 : vector<16xi32> to vector<16x1xi32>
      %parallel_loop3A_148 = vector.shape_cast %parallel_loop3A_147 : vector<16x1xi32> to vector<16xi32>
      %parallel_loop3A_149 = tpu.dynamic_gather %parallel_loop3A_133[%parallel_loop3A_148] in [0] : vector<16xf32>, vector<16xi32> -> vector<16xf32>
      %parallel_loop3A_150 = arith.addf %parallel_loop3A_133, %parallel_loop3A_149 : vector<16xf32>
      %parallel_loop3A_151 = arith.constant 2 : i32
      %parallel_loop3A_152 = vector.broadcast %parallel_loop3A_151 : i32 to vector<16xi32>
      %parallel_loop3A_153 = arith.addi %parallel_loop3A_116, %parallel_loop3A_152 : vector<16xi32>
      %parallel_loop3A_154 = arith.constant 15 : i32
      %parallel_loop3A_155 = vector.broadcast %parallel_loop3A_154 : i32 to vector<16xi32>
      %parallel_loop3A_156 = arith.andi %parallel_loop3A_153, %parallel_loop3A_155 : vector<16xi32>
      %parallel_loop3A_157 = arith.constant 0 : i32
      %parallel_loop3A_158 = vector.broadcast %parallel_loop3A_157 : i32 to vector<16xi32>
      %parallel_loop3A_159 = arith.cmpi slt, %parallel_loop3A_156, %parallel_loop3A_158 : vector<16xi32>
      %parallel_loop3A_160 = arith.constant 16 : i32
      %parallel_loop3A_161 = vector.broadcast %parallel_loop3A_160 : i32 to vector<16xi32>
      %parallel_loop3A_162 = arith.addi %parallel_loop3A_156, %parallel_loop3A_161 : vector<16xi32>
      %parallel_loop3A_163 = arith.select %parallel_loop3A_159, %parallel_loop3A_162, %parallel_loop3A_156 : vector<16xi1>, vector<16xi32>
      %parallel_loop3A_164 = vector.shape_cast %parallel_loop3A_163 : vector<16xi32> to vector<16x1xi32>
      %parallel_loop3A_165 = vector.shape_cast %parallel_loop3A_164 : vector<16x1xi32> to vector<16xi32>
      %parallel_loop3A_166 = tpu.dynamic_gather %parallel_loop3A_150[%parallel_loop3A_165] in [0] : vector<16xf32>, vector<16xi32> -> vector<16xf32>
      %parallel_loop3A_167 = arith.addf %parallel_loop3A_150, %parallel_loop3A_166 : vector<16xf32>
      %parallel_loop3A_168 = arith.constant 1 : i32
      %parallel_loop3A_169 = vector.broadcast %parallel_loop3A_168 : i32 to vector<16xi32>
      %parallel_loop3A_170 = arith.addi %parallel_loop3A_116, %parallel_loop3A_169 : vector<16xi32>
      %parallel_loop3A_171 = arith.constant 15 : i32
      %parallel_loop3A_172 = vector.broadcast %parallel_loop3A_171 : i32 to vector<16xi32>
      %parallel_loop3A_173 = arith.andi %parallel_loop3A_170, %parallel_loop3A_172 : vector<16xi32>
      %parallel_loop3A_174 = arith.constant 0 : i32
      %parallel_loop3A_175 = vector.broadcast %parallel_loop3A_174 : i32 to vector<16xi32>
      %parallel_loop3A_176 = arith.cmpi slt, %parallel_loop3A_173, %parallel_loop3A_175 : vector<16xi32>
      %parallel_loop3A_177 = arith.constant 16 : i32
      %parallel_loop3A_178 = vector.broadcast %parallel_loop3A_177 : i32 to vector<16xi32>
      %parallel_loop3A_179 = arith.addi %parallel_loop3A_173, %parallel_loop3A_178 : vector<16xi32>
      %parallel_loop3A_180 = arith.select %parallel_loop3A_176, %parallel_loop3A_179, %parallel_loop3A_173 : vector<16xi1>, vector<16xi32>
      %parallel_loop3A_181 = vector.shape_cast %parallel_loop3A_180 : vector<16xi32> to vector<16x1xi32>
      %parallel_loop3A_182 = vector.shape_cast %parallel_loop3A_181 : vector<16x1xi32> to vector<16xi32>
      %parallel_loop3A_183 = tpu.dynamic_gather %parallel_loop3A_167[%parallel_loop3A_182] in [0] : vector<16xf32>, vector<16xi32> -> vector<16xf32>
      %parallel_loop3A_184 = arith.addf %parallel_loop3A_167, %parallel_loop3A_183 : vector<16xf32>
      %parallel_loop3A_185 = arith.constant 0.00130208337 : f32
      %parallel_loop3A_186 = vector.broadcast %parallel_loop3A_185 : f32 to vector<16xf32>
      %parallel_loop3A_187 = arith.mulf %parallel_loop3A_184, %parallel_loop3A_186 : vector<16xf32>
      %parallel_loop3A_188 = tpu.iota {dimensions = array<i32: 0>} : vector<16xi32>
      %parallel_loop3A_189 = arith.constant 8 : i32
      %parallel_loop3A_190 = vector.broadcast %parallel_loop3A_189 : i32 to vector<16xi32>
      %parallel_loop3A_191 = arith.addi %parallel_loop3A_188, %parallel_loop3A_190 : vector<16xi32>
      %parallel_loop3A_192 = arith.constant 15 : i32
      %parallel_loop3A_193 = vector.broadcast %parallel_loop3A_192 : i32 to vector<16xi32>
      %parallel_loop3A_194 = arith.andi %parallel_loop3A_191, %parallel_loop3A_193 : vector<16xi32>
      %parallel_loop3A_195 = arith.constant 0 : i32
      %parallel_loop3A_196 = vector.broadcast %parallel_loop3A_195 : i32 to vector<16xi32>
      %parallel_loop3A_197 = arith.cmpi slt, %parallel_loop3A_194, %parallel_loop3A_196 : vector<16xi32>
      %parallel_loop3A_198 = arith.constant 16 : i32
      %parallel_loop3A_199 = vector.broadcast %parallel_loop3A_198 : i32 to vector<16xi32>
      %parallel_loop3A_200 = arith.addi %parallel_loop3A_194, %parallel_loop3A_199 : vector<16xi32>
      %parallel_loop3A_201 = arith.select %parallel_loop3A_197, %parallel_loop3A_200, %parallel_loop3A_194 : vector<16xi1>, vector<16xi32>
      %parallel_loop3A_202 = vector.shape_cast %parallel_loop3A_201 : vector<16xi32> to vector<16x1xi32>
      %parallel_loop3A_203 = vector.shape_cast %parallel_loop3A_202 : vector<16x1xi32> to vector<16xi32>
      %parallel_loop3A_204 = tpu.dynamic_gather %parallel_loop3A_115#1[%parallel_loop3A_203] in [0] : vector<16xf32>, vector<16xi32> -> vector<16xf32>
      %parallel_loop3A_205 = arith.addf %parallel_loop3A_115#1, %parallel_loop3A_204 : vector<16xf32>
      %parallel_loop3A_206 = arith.constant 4 : i32
      %parallel_loop3A_207 = vector.broadcast %parallel_loop3A_206 : i32 to vector<16xi32>
      %parallel_loop3A_208 = arith.addi %parallel_loop3A_188, %parallel_loop3A_207 : vector<16xi32>
      %parallel_loop3A_209 = arith.constant 15 : i32
      %parallel_loop3A_210 = vector.broadcast %parallel_loop3A_209 : i32 to vector<16xi32>
      %parallel_loop3A_211 = arith.andi %parallel_loop3A_208, %parallel_loop3A_210 : vector<16xi32>
      %parallel_loop3A_212 = arith.constant 0 : i32
      %parallel_loop3A_213 = vector.broadcast %parallel_loop3A_212 : i32 to vector<16xi32>
      %parallel_loop3A_214 = arith.cmpi slt, %parallel_loop3A_211, %parallel_loop3A_213 : vector<16xi32>
      %parallel_loop3A_215 = arith.constant 16 : i32
      %parallel_loop3A_216 = vector.broadcast %parallel_loop3A_215 : i32 to vector<16xi32>
      %parallel_loop3A_217 = arith.addi %parallel_loop3A_211, %parallel_loop3A_216 : vector<16xi32>
      %parallel_loop3A_218 = arith.select %parallel_loop3A_214, %parallel_loop3A_217, %parallel_loop3A_211 : vector<16xi1>, vector<16xi32>
      %parallel_loop3A_219 = vector.shape_cast %parallel_loop3A_218 : vector<16xi32> to vector<16x1xi32>
      %parallel_loop3A_220 = vector.shape_cast %parallel_loop3A_219 : vector<16x1xi32> to vector<16xi32>
      %parallel_loop3A_221 = tpu.dynamic_gather %parallel_loop3A_205[%parallel_loop3A_220] in [0] : vector<16xf32>, vector<16xi32> -> vector<16xf32>
      %parallel_loop3A_222 = arith.addf %parallel_loop3A_205, %parallel_loop3A_221 : vector<16xf32>
      %parallel_loop3A_223 = arith.constant 2 : i32
      %parallel_loop3A_224 = vector.broadcast %parallel_loop3A_223 : i32 to vector<16xi32>
      %parallel_loop3A_225 = arith.addi %parallel_loop3A_188, %parallel_loop3A_224 : vector<16xi32>
      %parallel_loop3A_226 = arith.constant 15 : i32
      %parallel_loop3A_227 = vector.broadcast %parallel_loop3A_226 : i32 to vector<16xi32>
      %parallel_loop3A_228 = arith.andi %parallel_loop3A_225, %parallel_loop3A_227 : vector<16xi32>
      %parallel_loop3A_229 = arith.constant 0 : i32
      %parallel_loop3A_230 = vector.broadcast %parallel_loop3A_229 : i32 to vector<16xi32>
      %parallel_loop3A_231 = arith.cmpi slt, %parallel_loop3A_228, %parallel_loop3A_230 : vector<16xi32>
      %parallel_loop3A_232 = arith.constant 16 : i32
      %parallel_loop3A_233 = vector.broadcast %parallel_loop3A_232 : i32 to vector<16xi32>
      %parallel_loop3A_234 = arith.addi %parallel_loop3A_228, %parallel_loop3A_233 : vector<16xi32>
      %parallel_loop3A_235 = arith.select %parallel_loop3A_231, %parallel_loop3A_234, %parallel_loop3A_228 : vector<16xi1>, vector<16xi32>
      %parallel_loop3A_236 = vector.shape_cast %parallel_loop3A_235 : vector<16xi32> to vector<16x1xi32>
      %parallel_loop3A_237 = vector.shape_cast %parallel_loop3A_236 : vector<16x1xi32> to vector<16xi32>
      %parallel_loop3A_238 = tpu.dynamic_gather %parallel_loop3A_222[%parallel_loop3A_237] in [0] : vector<16xf32>, vector<16xi32> -> vector<16xf32>
      %parallel_loop3A_239 = arith.addf %parallel_loop3A_222, %parallel_loop3A_238 : vector<16xf32>
      %parallel_loop3A_240 = arith.constant 1 : i32
      %parallel_loop3A_241 = vector.broadcast %parallel_loop3A_240 : i32 to vector<16xi32>
      %parallel_loop3A_242 = arith.addi %parallel_loop3A_188, %parallel_loop3A_241 : vector<16xi32>
      %parallel_loop3A_243 = arith.constant 15 : i32
      %parallel_loop3A_244 = vector.broadcast %parallel_loop3A_243 : i32 to vector<16xi32>
      %parallel_loop3A_245 = arith.andi %parallel_loop3A_242, %parallel_loop3A_244 : vector<16xi32>
      %parallel_loop3A_246 = arith.constant 0 : i32
      %parallel_loop3A_247 = vector.broadcast %parallel_loop3A_246 : i32 to vector<16xi32>
      %parallel_loop3A_248 = arith.cmpi slt, %parallel_loop3A_245, %parallel_loop3A_247 : vector<16xi32>
      %parallel_loop3A_249 = arith.constant 16 : i32
      %parallel_loop3A_250 = vector.broadcast %parallel_loop3A_249 : i32 to vector<16xi32>
      %parallel_loop3A_251 = arith.addi %parallel_loop3A_245, %parallel_loop3A_250 : vector<16xi32>
      %parallel_loop3A_252 = arith.select %parallel_loop3A_248, %parallel_loop3A_251, %parallel_loop3A_245 : vector<16xi1>, vector<16xi32>
      %parallel_loop3A_253 = vector.shape_cast %parallel_loop3A_252 : vector<16xi32> to vector<16x1xi32>
      %parallel_loop3A_254 = vector.shape_cast %parallel_loop3A_253 : vector<16x1xi32> to vector<16xi32>
      %parallel_loop3A_255 = tpu.dynamic_gather %parallel_loop3A_239[%parallel_loop3A_254] in [0] : vector<16xf32>, vector<16xi32> -> vector<16xf32>
      %parallel_loop3A_256 = arith.addf %parallel_loop3A_239, %parallel_loop3A_255 : vector<16xf32>
      %parallel_loop3A_257 = arith.constant 0.00130208337 : f32
      %parallel_loop3A_258 = vector.broadcast %parallel_loop3A_257 : f32 to vector<16xf32>
      %parallel_loop3A_259 = arith.mulf %parallel_loop3A_256, %parallel_loop3A_258 : vector<16xf32>
      %parallel_loop3A_260 = arith.mulf %parallel_loop3A_187, %parallel_loop3A_187 : vector<16xf32>
      %parallel_loop3A_261 = arith.subf %parallel_loop3A_259, %parallel_loop3A_260 : vector<16xf32>
      %parallel_loop3A_262 = arith.constant 1.000000e-07 : f32
      %parallel_loop3A_263 = vector.broadcast %parallel_loop3A_262 : f32 to vector<16xf32>
      %parallel_loop3A_264 = arith.addf %parallel_loop3A_261, %parallel_loop3A_263 : vector<16xf32>
      %parallel_loop3A_265 = tpu.bitcast %parallel_loop3A_264 : vector<16xf32> -> vector<16xi32>
      %parallel_loop3A_266 = arith.constant 1 : i32
      %parallel_loop3A_267 = vector.broadcast %parallel_loop3A_266 : i32 to vector<16xi32>
      %parallel_loop3A_268 = arith.shrsi %parallel_loop3A_265, %parallel_loop3A_267 : vector<16xi32>
      %parallel_loop3A_269 = arith.constant 1597463007 : i32
      %parallel_loop3A_270 = vector.broadcast %parallel_loop3A_269 : i32 to vector<16xi32>
      %parallel_loop3A_271 = arith.subi %parallel_loop3A_270, %parallel_loop3A_268 : vector<16xi32>
      %parallel_loop3A_272 = tpu.bitcast %parallel_loop3A_271 : vector<16xi32> -> vector<16xf32>
      %parallel_loop3A_273 = arith.constant 5.000000e-01 : f32
      %parallel_loop3A_274 = vector.broadcast %parallel_loop3A_273 : f32 to vector<16xf32>
      %parallel_loop3A_275 = arith.mulf %parallel_loop3A_274, %parallel_loop3A_264 : vector<16xf32>
      %parallel_loop3A_276 = arith.mulf %parallel_loop3A_275, %parallel_loop3A_272 : vector<16xf32>
      %parallel_loop3A_277 = arith.mulf %parallel_loop3A_276, %parallel_loop3A_272 : vector<16xf32>
      %parallel_loop3A_278 = arith.constant 1.500000e+00 : f32
      %parallel_loop3A_279 = vector.broadcast %parallel_loop3A_278 : f32 to vector<16xf32>
      %parallel_loop3A_280 = arith.subf %parallel_loop3A_279, %parallel_loop3A_277 : vector<16xf32>
      %parallel_loop3A_281 = arith.mulf %parallel_loop3A_272, %parallel_loop3A_280 : vector<16xf32>
      %parallel_loop3A_282 = arith.constant 5.000000e-01 : f32
      %parallel_loop3A_283 = vector.broadcast %parallel_loop3A_282 : f32 to vector<16xf32>
      %parallel_loop3A_284 = arith.mulf %parallel_loop3A_283, %parallel_loop3A_264 : vector<16xf32>
      %parallel_loop3A_285 = arith.mulf %parallel_loop3A_284, %parallel_loop3A_281 : vector<16xf32>
      %parallel_loop3A_286 = arith.mulf %parallel_loop3A_285, %parallel_loop3A_281 : vector<16xf32>
      %parallel_loop3A_287 = arith.constant 1.500000e+00 : f32
      %parallel_loop3A_288 = vector.broadcast %parallel_loop3A_287 : f32 to vector<16xf32>
      %parallel_loop3A_289 = arith.subf %parallel_loop3A_288, %parallel_loop3A_286 : vector<16xf32>
      %parallel_loop3A_290 = arith.mulf %parallel_loop3A_281, %parallel_loop3A_289 : vector<16xf32>
      %parallel_loop3A_291 = arith.constant 5.000000e-01 : f32
      %parallel_loop3A_292 = vector.broadcast %parallel_loop3A_291 : f32 to vector<16xf32>
      %parallel_loop3A_293 = arith.mulf %parallel_loop3A_292, %parallel_loop3A_264 : vector<16xf32>
      %parallel_loop3A_294 = arith.mulf %parallel_loop3A_293, %parallel_loop3A_290 : vector<16xf32>
      %parallel_loop3A_295 = arith.mulf %parallel_loop3A_294, %parallel_loop3A_290 : vector<16xf32>
      %parallel_loop3A_296 = arith.constant 1.500000e+00 : f32
      %parallel_loop3A_297 = vector.broadcast %parallel_loop3A_296 : f32 to vector<16xf32>
      %parallel_loop3A_298 = arith.subf %parallel_loop3A_297, %parallel_loop3A_295 : vector<16xf32>
      %parallel_loop3A_299 = arith.mulf %parallel_loop3A_290, %parallel_loop3A_298 : vector<16xf32>
      %parallel_loop3A_300 = arith.mulf %parallel_loop3A_187, %parallel_loop3A_299 : vector<16xf32>
      %parallel_loop3A_301 = tpu.iota {dimensions = array<i32: 0>} : vector<16xi32>
      %parallel_loop3A_302 = arith.constant 8 : i32
      %parallel_loop3A_303 = vector.broadcast %parallel_loop3A_302 : i32 to vector<16xi32>
      %parallel_loop3A_304 = arith.addi %parallel_loop3A_301, %parallel_loop3A_303 : vector<16xi32>
      %parallel_loop3A_305 = arith.constant 15 : i32
      %parallel_loop3A_306 = vector.broadcast %parallel_loop3A_305 : i32 to vector<16xi32>
      %parallel_loop3A_307 = arith.andi %parallel_loop3A_304, %parallel_loop3A_306 : vector<16xi32>
      %parallel_loop3A_308 = arith.constant 0 : i32
      %parallel_loop3A_309 = vector.broadcast %parallel_loop3A_308 : i32 to vector<16xi32>
      %parallel_loop3A_310 = arith.cmpi slt, %parallel_loop3A_307, %parallel_loop3A_309 : vector<16xi32>
      %parallel_loop3A_311 = arith.constant 16 : i32
      %parallel_loop3A_312 = vector.broadcast %parallel_loop3A_311 : i32 to vector<16xi32>
      %parallel_loop3A_313 = arith.addi %parallel_loop3A_307, %parallel_loop3A_312 : vector<16xi32>
      %parallel_loop3A_314 = arith.select %parallel_loop3A_310, %parallel_loop3A_313, %parallel_loop3A_307 : vector<16xi1>, vector<16xi32>
      %parallel_loop3A_315 = vector.shape_cast %parallel_loop3A_314 : vector<16xi32> to vector<16x1xi32>
      %parallel_loop3A_316 = vector.shape_cast %parallel_loop3A_315 : vector<16x1xi32> to vector<16xi32>
      %parallel_loop3A_317 = tpu.dynamic_gather %parallel_loop3A_115#2[%parallel_loop3A_316] in [0] : vector<16xf32>, vector<16xi32> -> vector<16xf32>
      %parallel_loop3A_318 = arith.addf %parallel_loop3A_115#2, %parallel_loop3A_317 : vector<16xf32>
      %parallel_loop3A_319 = arith.constant 4 : i32
      %parallel_loop3A_320 = vector.broadcast %parallel_loop3A_319 : i32 to vector<16xi32>
      %parallel_loop3A_321 = arith.addi %parallel_loop3A_301, %parallel_loop3A_320 : vector<16xi32>
      %parallel_loop3A_322 = arith.constant 15 : i32
      %parallel_loop3A_323 = vector.broadcast %parallel_loop3A_322 : i32 to vector<16xi32>
      %parallel_loop3A_324 = arith.andi %parallel_loop3A_321, %parallel_loop3A_323 : vector<16xi32>
      %parallel_loop3A_325 = arith.constant 0 : i32
      %parallel_loop3A_326 = vector.broadcast %parallel_loop3A_325 : i32 to vector<16xi32>
      %parallel_loop3A_327 = arith.cmpi slt, %parallel_loop3A_324, %parallel_loop3A_326 : vector<16xi32>
      %parallel_loop3A_328 = arith.constant 16 : i32
      %parallel_loop3A_329 = vector.broadcast %parallel_loop3A_328 : i32 to vector<16xi32>
      %parallel_loop3A_330 = arith.addi %parallel_loop3A_324, %parallel_loop3A_329 : vector<16xi32>
      %parallel_loop3A_331 = arith.select %parallel_loop3A_327, %parallel_loop3A_330, %parallel_loop3A_324 : vector<16xi1>, vector<16xi32>
      %parallel_loop3A_332 = vector.shape_cast %parallel_loop3A_331 : vector<16xi32> to vector<16x1xi32>
      %parallel_loop3A_333 = vector.shape_cast %parallel_loop3A_332 : vector<16x1xi32> to vector<16xi32>
      %parallel_loop3A_334 = tpu.dynamic_gather %parallel_loop3A_318[%parallel_loop3A_333] in [0] : vector<16xf32>, vector<16xi32> -> vector<16xf32>
      %parallel_loop3A_335 = arith.addf %parallel_loop3A_318, %parallel_loop3A_334 : vector<16xf32>
      %parallel_loop3A_336 = arith.constant 2 : i32
      %parallel_loop3A_337 = vector.broadcast %parallel_loop3A_336 : i32 to vector<16xi32>
      %parallel_loop3A_338 = arith.addi %parallel_loop3A_301, %parallel_loop3A_337 : vector<16xi32>
      %parallel_loop3A_339 = arith.constant 15 : i32
      %parallel_loop3A_340 = vector.broadcast %parallel_loop3A_339 : i32 to vector<16xi32>
      %parallel_loop3A_341 = arith.andi %parallel_loop3A_338, %parallel_loop3A_340 : vector<16xi32>
      %parallel_loop3A_342 = arith.constant 0 : i32
      %parallel_loop3A_343 = vector.broadcast %parallel_loop3A_342 : i32 to vector<16xi32>
      %parallel_loop3A_344 = arith.cmpi slt, %parallel_loop3A_341, %parallel_loop3A_343 : vector<16xi32>
      %parallel_loop3A_345 = arith.constant 16 : i32
      %parallel_loop3A_346 = vector.broadcast %parallel_loop3A_345 : i32 to vector<16xi32>
      %parallel_loop3A_347 = arith.addi %parallel_loop3A_341, %parallel_loop3A_346 : vector<16xi32>
      %parallel_loop3A_348 = arith.select %parallel_loop3A_344, %parallel_loop3A_347, %parallel_loop3A_341 : vector<16xi1>, vector<16xi32>
      %parallel_loop3A_349 = vector.shape_cast %parallel_loop3A_348 : vector<16xi32> to vector<16x1xi32>
      %parallel_loop3A_350 = vector.shape_cast %parallel_loop3A_349 : vector<16x1xi32> to vector<16xi32>
      %parallel_loop3A_351 = tpu.dynamic_gather %parallel_loop3A_335[%parallel_loop3A_350] in [0] : vector<16xf32>, vector<16xi32> -> vector<16xf32>
      %parallel_loop3A_352 = arith.addf %parallel_loop3A_335, %parallel_loop3A_351 : vector<16xf32>
      %parallel_loop3A_353 = arith.constant 1 : i32
      %parallel_loop3A_354 = vector.broadcast %parallel_loop3A_353 : i32 to vector<16xi32>
      %parallel_loop3A_355 = arith.addi %parallel_loop3A_301, %parallel_loop3A_354 : vector<16xi32>
      %parallel_loop3A_356 = arith.constant 15 : i32
      %parallel_loop3A_357 = vector.broadcast %parallel_loop3A_356 : i32 to vector<16xi32>
      %parallel_loop3A_358 = arith.andi %parallel_loop3A_355, %parallel_loop3A_357 : vector<16xi32>
      %parallel_loop3A_359 = arith.constant 0 : i32
      %parallel_loop3A_360 = vector.broadcast %parallel_loop3A_359 : i32 to vector<16xi32>
      %parallel_loop3A_361 = arith.cmpi slt, %parallel_loop3A_358, %parallel_loop3A_360 : vector<16xi32>
      %parallel_loop3A_362 = arith.constant 16 : i32
      %parallel_loop3A_363 = vector.broadcast %parallel_loop3A_362 : i32 to vector<16xi32>
      %parallel_loop3A_364 = arith.addi %parallel_loop3A_358, %parallel_loop3A_363 : vector<16xi32>
      %parallel_loop3A_365 = arith.select %parallel_loop3A_361, %parallel_loop3A_364, %parallel_loop3A_358 : vector<16xi1>, vector<16xi32>
      %parallel_loop3A_366 = vector.shape_cast %parallel_loop3A_365 : vector<16xi32> to vector<16x1xi32>
      %parallel_loop3A_367 = vector.shape_cast %parallel_loop3A_366 : vector<16x1xi32> to vector<16xi32>
      %parallel_loop3A_368 = tpu.dynamic_gather %parallel_loop3A_352[%parallel_loop3A_367] in [0] : vector<16xf32>, vector<16xi32> -> vector<16xf32>
      %parallel_loop3A_369 = arith.addf %parallel_loop3A_352, %parallel_loop3A_368 : vector<16xf32>
      %parallel_loop3A_370 = arith.constant 0.00130208337 : f32
      %parallel_loop3A_371 = vector.broadcast %parallel_loop3A_370 : f32 to vector<16xf32>
      %parallel_loop3A_372 = arith.mulf %parallel_loop3A_369, %parallel_loop3A_371 : vector<16xf32>
      %parallel_loop3A_373 = tpu.iota {dimensions = array<i32: 0>} : vector<16xi32>
      %parallel_loop3A_374 = arith.constant 8 : i32
      %parallel_loop3A_375 = vector.broadcast %parallel_loop3A_374 : i32 to vector<16xi32>
      %parallel_loop3A_376 = arith.addi %parallel_loop3A_373, %parallel_loop3A_375 : vector<16xi32>
      %parallel_loop3A_377 = arith.constant 15 : i32
      %parallel_loop3A_378 = vector.broadcast %parallel_loop3A_377 : i32 to vector<16xi32>
      %parallel_loop3A_379 = arith.andi %parallel_loop3A_376, %parallel_loop3A_378 : vector<16xi32>
      %parallel_loop3A_380 = arith.constant 0 : i32
      %parallel_loop3A_381 = vector.broadcast %parallel_loop3A_380 : i32 to vector<16xi32>
      %parallel_loop3A_382 = arith.cmpi slt, %parallel_loop3A_379, %parallel_loop3A_381 : vector<16xi32>
      %parallel_loop3A_383 = arith.constant 16 : i32
      %parallel_loop3A_384 = vector.broadcast %parallel_loop3A_383 : i32 to vector<16xi32>
      %parallel_loop3A_385 = arith.addi %parallel_loop3A_379, %parallel_loop3A_384 : vector<16xi32>
      %parallel_loop3A_386 = arith.select %parallel_loop3A_382, %parallel_loop3A_385, %parallel_loop3A_379 : vector<16xi1>, vector<16xi32>
      %parallel_loop3A_387 = vector.shape_cast %parallel_loop3A_386 : vector<16xi32> to vector<16x1xi32>
      %parallel_loop3A_388 = vector.shape_cast %parallel_loop3A_387 : vector<16x1xi32> to vector<16xi32>
      %parallel_loop3A_389 = tpu.dynamic_gather %parallel_loop3A_115#3[%parallel_loop3A_388] in [0] : vector<16xf32>, vector<16xi32> -> vector<16xf32>
      %parallel_loop3A_390 = arith.addf %parallel_loop3A_115#3, %parallel_loop3A_389 : vector<16xf32>
      %parallel_loop3A_391 = arith.constant 4 : i32
      %parallel_loop3A_392 = vector.broadcast %parallel_loop3A_391 : i32 to vector<16xi32>
      %parallel_loop3A_393 = arith.addi %parallel_loop3A_373, %parallel_loop3A_392 : vector<16xi32>
      %parallel_loop3A_394 = arith.constant 15 : i32
      %parallel_loop3A_395 = vector.broadcast %parallel_loop3A_394 : i32 to vector<16xi32>
      %parallel_loop3A_396 = arith.andi %parallel_loop3A_393, %parallel_loop3A_395 : vector<16xi32>
      %parallel_loop3A_397 = arith.constant 0 : i32
      %parallel_loop3A_398 = vector.broadcast %parallel_loop3A_397 : i32 to vector<16xi32>
      %parallel_loop3A_399 = arith.cmpi slt, %parallel_loop3A_396, %parallel_loop3A_398 : vector<16xi32>
      %parallel_loop3A_400 = arith.constant 16 : i32
      %parallel_loop3A_401 = vector.broadcast %parallel_loop3A_400 : i32 to vector<16xi32>
      %parallel_loop3A_402 = arith.addi %parallel_loop3A_396, %parallel_loop3A_401 : vector<16xi32>
      %parallel_loop3A_403 = arith.select %parallel_loop3A_399, %parallel_loop3A_402, %parallel_loop3A_396 : vector<16xi1>, vector<16xi32>
      %parallel_loop3A_404 = vector.shape_cast %parallel_loop3A_403 : vector<16xi32> to vector<16x1xi32>
      %parallel_loop3A_405 = vector.shape_cast %parallel_loop3A_404 : vector<16x1xi32> to vector<16xi32>
      %parallel_loop3A_406 = tpu.dynamic_gather %parallel_loop3A_390[%parallel_loop3A_405] in [0] : vector<16xf32>, vector<16xi32> -> vector<16xf32>
      %parallel_loop3A_407 = arith.addf %parallel_loop3A_390, %parallel_loop3A_406 : vector<16xf32>
      %parallel_loop3A_408 = arith.constant 2 : i32
      %parallel_loop3A_409 = vector.broadcast %parallel_loop3A_408 : i32 to vector<16xi32>
      %parallel_loop3A_410 = arith.addi %parallel_loop3A_373, %parallel_loop3A_409 : vector<16xi32>
      %parallel_loop3A_411 = arith.constant 15 : i32
      %parallel_loop3A_412 = vector.broadcast %parallel_loop3A_411 : i32 to vector<16xi32>
      %parallel_loop3A_413 = arith.andi %parallel_loop3A_410, %parallel_loop3A_412 : vector<16xi32>
      %parallel_loop3A_414 = arith.constant 0 : i32
      %parallel_loop3A_415 = vector.broadcast %parallel_loop3A_414 : i32 to vector<16xi32>
      %parallel_loop3A_416 = arith.cmpi slt, %parallel_loop3A_413, %parallel_loop3A_415 : vector<16xi32>
      %parallel_loop3A_417 = arith.constant 16 : i32
      %parallel_loop3A_418 = vector.broadcast %parallel_loop3A_417 : i32 to vector<16xi32>
      %parallel_loop3A_419 = arith.addi %parallel_loop3A_413, %parallel_loop3A_418 : vector<16xi32>
      %parallel_loop3A_420 = arith.select %parallel_loop3A_416, %parallel_loop3A_419, %parallel_loop3A_413 : vector<16xi1>, vector<16xi32>
      %parallel_loop3A_421 = vector.shape_cast %parallel_loop3A_420 : vector<16xi32> to vector<16x1xi32>
      %parallel_loop3A_422 = vector.shape_cast %parallel_loop3A_421 : vector<16x1xi32> to vector<16xi32>
      %parallel_loop3A_423 = tpu.dynamic_gather %parallel_loop3A_407[%parallel_loop3A_422] in [0] : vector<16xf32>, vector<16xi32> -> vector<16xf32>
      %parallel_loop3A_424 = arith.addf %parallel_loop3A_407, %parallel_loop3A_423 : vector<16xf32>
      %parallel_loop3A_425 = arith.constant 1 : i32
      %parallel_loop3A_426 = vector.broadcast %parallel_loop3A_425 : i32 to vector<16xi32>
      %parallel_loop3A_427 = arith.addi %parallel_loop3A_373, %parallel_loop3A_426 : vector<16xi32>
      %parallel_loop3A_428 = arith.constant 15 : i32
      %parallel_loop3A_429 = vector.broadcast %parallel_loop3A_428 : i32 to vector<16xi32>
      %parallel_loop3A_430 = arith.andi %parallel_loop3A_427, %parallel_loop3A_429 : vector<16xi32>
      %parallel_loop3A_431 = arith.constant 0 : i32
      %parallel_loop3A_432 = vector.broadcast %parallel_loop3A_431 : i32 to vector<16xi32>
      %parallel_loop3A_433 = arith.cmpi slt, %parallel_loop3A_430, %parallel_loop3A_432 : vector<16xi32>
      %parallel_loop3A_434 = arith.constant 16 : i32
      %parallel_loop3A_435 = vector.broadcast %parallel_loop3A_434 : i32 to vector<16xi32>
      %parallel_loop3A_436 = arith.addi %parallel_loop3A_430, %parallel_loop3A_435 : vector<16xi32>
      %parallel_loop3A_437 = arith.select %parallel_loop3A_433, %parallel_loop3A_436, %parallel_loop3A_430 : vector<16xi1>, vector<16xi32>
      %parallel_loop3A_438 = vector.shape_cast %parallel_loop3A_437 : vector<16xi32> to vector<16x1xi32>
      %parallel_loop3A_439 = vector.shape_cast %parallel_loop3A_438 : vector<16x1xi32> to vector<16xi32>
      %parallel_loop3A_440 = tpu.dynamic_gather %parallel_loop3A_424[%parallel_loop3A_439] in [0] : vector<16xf32>, vector<16xi32> -> vector<16xf32>
      %parallel_loop3A_441 = arith.addf %parallel_loop3A_424, %parallel_loop3A_440 : vector<16xf32>
      %parallel_loop3A_442 = arith.constant 0.00130208337 : f32
      %parallel_loop3A_443 = vector.broadcast %parallel_loop3A_442 : f32 to vector<16xf32>
      %parallel_loop3A_444 = arith.mulf %parallel_loop3A_441, %parallel_loop3A_443 : vector<16xf32>
      %parallel_loop3A_445 = arith.mulf %parallel_loop3A_372, %parallel_loop3A_372 : vector<16xf32>
      %parallel_loop3A_446 = arith.subf %parallel_loop3A_444, %parallel_loop3A_445 : vector<16xf32>
      %parallel_loop3A_447 = arith.constant 1.000000e-07 : f32
      %parallel_loop3A_448 = vector.broadcast %parallel_loop3A_447 : f32 to vector<16xf32>
      %parallel_loop3A_449 = arith.addf %parallel_loop3A_446, %parallel_loop3A_448 : vector<16xf32>
      %parallel_loop3A_450 = tpu.bitcast %parallel_loop3A_449 : vector<16xf32> -> vector<16xi32>
      %parallel_loop3A_451 = arith.constant 1 : i32
      %parallel_loop3A_452 = vector.broadcast %parallel_loop3A_451 : i32 to vector<16xi32>
      %parallel_loop3A_453 = arith.shrsi %parallel_loop3A_450, %parallel_loop3A_452 : vector<16xi32>
      %parallel_loop3A_454 = arith.constant 1597463007 : i32
      %parallel_loop3A_455 = vector.broadcast %parallel_loop3A_454 : i32 to vector<16xi32>
      %parallel_loop3A_456 = arith.subi %parallel_loop3A_455, %parallel_loop3A_453 : vector<16xi32>
      %parallel_loop3A_457 = tpu.bitcast %parallel_loop3A_456 : vector<16xi32> -> vector<16xf32>
      %parallel_loop3A_458 = arith.constant 5.000000e-01 : f32
      %parallel_loop3A_459 = vector.broadcast %parallel_loop3A_458 : f32 to vector<16xf32>
      %parallel_loop3A_460 = arith.mulf %parallel_loop3A_459, %parallel_loop3A_449 : vector<16xf32>
      %parallel_loop3A_461 = arith.mulf %parallel_loop3A_460, %parallel_loop3A_457 : vector<16xf32>
      %parallel_loop3A_462 = arith.mulf %parallel_loop3A_461, %parallel_loop3A_457 : vector<16xf32>
      %parallel_loop3A_463 = arith.constant 1.500000e+00 : f32
      %parallel_loop3A_464 = vector.broadcast %parallel_loop3A_463 : f32 to vector<16xf32>
      %parallel_loop3A_465 = arith.subf %parallel_loop3A_464, %parallel_loop3A_462 : vector<16xf32>
      %parallel_loop3A_466 = arith.mulf %parallel_loop3A_457, %parallel_loop3A_465 : vector<16xf32>
      %parallel_loop3A_467 = arith.constant 5.000000e-01 : f32
      %parallel_loop3A_468 = vector.broadcast %parallel_loop3A_467 : f32 to vector<16xf32>
      %parallel_loop3A_469 = arith.mulf %parallel_loop3A_468, %parallel_loop3A_449 : vector<16xf32>
      %parallel_loop3A_470 = arith.mulf %parallel_loop3A_469, %parallel_loop3A_466 : vector<16xf32>
      %parallel_loop3A_471 = arith.mulf %parallel_loop3A_470, %parallel_loop3A_466 : vector<16xf32>
      %parallel_loop3A_472 = arith.constant 1.500000e+00 : f32
      %parallel_loop3A_473 = vector.broadcast %parallel_loop3A_472 : f32 to vector<16xf32>
      %parallel_loop3A_474 = arith.subf %parallel_loop3A_473, %parallel_loop3A_471 : vector<16xf32>
      %parallel_loop3A_475 = arith.mulf %parallel_loop3A_466, %parallel_loop3A_474 : vector<16xf32>
      %parallel_loop3A_476 = arith.constant 5.000000e-01 : f32
      %parallel_loop3A_477 = vector.broadcast %parallel_loop3A_476 : f32 to vector<16xf32>
      %parallel_loop3A_478 = arith.mulf %parallel_loop3A_477, %parallel_loop3A_449 : vector<16xf32>
      %parallel_loop3A_479 = arith.mulf %parallel_loop3A_478, %parallel_loop3A_475 : vector<16xf32>
      %parallel_loop3A_480 = arith.mulf %parallel_loop3A_479, %parallel_loop3A_475 : vector<16xf32>
      %parallel_loop3A_481 = arith.constant 1.500000e+00 : f32
      %parallel_loop3A_482 = vector.broadcast %parallel_loop3A_481 : f32 to vector<16xf32>
      %parallel_loop3A_483 = arith.subf %parallel_loop3A_482, %parallel_loop3A_480 : vector<16xf32>
      %parallel_loop3A_484 = arith.mulf %parallel_loop3A_475, %parallel_loop3A_483 : vector<16xf32>
      %parallel_loop3A_485 = arith.mulf %parallel_loop3A_372, %parallel_loop3A_484 : vector<16xf32>
      %parallel_loop3A_486 = tpu.iota {dimensions = array<i32: 0>} : vector<16xi32>
      %parallel_loop3A_487 = arith.constant 8 : i32
      %parallel_loop3A_488 = vector.broadcast %parallel_loop3A_487 : i32 to vector<16xi32>
      %parallel_loop3A_489 = arith.addi %parallel_loop3A_486, %parallel_loop3A_488 : vector<16xi32>
      %parallel_loop3A_490 = arith.constant 15 : i32
      %parallel_loop3A_491 = vector.broadcast %parallel_loop3A_490 : i32 to vector<16xi32>
      %parallel_loop3A_492 = arith.andi %parallel_loop3A_489, %parallel_loop3A_491 : vector<16xi32>
      %parallel_loop3A_493 = arith.constant 0 : i32
      %parallel_loop3A_494 = vector.broadcast %parallel_loop3A_493 : i32 to vector<16xi32>
      %parallel_loop3A_495 = arith.cmpi slt, %parallel_loop3A_492, %parallel_loop3A_494 : vector<16xi32>
      %parallel_loop3A_496 = arith.constant 16 : i32
      %parallel_loop3A_497 = vector.broadcast %parallel_loop3A_496 : i32 to vector<16xi32>
      %parallel_loop3A_498 = arith.addi %parallel_loop3A_492, %parallel_loop3A_497 : vector<16xi32>
      %parallel_loop3A_499 = arith.select %parallel_loop3A_495, %parallel_loop3A_498, %parallel_loop3A_492 : vector<16xi1>, vector<16xi32>
      %parallel_loop3A_500 = vector.shape_cast %parallel_loop3A_499 : vector<16xi32> to vector<16x1xi32>
      %parallel_loop3A_501 = vector.shape_cast %parallel_loop3A_500 : vector<16x1xi32> to vector<16xi32>
      %parallel_loop3A_502 = tpu.dynamic_gather %parallel_loop3A_115#4[%parallel_loop3A_501] in [0] : vector<16xf32>, vector<16xi32> -> vector<16xf32>
      %parallel_loop3A_503 = arith.addf %parallel_loop3A_115#4, %parallel_loop3A_502 : vector<16xf32>
      %parallel_loop3A_504 = arith.constant 4 : i32
      %parallel_loop3A_505 = vector.broadcast %parallel_loop3A_504 : i32 to vector<16xi32>
      %parallel_loop3A_506 = arith.addi %parallel_loop3A_486, %parallel_loop3A_505 : vector<16xi32>
      %parallel_loop3A_507 = arith.constant 15 : i32
      %parallel_loop3A_508 = vector.broadcast %parallel_loop3A_507 : i32 to vector<16xi32>
      %parallel_loop3A_509 = arith.andi %parallel_loop3A_506, %parallel_loop3A_508 : vector<16xi32>
      %parallel_loop3A_510 = arith.constant 0 : i32
      %parallel_loop3A_511 = vector.broadcast %parallel_loop3A_510 : i32 to vector<16xi32>
      %parallel_loop3A_512 = arith.cmpi slt, %parallel_loop3A_509, %parallel_loop3A_511 : vector<16xi32>
      %parallel_loop3A_513 = arith.constant 16 : i32
      %parallel_loop3A_514 = vector.broadcast %parallel_loop3A_513 : i32 to vector<16xi32>
      %parallel_loop3A_515 = arith.addi %parallel_loop3A_509, %parallel_loop3A_514 : vector<16xi32>
      %parallel_loop3A_516 = arith.select %parallel_loop3A_512, %parallel_loop3A_515, %parallel_loop3A_509 : vector<16xi1>, vector<16xi32>
      %parallel_loop3A_517 = vector.shape_cast %parallel_loop3A_516 : vector<16xi32> to vector<16x1xi32>
      %parallel_loop3A_518 = vector.shape_cast %parallel_loop3A_517 : vector<16x1xi32> to vector<16xi32>
      %parallel_loop3A_519 = tpu.dynamic_gather %parallel_loop3A_503[%parallel_loop3A_518] in [0] : vector<16xf32>, vector<16xi32> -> vector<16xf32>
      %parallel_loop3A_520 = arith.addf %parallel_loop3A_503, %parallel_loop3A_519 : vector<16xf32>
      %parallel_loop3A_521 = arith.constant 2 : i32
      %parallel_loop3A_522 = vector.broadcast %parallel_loop3A_521 : i32 to vector<16xi32>
      %parallel_loop3A_523 = arith.addi %parallel_loop3A_486, %parallel_loop3A_522 : vector<16xi32>
      %parallel_loop3A_524 = arith.constant 15 : i32
      %parallel_loop3A_525 = vector.broadcast %parallel_loop3A_524 : i32 to vector<16xi32>
      %parallel_loop3A_526 = arith.andi %parallel_loop3A_523, %parallel_loop3A_525 : vector<16xi32>
      %parallel_loop3A_527 = arith.constant 0 : i32
      %parallel_loop3A_528 = vector.broadcast %parallel_loop3A_527 : i32 to vector<16xi32>
      %parallel_loop3A_529 = arith.cmpi slt, %parallel_loop3A_526, %parallel_loop3A_528 : vector<16xi32>
      %parallel_loop3A_530 = arith.constant 16 : i32
      %parallel_loop3A_531 = vector.broadcast %parallel_loop3A_530 : i32 to vector<16xi32>
      %parallel_loop3A_532 = arith.addi %parallel_loop3A_526, %parallel_loop3A_531 : vector<16xi32>
      %parallel_loop3A_533 = arith.select %parallel_loop3A_529, %parallel_loop3A_532, %parallel_loop3A_526 : vector<16xi1>, vector<16xi32>
      %parallel_loop3A_534 = vector.shape_cast %parallel_loop3A_533 : vector<16xi32> to vector<16x1xi32>
      %parallel_loop3A_535 = vector.shape_cast %parallel_loop3A_534 : vector<16x1xi32> to vector<16xi32>
      %parallel_loop3A_536 = tpu.dynamic_gather %parallel_loop3A_520[%parallel_loop3A_535] in [0] : vector<16xf32>, vector<16xi32> -> vector<16xf32>
      %parallel_loop3A_537 = arith.addf %parallel_loop3A_520, %parallel_loop3A_536 : vector<16xf32>
      %parallel_loop3A_538 = arith.constant 1 : i32
      %parallel_loop3A_539 = vector.broadcast %parallel_loop3A_538 : i32 to vector<16xi32>
      %parallel_loop3A_540 = arith.addi %parallel_loop3A_486, %parallel_loop3A_539 : vector<16xi32>
      %parallel_loop3A_541 = arith.constant 15 : i32
      %parallel_loop3A_542 = vector.broadcast %parallel_loop3A_541 : i32 to vector<16xi32>
      %parallel_loop3A_543 = arith.andi %parallel_loop3A_540, %parallel_loop3A_542 : vector<16xi32>
      %parallel_loop3A_544 = arith.constant 0 : i32
      %parallel_loop3A_545 = vector.broadcast %parallel_loop3A_544 : i32 to vector<16xi32>
      %parallel_loop3A_546 = arith.cmpi slt, %parallel_loop3A_543, %parallel_loop3A_545 : vector<16xi32>
      %parallel_loop3A_547 = arith.constant 16 : i32
      %parallel_loop3A_548 = vector.broadcast %parallel_loop3A_547 : i32 to vector<16xi32>
      %parallel_loop3A_549 = arith.addi %parallel_loop3A_543, %parallel_loop3A_548 : vector<16xi32>
      %parallel_loop3A_550 = arith.select %parallel_loop3A_546, %parallel_loop3A_549, %parallel_loop3A_543 : vector<16xi1>, vector<16xi32>
      %parallel_loop3A_551 = vector.shape_cast %parallel_loop3A_550 : vector<16xi32> to vector<16x1xi32>
      %parallel_loop3A_552 = vector.shape_cast %parallel_loop3A_551 : vector<16x1xi32> to vector<16xi32>
      %parallel_loop3A_553 = tpu.dynamic_gather %parallel_loop3A_537[%parallel_loop3A_552] in [0] : vector<16xf32>, vector<16xi32> -> vector<16xf32>
      %parallel_loop3A_554 = arith.addf %parallel_loop3A_537, %parallel_loop3A_553 : vector<16xf32>
      %parallel_loop3A_555 = arith.constant 0.00130208337 : f32
      %parallel_loop3A_556 = vector.broadcast %parallel_loop3A_555 : f32 to vector<16xf32>
      %parallel_loop3A_557 = arith.mulf %parallel_loop3A_554, %parallel_loop3A_556 : vector<16xf32>
      %parallel_loop3A_558 = tpu.iota {dimensions = array<i32: 0>} : vector<16xi32>
      %parallel_loop3A_559 = arith.constant 8 : i32
      %parallel_loop3A_560 = vector.broadcast %parallel_loop3A_559 : i32 to vector<16xi32>
      %parallel_loop3A_561 = arith.addi %parallel_loop3A_558, %parallel_loop3A_560 : vector<16xi32>
      %parallel_loop3A_562 = arith.constant 15 : i32
      %parallel_loop3A_563 = vector.broadcast %parallel_loop3A_562 : i32 to vector<16xi32>
      %parallel_loop3A_564 = arith.andi %parallel_loop3A_561, %parallel_loop3A_563 : vector<16xi32>
      %parallel_loop3A_565 = arith.constant 0 : i32
      %parallel_loop3A_566 = vector.broadcast %parallel_loop3A_565 : i32 to vector<16xi32>
      %parallel_loop3A_567 = arith.cmpi slt, %parallel_loop3A_564, %parallel_loop3A_566 : vector<16xi32>
      %parallel_loop3A_568 = arith.constant 16 : i32
      %parallel_loop3A_569 = vector.broadcast %parallel_loop3A_568 : i32 to vector<16xi32>
      %parallel_loop3A_570 = arith.addi %parallel_loop3A_564, %parallel_loop3A_569 : vector<16xi32>
      %parallel_loop3A_571 = arith.select %parallel_loop3A_567, %parallel_loop3A_570, %parallel_loop3A_564 : vector<16xi1>, vector<16xi32>
      %parallel_loop3A_572 = vector.shape_cast %parallel_loop3A_571 : vector<16xi32> to vector<16x1xi32>
      %parallel_loop3A_573 = vector.shape_cast %parallel_loop3A_572 : vector<16x1xi32> to vector<16xi32>
      %parallel_loop3A_574 = tpu.dynamic_gather %parallel_loop3A_115#5[%parallel_loop3A_573] in [0] : vector<16xf32>, vector<16xi32> -> vector<16xf32>
      %parallel_loop3A_575 = arith.addf %parallel_loop3A_115#5, %parallel_loop3A_574 : vector<16xf32>
      %parallel_loop3A_576 = arith.constant 4 : i32
      %parallel_loop3A_577 = vector.broadcast %parallel_loop3A_576 : i32 to vector<16xi32>
      %parallel_loop3A_578 = arith.addi %parallel_loop3A_558, %parallel_loop3A_577 : vector<16xi32>
      %parallel_loop3A_579 = arith.constant 15 : i32
      %parallel_loop3A_580 = vector.broadcast %parallel_loop3A_579 : i32 to vector<16xi32>
      %parallel_loop3A_581 = arith.andi %parallel_loop3A_578, %parallel_loop3A_580 : vector<16xi32>
      %parallel_loop3A_582 = arith.constant 0 : i32
      %parallel_loop3A_583 = vector.broadcast %parallel_loop3A_582 : i32 to vector<16xi32>
      %parallel_loop3A_584 = arith.cmpi slt, %parallel_loop3A_581, %parallel_loop3A_583 : vector<16xi32>
      %parallel_loop3A_585 = arith.constant 16 : i32
      %parallel_loop3A_586 = vector.broadcast %parallel_loop3A_585 : i32 to vector<16xi32>
      %parallel_loop3A_587 = arith.addi %parallel_loop3A_581, %parallel_loop3A_586 : vector<16xi32>
      %parallel_loop3A_588 = arith.select %parallel_loop3A_584, %parallel_loop3A_587, %parallel_loop3A_581 : vector<16xi1>, vector<16xi32>
      %parallel_loop3A_589 = vector.shape_cast %parallel_loop3A_588 : vector<16xi32> to vector<16x1xi32>
      %parallel_loop3A_590 = vector.shape_cast %parallel_loop3A_589 : vector<16x1xi32> to vector<16xi32>
      %parallel_loop3A_591 = tpu.dynamic_gather %parallel_loop3A_575[%parallel_loop3A_590] in [0] : vector<16xf32>, vector<16xi32> -> vector<16xf32>
      %parallel_loop3A_592 = arith.addf %parallel_loop3A_575, %parallel_loop3A_591 : vector<16xf32>
      %parallel_loop3A_593 = arith.constant 2 : i32
      %parallel_loop3A_594 = vector.broadcast %parallel_loop3A_593 : i32 to vector<16xi32>
      %parallel_loop3A_595 = arith.addi %parallel_loop3A_558, %parallel_loop3A_594 : vector<16xi32>
      %parallel_loop3A_596 = arith.constant 15 : i32
      %parallel_loop3A_597 = vector.broadcast %parallel_loop3A_596 : i32 to vector<16xi32>
      %parallel_loop3A_598 = arith.andi %parallel_loop3A_595, %parallel_loop3A_597 : vector<16xi32>
      %parallel_loop3A_599 = arith.constant 0 : i32
      %parallel_loop3A_600 = vector.broadcast %parallel_loop3A_599 : i32 to vector<16xi32>
      %parallel_loop3A_601 = arith.cmpi slt, %parallel_loop3A_598, %parallel_loop3A_600 : vector<16xi32>
      %parallel_loop3A_602 = arith.constant 16 : i32
      %parallel_loop3A_603 = vector.broadcast %parallel_loop3A_602 : i32 to vector<16xi32>
      %parallel_loop3A_604 = arith.addi %parallel_loop3A_598, %parallel_loop3A_603 : vector<16xi32>
      %parallel_loop3A_605 = arith.select %parallel_loop3A_601, %parallel_loop3A_604, %parallel_loop3A_598 : vector<16xi1>, vector<16xi32>
      %parallel_loop3A_606 = vector.shape_cast %parallel_loop3A_605 : vector<16xi32> to vector<16x1xi32>
      %parallel_loop3A_607 = vector.shape_cast %parallel_loop3A_606 : vector<16x1xi32> to vector<16xi32>
      %parallel_loop3A_608 = tpu.dynamic_gather %parallel_loop3A_592[%parallel_loop3A_607] in [0] : vector<16xf32>, vector<16xi32> -> vector<16xf32>
      %parallel_loop3A_609 = arith.addf %parallel_loop3A_592, %parallel_loop3A_608 : vector<16xf32>
      %parallel_loop3A_610 = arith.constant 1 : i32
      %parallel_loop3A_611 = vector.broadcast %parallel_loop3A_610 : i32 to vector<16xi32>
      %parallel_loop3A_612 = arith.addi %parallel_loop3A_558, %parallel_loop3A_611 : vector<16xi32>
      %parallel_loop3A_613 = arith.constant 15 : i32
      %parallel_loop3A_614 = vector.broadcast %parallel_loop3A_613 : i32 to vector<16xi32>
      %parallel_loop3A_615 = arith.andi %parallel_loop3A_612, %parallel_loop3A_614 : vector<16xi32>
      %parallel_loop3A_616 = arith.constant 0 : i32
      %parallel_loop3A_617 = vector.broadcast %parallel_loop3A_616 : i32 to vector<16xi32>
      %parallel_loop3A_618 = arith.cmpi slt, %parallel_loop3A_615, %parallel_loop3A_617 : vector<16xi32>
      %parallel_loop3A_619 = arith.constant 16 : i32
      %parallel_loop3A_620 = vector.broadcast %parallel_loop3A_619 : i32 to vector<16xi32>
      %parallel_loop3A_621 = arith.addi %parallel_loop3A_615, %parallel_loop3A_620 : vector<16xi32>
      %parallel_loop3A_622 = arith.select %parallel_loop3A_618, %parallel_loop3A_621, %parallel_loop3A_615 : vector<16xi1>, vector<16xi32>
      %parallel_loop3A_623 = vector.shape_cast %parallel_loop3A_622 : vector<16xi32> to vector<16x1xi32>
      %parallel_loop3A_624 = vector.shape_cast %parallel_loop3A_623 : vector<16x1xi32> to vector<16xi32>
      %parallel_loop3A_625 = tpu.dynamic_gather %parallel_loop3A_609[%parallel_loop3A_624] in [0] : vector<16xf32>, vector<16xi32> -> vector<16xf32>
      %parallel_loop3A_626 = arith.addf %parallel_loop3A_609, %parallel_loop3A_625 : vector<16xf32>
      %parallel_loop3A_627 = arith.constant 0.00130208337 : f32
      %parallel_loop3A_628 = vector.broadcast %parallel_loop3A_627 : f32 to vector<16xf32>
      %parallel_loop3A_629 = arith.mulf %parallel_loop3A_626, %parallel_loop3A_628 : vector<16xf32>
      %parallel_loop3A_630 = arith.mulf %parallel_loop3A_557, %parallel_loop3A_557 : vector<16xf32>
      %parallel_loop3A_631 = arith.subf %parallel_loop3A_629, %parallel_loop3A_630 : vector<16xf32>
      %parallel_loop3A_632 = arith.constant 1.000000e-07 : f32
      %parallel_loop3A_633 = vector.broadcast %parallel_loop3A_632 : f32 to vector<16xf32>
      %parallel_loop3A_634 = arith.addf %parallel_loop3A_631, %parallel_loop3A_633 : vector<16xf32>
      %parallel_loop3A_635 = tpu.bitcast %parallel_loop3A_634 : vector<16xf32> -> vector<16xi32>
      %parallel_loop3A_636 = arith.constant 1 : i32
      %parallel_loop3A_637 = vector.broadcast %parallel_loop3A_636 : i32 to vector<16xi32>
      %parallel_loop3A_638 = arith.shrsi %parallel_loop3A_635, %parallel_loop3A_637 : vector<16xi32>
      %parallel_loop3A_639 = arith.constant 1597463007 : i32
      %parallel_loop3A_640 = vector.broadcast %parallel_loop3A_639 : i32 to vector<16xi32>
      %parallel_loop3A_641 = arith.subi %parallel_loop3A_640, %parallel_loop3A_638 : vector<16xi32>
      %parallel_loop3A_642 = tpu.bitcast %parallel_loop3A_641 : vector<16xi32> -> vector<16xf32>
      %parallel_loop3A_643 = arith.constant 5.000000e-01 : f32
      %parallel_loop3A_644 = vector.broadcast %parallel_loop3A_643 : f32 to vector<16xf32>
      %parallel_loop3A_645 = arith.mulf %parallel_loop3A_644, %parallel_loop3A_634 : vector<16xf32>
      %parallel_loop3A_646 = arith.mulf %parallel_loop3A_645, %parallel_loop3A_642 : vector<16xf32>
      %parallel_loop3A_647 = arith.mulf %parallel_loop3A_646, %parallel_loop3A_642 : vector<16xf32>
      %parallel_loop3A_648 = arith.constant 1.500000e+00 : f32
      %parallel_loop3A_649 = vector.broadcast %parallel_loop3A_648 : f32 to vector<16xf32>
      %parallel_loop3A_650 = arith.subf %parallel_loop3A_649, %parallel_loop3A_647 : vector<16xf32>
      %parallel_loop3A_651 = arith.mulf %parallel_loop3A_642, %parallel_loop3A_650 : vector<16xf32>
      %parallel_loop3A_652 = arith.constant 5.000000e-01 : f32
      %parallel_loop3A_653 = vector.broadcast %parallel_loop3A_652 : f32 to vector<16xf32>
      %parallel_loop3A_654 = arith.mulf %parallel_loop3A_653, %parallel_loop3A_634 : vector<16xf32>
      %parallel_loop3A_655 = arith.mulf %parallel_loop3A_654, %parallel_loop3A_651 : vector<16xf32>
      %parallel_loop3A_656 = arith.mulf %parallel_loop3A_655, %parallel_loop3A_651 : vector<16xf32>
      %parallel_loop3A_657 = arith.constant 1.500000e+00 : f32
      %parallel_loop3A_658 = vector.broadcast %parallel_loop3A_657 : f32 to vector<16xf32>
      %parallel_loop3A_659 = arith.subf %parallel_loop3A_658, %parallel_loop3A_656 : vector<16xf32>
      %parallel_loop3A_660 = arith.mulf %parallel_loop3A_651, %parallel_loop3A_659 : vector<16xf32>
      %parallel_loop3A_661 = arith.constant 5.000000e-01 : f32
      %parallel_loop3A_662 = vector.broadcast %parallel_loop3A_661 : f32 to vector<16xf32>
      %parallel_loop3A_663 = arith.mulf %parallel_loop3A_662, %parallel_loop3A_634 : vector<16xf32>
      %parallel_loop3A_664 = arith.mulf %parallel_loop3A_663, %parallel_loop3A_660 : vector<16xf32>
      %parallel_loop3A_665 = arith.mulf %parallel_loop3A_664, %parallel_loop3A_660 : vector<16xf32>
      %parallel_loop3A_666 = arith.constant 1.500000e+00 : f32
      %parallel_loop3A_667 = vector.broadcast %parallel_loop3A_666 : f32 to vector<16xf32>
      %parallel_loop3A_668 = arith.subf %parallel_loop3A_667, %parallel_loop3A_665 : vector<16xf32>
      %parallel_loop3A_669 = arith.mulf %parallel_loop3A_660, %parallel_loop3A_668 : vector<16xf32>
      %parallel_loop3A_670 = arith.mulf %parallel_loop3A_557, %parallel_loop3A_669 : vector<16xf32>
      %parallel_loop3A_671 = tpu.iota {dimensions = array<i32: 0>} : vector<16xi32>
      %parallel_loop3A_672 = arith.constant 8 : i32
      %parallel_loop3A_673 = vector.broadcast %parallel_loop3A_672 : i32 to vector<16xi32>
      %parallel_loop3A_674 = arith.addi %parallel_loop3A_671, %parallel_loop3A_673 : vector<16xi32>
      %parallel_loop3A_675 = arith.constant 15 : i32
      %parallel_loop3A_676 = vector.broadcast %parallel_loop3A_675 : i32 to vector<16xi32>
      %parallel_loop3A_677 = arith.andi %parallel_loop3A_674, %parallel_loop3A_676 : vector<16xi32>
      %parallel_loop3A_678 = arith.constant 0 : i32
      %parallel_loop3A_679 = vector.broadcast %parallel_loop3A_678 : i32 to vector<16xi32>
      %parallel_loop3A_680 = arith.cmpi slt, %parallel_loop3A_677, %parallel_loop3A_679 : vector<16xi32>
      %parallel_loop3A_681 = arith.constant 16 : i32
      %parallel_loop3A_682 = vector.broadcast %parallel_loop3A_681 : i32 to vector<16xi32>
      %parallel_loop3A_683 = arith.addi %parallel_loop3A_677, %parallel_loop3A_682 : vector<16xi32>
      %parallel_loop3A_684 = arith.select %parallel_loop3A_680, %parallel_loop3A_683, %parallel_loop3A_677 : vector<16xi1>, vector<16xi32>
      %parallel_loop3A_685 = vector.shape_cast %parallel_loop3A_684 : vector<16xi32> to vector<16x1xi32>
      %parallel_loop3A_686 = vector.shape_cast %parallel_loop3A_685 : vector<16x1xi32> to vector<16xi32>
      %parallel_loop3A_687 = tpu.dynamic_gather %parallel_loop3A_115#6[%parallel_loop3A_686] in [0] : vector<16xf32>, vector<16xi32> -> vector<16xf32>
      %parallel_loop3A_688 = arith.addf %parallel_loop3A_115#6, %parallel_loop3A_687 : vector<16xf32>
      %parallel_loop3A_689 = arith.constant 4 : i32
      %parallel_loop3A_690 = vector.broadcast %parallel_loop3A_689 : i32 to vector<16xi32>
      %parallel_loop3A_691 = arith.addi %parallel_loop3A_671, %parallel_loop3A_690 : vector<16xi32>
      %parallel_loop3A_692 = arith.constant 15 : i32
      %parallel_loop3A_693 = vector.broadcast %parallel_loop3A_692 : i32 to vector<16xi32>
      %parallel_loop3A_694 = arith.andi %parallel_loop3A_691, %parallel_loop3A_693 : vector<16xi32>
      %parallel_loop3A_695 = arith.constant 0 : i32
      %parallel_loop3A_696 = vector.broadcast %parallel_loop3A_695 : i32 to vector<16xi32>
      %parallel_loop3A_697 = arith.cmpi slt, %parallel_loop3A_694, %parallel_loop3A_696 : vector<16xi32>
      %parallel_loop3A_698 = arith.constant 16 : i32
      %parallel_loop3A_699 = vector.broadcast %parallel_loop3A_698 : i32 to vector<16xi32>
      %parallel_loop3A_700 = arith.addi %parallel_loop3A_694, %parallel_loop3A_699 : vector<16xi32>
      %parallel_loop3A_701 = arith.select %parallel_loop3A_697, %parallel_loop3A_700, %parallel_loop3A_694 : vector<16xi1>, vector<16xi32>
      %parallel_loop3A_702 = vector.shape_cast %parallel_loop3A_701 : vector<16xi32> to vector<16x1xi32>
      %parallel_loop3A_703 = vector.shape_cast %parallel_loop3A_702 : vector<16x1xi32> to vector<16xi32>
      %parallel_loop3A_704 = tpu.dynamic_gather %parallel_loop3A_688[%parallel_loop3A_703] in [0] : vector<16xf32>, vector<16xi32> -> vector<16xf32>
      %parallel_loop3A_705 = arith.addf %parallel_loop3A_688, %parallel_loop3A_704 : vector<16xf32>
      %parallel_loop3A_706 = arith.constant 2 : i32
      %parallel_loop3A_707 = vector.broadcast %parallel_loop3A_706 : i32 to vector<16xi32>
      %parallel_loop3A_708 = arith.addi %parallel_loop3A_671, %parallel_loop3A_707 : vector<16xi32>
      %parallel_loop3A_709 = arith.constant 15 : i32
      %parallel_loop3A_710 = vector.broadcast %parallel_loop3A_709 : i32 to vector<16xi32>
      %parallel_loop3A_711 = arith.andi %parallel_loop3A_708, %parallel_loop3A_710 : vector<16xi32>
      %parallel_loop3A_712 = arith.constant 0 : i32
      %parallel_loop3A_713 = vector.broadcast %parallel_loop3A_712 : i32 to vector<16xi32>
      %parallel_loop3A_714 = arith.cmpi slt, %parallel_loop3A_711, %parallel_loop3A_713 : vector<16xi32>
      %parallel_loop3A_715 = arith.constant 16 : i32
      %parallel_loop3A_716 = vector.broadcast %parallel_loop3A_715 : i32 to vector<16xi32>
      %parallel_loop3A_717 = arith.addi %parallel_loop3A_711, %parallel_loop3A_716 : vector<16xi32>
      %parallel_loop3A_718 = arith.select %parallel_loop3A_714, %parallel_loop3A_717, %parallel_loop3A_711 : vector<16xi1>, vector<16xi32>
      %parallel_loop3A_719 = vector.shape_cast %parallel_loop3A_718 : vector<16xi32> to vector<16x1xi32>
      %parallel_loop3A_720 = vector.shape_cast %parallel_loop3A_719 : vector<16x1xi32> to vector<16xi32>
      %parallel_loop3A_721 = tpu.dynamic_gather %parallel_loop3A_705[%parallel_loop3A_720] in [0] : vector<16xf32>, vector<16xi32> -> vector<16xf32>
      %parallel_loop3A_722 = arith.addf %parallel_loop3A_705, %parallel_loop3A_721 : vector<16xf32>
      %parallel_loop3A_723 = arith.constant 1 : i32
      %parallel_loop3A_724 = vector.broadcast %parallel_loop3A_723 : i32 to vector<16xi32>
      %parallel_loop3A_725 = arith.addi %parallel_loop3A_671, %parallel_loop3A_724 : vector<16xi32>
      %parallel_loop3A_726 = arith.constant 15 : i32
      %parallel_loop3A_727 = vector.broadcast %parallel_loop3A_726 : i32 to vector<16xi32>
      %parallel_loop3A_728 = arith.andi %parallel_loop3A_725, %parallel_loop3A_727 : vector<16xi32>
      %parallel_loop3A_729 = arith.constant 0 : i32
      %parallel_loop3A_730 = vector.broadcast %parallel_loop3A_729 : i32 to vector<16xi32>
      %parallel_loop3A_731 = arith.cmpi slt, %parallel_loop3A_728, %parallel_loop3A_730 : vector<16xi32>
      %parallel_loop3A_732 = arith.constant 16 : i32
      %parallel_loop3A_733 = vector.broadcast %parallel_loop3A_732 : i32 to vector<16xi32>
      %parallel_loop3A_734 = arith.addi %parallel_loop3A_728, %parallel_loop3A_733 : vector<16xi32>
      %parallel_loop3A_735 = arith.select %parallel_loop3A_731, %parallel_loop3A_734, %parallel_loop3A_728 : vector<16xi1>, vector<16xi32>
      %parallel_loop3A_736 = vector.shape_cast %parallel_loop3A_735 : vector<16xi32> to vector<16x1xi32>
      %parallel_loop3A_737 = vector.shape_cast %parallel_loop3A_736 : vector<16x1xi32> to vector<16xi32>
      %parallel_loop3A_738 = tpu.dynamic_gather %parallel_loop3A_722[%parallel_loop3A_737] in [0] : vector<16xf32>, vector<16xi32> -> vector<16xf32>
      %parallel_loop3A_739 = arith.addf %parallel_loop3A_722, %parallel_loop3A_738 : vector<16xf32>
      %parallel_loop3A_740 = arith.constant 0.00130208337 : f32
      %parallel_loop3A_741 = vector.broadcast %parallel_loop3A_740 : f32 to vector<16xf32>
      %parallel_loop3A_742 = arith.mulf %parallel_loop3A_739, %parallel_loop3A_741 : vector<16xf32>
      %parallel_loop3A_743 = tpu.iota {dimensions = array<i32: 0>} : vector<16xi32>
      %parallel_loop3A_744 = arith.constant 8 : i32
      %parallel_loop3A_745 = vector.broadcast %parallel_loop3A_744 : i32 to vector<16xi32>
      %parallel_loop3A_746 = arith.addi %parallel_loop3A_743, %parallel_loop3A_745 : vector<16xi32>
      %parallel_loop3A_747 = arith.constant 15 : i32
      %parallel_loop3A_748 = vector.broadcast %parallel_loop3A_747 : i32 to vector<16xi32>
      %parallel_loop3A_749 = arith.andi %parallel_loop3A_746, %parallel_loop3A_748 : vector<16xi32>
      %parallel_loop3A_750 = arith.constant 0 : i32
      %parallel_loop3A_751 = vector.broadcast %parallel_loop3A_750 : i32 to vector<16xi32>
      %parallel_loop3A_752 = arith.cmpi slt, %parallel_loop3A_749, %parallel_loop3A_751 : vector<16xi32>
      %parallel_loop3A_753 = arith.constant 16 : i32
      %parallel_loop3A_754 = vector.broadcast %parallel_loop3A_753 : i32 to vector<16xi32>
      %parallel_loop3A_755 = arith.addi %parallel_loop3A_749, %parallel_loop3A_754 : vector<16xi32>
      %parallel_loop3A_756 = arith.select %parallel_loop3A_752, %parallel_loop3A_755, %parallel_loop3A_749 : vector<16xi1>, vector<16xi32>
      %parallel_loop3A_757 = vector.shape_cast %parallel_loop3A_756 : vector<16xi32> to vector<16x1xi32>
      %parallel_loop3A_758 = vector.shape_cast %parallel_loop3A_757 : vector<16x1xi32> to vector<16xi32>
      %parallel_loop3A_759 = tpu.dynamic_gather %parallel_loop3A_115#7[%parallel_loop3A_758] in [0] : vector<16xf32>, vector<16xi32> -> vector<16xf32>
      %parallel_loop3A_760 = arith.addf %parallel_loop3A_115#7, %parallel_loop3A_759 : vector<16xf32>
      %parallel_loop3A_761 = arith.constant 4 : i32
      %parallel_loop3A_762 = vector.broadcast %parallel_loop3A_761 : i32 to vector<16xi32>
      %parallel_loop3A_763 = arith.addi %parallel_loop3A_743, %parallel_loop3A_762 : vector<16xi32>
      %parallel_loop3A_764 = arith.constant 15 : i32
      %parallel_loop3A_765 = vector.broadcast %parallel_loop3A_764 : i32 to vector<16xi32>
      %parallel_loop3A_766 = arith.andi %parallel_loop3A_763, %parallel_loop3A_765 : vector<16xi32>
      %parallel_loop3A_767 = arith.constant 0 : i32
      %parallel_loop3A_768 = vector.broadcast %parallel_loop3A_767 : i32 to vector<16xi32>
      %parallel_loop3A_769 = arith.cmpi slt, %parallel_loop3A_766, %parallel_loop3A_768 : vector<16xi32>
      %parallel_loop3A_770 = arith.constant 16 : i32
      %parallel_loop3A_771 = vector.broadcast %parallel_loop3A_770 : i32 to vector<16xi32>
      %parallel_loop3A_772 = arith.addi %parallel_loop3A_766, %parallel_loop3A_771 : vector<16xi32>
      %parallel_loop3A_773 = arith.select %parallel_loop3A_769, %parallel_loop3A_772, %parallel_loop3A_766 : vector<16xi1>, vector<16xi32>
      %parallel_loop3A_774 = vector.shape_cast %parallel_loop3A_773 : vector<16xi32> to vector<16x1xi32>
      %parallel_loop3A_775 = vector.shape_cast %parallel_loop3A_774 : vector<16x1xi32> to vector<16xi32>
      %parallel_loop3A_776 = tpu.dynamic_gather %parallel_loop3A_760[%parallel_loop3A_775] in [0] : vector<16xf32>, vector<16xi32> -> vector<16xf32>
      %parallel_loop3A_777 = arith.addf %parallel_loop3A_760, %parallel_loop3A_776 : vector<16xf32>
      %parallel_loop3A_778 = arith.constant 2 : i32
      %parallel_loop3A_779 = vector.broadcast %parallel_loop3A_778 : i32 to vector<16xi32>
      %parallel_loop3A_780 = arith.addi %parallel_loop3A_743, %parallel_loop3A_779 : vector<16xi32>
      %parallel_loop3A_781 = arith.constant 15 : i32
      %parallel_loop3A_782 = vector.broadcast %parallel_loop3A_781 : i32 to vector<16xi32>
      %parallel_loop3A_783 = arith.andi %parallel_loop3A_780, %parallel_loop3A_782 : vector<16xi32>
      %parallel_loop3A_784 = arith.constant 0 : i32
      %parallel_loop3A_785 = vector.broadcast %parallel_loop3A_784 : i32 to vector<16xi32>
      %parallel_loop3A_786 = arith.cmpi slt, %parallel_loop3A_783, %parallel_loop3A_785 : vector<16xi32>
      %parallel_loop3A_787 = arith.constant 16 : i32
      %parallel_loop3A_788 = vector.broadcast %parallel_loop3A_787 : i32 to vector<16xi32>
      %parallel_loop3A_789 = arith.addi %parallel_loop3A_783, %parallel_loop3A_788 : vector<16xi32>
      %parallel_loop3A_790 = arith.select %parallel_loop3A_786, %parallel_loop3A_789, %parallel_loop3A_783 : vector<16xi1>, vector<16xi32>
      %parallel_loop3A_791 = vector.shape_cast %parallel_loop3A_790 : vector<16xi32> to vector<16x1xi32>
      %parallel_loop3A_792 = vector.shape_cast %parallel_loop3A_791 : vector<16x1xi32> to vector<16xi32>
      %parallel_loop3A_793 = tpu.dynamic_gather %parallel_loop3A_777[%parallel_loop3A_792] in [0] : vector<16xf32>, vector<16xi32> -> vector<16xf32>
      %parallel_loop3A_794 = arith.addf %parallel_loop3A_777, %parallel_loop3A_793 : vector<16xf32>
      %parallel_loop3A_795 = arith.constant 1 : i32
      %parallel_loop3A_796 = vector.broadcast %parallel_loop3A_795 : i32 to vector<16xi32>
      %parallel_loop3A_797 = arith.addi %parallel_loop3A_743, %parallel_loop3A_796 : vector<16xi32>
      %parallel_loop3A_798 = arith.constant 15 : i32
      %parallel_loop3A_799 = vector.broadcast %parallel_loop3A_798 : i32 to vector<16xi32>
      %parallel_loop3A_800 = arith.andi %parallel_loop3A_797, %parallel_loop3A_799 : vector<16xi32>
      %parallel_loop3A_801 = arith.constant 0 : i32
      %parallel_loop3A_802 = vector.broadcast %parallel_loop3A_801 : i32 to vector<16xi32>
      %parallel_loop3A_803 = arith.cmpi slt, %parallel_loop3A_800, %parallel_loop3A_802 : vector<16xi32>
      %parallel_loop3A_804 = arith.constant 16 : i32
      %parallel_loop3A_805 = vector.broadcast %parallel_loop3A_804 : i32 to vector<16xi32>
      %parallel_loop3A_806 = arith.addi %parallel_loop3A_800, %parallel_loop3A_805 : vector<16xi32>
      %parallel_loop3A_807 = arith.select %parallel_loop3A_803, %parallel_loop3A_806, %parallel_loop3A_800 : vector<16xi1>, vector<16xi32>
      %parallel_loop3A_808 = vector.shape_cast %parallel_loop3A_807 : vector<16xi32> to vector<16x1xi32>
      %parallel_loop3A_809 = vector.shape_cast %parallel_loop3A_808 : vector<16x1xi32> to vector<16xi32>
      %parallel_loop3A_810 = tpu.dynamic_gather %parallel_loop3A_794[%parallel_loop3A_809] in [0] : vector<16xf32>, vector<16xi32> -> vector<16xf32>
      %parallel_loop3A_811 = arith.addf %parallel_loop3A_794, %parallel_loop3A_810 : vector<16xf32>
      %parallel_loop3A_812 = arith.constant 0.00130208337 : f32
      %parallel_loop3A_813 = vector.broadcast %parallel_loop3A_812 : f32 to vector<16xf32>
      %parallel_loop3A_814 = arith.mulf %parallel_loop3A_811, %parallel_loop3A_813 : vector<16xf32>
      %parallel_loop3A_815 = arith.mulf %parallel_loop3A_742, %parallel_loop3A_742 : vector<16xf32>
      %parallel_loop3A_816 = arith.subf %parallel_loop3A_814, %parallel_loop3A_815 : vector<16xf32>
      %parallel_loop3A_817 = arith.constant 1.000000e-07 : f32
      %parallel_loop3A_818 = vector.broadcast %parallel_loop3A_817 : f32 to vector<16xf32>
      %parallel_loop3A_819 = arith.addf %parallel_loop3A_816, %parallel_loop3A_818 : vector<16xf32>
      %parallel_loop3A_820 = tpu.bitcast %parallel_loop3A_819 : vector<16xf32> -> vector<16xi32>
      %parallel_loop3A_821 = arith.constant 1 : i32
      %parallel_loop3A_822 = vector.broadcast %parallel_loop3A_821 : i32 to vector<16xi32>
      %parallel_loop3A_823 = arith.shrsi %parallel_loop3A_820, %parallel_loop3A_822 : vector<16xi32>
      %parallel_loop3A_824 = arith.constant 1597463007 : i32
      %parallel_loop3A_825 = vector.broadcast %parallel_loop3A_824 : i32 to vector<16xi32>
      %parallel_loop3A_826 = arith.subi %parallel_loop3A_825, %parallel_loop3A_823 : vector<16xi32>
      %parallel_loop3A_827 = tpu.bitcast %parallel_loop3A_826 : vector<16xi32> -> vector<16xf32>
      %parallel_loop3A_828 = arith.constant 5.000000e-01 : f32
      %parallel_loop3A_829 = vector.broadcast %parallel_loop3A_828 : f32 to vector<16xf32>
      %parallel_loop3A_830 = arith.mulf %parallel_loop3A_829, %parallel_loop3A_819 : vector<16xf32>
      %parallel_loop3A_831 = arith.mulf %parallel_loop3A_830, %parallel_loop3A_827 : vector<16xf32>
      %parallel_loop3A_832 = arith.mulf %parallel_loop3A_831, %parallel_loop3A_827 : vector<16xf32>
      %parallel_loop3A_833 = arith.constant 1.500000e+00 : f32
      %parallel_loop3A_834 = vector.broadcast %parallel_loop3A_833 : f32 to vector<16xf32>
      %parallel_loop3A_835 = arith.subf %parallel_loop3A_834, %parallel_loop3A_832 : vector<16xf32>
      %parallel_loop3A_836 = arith.mulf %parallel_loop3A_827, %parallel_loop3A_835 : vector<16xf32>
      %parallel_loop3A_837 = arith.constant 5.000000e-01 : f32
      %parallel_loop3A_838 = vector.broadcast %parallel_loop3A_837 : f32 to vector<16xf32>
      %parallel_loop3A_839 = arith.mulf %parallel_loop3A_838, %parallel_loop3A_819 : vector<16xf32>
      %parallel_loop3A_840 = arith.mulf %parallel_loop3A_839, %parallel_loop3A_836 : vector<16xf32>
      %parallel_loop3A_841 = arith.mulf %parallel_loop3A_840, %parallel_loop3A_836 : vector<16xf32>
      %parallel_loop3A_842 = arith.constant 1.500000e+00 : f32
      %parallel_loop3A_843 = vector.broadcast %parallel_loop3A_842 : f32 to vector<16xf32>
      %parallel_loop3A_844 = arith.subf %parallel_loop3A_843, %parallel_loop3A_841 : vector<16xf32>
      %parallel_loop3A_845 = arith.mulf %parallel_loop3A_836, %parallel_loop3A_844 : vector<16xf32>
      %parallel_loop3A_846 = arith.constant 5.000000e-01 : f32
      %parallel_loop3A_847 = vector.broadcast %parallel_loop3A_846 : f32 to vector<16xf32>
      %parallel_loop3A_848 = arith.mulf %parallel_loop3A_847, %parallel_loop3A_819 : vector<16xf32>
      %parallel_loop3A_849 = arith.mulf %parallel_loop3A_848, %parallel_loop3A_845 : vector<16xf32>
      %parallel_loop3A_850 = arith.mulf %parallel_loop3A_849, %parallel_loop3A_845 : vector<16xf32>
      %parallel_loop3A_851 = arith.constant 1.500000e+00 : f32
      %parallel_loop3A_852 = vector.broadcast %parallel_loop3A_851 : f32 to vector<16xf32>
      %parallel_loop3A_853 = arith.subf %parallel_loop3A_852, %parallel_loop3A_850 : vector<16xf32>
      %parallel_loop3A_854 = arith.mulf %parallel_loop3A_845, %parallel_loop3A_853 : vector<16xf32>
      %parallel_loop3A_855 = arith.mulf %parallel_loop3A_742, %parallel_loop3A_854 : vector<16xf32>
      %parallel_loop3A_856 = arith.constant 0 : i32
      %parallel_loop3A_857 = arith.constant 48 : i32
      %parallel_loop3A_858 = arith.constant 1 : i32
      scf.for %parallel_loop3A_859 = %parallel_loop3A_856 to %parallel_loop3A_857 step %parallel_loop3A_858  : i32 {
        %parallel_loop3A_860 = arith.constant 16 : i32
        %parallel_loop3A_861 = arith.muli %parallel_loop3A_859, %parallel_loop3A_860 : i32
        %parallel_loop3A_862 = arith.index_cast %parallel_loop3A_861 : i32 to index
        %parallel_loop3A_863 = tpu.vector_load %arg10[%parallel_loop3A_862] {strides = array<i32>} : memref<768xf32, #tpu.memory_space<vmem>>, vector<16xf32>,
        %parallel_loop3A_864 = vector.shape_cast %parallel_loop3A_863 : vector<16xf32> to vector<16xf32>
        %parallel_loop3A_865 = arith.index_cast %parallel_loop3A_861 : i32 to index
        %parallel_loop3A_866 = tpu.vector_load %arg11[%parallel_loop3A_865] {strides = array<i32>} : memref<768xf32, #tpu.memory_space<vmem>>, vector<16xf32>,
        %parallel_loop3A_867 = vector.shape_cast %parallel_loop3A_866 : vector<16xf32> to vector<16xf32>
        %parallel_loop3A_868 = arith.index_cast %parallel_loop3A_105 : i32 to index
        %parallel_loop3A_869 = arith.index_cast %parallel_loop3A_861 : i32 to index
        %parallel_loop3A_870 = tpu.vector_load %arg9[%parallel_loop3A_868, %parallel_loop3A_869] {strides = array<i32>} : memref<64x768xf32, #tpu.memory_space<vmem>>, vector<1x16xf32>,
        %parallel_loop3A_871 = vector.shape_cast %parallel_loop3A_870 : vector<1x16xf32> to vector<16xf32>
        %parallel_loop3A_872 = arith.mulf %parallel_loop3A_871, %parallel_loop3A_299 : vector<16xf32>
        %parallel_loop3A_873 = arith.subf %parallel_loop3A_872, %parallel_loop3A_300 : vector<16xf32>
        %parallel_loop3A_874 = arith.mulf %parallel_loop3A_873, %parallel_loop3A_864 : vector<16xf32>
        %parallel_loop3A_875 = arith.addf %parallel_loop3A_874, %parallel_loop3A_867 : vector<16xf32>
        %parallel_loop3A_876 = arith.index_cast %parallel_loop3A_105 : i32 to index
        %parallel_loop3A_877 = arith.index_cast %parallel_loop3A_861 : i32 to index
        %parallel_loop3A_878 = tpu.vector_load %arg9[%parallel_loop3A_876, %parallel_loop3A_877] {strides = array<i32>} : memref<64x768xf32, #tpu.memory_space<vmem>>, vector<1x16xf32>,
        %parallel_loop3A_879 = vector.shape_cast %parallel_loop3A_878 : vector<1x16xf32> to vector<16xf32>
        %parallel_loop3A_880 = vector.shape_cast %parallel_loop3A_875 : vector<16xf32> to vector<1x16xf32>
        tpu.vector_store %arg9[%parallel_loop3A_876, %parallel_loop3A_877], %parallel_loop3A_880 {strides = array<i32>} : memref<64x768xf32, #tpu.memory_space<vmem>>, vector<1x16xf32>,
        %parallel_loop3A_881 = arith.index_cast %parallel_loop3A_107 : i32 to index
        %parallel_loop3A_882 = arith.index_cast %parallel_loop3A_861 : i32 to index
        %parallel_loop3A_883 = tpu.vector_load %arg9[%parallel_loop3A_881, %parallel_loop3A_882] {strides = array<i32>} : memref<64x768xf32, #tpu.memory_space<vmem>>, vector<1x16xf32>,
        %parallel_loop3A_884 = vector.shape_cast %parallel_loop3A_883 : vector<1x16xf32> to vector<16xf32>
        %parallel_loop3A_885 = arith.mulf %parallel_loop3A_884, %parallel_loop3A_484 : vector<16xf32>
        %parallel_loop3A_886 = arith.subf %parallel_loop3A_885, %parallel_loop3A_485 : vector<16xf32>
        %parallel_loop3A_887 = arith.mulf %parallel_loop3A_886, %parallel_loop3A_864 : vector<16xf32>
        %parallel_loop3A_888 = arith.addf %parallel_loop3A_887, %parallel_loop3A_867 : vector<16xf32>
        %parallel_loop3A_889 = arith.index_cast %parallel_loop3A_107 : i32 to index
        %parallel_loop3A_890 = arith.index_cast %parallel_loop3A_861 : i32 to index
        %parallel_loop3A_891 = tpu.vector_load %arg9[%parallel_loop3A_889, %parallel_loop3A_890] {strides = array<i32>} : memref<64x768xf32, #tpu.memory_space<vmem>>, vector<1x16xf32>,
        %parallel_loop3A_892 = vector.shape_cast %parallel_loop3A_891 : vector<1x16xf32> to vector<16xf32>
        %parallel_loop3A_893 = vector.shape_cast %parallel_loop3A_888 : vector<16xf32> to vector<1x16xf32>
        tpu.vector_store %arg9[%parallel_loop3A_889, %parallel_loop3A_890], %parallel_loop3A_893 {strides = array<i32>} : memref<64x768xf32, #tpu.memory_space<vmem>>, vector<1x16xf32>,
        %parallel_loop3A_894 = arith.index_cast %parallel_loop3A_109 : i32 to index
        %parallel_loop3A_895 = arith.index_cast %parallel_loop3A_861 : i32 to index
        %parallel_loop3A_896 = tpu.vector_load %arg9[%parallel_loop3A_894, %parallel_loop3A_895] {strides = array<i32>} : memref<64x768xf32, #tpu.memory_space<vmem>>, vector<1x16xf32>,
        %parallel_loop3A_897 = vector.shape_cast %parallel_loop3A_896 : vector<1x16xf32> to vector<16xf32>
        %parallel_loop3A_898 = arith.mulf %parallel_loop3A_897, %parallel_loop3A_669 : vector<16xf32>
        %parallel_loop3A_899 = arith.subf %parallel_loop3A_898, %parallel_loop3A_670 : vector<16xf32>
        %parallel_loop3A_900 = arith.mulf %parallel_loop3A_899, %parallel_loop3A_864 : vector<16xf32>
        %parallel_loop3A_901 = arith.addf %parallel_loop3A_900, %parallel_loop3A_867 : vector<16xf32>
        %parallel_loop3A_902 = arith.index_cast %parallel_loop3A_109 : i32 to index
        %parallel_loop3A_903 = arith.index_cast %parallel_loop3A_861 : i32 to index
        %parallel_loop3A_904 = tpu.vector_load %arg9[%parallel_loop3A_902, %parallel_loop3A_903] {strides = array<i32>} : memref<64x768xf32, #tpu.memory_space<vmem>>, vector<1x16xf32>,
        %parallel_loop3A_905 = vector.shape_cast %parallel_loop3A_904 : vector<1x16xf32> to vector<16xf32>
        %parallel_loop3A_906 = vector.shape_cast %parallel_loop3A_901 : vector<16xf32> to vector<1x16xf32>
        tpu.vector_store %arg9[%parallel_loop3A_902, %parallel_loop3A_903], %parallel_loop3A_906 {strides = array<i32>} : memref<64x768xf32, #tpu.memory_space<vmem>>, vector<1x16xf32>,
        %parallel_loop3A_907 = arith.index_cast %parallel_loop3A_111 : i32 to index
        %parallel_loop3A_908 = arith.index_cast %parallel_loop3A_861 : i32 to index
        %parallel_loop3A_909 = tpu.vector_load %arg9[%parallel_loop3A_907, %parallel_loop3A_908] {strides = array<i32>} : memref<64x768xf32, #tpu.memory_space<vmem>>, vector<1x16xf32>,
        %parallel_loop3A_910 = vector.shape_cast %parallel_loop3A_909 : vector<1x16xf32> to vector<16xf32>
        %parallel_loop3A_911 = arith.mulf %parallel_loop3A_910, %parallel_loop3A_854 : vector<16xf32>
        %parallel_loop3A_912 = arith.subf %parallel_loop3A_911, %parallel_loop3A_855 : vector<16xf32>
        %parallel_loop3A_913 = arith.mulf %parallel_loop3A_912, %parallel_loop3A_864 : vector<16xf32>
        %parallel_loop3A_914 = arith.addf %parallel_loop3A_913, %parallel_loop3A_867 : vector<16xf32>
        %parallel_loop3A_915 = arith.index_cast %parallel_loop3A_111 : i32 to index
        %parallel_loop3A_916 = arith.index_cast %parallel_loop3A_861 : i32 to index
        %parallel_loop3A_917 = tpu.vector_load %arg9[%parallel_loop3A_915, %parallel_loop3A_916] {strides = array<i32>} : memref<64x768xf32, #tpu.memory_space<vmem>>, vector<1x16xf32>,
        %parallel_loop3A_918 = vector.shape_cast %parallel_loop3A_917 : vector<1x16xf32> to vector<16xf32>
        %parallel_loop3A_919 = vector.shape_cast %parallel_loop3A_914 : vector<16xf32> to vector<1x16xf32>
        tpu.vector_store %arg9[%parallel_loop3A_915, %parallel_loop3A_916], %parallel_loop3A_919 {strides = array<i32>} : memref<64x768xf32, #tpu.memory_space<vmem>>, vector<1x16xf32>,
      } {sc.loop_unroll_factor = 4 : i64, sc.parallel_access}
      scf.yield %parallel_loop3A_101 : i32
    } {sc.loop_unroll_factor = 1 : i64, sc.parallel_access}
    %add3A_86 = arith.constant 192 : i32
    %add3A_87 = arith.addi %mul3A_2, %add3A_86 : i32
    %dma_start3A_88 = arith.constant 0 : i32
    %dma_start3A_89 = tpu.memref_slice %arg6[%add3A_87, %dma_start3A_88] : memref<8192x768xf32, #tpu.memory_space<hbm>> -> memref<64x768xf32, #tpu.memory_space<hbm>>
    %dma_start3A_90 = arith.constant 0 : i32
    %dma_start3A_91 = tpu.memref_slice %arg6[%add3A_87, %dma_start3A_90] : memref<8192x768xf32, #tpu.memory_space<hbm>> -> memref<64x768xf32, #tpu.memory_space<hbm>>
    tpu.enqueue_dma source(%arg9 : memref<64x768xf32, #tpu.memory_space<vmem>>) target(%dma_start3A_91 : memref<64x768xf32, #tpu.memory_space<hbm>>) target_semaphore(%arg15 : memref<!tpu.dma_semaphore, #tpu.memory_space<semaphore_mem>>)
    %dma_wait3A_92 = arith.constant 0 : i32
    %dma_wait3A_93 = tpu.memref_slice %arg6[%add3A_71, %dma_wait3A_92] : memref<8192x768xf32, #tpu.memory_space<hbm>> -> memref<64x768xf32, #tpu.memory_space<hbm>>
    %dma_wait3A_94 = arith.constant 0 : i32
    %dma_wait3A_95 = tpu.memref_slice %arg6[%add3A_71, %dma_wait3A_94] : memref<8192x768xf32, #tpu.memory_space<hbm>> -> memref<64x768xf32, #tpu.memory_space<hbm>>
    tpu.wait_dma2 semaphore(%arg14 : memref<!tpu.dma_semaphore, #tpu.memory_space<semaphore_mem>>) src(%arg8 : memref<64x768xf32, #tpu.memory_space<vmem>>) dst(%dma_wait3A_95 : memref<64x768xf32, #tpu.memory_space<hbm>>)
    %dma_wait3A_96 = arith.constant 0 : i32
    %dma_wait3A_97 = tpu.memref_slice %arg6[%add3A_87, %dma_wait3A_96] : memref<8192x768xf32, #tpu.memory_space<hbm>> -> memref<64x768xf32, #tpu.memory_space<hbm>>
    %dma_wait3A_98 = arith.constant 0 : i32
    %dma_wait3A_99 = tpu.memref_slice %arg6[%add3A_87, %dma_wait3A_98] : memref<8192x768xf32, #tpu.memory_space<hbm>> -> memref<64x768xf32, #tpu.memory_space<hbm>>
    tpu.wait_dma2 semaphore(%arg15 : memref<!tpu.dma_semaphore, #tpu.memory_space<semaphore_mem>>) src(%arg9 : memref<64x768xf32, #tpu.memory_space<vmem>>) dst(%dma_wait3A_99 : memref<64x768xf32, #tpu.memory_space<hbm>>)
    return
  }
}

module attributes {stable_mosaic.version = 14 : i64} {
  func.func @body(%arg0: i32, %arg1: i32, %arg2: memref<1024x768xf32, #tpu.memory_space<vmem>>, %arg3: memref<1024x768xf32, #tpu.memory_space<vmem>>) attributes {dimension_semantics = [#tpu.dimension_semantics<arbitrary>, #tpu.dimension_semantics<arbitrary>], iteration_bounds = array<i64: 2, 4>, scalar_prefetch = 0 : i64, scratch_operands = 0 : i64, tpu.core_type = #tpu.core_type<tc>, window_params = [{transform_indices = @transform_0, window_bounds = array<i64: 1024, 768>}, {transform_indices = @transform_1, window_bounds = array<i64: 1024, 768>}]} {
    %get3A = arith.constant 0 : index
    %get3A_0 = arith.constant 0 : index
    %get3A_1 = vector.load %arg2[%get3A, %get3A_0] : memref<1024x768xf32, #tpu.memory_space<vmem>>, vector<1024x768xf32>
    %swap3A = arith.constant 0 : index
    %swap3A_2 = arith.constant 0 : index
    %swap3A_3 = vector.load %arg3[%swap3A, %swap3A_2] : memref<1024x768xf32, #tpu.memory_space<vmem>>, vector<1024x768xf32>
    tpu.vector_store %arg3[%swap3A, %swap3A_2], %get3A_1 {strides = array<i32>} : memref<1024x768xf32, #tpu.memory_space<vmem>>, vector<1024x768xf32>,
    return
  }
  func.func @transform_0(%arg0: i32, %arg1: i32) -> (i32, i32) {
    %c0_i32 = arith.constant 0 : i32
    %c0_i32_0 = arith.constant 0 : i32
    return %arg0, %c0_i32 : i32, i32
  }
  func.func @transform_1(%arg0: i32, %arg1: i32) -> (i32, i32) {
    %mul3A = arith.constant 2 : i32
    %mul3A_0 = arith.muli %arg1, %mul3A : i32
    %add3A = arith.addi %mul3A_0, %arg0 : i32
    %c0_i32 = arith.constant 0 : i32
    %c0_i32_1 = arith.constant 0 : i32
    return %add3A, %c0_i32 : i32, i32
  }
}

module attributes {stable_mosaic.version = 14 : i64} {
  func.func @body(%arg0: i32, %arg1: i32, %arg2: memref<1024x768xf32, #tpu.memory_space<vmem>>, %arg3: memref<1x768xf32, #tpu.memory_space<vmem>>, %arg4: memref<1x768xf32, #tpu.memory_space<vmem>>, %arg5: memref<1024x768xf32, #tpu.memory_space<vmem>>) attributes {dimension_semantics = [#tpu.dimension_semantics<arbitrary>, #tpu.dimension_semantics<arbitrary>], iteration_bounds = array<i64: 4, 4>, scalar_prefetch = 0 : i64, scratch_operands = 0 : i64, tpu.core_type = #tpu.core_type<tc>, window_params = [{transform_indices = @transform_0, window_bounds = array<i64: 1024, 768>}, {pipeline_mode = #tpu.pipeline_mode<synchronous>, transform_indices = @transform_1, window_bounds = array<i64: 1, 768>}, {pipeline_mode = #tpu.pipeline_mode<synchronous>, transform_indices = @transform_2, window_bounds = array<i64: 1, 768>}, {transform_indices = @transform_3, window_bounds = array<i64: 1024, 768>}]} {
    %get3A = arith.constant 0 : index
    %get3A_0 = arith.constant 0 : index
    %get3A_1 = vector.load %arg2[%get3A, %get3A_0] : memref<1024x768xf32, #tpu.memory_space<vmem>>, vector<1024x768xf32>
    %reduce_sum3A = arith.constant dense<0.000000e+00> : vector<1024xf32>
    %reduce_sum3A_2 = vector.multi_reduction <add>, %get3A_1, %reduce_sum3A [1] : vector<1024x768xf32> to vector<1024xf32>
    %broadcast_in_dim3A = vector.shape_cast %reduce_sum3A_2 : vector<1024xf32> to vector<1024x1xf32>
    %div3A = arith.constant 7.680000e+02 : f32
    %div3A_3 = vector.broadcast %div3A : f32 to vector<1024x1xf32>
    %div3A_4 = arith.divf %broadcast_in_dim3A, %div3A_3 : vector<1024x1xf32>
    %sub3A = vector.broadcast %div3A_4 : vector<1024x1xf32> to vector<1024x768xf32>
    %sub3A_5 = arith.subf %get3A_1, %sub3A : vector<1024x768xf32>
    %integer_pow3A = arith.mulf %sub3A_5, %sub3A_5 : vector<1024x768xf32>
    %reduce_sum3A_6 = arith.constant dense<0.000000e+00> : vector<1024xf32>
    %reduce_sum3A_7 = vector.multi_reduction <add>, %integer_pow3A, %reduce_sum3A_6 [1] : vector<1024x768xf32> to vector<1024xf32>
    %broadcast_in_dim3A_8 = vector.shape_cast %reduce_sum3A_7 : vector<1024xf32> to vector<1024x1xf32>
    %div3A_9 = arith.constant 7.680000e+02 : f32
    %div3A_10 = vector.broadcast %div3A_9 : f32 to vector<1024x1xf32>
    %div3A_11 = arith.divf %broadcast_in_dim3A_8, %div3A_10 : vector<1024x1xf32>
    %sub3A_12 = vector.broadcast %div3A_4 : vector<1024x1xf32> to vector<1024x768xf32>
    %sub3A_13 = arith.subf %get3A_1, %sub3A_12 : vector<1024x768xf32>
    %add3A = arith.constant 1.000000e-07 : f32
    %add3A_14 = vector.broadcast %add3A : f32 to vector<1024x1xf32>
    %add3A_15 = arith.addf %div3A_11, %add3A_14 : vector<1024x1xf32>
    %rsqrt3A = math.rsqrt %add3A_15 : vector<1024x1xf32>
    %mul3A = vector.broadcast %rsqrt3A : vector<1024x1xf32> to vector<1024x768xf32>
    %mul3A_16 = arith.mulf %sub3A_13, %mul3A : vector<1024x768xf32>
    %get3A_17 = arith.constant 0 : index
    %get3A_18 = arith.constant 0 : index
    %get3A_19 = vector.load %arg3[%get3A_17, %get3A_18] : memref<1x768xf32, #tpu.memory_space<vmem>>, vector<1x768xf32>
    %mul3A_20 = vector.broadcast %get3A_19 : vector<1x768xf32> to vector<1024x768xf32>
    %mul3A_21 = arith.mulf %mul3A_16, %mul3A_20 : vector<1024x768xf32>
    %get3A_22 = arith.constant 0 : index
    %get3A_23 = arith.constant 0 : index
    %get3A_24 = vector.load %arg4[%get3A_22, %get3A_23] : memref<1x768xf32, #tpu.memory_space<vmem>>, vector<1x768xf32>
    %add3A_25 = vector.broadcast %get3A_24 : vector<1x768xf32> to vector<1024x768xf32>
    %add3A_26 = arith.addf %mul3A_21, %add3A_25 : vector<1024x768xf32>
    %swap3A = arith.constant 0 : index
    %swap3A_27 = arith.constant 0 : index
    %swap3A_28 = vector.load %arg5[%swap3A, %swap3A_27] : memref<1024x768xf32, #tpu.memory_space<vmem>>, vector<1024x768xf32>
    tpu.vector_store %arg5[%swap3A, %swap3A_27], %add3A_26 {strides = array<i32>} : memref<1024x768xf32, #tpu.memory_space<vmem>>, vector<1024x768xf32>,
    return
  }
  func.func @transform_0(%arg0: i32, %arg1: i32) -> (i32, i32) {
    %c0_i32 = arith.constant 0 : i32
    %c0_i32_0 = arith.constant 0 : i32
    return %arg0, %c0_i32 : i32, i32
  }
  func.func @transform_1(%arg0: i32, %arg1: i32) -> (i32, i32) {
    %c0_i32 = arith.constant 0 : i32
    %c0_i32_0 = arith.constant 0 : i32
    %c0_i32_1 = arith.constant 0 : i32
    return %c0_i32, %c0_i32_0 : i32, i32
  }
  func.func @transform_2(%arg0: i32, %arg1: i32) -> (i32, i32) {
    %c0_i32 = arith.constant 0 : i32
    %c0_i32_0 = arith.constant 0 : i32
    %c0_i32_1 = arith.constant 0 : i32
    return %c0_i32, %c0_i32_0 : i32, i32
  }
  func.func @transform_3(%arg0: i32, %arg1: i32) -> (i32, i32) {
    %mul3A = arith.constant 4 : i32
    %mul3A_0 = arith.muli %arg1, %mul3A : i32
    %add3A = arith.addi %mul3A_0, %arg0 : i32
    %c0_i32 = arith.constant 0 : i32
    %c0_i32_1 = arith.constant 0 : i32
    return %add3A, %c0_i32 : i32, i32
  }
}

</mosaic_0001>

<sc_bundles>
// kernel: kernel.5.cloned.1.call-start
scs
__scs_entry_jumppad:
0x0: {  	(pc) =	sbr.rel $0x88, $3  }
0x1: {  	(tag) =	ssettag $0x0;
	lr =	simm.s32 $0x1  }
0x2: {  	[smem:$0x3F99] =	sst lr;
	_ =	strace $0xD0000000  }
0x3: {  	_ = 	snop  }
0x4: {  	_ = 	snop  }
0x5: {  	_ = 	snop  }
0x6: {  	_ = 	snop  }
0x7: {  	_ = 	snop  }
__scs_overlays_trampoline_lowered:
0x8: {  	[smem:$0x3FA8] =	sst s0  }
0x9: {  	[smem:$0x3FA9] =	sst s1  }
0xa: {  	[smem:$0x3FAA] =	sst s2  }
0xb: {  	[smem:$0x3FAB] =	sst s3  }
0xc: {  	[smem:$0x3FAC] =	sst s4  }
0xd: {  	[smem:$0x3FAD] =	sst s5  }
0xe: {  	[smem:$0x3FAE] =	sst s6  }
0xf: {  	[smem:$0x3FAF] =	sst s7  }
0x10: {  	[smem:$0x3FB0] =	sst s8  }
0x11: {  	[smem:$0x3FB1] =	sst s9;
	s0 =	simm.s32 @!p0 $0x0  }
0x12: {  	s1 =	sld [smem:$0x3F97];
	s0 =	simm.s32 @p0 $0x1  }
0x13: {  	[smem:$0x3FB2] =	sst s0;
	s0 =	simm.s32 @!p1 $0x0  }
0x14: {  	s2 =	sld [smem:$0x3F96];
	s0 =	simm.s32 @p1 $0x1  }
0x15: {  	[smem:$0x3FB3] =	sst s0;
	s0 =	simm.s32 @!p2 $0x0  }
0x16: {  	s3 =	sld [smem:$0x3FDB];
	s0 =	simm.s32 @p2 $0x1  }
0x17: {  	s4 =	simm.s32 $0x1BF5;
	[smem:$0x3FB5] =	sst s0  }
0x18: {  	s0 =	sld [smem:$0x3F98];
	_ =	swait.ge [sflag:s4], $0x0  }
0x19: {  	s7 =	sld [smem:$0x3F99]  }
0x1a: {  	s8 =	sadd.s32 $0xFFFFE003, lr  }
0x1b: {  	s9 =	sadd.s32 $0xFFFFFEF7, lr;
	s5 =	simm.s32 $0xFFFFFFFF;
	p2 =	slt.u32 s8, $0xFFFFF086  }
0x1c: {  	p1 =	slt.u32 s9, $0xF7A;
	s5 =	simm.s32 @!p2 $0x0  }
0x1d: {  	s5 =	simm.s32 @p1 $0x1;
	p0 =	seq.s32 s7, s2  }
0x1e: {  	s7 =	smul.u32 @!p0 $0xF7A, s2;
	p2 =	seq.s32 @!p0 s5, $0x0  }
0x1f: {  	s9 =	smul.u32 $0xF7A, s1;
	s8 =	simm.s32 @!p0 $0x1BF5;
	p2 =	por !p2, p0  }
0x20: {  	[sflag:s8] =	ssyncset.s32 @!p0 $0xFFFFF086;
	s6 =	sadd.s32 @!p0 s3, s7;
	s7 =	simm.s32 @!p0 $0x108  }
0x21: {  	s3 =	sadd.s32 s3, s9;
	s6 =	sadd.s32 @!p0 $0x88, s6;
	s7 =	simm.s32 @p2 $0x1082  }
0x22: {  	[simem:s7], [sflag:s8] =	dma.local @!p0 [hbm:s6], $0xF7A  }
0x23: {  	s9 =	sor.u32 $0xD0000000, s2;
	s6 =	simm.s32 $0x108;
	_ =	swait.ge @!p0 [sflag:s8], $0x0  }
0x24: {  	s3 =	sadd.s32 $0x88, s3;
	s6 =	simm.s32 @!p1 $0x1082;
	[sflag:s4] =	ssyncset.s32 $0xFFFFF086  }
0x25: {  	[simem:s6], [sflag:s4] =	dma.local [hbm:s3], $0xF7A  }
0x26: {  	[smem:$0x3F99] =	sst s1;
	(tag) =	ssettag s2;
	_ =	strace s9  }
0x27: {  	s1 =	sld [smem:$0x3FA9]  }
0x28: {  	s2 =	sld [smem:$0x3FAA]  }
0x29: {  	s4 =	sld [smem:$0x3FAC]  }
0x2a: {  	p0 =	seq.s32 s5, $0x0;
	s5 =	sld [smem:$0x3FAD]  }
0x2b: {  	s6 =	sld [smem:$0x3FAE]  }
0x2c: {  	s7 =	sld [smem:$0x3FAF]  }
0x2d: {  	s3 =	simm.s32 $0x108;
	s8 =	sld [smem:$0x3FB0]  }
0x2e: {  	s3 =	simm.s32 @!p0 $0x1082;
	s9 =	sld [smem:$0x3FB1]  }
0x2f: {  	lr =	sadd.s32 s0, s3;
	s0 =	sld [smem:$0x3FA8]  }
0x30: {  	s3 =	sld [smem:$0x3FAB]  }
0x31: {  	[smem:$0x3FB4] =	sst s10  }
0x32: {  	s10 =	sld [smem:$0x3FB2];
	_ =	sdelay $0x3  }
0x33: {  	p0 =	seq.s32 s10, $0x1;
	s10 =	sld [smem:$0x3FB4];
	_ =	sdelay $0x3  }
0x34: {  	[smem:$0x3FB4] =	sst s10  }
0x35: {  	s10 =	sld [smem:$0x3FB3];
	_ =	sdelay $0x3  }
0x36: {  	p1 =	seq.s32 s10, $0x1;
	s10 =	sld [smem:$0x3FB4];
	_ =	sdelay $0x3  }
0x37: {  	[smem:$0x3FB4] =	sst s10  }
0x38: {  	s10 =	sld [smem:$0x3FB5]  }
0x39: {  	_ = 	snop;
	(pc) =	sbr.ind lr, $3  }
0x3a: {  	_ = 	snop  }
0x3b: {  	_ = 	snop  }
0x3c: {  	p2 =	seq.s32 s10, $0x1;
	s10 =	sld [smem:$0x3FB4]  }
0x3d: {  	_ =	shalt  }
0x3e: {  	_ =	shalt  }
0x3f: {  	_ =	shalt  }
0x40: {  	_ =	shalt  }
0x41: {  	_ =	shalt  }
0x42: {  	_ =	shalt  }
0x43: {  	_ =	shalt  }
0x44: {  	_ =	shalt  }
0x45: {  	_ =	shalt  }
0x46: {  	_ =	shalt  }
0x47: {  	_ =	shalt  }
0x48: {  	_ =	shalt  }
0x49: {  	_ =	shalt  }
0x4a: {  	_ =	shalt  }
0x4b: {  	_ =	shalt  }
0x4c: {  	_ =	shalt  }
0x4d: {  	_ =	shalt  }
0x4e: {  	_ =	shalt  }
0x4f: {  	_ =	shalt  }
0x50: {  	_ =	shalt  }
0x51: {  	_ =	shalt  }
0x52: {  	_ =	shalt  }
0x53: {  	_ =	shalt  }
0x54: {  	_ =	shalt  }
0x55: {  	_ =	shalt  }
0x56: {  	_ =	shalt  }
0x57: {  	_ =	shalt  }
0x58: {  	_ =	shalt  }
0x59: {  	_ =	shalt  }
0x5a: {  	_ =	shalt  }
0x5b: {  	_ =	shalt  }
0x5c: {  	_ =	shalt  }
0x5d: {  	_ =	shalt  }
0x5e: {  	_ =	shalt  }
0x5f: {  	_ =	shalt  }
0x60: {  	_ =	shalt  }
0x61: {  	_ =	shalt  }
0x62: {  	_ =	shalt  }
0x63: {  	_ =	shalt  }
0x64: {  	_ =	shalt  }
0x65: {  	_ =	shalt  }
0x66: {  	_ =	shalt  }
0x67: {  	_ =	shalt  }
0x68: {  	_ =	shalt  }
0x69: {  	_ =	shalt  }
0x6a: {  	_ =	shalt  }
0x6b: {  	_ =	shalt  }
0x6c: {  	_ =	shalt  }
0x6d: {  	_ =	shalt  }
0x6e: {  	_ =	shalt  }
0x6f: {  	_ =	shalt  }
0x70: {  	_ =	shalt  }
0x71: {  	_ =	shalt  }
0x72: {  	_ =	shalt  }
0x73: {  	_ =	shalt  }
0x74: {  	_ =	shalt  }
0x75: {  	_ =	shalt  }
0x76: {  	_ =	shalt  }
0x77: {  	_ =	shalt  }
0x78: {  	_ =	shalt  }
0x79: {  	_ =	shalt  }
0x7a: {  	_ =	shalt  }
0x7b: {  	_ =	shalt  }
0x7c: {  	_ =	shalt  }
0x7d: {  	_ =	shalt  }
0x7e: {  	_ =	shalt  }
0x7f: {  	_ =	shalt  }
0x80: {  	_ =	shalt  }
0x81: {  	_ =	shalt  }
0x82: {  	_ =	shalt  }
0x83: {  	_ =	shalt  }
0x84: {  	_ =	shalt  }
0x85: {  	_ =	shalt  }
0x86: {  	_ =	shalt  }
0x87: {  	_ =	shalt  }
.Lfunc_end0:
.L_simem_size_0:
called_computation_lowered:
.L_overlay_start_0:
0x88: {  	s2 =	sld [smem:$0x3FD9]  }
0x89: {  	s3 =	sld [smem:$0x3FFE];
	_ =	sdelay $0x1  }
0x8a: {  	s1 =	srdreg.scid  }
0x8b: {  	s0 =	sand.u32 $0x1, s1  }
0x8c: {  	s14 =	sshll.u32 s0, $0xA;
	s2 =	sadd.s32 s3, s2  }
0x8d: {  	s2 =	sadd.s32 s2, s14  }
0x8e: {  	[smem:$0x3FC0] =	sst s2  }
0x8f: {  	_ = 	snop  }
0x90: {  	s2 =	sld [smem:$0x3FD0]  }
0x91: {  	s15 =	sld [smem:$0x3FC8]  }
0x92: {  	s4 =	sld [smem:$0x3FC5]  }
0x93: {  	s6 =	simm.s32 $0xA;
	s7 =	simm.s32 $0x10;
	s5 =	sld [smem:$0x3FC4]  }
0x94: {  	[smem:s7], [sflag:s6] =	dma.local [hbm:s2], $0x1  }
0x95: {  	_ =	swait.eq [sflag:s6], $0x1  }
0x96: {  	[sflag:s6] =	ssyncset.done $0x0  }
0x97: {  	[sflag:s6] =	ssyncadd.s32 $0xFFFFFFFF  }
0x98: {  	s16 =	sld [smem:$0x10];
	(tm) =	ssettm $0x1  }
0x99: {  	s17 =	sld [smem:$0x3FFB];
	_ =	sdelay $0x3  }
0x9a: {  	_ =	strace s17  }
0x9b: {  	s6 =	sld [smem:$0x3FFC];
	_ =	sdelay $0x3  }
0x9c: {  	_ =	strace s6  }
0x9d: {  	s6 =	sld [smem:$0x3FFD];
	_ =	sdelay $0x3  }
0x9e: {  	_ =	strace s6  }
0x9f: {  	_ =	strace $0x8FFFFFFF  }
0xa0: {  	s18 =	sld [smem:$0x3FDB];
	_ =	sdelay $0x1  }
0xa1: {  	s19 =	simm.s32 $_scs_section_size  }
0xa2: {  	s8 =	simm.s32 $_size__tile_overlayer_lowered;
	s9 =	simm.s32 $_tile_overlayer_lowered  }
0xa3: {  	s22 =	simm.s32 $0x1BFF;
	s21 =	sshll.u32 s9, $0x1;
	s6 =	sadd.s32 s19, s18  }
0xa4: {  	s10 =	simm.s32 $0x0;
	s20 =	sshll.u32 s8, $0x1;
	s8 =	sadd.s32 s21, s6  }
0xa5: {  	[timem:s10], [sflag:s22] =	dma.local [hbm:s8], s20  }
0xa6: {  	_ =	swait.ge [sflag:s22], s20  }
0xa7: {  	s7 =	ssub.s32 $0x0, s20;
	[sflag:s22] =	ssyncset.done $0x0  }
0xa8: {  	[sflag:s22] =	ssyncadd.s32 s7;
	_ =	sdelay $0x1  }
0xa9: {  	s23 =	simm.s32 $0x1B8B  }
0xaa: {  	_ =	swait.ge [sflag:s23], $0x1  }
0xab: {  	[sflag:s23] =	ssyncset.done $0x0  }
0xac: {  	s25 =	simm.s32 $0x1B8E;
	s24 =	sld [smem:$0x3FFE];
	[sflag:s23] =	ssyncadd.s32 $0xFFFFFFFF  }
0xad: {  	s26 =	simm.s32 $execute0_lowered;
	[smem:$0x3FD2] =	sst s25  }
0xae: {  	s8 =	sshll.u32 s26, $0x1;
	_ =	strace $0x80000046;
	[dreg:$0x1] =	wrdreg $0xFFFFFFFF  }
0xaf: {  	s28 =	simm.s32 $_size_execute0_lowered;
	s6 =	sadd.s32 s6, s8;
	[dreg:$0x0] =	wrdreg $0x0  }
0xb0: {  	s8 =	sshll.u32 s28, $0x1;
	[dreg:$0x2] =	wrdreg s6  }
0xb1: {  	[dreg:$0x3] =	wrdreg s8  }
0xb2: {  	[dreg:$0x4] =	wrdreg $0xC0  }
0xb3: {  	_ =	task [dreg:s10], $0x5FFFF  }
0xb4: {  	[dreg:$0x1] =	wrdreg $0xFFFFFFFF  }
0xb5: {  	[dreg:$0x0] =	wrdreg $0x60  }
0xb6: {  	[dreg:$0x2] =	wrdreg s24  }
0xb7: {  	[dreg:$0x3] =	wrdreg s15  }
0xb8: {  	[dreg:$0x4] =	wrdreg s4  }
0xb9: {  	[dreg:$0x5] =	wrdreg s5  }
0xba: {  	[dreg:$0x6] =	wrdreg s16  }
0xbb: {  	[dreg:$0x7] =	wrdreg $0x9  }
0xbc: {  	_ =	task.clear_ibuf [dreg:s10], $0x8FFFF;
	_ =	strace $0x90000046  }
0xbd: {  	s29 =	simm.s32 $0x9;
	_ =	strace $0x80000048  }
0xbe: {  	_ =	swait.ge [sflag:s29], $0x1  }
0xbf: {  	[sflag:s29] =	ssyncadd.s32 $0xFFFFFFFF  }
0xc0: {  	_ =	strace $0x90000048  }
0xc1: {  	_ =	sfence  }
0xc2: {  	s30 =	sld [smem:$0x0];
	_ =	sdelay $0x2  }
0xc3: {  	s31 =	sshll.u32 s1, $0xD;
	s1 =	sshrl.u32 s1, $0x2  }
0xc4: {  	s3 =	sand.u32 $0x4000, s31;
	s1 =	sadd.s32 s1, s30  }
0xc5: {  	s0 =	sor.u32 s3, s0;
	s1 =	sshll.u32 s1, $0x11  }
0xc6: {  	s0 =	sor.u32 s1, s0  }
0xc7: {  	s0 =	sadd.s32 $0x8F2B, s0  }
0xc8: {  	[sflag:s0] =	ssyncadd.remote.s32 $0x1  }
0xc9: {  	_ =	sfence.sel $0xFFFF  }
0xca: {  	[dreg:$0x0] =	wrdreg $0xFFFFFFFF;
	(pc) =	sbr.abs _section_cstart, $3  }
0xcb: {  	[dreg:$0x1] =	wrdreg $0xFFFFFFFF  }
0xcc: {  	_ =	task.clear_ibuf [dreg:s10], $0x2FFFF;
	_ =	strace $0x9FFFFFFF  }
0xcd: {  	(tm) =	ssettm $0x7FFFFFFF  }
tec
execute0_lowered:
.L_overlay_start_1:
0x0: {  	(tag) =	ssettag $0x1  }
0x1: {  	s0 =	rddreg [dreg:$0x0]  }
0x2: {  	s6 =	rddreg [dreg:$0x1]  }
0x3: {  	s1 =	rddreg [dreg:$0x4]  }
0x4: {  	s2 =	srdreg.scid;
	s3 =	stileid.u32;
	v0 =	vimm.s32 $0x76543210;
	v1 =	vimm.s32 $0xFEDCBA98;
	v2 =	vimm.s32 $0x3210FEDC  }
0x5: {  	s7 =	simm.s32 $0x0;
	v3 =	vimm.s32 $0xBA987654;
	v4 =	vimm.s32 $0x10FEDCBA;
	v5 =	vimm.s32 $0x98765432;
	s2 =	sand.u32 $0x1, s2;
	s3 =	sshll.u32 s3, $0x6  }
0x6: {  	v6 =	vimm.s32 $0xFEDCBA9;
	v7 =	vimm.s32 $0x87654321;
	[smem:$0x7FF] =	sst s7;
	s25 =	sadd.s32 $0x100, s6;
	s28 =	sadd.s32 $0x200, s6  }
0x7: {  	vm0 =	vmmov $0xffff;
	v2 =	vunpack.c.l.s4.s8 v2;
	v3 =	vunpack.c.l.s4.s8 v3;
	s4 =	sshll.u32 s2, $0x5;
	_ =	strace $0x80000047;
	[smem:$0x7F7] =	sst s25  }
0x8: {  	v0 =	vunpack.c.l.s4.s8 v0;
	v4 =	vunpack.c.l.s4.s8 v4;
	v5 =	vunpack.c.l.s4.s8 v5;
	s2 =	ssub.s32 $0x2, s2;
	[smem:$0x7F8] =	sst s28;
	s3 =	sor.u32 s4, s3  }
0x9: {  	v6 =	vunpack.c.l.s4.s8 v6;
	s24 =	sshrl.u32 s2, $0x1;
	v2 =	vunpack.c.0.s8.s32 v2;
	v3 =	vunpack.c.0.s8.s32 v3;
	s5 =	smul.u32 $0x1800, s3;
	s0 =	sadd.s32 s3, s0  }
0xa: {  	v7 =	vunpack.c.l.s4.s8 v7;
	v1 =	vunpack.c.l.s4.s8 v1;
	v4 =	vunpack.c.0.s8.s32 v4;
	s2 =	ssub.s32 s2, s24;
	s3 =	smul.u32 $0x300, s3;
	s0 =	sadd.s32 $0x1600, s0  }
0xb: {  	v5 =	vunpack.c.0.s8.s32 v5;
	s31 =	smax.u32 s2, $0x1;
	v8 =	vcombine.low v3, v2;
	v2 =	vunpack.c.0.s8.s32 v6;
	[smem:$0x7F6] =	sst s0  }
0xc: {  	v3 =	vunpack.c.0.s8.s32 v7;
	v6 =	vlaneseq.u32;
	v7 =	vunpack.c.0.s8.s32 v1;
	s26 =	sshrl.u32 s5, $0x3;
	s3 =	sadd.s32 s1, s3;
	[smem:$0x7FD] =	sst s31  }
0xd: {  	v5 =	vcombine.low v5, v4;
	v4 =	vunpack.c.0.s8.s32 v0;
	v1 =	vshrl.u32 v6, $0x3;
	s0 =	sadd.s32 s1, s26;
	[smem:$0x7F9] =	sst s3;
	s29 =	sadd.s32 $0x1800, s3  }
0xe: {  	v0 =	vand.u32 $0x7, v6;
	v9 =	vcombine.low v3, v2;
	v1 =	vmul.u32 $0x8, v1;
	[smem:$0x7FA] =	sst s29;
	s30 =	sadd.s32 $0x3000, s0  }
0xf: {  	v3 =	vand.u32 $0xF, v7;
	v2 =	vor.u32 $0x8, v6;
	v5 =	vand.u32 $0xF, v5;
	s0 =	sadd.s32 $0x4800, s0;
	[smem:$0x7FB] =	sst s30  }
0x10: {  	s4 =	simm.s32 $0xC100;
	s2 =	simm.s32 $0x0;
	v3 =	vcombine.low v3, v4;
	v4 =	vand.u32 $0xF, v8;
	[smem:$0x7FC] =	sst s0;
	v6 =	vand.u32 $0xF, v9  }
.LBB2_1:
0x11: {  	[smem:$0x7F5] =	sst s2  }
0x12: {  	s0 =	rddreg [dreg:$0x2];
	s1 =	simm.s32 $0x18100;
	s3 =	simm.s32 $0x5  }
0x13: {  	[tilespmem:s1], [sflag:$0x5] =	stream.linear.gather [hbm4b:s0+s7], $0x300, $0x38;
	[tilespmem:$0x18700] =	vst v63  }
0x14: {  	_ =	swait.ge [sflag:s3], $0x300  }
0x15: {  	[sflag:s3] =	ssyncset.done $0x0  }
0x16: {  	[sflag:s3] =	ssyncadd.s32 $0xFFFFFD00  }
0x17: {  	s6 =	simm.s32 $0x18400;
	s5 =	rddreg [dreg:$0x3]  }
0x18: {  	[tilespmem:s6], [sflag:$0x5] =	stream.linear.gather [hbm4b:s5+s7], $0x300, $0x38;
	[tilespmem:$0x18700] =	vst v63  }
0x19: {  	_ =	swait.ge [sflag:s3], $0x300  }
0x1a: {  	s8 =	sld [smem:$0x7F6]  }
0x1b: {  	[sflag:s3] =	ssyncset.done $0x0  }
0x1c: {  	[sflag:s3] =	ssyncadd.s32 $0xFFFFFD00  }
0x1d: {  	[tilespmem:s7], [sflag:$0x5] =	stream.linear.gather [hbm4b:s8+s7], $0x100, $0x38;
	[tilespmem:$0x18700] =	vst v63  }
0x1e: {  	_ =	swait.ge [sflag:s3], $0x100  }
0x1f: {  	[sflag:s3] =	ssyncset.done $0x0  }
0x20: {  	[sflag:s3] =	ssyncadd.s32 $0xFFFFFF00  }
0x21: {  	v7 =	vld [tilespmem:$0x0];
	_ =	sdelay $0x4  }
0x22: {  	v8 =	vshrl.u32 v7, $0x3  }
0x23: {  	v8 =	vmul.u32 $0x30, v8  }
0x24: {  	v7 =	vand.u32 $0x7, v7  }
0x25: {  	v7 =	vor.u32 v7, v8  }
0x26: {  	v8 =	vperm.xlane v7, v0;
	_ =	sdelay $0x1  }
0x27: {  	v8 =	vadd.s32 v1, v8;
	_ =	sdelay $0x2  }
0x28: {  	s1 =	sld [smem:$0x7F7]  }
0x29: {  	s9 =	simm.s32 $0x100;
	s0 =	rddreg [dreg:$0x1];
	v7 =	vperm.xlane v7, v2  }
0x2a: {  	[tilespmem:s9], [sflag:$0x1] =	stream.indirect_vreg.gather [hbm4b:s0+s7], $0x80, v8, vm0, $0xb8;
	[tilespmem:$0x18700] =	vst v63  }
0x2b: {  	s10 =	simm.s32 $0x900;
	s2 =	sld [smem:$0x7F8];
	v7 =	vadd.s32 v1, v7  }
0x2c: {  	[tilespmem:s10], [sflag:$0x1] =	stream.indirect_vreg.gather [hbm4b:s1+s7], $0x80, v8, vm0, $0xb8;
	[tilespmem:$0x18700] =	vst v63  }
0x2d: {  	s3 =	simm.s32 $0x1100  }
0x2e: {  	[tilespmem:s3], [sflag:$0x1] =	stream.indirect_vreg.gather [hbm4b:s2+s7], $0x80, v8, vm0, $0xb8;
	[tilespmem:$0x18700] =	vst v63  }
0x2f: {  	s11 =	simm.s32 $0x1900  }
0x30: {  	[tilespmem:s11], [sflag:$0x1] =	stream.indirect_vreg.gather [hbm4b:s0+s7], $0x80, v7, vm0, $0xb8;
	[tilespmem:$0x18700] =	vst v63  }
0x31: {  	s12 =	simm.s32 $0x2100  }
0x32: {  	[tilespmem:s12], [sflag:$0x1] =	stream.indirect_vreg.gather [hbm4b:s1+s7], $0x80, v7, vm0, $0xb8;
	[tilespmem:$0x18700] =	vst v63  }
0x33: {  	s13 =	simm.s32 $0x2900  }
0x34: {  	[tilespmem:s13], [sflag:$0x1] =	stream.indirect_vreg.gather [hbm4b:s2+s7], $0x80, v7, vm0, $0xb8;
	[tilespmem:$0x18700] =	vst v63  }
0x35: {  	v7 =	vld [tilespmem:$0x10];
	_ =	sdelay $0x4  }
0x36: {  	v8 =	vshrl.u32 v7, $0x3  }
0x37: {  	v8 =	vmul.u32 $0x30, v8  }
0x38: {  	v7 =	vand.u32 $0x7, v7  }
0x39: {  	v7 =	vor.u32 v7, v8  }
0x3a: {  	v8 =	vperm.xlane v7, v0;
	_ =	sdelay $0x1  }
0x3b: {  	v8 =	vadd.s32 v1, v8;
	_ =	sdelay $0x3  }
0x3c: {  	s14 =	simm.s32 $0x3100;
	v7 =	vperm.xlane v7, v2  }
0x3d: {  	[tilespmem:s14], [sflag:$0x1] =	stream.indirect_vreg.gather [hbm4b:s0+s7], $0x80, v8, vm0, $0xb8;
	[tilespmem:$0x18700] =	vst v63  }
0x3e: {  	s15 =	simm.s32 $0x3900;
	v7 =	vadd.s32 v1, v7  }
0x3f: {  	[tilespmem:s15], [sflag:$0x1] =	stream.indirect_vreg.gather [hbm4b:s1+s7], $0x80, v8, vm0, $0xb8;
	[tilespmem:$0x18700] =	vst v63  }
0x40: {  	s16 =	simm.s32 $0x4100  }
0x41: {  	[tilespmem:s16], [sflag:$0x1] =	stream.indirect_vreg.gather [hbm4b:s2+s7], $0x80, v8, vm0, $0xb8;
	[tilespmem:$0x18700] =	vst v63  }
0x42: {  	s17 =	simm.s32 $0x4900  }
0x43: {  	[tilespmem:s17], [sflag:$0x1] =	stream.indirect_vreg.gather [hbm4b:s0+s7], $0x80, v7, vm0, $0xb8;
	[tilespmem:$0x18700] =	vst v63  }
0x44: {  	s18 =	simm.s32 $0x5100  }
0x45: {  	[tilespmem:s18], [sflag:$0x1] =	stream.indirect_vreg.gather [hbm4b:s1+s7], $0x80, v7, vm0, $0xb8;
	[tilespmem:$0x18700] =	vst v63  }
0x46: {  	s19 =	simm.s32 $0x5900  }
0x47: {  	[tilespmem:s19], [sflag:$0x1] =	stream.indirect_vreg.gather [hbm4b:s2+s7], $0x80, v7, vm0, $0xb8;
	[tilespmem:$0x18700] =	vst v63  }
0x48: {  	v7 =	vld [tilespmem:$0x20];
	_ =	sdelay $0x4  }
0x49: {  	v8 =	vshrl.u32 v7, $0x3  }
0x4a: {  	v8 =	vmul.u32 $0x30, v8  }
0x4b: {  	v7 =	vand.u32 $0x7, v7  }
0x4c: {  	v7 =	vor.u32 v7, v8  }
0x4d: {  	v8 =	vperm.xlane v7, v0;
	_ =	sdelay $0x1  }
0x4e: {  	v8 =	vadd.s32 v1, v8;
	_ =	sdelay $0x3  }
0x4f: {  	s20 =	simm.s32 $0x6100;
	v7 =	vperm.xlane v7, v2  }
0x50: {  	[tilespmem:s20], [sflag:$0x1] =	stream.indirect_vreg.gather [hbm4b:s0+s7], $0x80, v8, vm0, $0xb8;
	[tilespmem:$0x18700] =	vst v63  }
0x51: {  	s21 =	simm.s32 $0x6900;
	v7 =	vadd.s32 v1, v7  }
0x52: {  	[tilespmem:s21], [sflag:$0x1] =	stream.indirect_vreg.gather [hbm4b:s1+s7], $0x80, v8, vm0, $0xb8;
	[tilespmem:$0x18700] =	vst v63  }
0x53: {  	s22 =	simm.s32 $0x7100  }
0x54: {  	[tilespmem:s22], [sflag:$0x1] =	stream.indirect_vreg.gather [hbm4b:s2+s7], $0x80, v8, vm0, $0xb8;
	[tilespmem:$0x18700] =	vst v63  }
0x55: {  	s23 =	simm.s32 $0x7900  }
0x56: {  	[tilespmem:s23], [sflag:$0x1] =	stream.indirect_vreg.gather [hbm4b:s0+s7], $0x80, v7, vm0, $0xb8;
	[tilespmem:$0x18700] =	vst v63  }
0x57: {  	s24 =	simm.s32 $0x8100  }
0x58: {  	[tilespmem:s24], [sflag:$0x1] =	stream.indirect_vreg.gather [hbm4b:s1+s7], $0x80, v7, vm0, $0xb8;
	[tilespmem:$0x18700] =	vst v63  }
0x59: {  	s25 =	simm.s32 $0x8900  }
0x5a: {  	[tilespmem:s25], [sflag:$0x1] =	stream.indirect_vreg.gather [hbm4b:s2+s7], $0x80, v7, vm0, $0xb8;
	[tilespmem:$0x18700] =	vst v63  }
0x5b: {  	v7 =	vld [tilespmem:$0x30];
	_ =	sdelay $0x4  }
0x5c: {  	v8 =	vshrl.u32 v7, $0x3  }
0x5d: {  	v8 =	vmul.u32 $0x30, v8  }
0x5e: {  	v7 =	vand.u32 $0x7, v7  }
0x5f: {  	v7 =	vor.u32 v7, v8  }
0x60: {  	v8 =	vperm.xlane v7, v0;
	_ =	sdelay $0x1  }
0x61: {  	v8 =	vadd.s32 v1, v8;
	_ =	sdelay $0x3  }
0x62: {  	s26 =	simm.s32 $0x9100;
	v7 =	vperm.xlane v7, v2  }
0x63: {  	[tilespmem:s26], [sflag:$0x1] =	stream.indirect_vreg.gather [hbm4b:s0+s7], $0x80, v8, vm0, $0xb8;
	[tilespmem:$0x18700] =	vst v63  }
0x64: {  	s28 =	simm.s32 $0x9900;
	v7 =	vadd.s32 v1, v7  }
0x65: {  	[tilespmem:s28], [sflag:$0x1] =	stream.indirect_vreg.gather [hbm4b:s1+s7], $0x80, v8, vm0, $0xb8;
	[tilespmem:$0x18700] =	vst v63  }
0x66: {  	s29 =	simm.s32 $0xA100  }
0x67: {  	[tilespmem:s29], [sflag:$0x1] =	stream.indirect_vreg.gather [hbm4b:s2+s7], $0x80, v8, vm0, $0xb8;
	[tilespmem:$0x18700] =	vst v63  }
0x68: {  	s30 =	simm.s32 $0xA900  }
0x69: {  	[tilespmem:s30], [sflag:$0x1] =	stream.indirect_vreg.gather [hbm4b:s0+s7], $0x80, v7, vm0, $0xb8;
	[tilespmem:$0x18700] =	vst v63  }
0x6a: {  	s31 =	simm.s32 $0xB100  }
0x6b: {  	[tilespmem:s31], [sflag:$0x1] =	stream.indirect_vreg.gather [hbm4b:s1+s7], $0x80, v7, vm0, $0xb8;
	[tilespmem:$0x18700] =	vst v63  }
0x6c: {  	s5 =	simm.s32 $0xB900  }
0x6d: {  	[tilespmem:s5], [sflag:$0x1] =	stream.indirect_vreg.gather [hbm4b:s2+s7], $0x80, v7, vm0, $0xb8;
	[tilespmem:$0x18700] =	vst v63  }
0x6e: {  	v7 =	vld [tilespmem:$0x40];
	_ =	sdelay $0x4  }
0x6f: {  	v8 =	vshrl.u32 v7, $0x3  }
0x70: {  	v8 =	vmul.u32 $0x30, v8  }
0x71: {  	v7 =	vand.u32 $0x7, v7  }
0x72: {  	v7 =	vor.u32 v7, v8  }
0x73: {  	v8 =	vperm.xlane v7, v0;
	_ =	sdelay $0x1  }
0x74: {  	v8 =	vadd.s32 v1, v8;
	_ =	sdelay $0x3  }
0x75: {  	v7 =	vperm.xlane v7, v2  }
0x76: {  	[tilespmem:s4], [sflag:$0x2] =	stream.indirect_vreg.gather [hbm4b:s0+s7], $0x80, v8, vm0, $0xb8;
	[tilespmem:$0x18700] =	vst v63  }
0x77: {  	s6 =	simm.s32 $0xC900;
	v7 =	vadd.s32 v1, v7  }
0x78: {  	[tilespmem:s6], [sflag:$0x2] =	stream.indirect_vreg.gather [hbm4b:s1+s7], $0x80, v8, vm0, $0xb8;
	[tilespmem:$0x18700] =	vst v63  }
0x79: {  	s8 =	simm.s32 $0xD100  }
0x7a: {  	[tilespmem:s8], [sflag:$0x2] =	stream.indirect_vreg.gather [hbm4b:s2+s7], $0x80, v8, vm0, $0xb8;
	[tilespmem:$0x18700] =	vst v63  }
0x7b: {  	s9 =	simm.s32 $0xD900  }
0x7c: {  	[tilespmem:s9], [sflag:$0x2] =	stream.indirect_vreg.gather [hbm4b:s0+s7], $0x80, v7, vm0, $0xb8;
	[tilespmem:$0x18700] =	vst v63  }
0x7d: {  	s10 =	simm.s32 $0xE100  }
0x7e: {  	[tilespmem:s10], [sflag:$0x2] =	stream.indirect_vreg.gather [hbm4b:s1+s7], $0x80, v7, vm0, $0xb8;
	[tilespmem:$0x18700] =	vst v63  }
0x7f: {  	s11 =	simm.s32 $0xE900  }
0x80: {  	[tilespmem:s11], [sflag:$0x2] =	stream.indirect_vreg.gather [hbm4b:s2+s7], $0x80, v7, vm0, $0xb8;
	[tilespmem:$0x18700] =	vst v63  }
0x81: {  	v7 =	vld [tilespmem:$0x50];
	_ =	sdelay $0x4  }
0x82: {  	v8 =	vshrl.u32 v7, $0x3  }
0x83: {  	v8 =	vmul.u32 $0x30, v8  }
0x84: {  	v7 =	vand.u32 $0x7, v7  }
0x85: {  	v7 =	vor.u32 v7, v8  }
0x86: {  	v8 =	vperm.xlane v7, v0;
	_ =	sdelay $0x1  }
0x87: {  	v8 =	vadd.s32 v1, v8;
	_ =	sdelay $0x3  }
0x88: {  	s12 =	simm.s32 $0xF100;
	v7 =	vperm.xlane v7, v2  }
0x89: {  	[tilespmem:s12], [sflag:$0x2] =	stream.indirect_vreg.gather [hbm4b:s0+s7], $0x80, v8, vm0, $0xb8;
	[tilespmem:$0x18700] =	vst v63  }
0x8a: {  	s13 =	simm.s32 $0xF900;
	v7 =	vadd.s32 v1, v7  }
0x8b: {  	[tilespmem:s13], [sflag:$0x2] =	stream.indirect_vreg.gather [hbm4b:s1+s7], $0x80, v8, vm0, $0xb8;
	[tilespmem:$0x18700] =	vst v63  }
0x8c: {  	s14 =	simm.s32 $0x10100  }
0x8d: {  	[tilespmem:s14], [sflag:$0x2] =	stream.indirect_vreg.gather [hbm4b:s2+s7], $0x80, v8, vm0, $0xb8;
	[tilespmem:$0x18700] =	vst v63  }
0x8e: {  	s15 =	simm.s32 $0x10900  }
0x8f: {  	[tilespmem:s15], [sflag:$0x2] =	stream.indirect_vreg.gather [hbm4b:s0+s7], $0x80, v7, vm0, $0xb8;
	[tilespmem:$0x18700] =	vst v63  }
0x90: {  	s16 =	simm.s32 $0x11100  }
0x91: {  	[tilespmem:s16], [sflag:$0x2] =	stream.indirect_vreg.gather [hbm4b:s1+s7], $0x80, v7, vm0, $0xb8;
	[tilespmem:$0x18700] =	vst v63  }
0x92: {  	s17 =	simm.s32 $0x11900  }
0x93: {  	[tilespmem:s17], [sflag:$0x2] =	stream.indirect_vreg.gather [hbm4b:s2+s7], $0x80, v7, vm0, $0xb8;
	[tilespmem:$0x18700] =	vst v63  }
0x94: {  	v7 =	vld [tilespmem:$0x60];
	_ =	sdelay $0x4  }
0x95: {  	v8 =	vshrl.u32 v7, $0x3  }
0x96: {  	v8 =	vmul.u32 $0x30, v8  }
0x97: {  	v7 =	vand.u32 $0x7, v7  }
0x98: {  	v7 =	vor.u32 v7, v8  }
0x99: {  	v8 =	vperm.xlane v7, v0;
	_ =	sdelay $0x1  }
0x9a: {  	v8 =	vadd.s32 v1, v8;
	_ =	sdelay $0x3  }
0x9b: {  	s18 =	simm.s32 $0x12100;
	v7 =	vperm.xlane v7, v2  }
0x9c: {  	[tilespmem:s18], [sflag:$0x2] =	stream.indirect_vreg.gather [hbm4b:s0+s7], $0x80, v8, vm0, $0xb8;
	[tilespmem:$0x18700] =	vst v63  }
0x9d: {  	s19 =	simm.s32 $0x12900;
	v7 =	vadd.s32 v1, v7  }
0x9e: {  	[tilespmem:s19], [sflag:$0x2] =	stream.indirect_vreg.gather [hbm4b:s1+s7], $0x80, v8, vm0, $0xb8;
	[tilespmem:$0x18700] =	vst v63  }
0x9f: {  	s20 =	simm.s32 $0x13100  }
0xa0: {  	[tilespmem:s20], [sflag:$0x2] =	stream.indirect_vreg.gather [hbm4b:s2+s7], $0x80, v8, vm0, $0xb8;
	[tilespmem:$0x18700] =	vst v63  }
0xa1: {  	s21 =	simm.s32 $0x13900  }
0xa2: {  	[tilespmem:s21], [sflag:$0x2] =	stream.indirect_vreg.gather [hbm4b:s0+s7], $0x80, v7, vm0, $0xb8;
	[tilespmem:$0x18700] =	vst v63  }
0xa3: {  	s22 =	simm.s32 $0x14100  }
0xa4: {  	[tilespmem:s22], [sflag:$0x2] =	stream.indirect_vreg.gather [hbm4b:s1+s7], $0x80, v7, vm0, $0xb8;
	[tilespmem:$0x18700] =	vst v63  }
0xa5: {  	s23 =	simm.s32 $0x14900  }
0xa6: {  	[tilespmem:s23], [sflag:$0x2] =	stream.indirect_vreg.gather [hbm4b:s2+s7], $0x80, v7, vm0, $0xb8;
	[tilespmem:$0x18700] =	vst v63  }
0xa7: {  	v7 =	vld [tilespmem:$0x70];
	_ =	sdelay $0x4  }
0xa8: {  	v8 =	vshrl.u32 v7, $0x3  }
0xa9: {  	v8 =	vmul.u32 $0x30, v8  }
0xaa: {  	v7 =	vand.u32 $0x7, v7  }
0xab: {  	v7 =	vor.u32 v7, v8  }
0xac: {  	v8 =	vperm.xlane v7, v0;
	_ =	sdelay $0x1  }
0xad: {  	v8 =	vadd.s32 v1, v8;
	_ =	sdelay $0x3  }
0xae: {  	s24 =	simm.s32 $0x15100;
	v7 =	vperm.xlane v7, v2  }
0xaf: {  	[tilespmem:s24], [sflag:$0x2] =	stream.indirect_vreg.gather [hbm4b:s0+s7], $0x80, v8, vm0, $0xb8;
	[tilespmem:$0x18700] =	vst v63  }
0xb0: {  	s25 =	simm.s32 $0x15900;
	v7 =	vadd.s32 v1, v7  }
0xb1: {  	[tilespmem:s25], [sflag:$0x2] =	stream.indirect_vreg.gather [hbm4b:s1+s7], $0x80, v8, vm0, $0xb8;
	[tilespmem:$0x18700] =	vst v63  }
0xb2: {  	s26 =	simm.s32 $0x16100  }
0xb3: {  	[tilespmem:s26], [sflag:$0x2] =	stream.indirect_vreg.gather [hbm4b:s2+s7], $0x80, v8, vm0, $0xb8;
	[tilespmem:$0x18700] =	vst v63  }
0xb4: {  	s28 =	simm.s32 $0x16900  }
0xb5: {  	[tilespmem:s28], [sflag:$0x2] =	stream.indirect_vreg.gather [hbm4b:s0+s7], $0x80, v7, vm0, $0xb8;
	[tilespmem:$0x18700] =	vst v63  }
0xb6: {  	s29 =	simm.s32 $0x17100  }
0xb7: {  	[tilespmem:s29], [sflag:$0x2] =	stream.indirect_vreg.gather [hbm4b:s1+s7], $0x80, v7, vm0, $0xb8;
	[tilespmem:$0x18700] =	vst v63  }
0xb8: {  	s30 =	simm.s32 $0x17900;
	s31 =	simm.s32 $0x1  }
0xb9: {  	[tilespmem:s30], [sflag:$0x2] =	stream.indirect_vreg.gather [hbm4b:s2+s7], $0x80, v7, vm0, $0xb8;
	[tilespmem:$0x18700] =	vst v63  }
0xba: {  	_ =	swait.ge [sflag:s31], $0xC000  }
0xbb: {  	[sflag:s31] =	ssyncset.done $0x0  }
0xbc: {  	s1 =	simm.s32 $0x0;
	[sflag:s31] =	ssyncadd.s32 $0xFFFF4000  }
.LBB2_2:
0xbd: {  	s0 =	sshrl.u32 s1, $0x3  }
0xbe: {  	s0 =	smul.u32 $0x6000, s0;
	_ =	sdelay $0x1  }
0xbf: {  	s23 =	sshll.u32 s1, $0x7;
	s2 =	simm.s32 $0x0;
	s0 =	sshra.s32 s0, $0x2  }
0xc0: {  	s3 =	sand.u32 $0x200, s23;
	s24 =	sand.u32 $0x1C00, s2;
	s0 =	sor.u32 $0x100, s0  }
0xc1: {  	[smem:$0x7F4] =	sst s1;
	s12 =	sor.u32 $0x180, s3;
	s1 =	sadd.s32 s24, s0  }
0xc2: {  	s4 =	sand.u32 $0x70, s2;
	s25 =	sadd.s32 s12, s1  }
0xc3: {  	s14 =	sor.u32 $0x80, s3;
	s5 =	sadd.s32 s3, s1;
	s2 =	sadd.s32 s4, s25  }
0xc4: {  	s6 =	sadd.s32 s14, s1;
	s5 =	sadd.s32 s4, s5;
	v7 =	vld [tilespmem:s2+$0x0]  }
0xc5: {  	s26 =	sadd.s32 s4, s6;
	v8 =	vld [tilespmem:s5+$0x0]  }
0xc6: {  	s28 =	simm.s32 $0x80;
	v9 =	vld [tilespmem:s26+$0x0];
	s2 =	sor.u32 $0x100, s3  }
0xc7: {  	s5 =	sand.u32 $0x1C00, s28;
	s1 =	sadd.s32 s2, s1  }
0xc8: {  	s29 =	simm.s32 $0x10;
	s5 =	sadd.s32 s5, s0;
	s4 =	sadd.s32 s4, s1  }
0xc9: {  	v12 =	vimm.f32 $0.0e+00;
	v15 =	vimm.f32 $0.0e+00;
	s7 =	sand.u32 $0x70, s29;
	s30 =	sadd.s32 s12, s5;
	v10 =	vld [tilespmem:s4+$0x0]  }
0xca: {  	v14 =	vimm.f32 $0.0e+00;
	s1 =	simm.s32 $0x20;
	s31 =	sadd.s32 s3, s5;
	s6 =	sadd.s32 s7, s30;
	v13 =	vmul.f32 v7, v7;
	v7 =	vadd.f32 v7, v12  }
0xcb: {  	s8 =	sadd.s32 s14, s5;
	s5 =	sadd.s32 s2, s5;
	s9 =	sadd.s32 s7, s31;
	v11 =	vld [tilespmem:s6+$0x0];
	v16 =	vadd.f32 v8, v12;
	v19 =	vmul.f32 v8, v8;
	v8 =	vadd.f32 v9, v12  }
0xcc: {  	s4 =	sadd.s32 s7, s5;
	s5 =	simm.s32 $0x100;
	s6 =	sadd.s32 s7, s8;
	v18 =	vld [tilespmem:s9+$0x0];
	v17 =	vmul.f32 v9, v9;
	v9 =	vadd.f32 v13, v12;
	v13 =	vimm.f32 $0.0e+00  }
.LBB2_3:
0xcd: {  	s7 =	sand.u32 $0x1C00, s5  }
0xce: {  	p0 =	sne.s32 s1, $0x2F0;
	v20 =	vld [tilespmem:s6+$0x0];
	v12 =	vadd.f32 v19, v12;
	v15 =	vadd.f32 v10, v15;
	v19 =	vmul.f32 v10, v10;
	s6 =	smov.u32 s1;
	s1 =	sadd.s32 $0x10, s1  }
.Ltmp0:
0xcf: {  	s7 =	sadd.s32 s7, s0;
	v10 =	vld [tilespmem:s4+$0x0];
	v13 =	vadd.f32 v17, v13;
	(pc) =	sbr.rel @p0 .LBB2_3-.Ltmp0, $4  }
0xd0: {  	s4 =	sand.u32 $0x70, s6;
	s6 =	sadd.s32 s3, s7;
	s8 =	sadd.s32 s12, s7;
	v14 =	vadd.f32 v19, v14  }
0xd1: {  	s9 =	sadd.s32 s14, s7;
	s7 =	sadd.s32 s2, s7;
	s8 =	sadd.s32 s4, s8;
	v7 =	vadd.f32 v11, v7;
	v21 =	vmul.f32 v11, v11  }
0xd2: {  	s10 =	sadd.s32 s4, s6;
	s6 =	sadd.s32 s4, s9;
	s4 =	sadd.s32 s4, s7;
	v11 =	vld [tilespmem:s8+$0x0];
	v16 =	vadd.f32 v18, v16;
	v19 =	vmul.f32 v18, v18  }
0xd3: {  	s5 =	sadd.s32 $0x80, s5;
	v18 =	vld [tilespmem:s10+$0x0];
	v8 =	vadd.f32 v20, v8;
	v17 =	vmul.f32 v20, v20;
	v9 =	vadd.f32 v21, v9  }
0xd4: {  	_ =	sdelay $0x3  }
0xd5: {  	v12 =	vadd.f32 v19, v12;
	v16 =	vadd.f32 v18, v16;
	v18 =	vmul.f32 v18, v18;
	_ =	sdelay $0x1  }
0xd6: {  	v12 =	vadd.f32 v18, v12;
	v18 =	vperm.xlane v16, v3;
	_ =	sdelay $0x1  }
0xd7: {  	v16 =	vadd.f32 v18, v16  }
0xd8: {  	v18 =	vperm.xlane v12, v3  }
0xd9: {  	v19 =	vperm.xlane v16, v4  }
0xda: {  	v12 =	vadd.f32 v18, v12  }
0xdb: {  	v16 =	vadd.f32 v19, v16  }
0xdc: {  	v18 =	vperm.xlane v12, v4;
	v19 =	vld [tilespmem:s6+$0x0]  }
0xdd: {  	v20 =	vperm.xlane v16, v5  }
0xde: {  	v12 =	vadd.f32 v18, v12;
	v18 =	vmul.f32 v10, v10;
	v10 =	vadd.f32 v10, v15;
	v15 =	vld [tilespmem:s4+$0x0]  }
0xdf: {  	v13 =	vadd.f32 v17, v13  }
0xe0: {  	v17 =	vmul.f32 v11, v11;
	v16 =	vadd.f32 v20, v16;
	v20 =	vperm.xlane v12, v5  }
0xe1: {  	v7 =	vadd.f32 v11, v7;
	v11 =	vadd.f32 v19, v8;
	v8 =	vmul.f32 v19, v19  }
0xe2: {  	v14 =	vadd.f32 v18, v14;
	v18 =	vperm.xlane v16, v6;
	v12 =	vadd.f32 v20, v12  }
0xe3: {  	v10 =	vadd.f32 v15, v10;
	v15 =	vmul.f32 v15, v15;
	v13 =	vadd.f32 v8, v13  }
0xe4: {  	v9 =	vadd.f32 v17, v9;
	v16 =	vadd.f32 v18, v16  }
0xe5: {  	v17 =	vperm.xlane v12, v6;
	v14 =	vadd.f32 v15, v14;
	v15 =	vperm.xlane v13, v3  }
0xe6: {  	v8 =	vmul.f32 $1.302083370e-03, v16;
	v16 =	vperm.xlane v11, v3  }
0xe7: {  	v12 =	vadd.f32 v17, v12;
	v17 =	vperm.xlane v7, v3  }
0xe8: {  	v13 =	vadd.f32 v15, v13;
	v15 =	vperm.xlane v9, v3;
	v11 =	vadd.f32 v16, v11  }
0xe9: {  	v12 =	vmul.f32 $1.302083370e-03, v12;
	v18 =	vmul.f32 v8, v8;
	v7 =	vadd.f32 v17, v7  }
0xea: {  	v17 =	vperm.xlane v10, v3;
	v9 =	vadd.f32 v15, v9;
	v16 =	vperm.xlane v11, v4  }
0xeb: {  	v12 =	vsub.f32 v12, v18;
	v18 =	vperm.xlane v13, v4;
	v19 =	vperm.xlane v7, v4  }
0xec: {  	v15 =	vperm.xlane v14, v3;
	v10 =	vadd.f32 v17, v10;
	v11 =	vadd.f32 v16, v11  }
0xed: {  	v13 =	vadd.f32 v18, v13;
	v7 =	vadd.f32 v19, v7;
	v16 =	vperm.xlane v9, v4  }
0xee: {  	v14 =	vadd.f32 v15, v14;
	v18 =	vperm.xlane v10, v4;
	v17 =	vperm.xlane v11, v5  }
0xef: {  	v15 =	vperm.xlane v13, v5;
	v19 =	vperm.xlane v7, v5;
	v9 =	vadd.f32 v16, v9  }
0xf0: {  	v10 =	vadd.f32 v18, v10;
	v16 =	vperm.xlane v14, v4;
	v11 =	vadd.f32 v17, v11  }
0xf1: {  	v13 =	vadd.f32 v15, v13;
	v7 =	vadd.f32 v19, v7;
	v15 =	vperm.xlane v9, v5  }
0xf2: {  	v18 =	vperm.xlane v10, v5;
	v14 =	vadd.f32 v16, v14;
	v17 =	vperm.xlane v11, v6  }
0xf3: {  	v16 =	vperm.xlane v13, v6;
	v19 =	vperm.xlane v7, v6;
	v9 =	vadd.f32 v15, v9  }
0xf4: {  	v10 =	vadd.f32 v18, v10;
	v15 =	vperm.xlane v14, v5;
	v11 =	vadd.f32 v17, v11  }
0xf5: {  	v13 =	vadd.f32 v16, v13;
	v7 =	vadd.f32 v19, v7;
	v16 =	vperm.xlane v9, v6  }
0xf6: {  	v17 =	vperm.xlane v10, v6;
	v14 =	vadd.f32 v15, v14;
	v11 =	vmul.f32 $1.302083370e-03, v11  }
0xf7: {  	v13 =	vmul.f32 $1.302083370e-03, v13;
	v15 =	vmul.f32 $1.302083370e-03, v7;
	v7 =	vadd.f32 v16, v9  }
0xf8: {  	v10 =	vadd.f32 v17, v10;
	v16 =	vperm.xlane v14, v6;
	v9 =	vmul.f32 v11, v11  }
0xf9: {  	v12 =	vadd.f32 $1.000000010e-07, v12;
	v7 =	vmul.f32 $1.302083370e-03, v7;
	v17 =	vmul.f32 v15, v15  }
0xfa: {  	v18 =	vmul.f32 $1.302083370e-03, v10;
	v10 =	vadd.f32 v16, v14  }
0xfb: {  	v14 =	vmul.f32 $5.000000000e-01, v12;
	v9 =	vsub.f32 v13, v9;
	v7 =	vsub.f32 v7, v17  }
0xfc: {  	v12 =	vshra.s32 v12, $0x1;
	v10 =	vmul.f32 $1.302083370e-03, v10;
	v13 =	vmul.f32 v18, v18  }
0xfd: {  	v12 =	vsub.s32 $0x5F3759DF, v12;
	v9 =	vadd.f32 $1.000000010e-07, v9;
	v7 =	vadd.f32 $1.000000010e-07, v7  }
0xfe: {  	v16 =	vmul.f32 v12, v14;
	v10 =	vsub.f32 v10, v13  }
0xff: {  	v13 =	vshra.s32 v9, $0x1;
	v17 =	vshra.s32 v7, $0x1;
	v7 =	vmul.f32 $5.000000000e-01, v7  }
0x100: {  	v9 =	vmul.f32 $5.000000000e-01, v9;
	v10 =	vadd.f32 $1.000000010e-07, v10;
	v17 =	vsub.s32 $0x5F3759DF, v17  }
0x101: {  	v16 =	vmul.f32 v12, v16;
	v13 =	vsub.s32 $0x5F3759DF, v13;
	v19 =	vmul.f32 v17, v7  }
0x102: {  	v20 =	vmul.f32 v13, v9;
	v21 =	vshra.s32 v10, $0x1;
	v10 =	vmul.f32 $5.000000000e-01, v10  }
0x103: {  	v16 =	vsub.f32 $1.500000000e+00, v16;
	v21 =	vsub.s32 $0x5F3759DF, v21;
	v19 =	vmul.f32 v17, v19  }
0x104: {  	v20 =	vmul.f32 v13, v20;
	v22 =	vmul.f32 v21, v10  }
0x105: {  	v12 =	vmul.f32 v12, v16;
	v16 =	vsub.f32 $1.500000000e+00, v19  }
0x106: {  	v19 =	vsub.f32 $1.500000000e+00, v20;
	v20 =	vmul.f32 v21, v22  }
0x107: {  	v22 =	vmul.f32 v12, v14;
	v16 =	vmul.f32 v17, v16  }
0x108: {  	v13 =	vmul.f32 v13, v19;
	v17 =	vsub.f32 $1.500000000e+00, v20  }
0x109: {  	v19 =	vmul.f32 v22, v12;
	v20 =	vmul.f32 v16, v7  }
0x10a: {  	v22 =	vmul.f32 v13, v9;
	v17 =	vmul.f32 v21, v17  }
0x10b: {  	v19 =	vsub.f32 $1.500000000e+00, v19;
	v20 =	vmul.f32 v20, v16  }
0x10c: {  	s5 =	simm.s32 $0x0;
	v21 =	vmul.f32 v22, v13;
	v22 =	vmul.f32 v17, v10  }
0x10d: {  	s1 =	sand.u32 $0x1C00, s5;
	v12 =	vmul.f32 v19, v12;
	v19 =	vsub.f32 $1.500000000e+00, v20  }
0x10e: {  	s7 =	sadd.s32 s1, s0;
	v20 =	vsub.f32 $1.500000000e+00, v21;
	v21 =	vmul.f32 v22, v17  }
0x10f: {  	s11 =	sand.u32 $0x40, s5;
	s25 =	sadd.s32 s3, s7;
	v14 =	vmul.f32 v12, v14;
	v16 =	vmul.f32 v19, v16  }
0x110: {  	s19 =	sadd.s32 s14, s7;
	s26 =	sadd.s32 s11, s25;
	v13 =	vmul.f32 v20, v13;
	v19 =	vsub.f32 $1.500000000e+00, v21  }
0x111: {  	s8 =	sadd.s32 s12, s7;
	s13 =	sadd.s32 s11, s19;
	v23 =	vld [tilespmem:s26+$0x0];
	v14 =	vmul.f32 v14, v12;
	v7 =	vmul.f32 v16, v7  }
0x112: {  	s18 =	sor.u32 $0x30, s11;
	s22 =	sadd.s32 s11, s8;
	v24 =	vld [tilespmem:s13+$0x0];
	v9 =	vmul.f32 v13, v9;
	v17 =	vmul.f32 v19, v17  }
0x113: {  	s21 =	sadd.s32 s18, s8;
	v25 =	vld [tilespmem:s22+$0x0];
	v7 =	vmul.f32 v7, v16  }
0x114: {  	s17 =	simm.s32 $0x18400;
	s24 =	sor.u32 $0x20, s11;
	s20 =	sadd.s32 s2, s7;
	v20 =	vld [tilespmem:s21+$0x0];
	v14 =	vsub.f32 $1.500000000e+00, v14;
	v22 =	vmul.f32 v9, v13;
	v10 =	vmul.f32 v17, v10  }
0x115: {  	s15 =	sadd.s32 s11, s20;
	v21 =	vld [tilespmem:s17+$0x0];
	s17 =	sor.u32 $0x10, s11;
	s11 =	sadd.s32 s24, s19;
	v7 =	vsub.f32 $1.500000000e+00, v7  }
0x116: {  	s29 =	sand.u32 $0x380, s5;
	v30 =	vld [tilespmem:s11+$0x0];
	v9 =	vmul.f32 v14, v12;
	v12 =	vsub.f32 $1.500000000e+00, v22;
	v14 =	vmul.f32 v10, v17  }
0x117: {  	s10 =	sor.u32 s29, s18;
	v22 =	vld [tilespmem:s15+$0x0];
	v16 =	vmul.f32 v7, v16  }
0x118: {  	s9 =	simm.s32 $0x18100;
	v8 =	vmul.f32 v9, v8;
	v7 =	vld [tilespmem:s10+$0x18100];
	v10 =	vmul.f32 v12, v13;
	v12 =	vsub.f32 $1.500000000e+00, v14  }
0x119: {  	v19 =	vld [tilespmem:s9+$0x0];
	v15 =	vmul.f32 v16, v15;
	v14 =	vmul.f32 v20, v16  }
0x11a: {  	s30 =	sadd.s32 s17, s19;
	v13 =	vld [tilespmem:s10+$0x18400];
	v12 =	vmul.f32 v12, v17;
	v17 =	vmul.f32 v23, v9  }
0x11b: {  	s23 =	sadd.s32 s17, s8;
	v26 =	vld [tilespmem:s30+$0x0];
	v11 =	vmul.f32 v10, v11;
	v23 =	vmul.f32 v24, v10;
	v24 =	vsub.f32 v14, v15  }
0x11c: {  	s31 =	sadd.s32 s17, s25;
	v28 =	vld [tilespmem:s23+$0x0];
	v14 =	vmul.f32 v12, v18;
	v17 =	vsub.f32 v17, v8;
	v18 =	vmul.f32 v22, v12  }
0x11d: {  	s28 =	sadd.s32 s17, s20;
	v20 =	vld [tilespmem:s31+$0x0];
	v25 =	vmul.f32 v25, v16;
	v23 =	vsub.f32 v23, v11;
	v24 =	vmul.f32 v24, v7  }
0x11e: {  	s16 =	sadd.s32 s24, s25;
	v22 =	vld [tilespmem:s28+$0x0];
	v17 =	vmul.f32 v17, v19;
	v18 =	vsub.f32 v18, v14  }
0x11f: {  	v29 =	vld [tilespmem:s16+$0x0];
	s10 =	sadd.s32 s24, s20;
	v25 =	vsub.f32 v25, v15;
	v23 =	vmul.f32 v23, v19;
	v24 =	vadd.f32 v24, v13  }
0x120: {  	s4 =	sadd.s32 s24, s8;
	v31 =	vld [tilespmem:s10+$0x0];
	v27 =	vmul.f32 v18, v19;
	v17 =	vadd.f32 v17, v21  }
0x121: {  	s6 =	sadd.s32 s18, s25;
	v32 =	vld [tilespmem:s4+$0x0];
	v30 =	vmul.f32 v30, v10;
	v23 =	vadd.f32 v23, v21;
	v19 =	vmul.f32 v25, v19;
	[tilespmem:s21+$0x0] =	vst v24  }
0x122: {  	s8 =	sadd.s32 s18, s19;
	v18 =	vmul.f32 v20, v9;
	v20 =	vmul.f32 v26, v10;
	v24 =	vadd.f32 v27, v21;
	[tilespmem:s26+$0x0] =	vst v17;
	v27 =	vld [tilespmem:s6+$0x0]  }
0x123: {  	s18 =	sadd.s32 s18, s20;
	v26 =	vmul.f32 v28, v16;
	v22 =	vmul.f32 v22, v12;
	v19 =	vadd.f32 v19, v21;
	v17 =	vld [tilespmem:s8+$0x0];
	[tilespmem:s13+$0x0] =	vst v23  }
0x124: {  	v28 =	vmul.f32 v29, v9;
	v18 =	vsub.f32 v18, v8;
	v20 =	vsub.f32 v20, v11;
	s26 =	sor.u32 s29, s17;
	v25 =	vld [tilespmem:s18+$0x0];
	[tilespmem:s15+$0x0] =	vst v24  }
0x125: {  	s25 =	simm.s32 $0x200;
	s9 =	simm.s32 $0x0;
	s24 =	sor.u32 s29, s24;
	v29 =	vmul.f32 v31, v12;
	v21 =	vsub.f32 v22, v14;
	v23 =	vsub.f32 v26, v15;
	v26 =	vld [tilespmem:s26+$0x18100];
	[tilespmem:s22+$0x0] =	vst v19  }
0x126: {  	s21 =	simm.s32 $0x18140;
	v22 =	vsub.f32 v28, v8;
	v28 =	vmul.f32 v32, v16;
	s13 =	simm.s32 $0x18440;
	v24 =	vsub.f32 v30, v11;
	v19 =	vld [tilespmem:s24+$0x18100];
	[dreg:$0x6] =	wrdreg s0  }
.LBB2_5:
0x127: {  	[smem:$0x7F1] =	sst s6  }
0x128: {  	[smem:$0x7F0] =	sst s4  }
0x129: {  	[smem:$0x7EF] =	sst s10  }
0x12a: {  	[smem:$0x7F2] =	sst s18  }
0x12b: {  	[dreg:$0xd] =	wrdreg s8  }
0x12c: {  	s1 =	sand.u32 $0x1C00, s25;
	s5 =	sadd.s32 $0x40, s5;
	s19 =	smov.u32 s30  }
0x12d: {  	s17 =	smov.u32 s31;
	s10 =	smov.u32 s3;
	s1 =	sadd.s32 s1, s0  }
0x12e: {  	v31 =	vld [tilespmem:s24+$0x18400];
	s18 =	sand.u32 $0x40, s5;
	s8 =	sand.u32 $0x380, s5;
	s24 =	sadd.s32 s3, s1  }
0x12f: {  	v30 =	vld [tilespmem:s26+$0x18400];
	s26 =	sadd.s32 s12, s1;
	s7 =	sor.u32 $0x30, s18;
	s29 =	sadd.s32 s14, s1;
	v27 =	vmul.f32 v27, v9  }
0x130: {  	s30 =	sadd.s32 s2, s1;
	s31 =	sor.u32 $0x10, s18;
	s0 =	sor.u32 $0x20, s18;
	v32 =	vmul.f32 v17, v10;
	v25 =	vmul.f32 v25, v12  }
0x131: {  	v29 =	vsub.f32 v29, v14;
	s1 =	smov.u32 s2;
	s15 =	sadd.s32 s7, s26;
	s20 =	sadd.s32 s18, s24;
	v18 =	vmul.f32 v18, v26;
	v20 =	vmul.f32 v20, v26  }
0x132: {  	v33 =	vld [tilespmem:s21+$0x0];
	v28 =	vsub.f32 v28, v15;
	s22 =	sadd.s32 s18, s29;
	s4 =	sadd.s32 s18, s30;
	[dreg:$0x1a] =	wrdreg s15;
	v21 =	vmul.f32 v21, v26;
	v23 =	vmul.f32 v23, v26  }
0x133: {  	s3 =	sadd.s32 s31, s24;
	s2 =	sadd.s32 s31, s29;
	[dreg:$0xe] =	wrdreg s20;
	v34 =	vld [tilespmem:s15+$0x0];
	v22 =	vmul.f32 v22, v19;
	v24 =	vmul.f32 v24, v19;
	v27 =	vsub.f32 v27, v8  }
0x134: {  	s6 =	sadd.s32 s0, s29;
	s29 =	sadd.s32 s7, s29;
	v26 =	vld [tilespmem:s20+$0x0];
	[dreg:$0x15] =	wrdreg s22;
	v29 =	vmul.f32 v29, v19;
	v32 =	vsub.f32 v32, v11;
	v18 =	vadd.f32 v18, v30  }
0x135: {  	[dreg:$0x16] =	wrdreg s4;
	s20 =	sadd.s32 s18, s26;
	v19 =	vmul.f32 v28, v19;
	v28 =	vld [tilespmem:s4+$0x0];
	s4 =	smov.u32 s11;
	v25 =	vsub.f32 v25, v14;
	v20 =	vadd.f32 v20, v30  }
0x136: {  	v35 =	vld [tilespmem:s22+$0x0];
	s11 =	smov.u32 s12;
	s15 =	smov.u32 s16;
	s16 =	sor.u32 s8, s7;
	v22 =	vadd.f32 v22, v31;
	[tilespmem:s17+$0x0] =	vst v18;
	v18 =	vadd.f32 v21, v30;
	v21 =	vmul.f32 v27, v7  }
0x137: {  	s12 =	sadd.s32 s31, s30;
	s18 =	sadd.s32 s0, s30;
	[smem:$0x7F3] =	sst s20;
	v27 =	vmul.f32 v32, v7;
	[tilespmem:s19+$0x0] =	vst v20;
	v20 =	vadd.f32 v23, v30;
	v23 =	vmul.f32 v25, v7;
	v7 =	vld [tilespmem:s16+$0x18100]  }
0x138: {  	s17 =	sadd.s32 s0, s24;
	v25 =	vld [tilespmem:s20+$0x0];
	s19 =	sadd.s32 s0, s26;
	s20 =	sadd.s32 s7, s24  }
0x139: {  	v17 =	vld [tilespmem:s13+$0x0];
	v19 =	vadd.f32 v19, v31;
	s24 =	sor.u32 s8, s0;
	s0 =	sadd.s32 s7, s30;
	[tilespmem:s15+$0x0] =	vst v22;
	s7 =	sld [smem:$0x7F0];
	v30 =	vmul.f32 v34, v16  }
0x13a: {  	s22 =	smov.u32 s14;
	s30 =	smov.u32 s2;
	v26 =	vmul.f32 v26, v9;
	[tilespmem:s28+$0x0] =	vst v18;
	v18 =	vadd.f32 v24, v31;
	v24 =	vadd.f32 v29, v31;
	v29 =	vld [tilespmem:s16+$0x18400];
	s28 =	smov.u32 s12  }
0x13b: {  	[tilespmem:s23+$0x0] =	vst v20;
	v20 =	vadd.f32 v21, v13;
	v21 =	vmul.f32 v35, v10;
	v31 =	vld [tilespmem:s3+$0x0];
	s12 =	smov.u32 s11;
	s11 =	smov.u32 s6;
	s6 =	sld [smem:$0x7EF];
	v30 =	vsub.f32 v30, v15  }
0x13c: {  	s14 =	sadd.s32 s31, s26;
	s26 =	sor.u32 s8, s31;
	s8 =	sld [smem:$0x7F1];
	v22 =	vadd.f32 v27, v13;
	v27 =	vmul.f32 v28, v12;
	v28 =	vld [tilespmem:s30+$0x0];
	v26 =	vsub.f32 v26, v8;
	[tilespmem:s7+$0x0] =	vst v19  }
0x13d: {  	s23 =	smov.u32 s14;
	[tilespmem:s4+$0x0] =	vst v18;
	v63 =	vsub.f32 v21, v11;
	v21 =	vld [tilespmem:s28+$0x0];
	v18 =	vmul.f32 v30, v7  }
0x13e: {  	s16 =	smov.u32 s17;
	[tilespmem:s6+$0x0] =	vst v24;
	v24 =	vmul.f32 v26, v33;
	v26 =	vsub.f32 v27, v14;
	v25 =	vmul.f32 v25, v16;
	v27 =	vld [tilespmem:s23+$0x0]  }
0x13f: {  	s31 =	smov.u32 s3;
	s15 =	rddreg [dreg:$0xd];
	v23 =	vadd.f32 v23, v13;
	[tilespmem:s8+$0x0] =	vst v20;
	v30 =	vld [tilespmem:s16+$0x0];
	v19 =	vmul.f32 v63, v33  }
0x140: {  	s3 =	smov.u32 s10;
	s10 =	smov.u32 s18;
	s17 =	rddreg [dreg:$0x1a];
	v18 =	vadd.f32 v18, v29;
	v13 =	vmovc v29;
	v20 =	vmul.f32 v26, v33;
	v25 =	vsub.f32 v25, v15;
	v29 =	vld [tilespmem:s11+$0x0]  }
0x141: {  	s9 =	sadd.s32 $0x4, s9;
	s18 =	sld [smem:$0x7F2];
	s4 =	smov.u32 s19;
	[tilespmem:s15+$0x0] =	vst v22;
	v26 =	vmul.f32 v31, v9;
	v22 =	vadd.f32 v24, v17;
	v24 =	vmul.f32 v28, v10;
	v28 =	vld [tilespmem:s10+$0x0]  }
0x142: {  	p0 =	slt.u32 s9, $0x2C;
	s8 =	smov.u32 s29;
	s19 =	rddreg [dreg:$0xe];
	v31 =	vld [tilespmem:s4+$0x0];
	v19 =	vadd.f32 v19, v17;
	[tilespmem:s17+$0x0] =	vst v18;
	v25 =	vmul.f32 v25, v33  }
.Ltmp1:
0x143: {  	s29 =	sld [smem:$0x7F3];
	s6 =	smov.u32 s20;
	v18 =	vsub.f32 v26, v8;
	v21 =	vmul.f32 v21, v12;
	[tilespmem:s19+$0x0] =	vst v22;
	v22 =	vadd.f32 v20, v17;
	v26 =	vld [tilespmem:s26+$0x18100];
	(pc) =	sbr.rel @p0 .LBB2_5-.Ltmp1, $4  }
0x144: {  	[tilespmem:s18+$0x0] =	vst v23;
	s20 =	rddreg [dreg:$0x15];
	v20 =	vsub.f32 v24, v11;
	v23 =	vmul.f32 v27, v16;
	v27 =	vld [tilespmem:s6+$0x0];
	v24 =	vmul.f32 v30, v9  }
0x145: {  	s14 =	smov.u32 s22;
	s22 =	rddreg [dreg:$0x16];
	s18 =	smov.u32 s0;
	[tilespmem:s20+$0x0] =	vst v19;
	v19 =	vadd.f32 v25, v17;
	v21 =	vsub.f32 v21, v14;
	v17 =	vld [tilespmem:s8+$0x0];
	v30 =	vmul.f32 v29, v10  }
0x146: {  	s25 =	sadd.s32 $0x200, s25;
	s21 =	sadd.s32 $0x40, s21;
	[tilespmem:s22+$0x0] =	vst v22;
	v25 =	vld [tilespmem:s18+$0x0];
	v23 =	vsub.f32 v23, v15;
	v22 =	vsub.f32 v24, v8  }
0x147: {  	s13 =	sadd.s32 $0x40, s13;
	s2 =	smov.u32 s1;
	s0 =	rddreg [dreg:$0x6];
	v29 =	vmul.f32 v28, v12;
	v28 =	vmul.f32 v31, v16;
	[tilespmem:s29+$0x0] =	vst v19;
	v19 =	vld [tilespmem:s24+$0x18100];
	v24 =	vsub.f32 v30, v11  }
0x148: {  	v16 =	vld [tilespmem:s26+$0x18400];
	_ =	sdelay $0x1  }
0x149: {  	v56 =	vld [tilespmem:s24+$0x18400]  }
0x14a: {  	v18 =	vmul.f32 v18, v26  }
0x14b: {  	v20 =	vmul.f32 v20, v26;
	v9 =	vmul.f32 v27, v9  }
0x14c: {  	v57 =	vmul.f32 v22, v19;
	v18 =	vadd.f32 v18, v16  }
0x14d: {  	v21 =	vmul.f32 v21, v26;
	v8 =	vsub.f32 v9, v8;
	v20 =	vadd.f32 v20, v16  }
0x14e: {  	v10 =	vmul.f32 v17, v10;
	v59 =	vmul.f32 v24, v19;
	v17 =	vadd.f32 v57, v56;
	[tilespmem:s31+$0x0] =	vst v18  }
0x14f: {  	v29 =	vsub.f32 v29, v14;
	v58 =	vadd.f32 v21, v16;
	v8 =	vmul.f32 v8, v7;
	[tilespmem:s30+$0x0] =	vst v20  }
0x150: {  	v23 =	vmul.f32 v23, v26;
	v10 =	vsub.f32 v10, v11;
	v9 =	vadd.f32 v59, v56;
	[tilespmem:s16+$0x0] =	vst v17  }
0x151: {  	v15 =	vsub.f32 v28, v15;
	v60 =	vmul.f32 v29, v19;
	v8 =	vadd.f32 v8, v13;
	[tilespmem:s28+$0x0] =	vst v58  }
0x152: {  	v16 =	vadd.f32 v23, v16;
	v10 =	vmul.f32 v10, v7;
	[tilespmem:s11+$0x0] =	vst v9  }
0x153: {  	v61 =	vmul.f32 v15, v19;
	v62 =	vadd.f32 v60, v56;
	[tilespmem:s6+$0x0] =	vst v8  }
0x154: {  	v63 =	vadd.f32 v10, v13;
	[tilespmem:s23+$0x0] =	vst v16  }
0x155: {  	v11 =	vadd.f32 v61, v56;
	[tilespmem:s10+$0x0] =	vst v62  }
0x156: {  	[tilespmem:s8+$0x0] =	vst v63  }
0x157: {  	[tilespmem:s4+$0x0] =	vst v11  }
0x158: {  	v12 =	vmul.f32 v25, v12;
	s1 =	sld [smem:$0x7F4];
	_ =	sdelay $0x1  }
0x159: {  	v12 =	vsub.f32 v12, v14  }
0x15a: {  	p0 =	slt.u32 s1, $0x3C  }
.Ltmp2:
0x15b: {  	v7 =	vmul.f32 v12, v7;
	(pc) =	sbr.rel @p0 .LBB2_2-.Ltmp2, $4  }
0x15c: {  	_ = 	snop  }
0x15d: {  	v7 =	vadd.f32 v7, v13  }
0x15e: {  	s0 =	sadd.s32 $0x4, s1  }
0x15f: {  	[tilespmem:s18+$0x0] =	vst v7;
	s1 =	smov.u32 s0  }
0x160: {  	s0 =	sld [smem:$0x7F9];
	_ =	sdelay $0x1  }
0x161: {  	s4 =	simm.s32 $0x0;
	s1 =	simm.s32 $0x100;
	s6 =	simm.s32 $0x3  }
0x162: {  	[hbm4b:s0+s4] =	stream.linear.scatter [tilespmem:s1], [sflag:$0x3], $0xC000, $0x38;
	[tilespmem:$0x18700] =	vst v63  }
0x163: {  	_ =	swait.ge [sflag:s6], $0xC000  }
0x164: {  	[sflag:s6] =	ssyncset.done $0x0  }
0x165: {  	[sflag:s6] =	ssyncadd.s32 $0xFFFF4000  }
0x166: {  	v7 =	vld [tilespmem:$0x80];
	_ =	sdelay $0x4  }
0x167: {  	v8 =	vshrl.u32 v7, $0x3  }
0x168: {  	v8 =	vmul.u32 $0x30, v8  }
0x169: {  	v7 =	vand.u32 $0x7, v7  }
0x16a: {  	v7 =	vor.u32 v7, v8  }
0x16b: {  	v8 =	vperm.xlane v7, v0;
	_ =	sdelay $0x1  }
0x16c: {  	v8 =	vadd.s32 v1, v8;
	_ =	sdelay $0x2  }
0x16d: {  	s7 =	sld [smem:$0x7F7]  }
0x16e: {  	s0 =	rddreg [dreg:$0x1];
	v7 =	vperm.xlane v7, v2  }
0x16f: {  	[tilespmem:s1], [sflag:$0x1] =	stream.indirect_vreg.gather [hbm4b:s0+s4], $0x80, v8, vm0, $0xb8;
	[tilespmem:$0x18700] =	vst v63  }
0x170: {  	s2 =	simm.s32 $0x900;
	s8 =	sld [smem:$0x7F8];
	v7 =	vadd.s32 v1, v7  }
0x171: {  	[tilespmem:s2], [sflag:$0x1] =	stream.indirect_vreg.gather [hbm4b:s7+s4], $0x80, v8, vm0, $0xb8;
	[tilespmem:$0x18700] =	vst v63  }
0x172: {  	s3 =	simm.s32 $0x1100  }
0x173: {  	[tilespmem:s3], [sflag:$0x1] =	stream.indirect_vreg.gather [hbm4b:s8+s4], $0x80, v8, vm0, $0xb8;
	[tilespmem:$0x18700] =	vst v63  }
0x174: {  	s9 =	simm.s32 $0x1900  }
0x175: {  	[tilespmem:s9], [sflag:$0x1] =	stream.indirect_vreg.gather [hbm4b:s0+s4], $0x80, v7, vm0, $0xb8;
	[tilespmem:$0x18700] =	vst v63  }
0x176: {  	s10 =	simm.s32 $0x2100  }
0x177: {  	[tilespmem:s10], [sflag:$0x1] =	stream.indirect_vreg.gather [hbm4b:s7+s4], $0x80, v7, vm0, $0xb8;
	[tilespmem:$0x18700] =	vst v63  }
0x178: {  	s11 =	simm.s32 $0x2900  }
0x179: {  	[tilespmem:s11], [sflag:$0x1] =	stream.indirect_vreg.gather [hbm4b:s8+s4], $0x80, v7, vm0, $0xb8;
	[tilespmem:$0x18700] =	vst v63  }
0x17a: {  	v7 =	vld [tilespmem:$0x90];
	_ =	sdelay $0x4  }
0x17b: {  	v8 =	vshrl.u32 v7, $0x3  }
0x17c: {  	v8 =	vmul.u32 $0x30, v8  }
0x17d: {  	v7 =	vand.u32 $0x7, v7  }
0x17e: {  	v7 =	vor.u32 v7, v8  }
0x17f: {  	v8 =	vperm.xlane v7, v0;
	_ =	sdelay $0x1  }
0x180: {  	v8 =	vadd.s32 v1, v8;
	_ =	sdelay $0x3  }
0x181: {  	s12 =	simm.s32 $0x3100;
	v7 =	vperm.xlane v7, v2  }
0x182: {  	[tilespmem:s12], [sflag:$0x1] =	stream.indirect_vreg.gather [hbm4b:s0+s4], $0x80, v8, vm0, $0xb8;
	[tilespmem:$0x18700] =	vst v63  }
0x183: {  	s13 =	simm.s32 $0x3900;
	v7 =	vadd.s32 v1, v7  }
0x184: {  	[tilespmem:s13], [sflag:$0x1] =	stream.indirect_vreg.gather [hbm4b:s7+s4], $0x80, v8, vm0, $0xb8;
	[tilespmem:$0x18700] =	vst v63  }
0x185: {  	s14 =	simm.s32 $0x4100  }
0x186: {  	[tilespmem:s14], [sflag:$0x1] =	stream.indirect_vreg.gather [hbm4b:s8+s4], $0x80, v8, vm0, $0xb8;
	[tilespmem:$0x18700] =	vst v63  }
0x187: {  	s15 =	simm.s32 $0x4900  }
0x188: {  	[tilespmem:s15], [sflag:$0x1] =	stream.indirect_vreg.gather [hbm4b:s0+s4], $0x80, v7, vm0, $0xb8;
	[tilespmem:$0x18700] =	vst v63  }
0x189: {  	s16 =	simm.s32 $0x5100  }
0x18a: {  	[tilespmem:s16], [sflag:$0x1] =	stream.indirect_vreg.gather [hbm4b:s7+s4], $0x80, v7, vm0, $0xb8;
	[tilespmem:$0x18700] =	vst v63  }
0x18b: {  	s17 =	simm.s32 $0x5900  }
0x18c: {  	[tilespmem:s17], [sflag:$0x1] =	stream.indirect_vreg.gather [hbm4b:s8+s4], $0x80, v7, vm0, $0xb8;
	[tilespmem:$0x18700] =	vst v63  }
0x18d: {  	v7 =	vld [tilespmem:$0xA0];
	_ =	sdelay $0x4  }
0x18e: {  	v8 =	vshrl.u32 v7, $0x3  }
0x18f: {  	v8 =	vmul.u32 $0x30, v8  }
0x190: {  	v7 =	vand.u32 $0x7, v7  }
0x191: {  	v7 =	vor.u32 v7, v8  }
0x192: {  	v8 =	vperm.xlane v7, v0;
	_ =	sdelay $0x1  }
0x193: {  	v8 =	vadd.s32 v1, v8;
	_ =	sdelay $0x3  }
0x194: {  	s18 =	simm.s32 $0x6100;
	v7 =	vperm.xlane v7, v2  }
0x195: {  	[tilespmem:s18], [sflag:$0x1] =	stream.indirect_vreg.gather [hbm4b:s0+s4], $0x80, v8, vm0, $0xb8;
	[tilespmem:$0x18700] =	vst v63  }
0x196: {  	s19 =	simm.s32 $0x6900;
	v7 =	vadd.s32 v1, v7  }
0x197: {  	[tilespmem:s19], [sflag:$0x1] =	stream.indirect_vreg.gather [hbm4b:s7+s4], $0x80, v8, vm0, $0xb8;
	[tilespmem:$0x18700] =	vst v63  }
0x198: {  	s20 =	simm.s32 $0x7100  }
0x199: {  	[tilespmem:s20], [sflag:$0x1] =	stream.indirect_vreg.gather [hbm4b:s8+s4], $0x80, v8, vm0, $0xb8;
	[tilespmem:$0x18700] =	vst v63  }
0x19a: {  	s21 =	simm.s32 $0x7900  }
0x19b: {  	[tilespmem:s21], [sflag:$0x1] =	stream.indirect_vreg.gather [hbm4b:s0+s4], $0x80, v7, vm0, $0xb8;
	[tilespmem:$0x18700] =	vst v63  }
0x19c: {  	s22 =	simm.s32 $0x8100  }
0x19d: {  	[tilespmem:s22], [sflag:$0x1] =	stream.indirect_vreg.gather [hbm4b:s7+s4], $0x80, v7, vm0, $0xb8;
	[tilespmem:$0x18700] =	vst v63  }
0x19e: {  	s23 =	simm.s32 $0x8900  }
0x19f: {  	[tilespmem:s23], [sflag:$0x1] =	stream.indirect_vreg.gather [hbm4b:s8+s4], $0x80, v7, vm0, $0xb8;
	[tilespmem:$0x18700] =	vst v63  }
0x1a0: {  	v7 =	vld [tilespmem:$0xB0];
	_ =	sdelay $0x4  }
0x1a1: {  	v8 =	vshrl.u32 v7, $0x3  }
0x1a2: {  	v8 =	vmul.u32 $0x30, v8  }
0x1a3: {  	v7 =	vand.u32 $0x7, v7  }
0x1a4: {  	v7 =	vor.u32 v7, v8  }
0x1a5: {  	v8 =	vperm.xlane v7, v0;
	_ =	sdelay $0x1  }
0x1a6: {  	v8 =	vadd.s32 v1, v8;
	_ =	sdelay $0x3  }
0x1a7: {  	s24 =	simm.s32 $0x9100;
	v7 =	vperm.xlane v7, v2  }
0x1a8: {  	[tilespmem:s24], [sflag:$0x1] =	stream.indirect_vreg.gather [hbm4b:s0+s4], $0x80, v8, vm0, $0xb8;
	[tilespmem:$0x18700] =	vst v63  }
0x1a9: {  	s25 =	simm.s32 $0x9900;
	v7 =	vadd.s32 v1, v7  }
0x1aa: {  	[tilespmem:s25], [sflag:$0x1] =	stream.indirect_vreg.gather [hbm4b:s7+s4], $0x80, v8, vm0, $0xb8;
	[tilespmem:$0x18700] =	vst v63  }
0x1ab: {  	s26 =	simm.s32 $0xA100  }
0x1ac: {  	[tilespmem:s26], [sflag:$0x1] =	stream.indirect_vreg.gather [hbm4b:s8+s4], $0x80, v8, vm0, $0xb8;
	[tilespmem:$0x18700] =	vst v63  }
0x1ad: {  	s28 =	simm.s32 $0xA900  }
0x1ae: {  	[tilespmem:s28], [sflag:$0x1] =	stream.indirect_vreg.gather [hbm4b:s0+s4], $0x80, v7, vm0, $0xb8;
	[tilespmem:$0x18700] =	vst v63  }
0x1af: {  	s29 =	simm.s32 $0xB100  }
0x1b0: {  	[tilespmem:s29], [sflag:$0x1] =	stream.indirect_vreg.gather [hbm4b:s7+s4], $0x80, v7, vm0, $0xb8;
	[tilespmem:$0x18700] =	vst v63  }
0x1b1: {  	s30 =	simm.s32 $0xB900;
	s31 =	simm.s32 $0x2  }
0x1b2: {  	[tilespmem:s30], [sflag:$0x1] =	stream.indirect_vreg.gather [hbm4b:s8+s4], $0x80, v7, vm0, $0xb8;
	[tilespmem:$0x18700] =	vst v63  }
0x1b3: {  	_ =	swait.ge [sflag:s31], $0xC000  }
0x1b4: {  	[sflag:s31] =	ssyncset.done $0x0  }
0x1b5: {  	s1 =	simm.s32 $0x0;
	[sflag:s31] =	ssyncadd.s32 $0xFFFF4000  }
.LBB2_8:
0x1b6: {  	s0 =	sshrl.u32 s1, $0x3  }
0x1b7: {  	s0 =	smul.u32 $0x6000, s0;
	_ =	sdelay $0x1  }
0x1b8: {  	s23 =	sshll.u32 s1, $0x7;
	s24 =	simm.s32 $0x0;
	s0 =	sshra.s32 s0, $0x2  }
0x1b9: {  	s2 =	sand.u32 $0x200, s23;
	s25 =	sand.u32 $0x1C00, s24;
	s3 =	sadd.s32 $0xC100, s0  }
0x1ba: {  	[smem:$0x7EE] =	sst s1;
	s16 =	sor.u32 $0x180, s2;
	s1 =	sadd.s32 s25, s3  }
0x1bb: {  	s5 =	sand.u32 $0x70, s24;
	s4 =	sadd.s32 s16, s1  }
0x1bc: {  	s0 =	sor.u32 $0x80, s2;
	s6 =	sadd.s32 s2, s1;
	s4 =	sadd.s32 s5, s4  }
0x1bd: {  	s7 =	sadd.s32 s0, s1;
	s6 =	sadd.s32 s5, s6;
	v7 =	vld [tilespmem:s4+$0x0]  }
0x1be: {  	s26 =	sadd.s32 s5, s7;
	v8 =	vld [tilespmem:s6+$0x0]  }
0x1bf: {  	s28 =	simm.s32 $0x80;
	v9 =	vld [tilespmem:s26+$0x0];
	s4 =	sor.u32 $0x100, s2  }
0x1c0: {  	s6 =	sand.u32 $0x1C00, s28;
	s1 =	sadd.s32 s4, s1  }
0x1c1: {  	s29 =	simm.s32 $0x10;
	s6 =	sadd.s32 s6, s3;
	s5 =	sadd.s32 s5, s1  }
0x1c2: {  	v12 =	vimm.f32 $0.0e+00;
	v15 =	vimm.f32 $0.0e+00;
	s8 =	sand.u32 $0x70, s29;
	s30 =	sadd.s32 s16, s6;
	v10 =	vld [tilespmem:s5+$0x0]  }
0x1c3: {  	v14 =	vimm.f32 $0.0e+00;
	s1 =	simm.s32 $0x20;
	s31 =	sadd.s32 s2, s6;
	s7 =	sadd.s32 s8, s30;
	v13 =	vmul.f32 v7, v7;
	v7 =	vadd.f32 v7, v12  }
0x1c4: {  	s9 =	sadd.s32 s0, s6;
	s6 =	sadd.s32 s4, s6;
	s10 =	sadd.s32 s8, s31;
	v11 =	vld [tilespmem:s7+$0x0];
	v16 =	vadd.f32 v8, v12;
	v19 =	vmul.f32 v8, v8;
	v8 =	vadd.f32 v9, v12  }
0x1c5: {  	s5 =	sadd.s32 s8, s6;
	s6 =	simm.s32 $0x100;
	s7 =	sadd.s32 s8, s9;
	v18 =	vld [tilespmem:s10+$0x0];
	v17 =	vmul.f32 v9, v9;
	v9 =	vadd.f32 v13, v12;
	v13 =	vimm.f32 $0.0e+00  }
.LBB2_9:
0x1c6: {  	s8 =	sand.u32 $0x1C00, s6  }
0x1c7: {  	p0 =	sne.s32 s1, $0x2F0;
	v20 =	vld [tilespmem:s7+$0x0];
	v12 =	vadd.f32 v19, v12;
	v15 =	vadd.f32 v10, v15;
	v19 =	vmul.f32 v10, v10;
	s7 =	smov.u32 s1;
	s1 =	sadd.s32 $0x10, s1  }
.Ltmp3:
0x1c8: {  	s8 =	sadd.s32 s8, s3;
	v10 =	vld [tilespmem:s5+$0x0];
	v13 =	vadd.f32 v17, v13;
	(pc) =	sbr.rel @p0 .LBB2_9-.Ltmp3, $4  }
0x1c9: {  	s5 =	sand.u32 $0x70, s7;
	s7 =	sadd.s32 s2, s8;
	s9 =	sadd.s32 s16, s8;
	v14 =	vadd.f32 v19, v14  }
0x1ca: {  	s10 =	sadd.s32 s0, s8;
	s8 =	sadd.s32 s4, s8;
	s9 =	sadd.s32 s5, s9;
	v7 =	vadd.f32 v11, v7;
	v21 =	vmul.f32 v11, v11  }
0x1cb: {  	s11 =	sadd.s32 s5, s7;
	s7 =	sadd.s32 s5, s10;
	s5 =	sadd.s32 s5, s8;
	v11 =	vld [tilespmem:s9+$0x0];
	v16 =	vadd.f32 v18, v16;
	v19 =	vmul.f32 v18, v18  }
0x1cc: {  	s6 =	sadd.s32 $0x80, s6;
	v18 =	vld [tilespmem:s11+$0x0];
	v8 =	vadd.f32 v20, v8;
	v17 =	vmul.f32 v20, v20;
	v9 =	vadd.f32 v21, v9  }
0x1cd: {  	_ =	sdelay $0x3  }
0x1ce: {  	v12 =	vadd.f32 v19, v12;
	v16 =	vadd.f32 v18, v16;
	v18 =	vmul.f32 v18, v18;
	_ =	sdelay $0x1  }
0x1cf: {  	v12 =	vadd.f32 v18, v12;
	v18 =	vperm.xlane v16, v3;
	_ =	sdelay $0x1  }
0x1d0: {  	v16 =	vadd.f32 v18, v16  }
0x1d1: {  	v18 =	vperm.xlane v12, v3  }
0x1d2: {  	v19 =	vperm.xlane v16, v4  }
0x1d3: {  	v12 =	vadd.f32 v18, v12  }
0x1d4: {  	v16 =	vadd.f32 v19, v16  }
0x1d5: {  	v18 =	vperm.xlane v12, v4;
	v19 =	vld [tilespmem:s7+$0x0]  }
0x1d6: {  	v20 =	vperm.xlane v16, v5  }
0x1d7: {  	v12 =	vadd.f32 v18, v12;
	v18 =	vmul.f32 v10, v10;
	v10 =	vadd.f32 v10, v15;
	v15 =	vld [tilespmem:s5+$0x0]  }
0x1d8: {  	v13 =	vadd.f32 v17, v13  }
0x1d9: {  	v17 =	vmul.f32 v11, v11;
	v16 =	vadd.f32 v20, v16;
	v20 =	vperm.xlane v12, v5  }
0x1da: {  	v7 =	vadd.f32 v11, v7;
	v11 =	vadd.f32 v19, v8;
	v8 =	vmul.f32 v19, v19  }
0x1db: {  	v14 =	vadd.f32 v18, v14;
	v18 =	vperm.xlane v16, v6;
	v12 =	vadd.f32 v20, v12  }
0x1dc: {  	v10 =	vadd.f32 v15, v10;
	v15 =	vmul.f32 v15, v15;
	v13 =	vadd.f32 v8, v13  }
0x1dd: {  	v9 =	vadd.f32 v17, v9;
	v16 =	vadd.f32 v18, v16  }
0x1de: {  	v17 =	vperm.xlane v12, v6;
	v14 =	vadd.f32 v15, v14;
	v15 =	vperm.xlane v13, v3  }
0x1df: {  	v8 =	vmul.f32 $1.302083370e-03, v16;
	v16 =	vperm.xlane v11, v3  }
0x1e0: {  	v12 =	vadd.f32 v17, v12;
	v17 =	vperm.xlane v7, v3  }
0x1e1: {  	v13 =	vadd.f32 v15, v13;
	v15 =	vperm.xlane v9, v3;
	v11 =	vadd.f32 v16, v11  }
0x1e2: {  	v12 =	vmul.f32 $1.302083370e-03, v12;
	v18 =	vmul.f32 v8, v8;
	v7 =	vadd.f32 v17, v7  }
0x1e3: {  	v17 =	vperm.xlane v10, v3;
	v9 =	vadd.f32 v15, v9;
	v16 =	vperm.xlane v11, v4  }
0x1e4: {  	v12 =	vsub.f32 v12, v18;
	v18 =	vperm.xlane v13, v4;
	v19 =	vperm.xlane v7, v4  }
0x1e5: {  	v15 =	vperm.xlane v14, v3;
	v10 =	vadd.f32 v17, v10;
	v11 =	vadd.f32 v16, v11  }
0x1e6: {  	v13 =	vadd.f32 v18, v13;
	v7 =	vadd.f32 v19, v7;
	v16 =	vperm.xlane v9, v4  }
0x1e7: {  	v14 =	vadd.f32 v15, v14;
	v18 =	vperm.xlane v10, v4;
	v17 =	vperm.xlane v11, v5  }
0x1e8: {  	v15 =	vperm.xlane v13, v5;
	v19 =	vperm.xlane v7, v5;
	v9 =	vadd.f32 v16, v9  }
0x1e9: {  	v10 =	vadd.f32 v18, v10;
	v16 =	vperm.xlane v14, v4;
	v11 =	vadd.f32 v17, v11  }
0x1ea: {  	v13 =	vadd.f32 v15, v13;
	v7 =	vadd.f32 v19, v7;
	v15 =	vperm.xlane v9, v5  }
0x1eb: {  	v18 =	vperm.xlane v10, v5;
	v14 =	vadd.f32 v16, v14;
	v17 =	vperm.xlane v11, v6  }
0x1ec: {  	v16 =	vperm.xlane v13, v6;
	v19 =	vperm.xlane v7, v6;
	v9 =	vadd.f32 v15, v9  }
0x1ed: {  	v10 =	vadd.f32 v18, v10;
	v15 =	vperm.xlane v14, v5;
	v11 =	vadd.f32 v17, v11  }
0x1ee: {  	v13 =	vadd.f32 v16, v13;
	v7 =	vadd.f32 v19, v7;
	v16 =	vperm.xlane v9, v6  }
0x1ef: {  	v17 =	vperm.xlane v10, v6;
	v14 =	vadd.f32 v15, v14;
	v11 =	vmul.f32 $1.302083370e-03, v11  }
0x1f0: {  	v13 =	vmul.f32 $1.302083370e-03, v13;
	v15 =	vmul.f32 $1.302083370e-03, v7;
	v7 =	vadd.f32 v16, v9  }
0x1f1: {  	v10 =	vadd.f32 v17, v10;
	v16 =	vperm.xlane v14, v6;
	v9 =	vmul.f32 v11, v11  }
0x1f2: {  	v12 =	vadd.f32 $1.000000010e-07, v12;
	v7 =	vmul.f32 $1.302083370e-03, v7;
	v17 =	vmul.f32 v15, v15  }
0x1f3: {  	v18 =	vmul.f32 $1.302083370e-03, v10;
	v10 =	vadd.f32 v16, v14  }
0x1f4: {  	v14 =	vmul.f32 $5.000000000e-01, v12;
	v9 =	vsub.f32 v13, v9;
	v7 =	vsub.f32 v7, v17  }
0x1f5: {  	v12 =	vshra.s32 v12, $0x1;
	v10 =	vmul.f32 $1.302083370e-03, v10;
	v13 =	vmul.f32 v18, v18  }
0x1f6: {  	v12 =	vsub.s32 $0x5F3759DF, v12;
	v9 =	vadd.f32 $1.000000010e-07, v9;
	v7 =	vadd.f32 $1.000000010e-07, v7  }
0x1f7: {  	v16 =	vmul.f32 v12, v14;
	v10 =	vsub.f32 v10, v13  }
0x1f8: {  	v13 =	vshra.s32 v9, $0x1;
	v17 =	vshra.s32 v7, $0x1;
	v7 =	vmul.f32 $5.000000000e-01, v7  }
0x1f9: {  	v9 =	vmul.f32 $5.000000000e-01, v9;
	v10 =	vadd.f32 $1.000000010e-07, v10;
	v17 =	vsub.s32 $0x5F3759DF, v17  }
0x1fa: {  	v16 =	vmul.f32 v12, v16;
	v13 =	vsub.s32 $0x5F3759DF, v13;
	v19 =	vmul.f32 v17, v7  }
0x1fb: {  	v20 =	vmul.f32 v13, v9;
	v21 =	vshra.s32 v10, $0x1;
	v10 =	vmul.f32 $5.000000000e-01, v10  }
0x1fc: {  	v16 =	vsub.f32 $1.500000000e+00, v16;
	v21 =	vsub.s32 $0x5F3759DF, v21;
	v19 =	vmul.f32 v17, v19  }
0x1fd: {  	v20 =	vmul.f32 v13, v20;
	v22 =	vmul.f32 v21, v10  }
0x1fe: {  	v12 =	vmul.f32 v12, v16;
	v16 =	vsub.f32 $1.500000000e+00, v19  }
0x1ff: {  	v19 =	vsub.f32 $1.500000000e+00, v20;
	v20 =	vmul.f32 v21, v22  }
0x200: {  	v22 =	vmul.f32 v12, v14;
	v16 =	vmul.f32 v17, v16  }
0x201: {  	v13 =	vmul.f32 v13, v19;
	v17 =	vsub.f32 $1.500000000e+00, v20  }
0x202: {  	v19 =	vmul.f32 v22, v12;
	v20 =	vmul.f32 v16, v7  }
0x203: {  	v22 =	vmul.f32 v13, v9;
	v17 =	vmul.f32 v21, v17  }
0x204: {  	v19 =	vsub.f32 $1.500000000e+00, v19;
	v20 =	vmul.f32 v20, v16  }
0x205: {  	v21 =	vmul.f32 v22, v13;
	v22 =	vmul.f32 v17, v10  }
0x206: {  	s17 =	simm.s32 $0x0;
	v12 =	vmul.f32 v19, v12;
	v19 =	vsub.f32 $1.500000000e+00, v20  }
0x207: {  	s1 =	sand.u32 $0x1C00, s17;
	v20 =	vsub.f32 $1.500000000e+00, v21;
	v21 =	vmul.f32 v22, v17  }
0x208: {  	s26 =	sadd.s32 s1, s3;
	v14 =	vmul.f32 v12, v14;
	v16 =	vmul.f32 v19, v16  }
0x209: {  	s6 =	sand.u32 $0x40, s17;
	s15 =	sadd.s32 s2, s26;
	v13 =	vmul.f32 v20, v13;
	v19 =	vsub.f32 $1.500000000e+00, v21  }
0x20a: {  	s10 =	sadd.s32 s0, s26;
	s13 =	sadd.s32 s6, s15;
	v14 =	vmul.f32 v14, v12;
	v7 =	vmul.f32 v16, v7  }
0x20b: {  	s28 =	sor.u32 $0x30, s6;
	s8 =	sadd.s32 s16, s26;
	s21 =	sadd.s32 s6, s10;
	v23 =	vld [tilespmem:s13+$0x0];
	v9 =	vmul.f32 v13, v9;
	v17 =	vmul.f32 v19, v17  }
0x20c: {  	s19 =	sadd.s32 s28, s8;
	v24 =	vld [tilespmem:s21+$0x0];
	v7 =	vmul.f32 v7, v16  }
0x20d: {  	s23 =	sadd.s32 s6, s8;
	v20 =	vld [tilespmem:s19+$0x0];
	v14 =	vsub.f32 $1.500000000e+00, v14;
	v22 =	vmul.f32 v9, v13;
	v10 =	vmul.f32 v17, v10  }
0x20e: {  	s25 =	simm.s32 $0x18400;
	s24 =	sadd.s32 s4, s26;
	v25 =	vld [tilespmem:s23+$0x0];
	v7 =	vsub.f32 $1.500000000e+00, v7  }
0x20f: {  	s30 =	sand.u32 $0x380, s17;
	s29 =	sadd.s32 s6, s24;
	v21 =	vld [tilespmem:s25+$0x0];
	v9 =	vmul.f32 v14, v12;
	v12 =	vsub.f32 $1.500000000e+00, v22;
	v14 =	vmul.f32 v10, v17  }
0x210: {  	s11 =	sor.u32 s30, s28;
	v22 =	vld [tilespmem:s29+$0x0];
	v16 =	vmul.f32 v7, v16  }
0x211: {  	s9 =	simm.s32 $0x18100;
	v8 =	vmul.f32 v9, v8;
	v7 =	vld [tilespmem:s11+$0x18100];
	v10 =	vmul.f32 v12, v13;
	v12 =	vsub.f32 $1.500000000e+00, v14  }
0x212: {  	s25 =	sor.u32 $0x10, s6;
	v19 =	vld [tilespmem:s9+$0x0];
	v15 =	vmul.f32 v16, v15;
	v14 =	vmul.f32 v20, v16  }
0x213: {  	s31 =	sadd.s32 s25, s10;
	v13 =	vld [tilespmem:s11+$0x18400];
	v12 =	vmul.f32 v12, v17;
	v17 =	vmul.f32 v23, v9  }
0x214: {  	s26 =	sor.u32 $0x20, s6;
	s22 =	sadd.s32 s25, s8;
	v26 =	vld [tilespmem:s31+$0x0];
	v23 =	vmul.f32 v24, v10;
	v24 =	vsub.f32 v14, v15  }
0x215: {  	v28 =	vld [tilespmem:s22+$0x0];
	s9 =	sadd.s32 s26, s10;
	v11 =	vmul.f32 v10, v11;
	v14 =	vmul.f32 v12, v18;
	v17 =	vsub.f32 v17, v8  }
0x216: {  	s20 =	sadd.s32 s25, s15;
	v30 =	vld [tilespmem:s9+$0x0];
	v18 =	vmul.f32 v22, v12;
	v24 =	vmul.f32 v24, v7  }
0x217: {  	s18 =	sadd.s32 s25, s24;
	v20 =	vld [tilespmem:s20+$0x0];
	v25 =	vmul.f32 v25, v16;
	v23 =	vsub.f32 v23, v11;
	v17 =	vmul.f32 v17, v19  }
0x218: {  	s11 =	sadd.s32 s26, s15;
	v22 =	vld [tilespmem:s18+$0x0];
	v18 =	vsub.f32 v18, v14;
	v24 =	vadd.f32 v24, v13  }
0x219: {  	s6 =	sadd.s32 s26, s24;
	v29 =	vld [tilespmem:s11+$0x0];
	v25 =	vsub.f32 v25, v15;
	v23 =	vmul.f32 v23, v19;
	v17 =	vadd.f32 v17, v21  }
0x21a: {  	s8 =	sadd.s32 s26, s8;
	v31 =	vld [tilespmem:s6+$0x0];
	v27 =	vmul.f32 v18, v19;
	[tilespmem:s19+$0x0] =	vst v24  }
0x21b: {  	s12 =	sadd.s32 s28, s15;
	v32 =	vld [tilespmem:s8+$0x0];
	s10 =	sadd.s32 s28, s10;
	v30 =	vmul.f32 v30, v10;
	v23 =	vadd.f32 v23, v21;
	v19 =	vmul.f32 v25, v19;
	[tilespmem:s13+$0x0] =	vst v17  }
0x21c: {  	v18 =	vmul.f32 v20, v9;
	v20 =	vmul.f32 v26, v10;
	v24 =	vadd.f32 v27, v21;
	v27 =	vld [tilespmem:s12+$0x0];
	[dreg:$0xa] =	wrdreg s10  }
0x21d: {  	s14 =	sadd.s32 s28, s24;
	v26 =	vmul.f32 v28, v16;
	v22 =	vmul.f32 v22, v12;
	v19 =	vadd.f32 v19, v21;
	v17 =	vld [tilespmem:s10+$0x0];
	[tilespmem:s21+$0x0] =	vst v23  }
0x21e: {  	s15 =	sor.u32 s30, s25;
	v28 =	vmul.f32 v29, v9;
	v18 =	vsub.f32 v18, v8;
	v20 =	vsub.f32 v20, v11;
	v25 =	vld [tilespmem:s14+$0x0];
	[tilespmem:s29+$0x0] =	vst v24  }
0x21f: {  	s25 =	simm.s32 $0x0;
	s26 =	sor.u32 s30, s26;
	v29 =	vmul.f32 v31, v12;
	s13 =	simm.s32 $0x18140;
	v21 =	vsub.f32 v22, v14;
	v23 =	vsub.f32 v26, v15;
	v26 =	vld [tilespmem:s15+$0x18100];
	[tilespmem:s23+$0x0] =	vst v19  }
0x220: {  	v22 =	vsub.f32 v28, v8;
	v28 =	vmul.f32 v32, v16;
	s21 =	simm.s32 $0x200;
	v24 =	vsub.f32 v30, v11;
	v19 =	vld [tilespmem:s26+$0x18100];
	s23 =	simm.s32 $0x18440;
	[dreg:$0x7] =	wrdreg s0  }
.LBB2_11:
0x221: {  	[smem:$0x7EB] =	sst s22  }
0x222: {  	[smem:$0x7EC] =	sst s12  }
0x223: {  	[smem:$0x7ED] =	sst s14  }
0x224: {  	[dreg:$0x1e] =	wrdreg s8;
	s1 =	sand.u32 $0x1C00, s21  }
0x225: {  	s7 =	sadd.s32 $0x40, s17;
	s10 =	smov.u32 s31;
	s22 =	smov.u32 s3  }
0x226: {  	v30 =	vld [tilespmem:s15+$0x18400];
	s24 =	smov.u32 s9;
	s15 =	smov.u32 s18;
	s1 =	sadd.s32 s1, s3  }
0x227: {  	v31 =	vld [tilespmem:s26+$0x18400];
	s12 =	sand.u32 $0x40, s7;
	s26 =	sadd.s32 s2, s1;
	s29 =	sadd.s32 s16, s1  }
0x228: {  	s8 =	sor.u32 $0x30, s12;
	s30 =	sadd.s32 s0, s1;
	s31 =	sadd.s32 s4, s1;
	v27 =	vmul.f32 v27, v9;
	v32 =	vmul.f32 v17, v10  }
0x229: {  	s0 =	sor.u32 $0x10, s12;
	s3 =	sor.u32 $0x20, s12;
	s1 =	smov.u32 s4;
	v25 =	vmul.f32 v25, v12;
	v18 =	vmul.f32 v18, v26  }
0x22a: {  	v33 =	vld [tilespmem:s13+$0x0];
	v29 =	vsub.f32 v29, v14;
	s5 =	sadd.s32 s8, s29;
	s14 =	sadd.s32 s12, s26;
	s17 =	sadd.s32 s12, s30;
	v20 =	vmul.f32 v20, v26;
	v21 =	vmul.f32 v21, v26  }
0x22b: {  	v28 =	vsub.f32 v28, v15;
	s19 =	sadd.s32 s12, s31;
	s28 =	sadd.s32 s12, s29;
	[dreg:$0x1b] =	wrdreg s5;
	v34 =	vld [tilespmem:s5+$0x0];
	v23 =	vmul.f32 v23, v26;
	v22 =	vmul.f32 v22, v19  }
0x22c: {  	s4 =	sadd.s32 s0, s26;
	s9 =	sadd.s32 s0, s30;
	[dreg:$0xf] =	wrdreg s14;
	v26 =	vld [tilespmem:s14+$0x0];
	v24 =	vmul.f32 v24, v19;
	v27 =	vsub.f32 v27, v8;
	v32 =	vsub.f32 v32, v11  }
0x22d: {  	s12 =	smov.u32 s16;
	s16 =	sadd.s32 s0, s31;
	v17 =	vld [tilespmem:s23+$0x0];
	[dreg:$0x12] =	wrdreg s17;
	v29 =	vmul.f32 v29, v19;
	v25 =	vsub.f32 v25, v14;
	v18 =	vadd.f32 v18, v30  }
0x22e: {  	s14 =	smov.u32 s11;
	s11 =	smov.u32 s2;
	s2 =	sand.u32 $0x380, s7;
	v19 =	vmul.f32 v28, v19;
	v28 =	vld [tilespmem:s19+$0x0];
	v20 =	vadd.f32 v20, v30;
	v22 =	vadd.f32 v22, v31  }
0x22f: {  	[dreg:$0x17] =	wrdreg s19;
	v35 =	vld [tilespmem:s17+$0x0];
	s5 =	smov.u32 s6;
	s18 =	sor.u32 s2, s8;
	[tilespmem:s20+$0x0] =	vst v18;
	v18 =	vadd.f32 v21, v30;
	v21 =	vmul.f32 v27, v7;
	v27 =	vmul.f32 v32, v7  }
0x230: {  	s6 =	sadd.s32 s3, s26;
	[tilespmem:s10+$0x0] =	vst v20;
	v20 =	vadd.f32 v23, v30;
	v23 =	vmul.f32 v25, v7;
	v7 =	vld [tilespmem:s18+$0x18100];
	s10 =	sadd.s32 s8, s26;
	s26 =	sor.u32 s2, s3;
	v30 =	vmul.f32 v34, v16  }
0x231: {  	v25 =	vld [tilespmem:s28+$0x0];
	v26 =	vmul.f32 v26, v9;
	[tilespmem:s15+$0x0] =	vst v18;
	v18 =	vadd.f32 v24, v31;
	v24 =	vadd.f32 v29, v31;
	s15 =	sor.u32 s2, s0;
	s2 =	smov.u32 s11;
	s11 =	sld [smem:$0x7EB]  }
0x232: {  	s17 =	sadd.s32 s0, s29;
	s19 =	sadd.s32 s3, s30;
	s29 =	sadd.s32 s3, s29;
	v19 =	vadd.f32 v19, v31;
	[tilespmem:s14+$0x0] =	vst v22;
	v29 =	vld [tilespmem:s18+$0x18400];
	v22 =	vadd.f32 v27, v13  }
0x233: {  	s20 =	sadd.s32 s3, s31;
	s0 =	sadd.s32 s8, s31;
	v31 =	vld [tilespmem:s4+$0x0];
	s31 =	smov.u32 s9;
	v27 =	vmul.f32 v28, v12;
	v30 =	vsub.f32 v30, v15;
	v26 =	vsub.f32 v26, v8;
	[tilespmem:s5+$0x0] =	vst v24  }
0x234: {  	s3 =	smov.u32 s22;
	s22 =	smov.u32 s17;
	v28 =	vld [tilespmem:s31+$0x0];
	s5 =	sld [smem:$0x7EC];
	[tilespmem:s11+$0x0] =	vst v20;
	v20 =	vadd.f32 v21, v13;
	v21 =	vmul.f32 v35, v10  }
0x235: {  	s17 =	smov.u32 s7;
	s7 =	rddreg [dreg:$0xa];
	[tilespmem:s24+$0x0] =	vst v18;
	s11 =	smov.u32 s6;
	v18 =	vmul.f32 v30, v7;
	v24 =	vmul.f32 v26, v33;
	v26 =	vsub.f32 v27, v14;
	v27 =	vld [tilespmem:s22+$0x0]  }
0x236: {  	s25 =	sadd.s32 $0x4, s25;
	s18 =	smov.u32 s16;
	v23 =	vadd.f32 v23, v13;
	[tilespmem:s7+$0x0] =	vst v22;
	v25 =	vmul.f32 v25, v16;
	v30 =	vld [tilespmem:s11+$0x0]  }
0x237: {  	s30 =	sadd.s32 s8, s30;
	s9 =	smov.u32 s19;
	s19 =	sld [smem:$0x7ED];
	v63 =	vsub.f32 v21, v11;
	v21 =	vld [tilespmem:s18+$0x0];
	v18 =	vadd.f32 v18, v29;
	[tilespmem:s5+$0x0] =	vst v20  }
0x238: {  	s14 =	smov.u32 s4;
	s24 =	rddreg [dreg:$0x1e];
	s6 =	smov.u32 s20;
	v13 =	vmovc v29;
	v20 =	vmul.f32 v26, v33;
	v25 =	vsub.f32 v25, v15;
	v26 =	vmul.f32 v31, v9;
	v29 =	vld [tilespmem:s9+$0x0]  }
0x239: {  	s8 =	smov.u32 s29;
	s20 =	smov.u32 s14;
	[tilespmem:s24+$0x0] =	vst v19;
	s14 =	rddreg [dreg:$0x1b];
	v22 =	vadd.f32 v24, v17;
	v24 =	vmul.f32 v28, v10;
	v28 =	vld [tilespmem:s6+$0x0];
	v19 =	vmul.f32 v63, v33  }
0x23a: {  	p0 =	slt.u32 s25, $0x2C;
	s24 =	rddreg [dreg:$0xf];
	v31 =	vld [tilespmem:s8+$0x0];
	[tilespmem:s14+$0x0] =	vst v18;
	v18 =	vsub.f32 v26, v8  }
.Ltmp4:
0x23b: {  	s16 =	smov.u32 s12;
	s12 =	smov.u32 s10;
	v25 =	vmul.f32 v25, v33;
	[tilespmem:s24+$0x0] =	vst v22;
	v22 =	vadd.f32 v20, v17;
	v26 =	vld [tilespmem:s15+$0x18100];
	v19 =	vadd.f32 v19, v17;
	(pc) =	sbr.rel @p0 .LBB2_11-.Ltmp4, $4  }
0x23c: {  	s10 =	smov.u32 s30;
	s29 =	rddreg [dreg:$0x12];
	[tilespmem:s19+$0x0] =	vst v23;
	v20 =	vsub.f32 v24, v11;
	v23 =	vmul.f32 v27, v16;
	v27 =	vld [tilespmem:s12+$0x0];
	v24 =	vmul.f32 v30, v9  }
0x23d: {  	s30 =	rddreg [dreg:$0x17];
	s14 =	smov.u32 s0;
	v21 =	vmul.f32 v21, v12;
	v30 =	vmul.f32 v29, v10;
	[tilespmem:s29+$0x0] =	vst v19;
	v19 =	vadd.f32 v25, v17;
	v17 =	vld [tilespmem:s10+$0x0]  }
0x23e: {  	s21 =	sadd.s32 $0x200, s21;
	s13 =	sadd.s32 $0x40, s13;
	[dreg:$0xa] =	wrdreg s10;
	[tilespmem:s30+$0x0] =	vst v22;
	v23 =	vsub.f32 v23, v15;
	v25 =	vld [tilespmem:s14+$0x0];
	v22 =	vsub.f32 v24, v8;
	v29 =	vmul.f32 v28, v12  }
0x23f: {  	s23 =	sadd.s32 $0x40, s23;
	s4 =	smov.u32 s1;
	s0 =	rddreg [dreg:$0x7];
	v28 =	vmul.f32 v31, v16;
	v21 =	vsub.f32 v21, v14;
	v24 =	vsub.f32 v30, v11;
	[tilespmem:s28+$0x0] =	vst v19;
	v19 =	vld [tilespmem:s26+$0x18100]  }
0x240: {  	v16 =	vld [tilespmem:s15+$0x18400];
	_ =	sdelay $0x1  }
0x241: {  	v56 =	vld [tilespmem:s26+$0x18400]  }
0x242: {  	v18 =	vmul.f32 v18, v26  }
0x243: {  	v20 =	vmul.f32 v20, v26;
	v9 =	vmul.f32 v27, v9  }
0x244: {  	v57 =	vmul.f32 v22, v19;
	v18 =	vadd.f32 v18, v16  }
0x245: {  	v21 =	vmul.f32 v21, v26;
	v8 =	vsub.f32 v9, v8;
	v20 =	vadd.f32 v20, v16  }
0x246: {  	v10 =	vmul.f32 v17, v10;
	v59 =	vmul.f32 v24, v19;
	v17 =	vadd.f32 v57, v56;
	[tilespmem:s20+$0x0] =	vst v18  }
0x247: {  	v29 =	vsub.f32 v29, v14;
	v58 =	vadd.f32 v21, v16;
	v8 =	vmul.f32 v8, v7;
	[tilespmem:s31+$0x0] =	vst v20  }
0x248: {  	v23 =	vmul.f32 v23, v26;
	v15 =	vsub.f32 v28, v15;
	v9 =	vadd.f32 v59, v56;
	[tilespmem:s11+$0x0] =	vst v17  }
0x249: {  	v60 =	vmul.f32 v29, v19;
	v8 =	vadd.f32 v8, v13;
	[tilespmem:s18+$0x0] =	vst v58  }
0x24a: {  	v10 =	vsub.f32 v10, v11;
	v61 =	vmul.f32 v15, v19;
	v16 =	vadd.f32 v23, v16;
	[tilespmem:s9+$0x0] =	vst v9  }
0x24b: {  	v62 =	vadd.f32 v60, v56;
	[tilespmem:s12+$0x0] =	vst v8  }
0x24c: {  	v10 =	vmul.f32 v10, v7;
	v11 =	vadd.f32 v61, v56;
	[tilespmem:s22+$0x0] =	vst v16  }
0x24d: {  	[tilespmem:s6+$0x0] =	vst v62  }
0x24e: {  	v63 =	vadd.f32 v10, v13;
	[tilespmem:s8+$0x0] =	vst v11  }
0x24f: {  	s0 =	rddreg [dreg:$0xa]  }
0x250: {  	[tilespmem:s0+$0x0] =	vst v63  }
0x251: {  	v12 =	vmul.f32 v25, v12;
	s1 =	sld [smem:$0x7EE];
	_ =	sdelay $0x1  }
0x252: {  	v12 =	vsub.f32 v12, v14  }
0x253: {  	p0 =	slt.u32 s1, $0x3C  }
.Ltmp5:
0x254: {  	v7 =	vmul.f32 v12, v7;
	(pc) =	sbr.rel @p0 .LBB2_8-.Ltmp5, $4  }
0x255: {  	_ = 	snop  }
0x256: {  	v7 =	vadd.f32 v7, v13  }
0x257: {  	s31 =	sadd.s32 $0x4, s1  }
0x258: {  	[tilespmem:s14+$0x0] =	vst v7;
	s1 =	smov.u32 s31  }
0x259: {  	s0 =	sld [smem:$0x7FA];
	_ =	sdelay $0x1  }
0x25a: {  	s4 =	simm.s32 $0x0;
	s1 =	simm.s32 $0xC100;
	s6 =	simm.s32 $0x4  }
0x25b: {  	[hbm4b:s0+s4] =	stream.linear.scatter [tilespmem:s1], [sflag:$0x4], $0xC000, $0x38;
	[tilespmem:$0x18700] =	vst v63  }
0x25c: {  	_ =	swait.ge [sflag:s6], $0xC000  }
0x25d: {  	[sflag:s6] =	ssyncset.done $0x0  }
0x25e: {  	[sflag:s6] =	ssyncadd.s32 $0xFFFF4000  }
0x25f: {  	v7 =	vld [tilespmem:$0xC0];
	_ =	sdelay $0x4  }
0x260: {  	v8 =	vshrl.u32 v7, $0x3  }
0x261: {  	v8 =	vmul.u32 $0x30, v8  }
0x262: {  	v7 =	vand.u32 $0x7, v7  }
0x263: {  	v7 =	vor.u32 v7, v8  }
0x264: {  	v8 =	vperm.xlane v7, v0;
	_ =	sdelay $0x1  }
0x265: {  	v8 =	vadd.s32 v1, v8;
	_ =	sdelay $0x2  }
0x266: {  	s7 =	sld [smem:$0x7F7]  }
0x267: {  	s0 =	rddreg [dreg:$0x1];
	v7 =	vperm.xlane v7, v2  }
0x268: {  	[tilespmem:s1], [sflag:$0x2] =	stream.indirect_vreg.gather [hbm4b:s0+s4], $0x80, v8, vm0, $0xb8;
	[tilespmem:$0x18700] =	vst v63  }
0x269: {  	s2 =	simm.s32 $0xC900;
	s8 =	sld [smem:$0x7F8];
	v7 =	vadd.s32 v1, v7  }
0x26a: {  	[tilespmem:s2], [sflag:$0x2] =	stream.indirect_vreg.gather [hbm4b:s7+s4], $0x80, v8, vm0, $0xb8;
	[tilespmem:$0x18700] =	vst v63  }
0x26b: {  	s3 =	simm.s32 $0xD100  }
0x26c: {  	[tilespmem:s3], [sflag:$0x2] =	stream.indirect_vreg.gather [hbm4b:s8+s4], $0x80, v8, vm0, $0xb8;
	[tilespmem:$0x18700] =	vst v63  }
0x26d: {  	s9 =	simm.s32 $0xD900  }
0x26e: {  	[tilespmem:s9], [sflag:$0x2] =	stream.indirect_vreg.gather [hbm4b:s0+s4], $0x80, v7, vm0, $0xb8;
	[tilespmem:$0x18700] =	vst v63  }
0x26f: {  	s10 =	simm.s32 $0xE100  }
0x270: {  	[tilespmem:s10], [sflag:$0x2] =	stream.indirect_vreg.gather [hbm4b:s7+s4], $0x80, v7, vm0, $0xb8;
	[tilespmem:$0x18700] =	vst v63  }
0x271: {  	s11 =	simm.s32 $0xE900  }
0x272: {  	[tilespmem:s11], [sflag:$0x2] =	stream.indirect_vreg.gather [hbm4b:s8+s4], $0x80, v7, vm0, $0xb8;
	[tilespmem:$0x18700] =	vst v63  }
0x273: {  	v7 =	vld [tilespmem:$0xD0];
	_ =	sdelay $0x4  }
0x274: {  	v8 =	vshrl.u32 v7, $0x3  }
0x275: {  	v8 =	vmul.u32 $0x30, v8  }
0x276: {  	v7 =	vand.u32 $0x7, v7  }
0x277: {  	v7 =	vor.u32 v7, v8  }
0x278: {  	v8 =	vperm.xlane v7, v0;
	_ =	sdelay $0x1  }
0x279: {  	v8 =	vadd.s32 v1, v8;
	_ =	sdelay $0x3  }
0x27a: {  	s12 =	simm.s32 $0xF100;
	v7 =	vperm.xlane v7, v2  }
0x27b: {  	[tilespmem:s12], [sflag:$0x2] =	stream.indirect_vreg.gather [hbm4b:s0+s4], $0x80, v8, vm0, $0xb8;
	[tilespmem:$0x18700] =	vst v63  }
0x27c: {  	s13 =	simm.s32 $0xF900;
	v7 =	vadd.s32 v1, v7  }
0x27d: {  	[tilespmem:s13], [sflag:$0x2] =	stream.indirect_vreg.gather [hbm4b:s7+s4], $0x80, v8, vm0, $0xb8;
	[tilespmem:$0x18700] =	vst v63  }
0x27e: {  	s14 =	simm.s32 $0x10100  }
0x27f: {  	[tilespmem:s14], [sflag:$0x2] =	stream.indirect_vreg.gather [hbm4b:s8+s4], $0x80, v8, vm0, $0xb8;
	[tilespmem:$0x18700] =	vst v63  }
0x280: {  	s15 =	simm.s32 $0x10900  }
0x281: {  	[tilespmem:s15], [sflag:$0x2] =	stream.indirect_vreg.gather [hbm4b:s0+s4], $0x80, v7, vm0, $0xb8;
	[tilespmem:$0x18700] =	vst v63  }
0x282: {  	s16 =	simm.s32 $0x11100  }
0x283: {  	[tilespmem:s16], [sflag:$0x2] =	stream.indirect_vreg.gather [hbm4b:s7+s4], $0x80, v7, vm0, $0xb8;
	[tilespmem:$0x18700] =	vst v63  }
0x284: {  	s17 =	simm.s32 $0x11900  }
0x285: {  	[tilespmem:s17], [sflag:$0x2] =	stream.indirect_vreg.gather [hbm4b:s8+s4], $0x80, v7, vm0, $0xb8;
	[tilespmem:$0x18700] =	vst v63  }
0x286: {  	v7 =	vld [tilespmem:$0xE0];
	_ =	sdelay $0x4  }
0x287: {  	v8 =	vshrl.u32 v7, $0x3  }
0x288: {  	v8 =	vmul.u32 $0x30, v8  }
0x289: {  	v7 =	vand.u32 $0x7, v7  }
0x28a: {  	v7 =	vor.u32 v7, v8  }
0x28b: {  	v8 =	vperm.xlane v7, v0;
	_ =	sdelay $0x1  }
0x28c: {  	v8 =	vadd.s32 v1, v8;
	_ =	sdelay $0x3  }
0x28d: {  	s18 =	simm.s32 $0x12100;
	v7 =	vperm.xlane v7, v2  }
0x28e: {  	[tilespmem:s18], [sflag:$0x2] =	stream.indirect_vreg.gather [hbm4b:s0+s4], $0x80, v8, vm0, $0xb8;
	[tilespmem:$0x18700] =	vst v63  }
0x28f: {  	s19 =	simm.s32 $0x12900;
	v7 =	vadd.s32 v1, v7  }
0x290: {  	[tilespmem:s19], [sflag:$0x2] =	stream.indirect_vreg.gather [hbm4b:s7+s4], $0x80, v8, vm0, $0xb8;
	[tilespmem:$0x18700] =	vst v63  }
0x291: {  	s20 =	simm.s32 $0x13100  }
0x292: {  	[tilespmem:s20], [sflag:$0x2] =	stream.indirect_vreg.gather [hbm4b:s8+s4], $0x80, v8, vm0, $0xb8;
	[tilespmem:$0x18700] =	vst v63  }
0x293: {  	s21 =	simm.s32 $0x13900  }
0x294: {  	[tilespmem:s21], [sflag:$0x2] =	stream.indirect_vreg.gather [hbm4b:s0+s4], $0x80, v7, vm0, $0xb8;
	[tilespmem:$0x18700] =	vst v63  }
0x295: {  	s22 =	simm.s32 $0x14100  }
0x296: {  	[tilespmem:s22], [sflag:$0x2] =	stream.indirect_vreg.gather [hbm4b:s7+s4], $0x80, v7, vm0, $0xb8;
	[tilespmem:$0x18700] =	vst v63  }
0x297: {  	s23 =	simm.s32 $0x14900  }
0x298: {  	[tilespmem:s23], [sflag:$0x2] =	stream.indirect_vreg.gather [hbm4b:s8+s4], $0x80, v7, vm0, $0xb8;
	[tilespmem:$0x18700] =	vst v63  }
0x299: {  	v7 =	vld [tilespmem:$0xF0];
	_ =	sdelay $0x4  }
0x29a: {  	v8 =	vshrl.u32 v7, $0x3  }
0x29b: {  	v8 =	vmul.u32 $0x30, v8  }
0x29c: {  	v7 =	vand.u32 $0x7, v7  }
0x29d: {  	v7 =	vor.u32 v7, v8  }
0x29e: {  	v8 =	vperm.xlane v7, v0;
	_ =	sdelay $0x1  }
0x29f: {  	v8 =	vadd.s32 v1, v8;
	_ =	sdelay $0x3  }
0x2a0: {  	s24 =	simm.s32 $0x15100;
	v7 =	vperm.xlane v7, v2  }
0x2a1: {  	[tilespmem:s24], [sflag:$0x2] =	stream.indirect_vreg.gather [hbm4b:s0+s4], $0x80, v8, vm0, $0xb8;
	[tilespmem:$0x18700] =	vst v63  }
0x2a2: {  	s25 =	simm.s32 $0x15900;
	v7 =	vadd.s32 v1, v7  }
0x2a3: {  	[tilespmem:s25], [sflag:$0x2] =	stream.indirect_vreg.gather [hbm4b:s7+s4], $0x80, v8, vm0, $0xb8;
	[tilespmem:$0x18700] =	vst v63  }
0x2a4: {  	s26 =	simm.s32 $0x16100  }
0x2a5: {  	[tilespmem:s26], [sflag:$0x2] =	stream.indirect_vreg.gather [hbm4b:s8+s4], $0x80, v8, vm0, $0xb8;
	[tilespmem:$0x18700] =	vst v63  }
0x2a6: {  	s28 =	simm.s32 $0x16900  }
0x2a7: {  	[tilespmem:s28], [sflag:$0x2] =	stream.indirect_vreg.gather [hbm4b:s0+s4], $0x80, v7, vm0, $0xb8;
	[tilespmem:$0x18700] =	vst v63  }
0x2a8: {  	s29 =	simm.s32 $0x17100  }
0x2a9: {  	[tilespmem:s29], [sflag:$0x2] =	stream.indirect_vreg.gather [hbm4b:s7+s4], $0x80, v7, vm0, $0xb8;
	[tilespmem:$0x18700] =	vst v63  }
0x2aa: {  	s30 =	simm.s32 $0x17900;
	s31 =	simm.s32 $0x1  }
0x2ab: {  	[tilespmem:s30], [sflag:$0x2] =	stream.indirect_vreg.gather [hbm4b:s8+s4], $0x80, v7, vm0, $0xb8;
	[tilespmem:$0x18700] =	vst v63  }
0x2ac: {  	_ =	swait.ge [sflag:s31], $0xC000  }
0x2ad: {  	[sflag:s31] =	ssyncset.done $0x0  }
0x2ae: {  	s1 =	simm.s32 $0x0;
	[sflag:s31] =	ssyncadd.s32 $0xFFFF4000  }
.LBB2_14:
0x2af: {  	s0 =	sshrl.u32 s1, $0x3  }
0x2b0: {  	s0 =	smul.u32 $0x6000, s0;
	_ =	sdelay $0x1  }
0x2b1: {  	s23 =	sshll.u32 s1, $0x7;
	s24 =	simm.s32 $0x0;
	s0 =	sshra.s32 s0, $0x2  }
0x2b2: {  	s2 =	sand.u32 $0x200, s23;
	s25 =	sand.u32 $0x1C00, s24;
	s3 =	sor.u32 $0x100, s0  }
0x2b3: {  	[smem:$0x7EA] =	sst s1;
	s16 =	sor.u32 $0x180, s2;
	s1 =	sadd.s32 s25, s3  }
0x2b4: {  	s5 =	sand.u32 $0x70, s24;
	s4 =	sadd.s32 s16, s1  }
0x2b5: {  	s0 =	sor.u32 $0x80, s2;
	s6 =	sadd.s32 s2, s1;
	s4 =	sadd.s32 s5, s4  }
0x2b6: {  	s7 =	sadd.s32 s0, s1;
	s6 =	sadd.s32 s5, s6;
	v7 =	vld [tilespmem:s4+$0x0]  }
0x2b7: {  	s26 =	sadd.s32 s5, s7;
	v8 =	vld [tilespmem:s6+$0x0]  }
0x2b8: {  	s28 =	simm.s32 $0x80;
	v9 =	vld [tilespmem:s26+$0x0];
	s4 =	sor.u32 $0x100, s2  }
0x2b9: {  	s6 =	sand.u32 $0x1C00, s28;
	s1 =	sadd.s32 s4, s1  }
0x2ba: {  	s29 =	simm.s32 $0x10;
	s6 =	sadd.s32 s6, s3;
	s5 =	sadd.s32 s5, s1  }
0x2bb: {  	v12 =	vimm.f32 $0.0e+00;
	v15 =	vimm.f32 $0.0e+00;
	s8 =	sand.u32 $0x70, s29;
	s30 =	sadd.s32 s16, s6;
	v10 =	vld [tilespmem:s5+$0x0]  }
0x2bc: {  	v14 =	vimm.f32 $0.0e+00;
	s1 =	simm.s32 $0x20;
	s31 =	sadd.s32 s2, s6;
	s7 =	sadd.s32 s8, s30;
	v13 =	vmul.f32 v7, v7;
	v7 =	vadd.f32 v7, v12  }
0x2bd: {  	s9 =	sadd.s32 s0, s6;
	s6 =	sadd.s32 s4, s6;
	s10 =	sadd.s32 s8, s31;
	v11 =	vld [tilespmem:s7+$0x0];
	v16 =	vadd.f32 v8, v12;
	v19 =	vmul.f32 v8, v8;
	v8 =	vadd.f32 v9, v12  }
0x2be: {  	s5 =	sadd.s32 s8, s6;
	s6 =	simm.s32 $0x100;
	s7 =	sadd.s32 s8, s9;
	v18 =	vld [tilespmem:s10+$0x0];
	v17 =	vmul.f32 v9, v9;
	v9 =	vadd.f32 v13, v12;
	v13 =	vimm.f32 $0.0e+00  }
.LBB2_15:
0x2bf: {  	s8 =	sand.u32 $0x1C00, s6  }
0x2c0: {  	p0 =	sne.s32 s1, $0x2F0;
	v20 =	vld [tilespmem:s7+$0x0];
	v12 =	vadd.f32 v19, v12;
	v15 =	vadd.f32 v10, v15;
	v19 =	vmul.f32 v10, v10;
	s7 =	smov.u32 s1;
	s1 =	sadd.s32 $0x10, s1  }
.Ltmp6:
0x2c1: {  	s8 =	sadd.s32 s8, s3;
	v10 =	vld [tilespmem:s5+$0x0];
	v13 =	vadd.f32 v17, v13;
	(pc) =	sbr.rel @p0 .LBB2_15-.Ltmp6, $4  }
0x2c2: {  	s5 =	sand.u32 $0x70, s7;
	s7 =	sadd.s32 s2, s8;
	s9 =	sadd.s32 s16, s8;
	v14 =	vadd.f32 v19, v14  }
0x2c3: {  	s10 =	sadd.s32 s0, s8;
	s8 =	sadd.s32 s4, s8;
	s9 =	sadd.s32 s5, s9;
	v7 =	vadd.f32 v11, v7;
	v21 =	vmul.f32 v11, v11  }
0x2c4: {  	s11 =	sadd.s32 s5, s7;
	s7 =	sadd.s32 s5, s10;
	s5 =	sadd.s32 s5, s8;
	v11 =	vld [tilespmem:s9+$0x0];
	v16 =	vadd.f32 v18, v16;
	v19 =	vmul.f32 v18, v18  }
0x2c5: {  	s6 =	sadd.s32 $0x80, s6;
	v18 =	vld [tilespmem:s11+$0x0];
	v8 =	vadd.f32 v20, v8;
	v17 =	vmul.f32 v20, v20;
	v9 =	vadd.f32 v21, v9  }
0x2c6: {  	_ =	sdelay $0x3  }
0x2c7: {  	v12 =	vadd.f32 v19, v12;
	v16 =	vadd.f32 v18, v16;
	v18 =	vmul.f32 v18, v18;
	_ =	sdelay $0x1  }
0x2c8: {  	v12 =	vadd.f32 v18, v12;
	v18 =	vperm.xlane v16, v3;
	_ =	sdelay $0x1  }
0x2c9: {  	v16 =	vadd.f32 v18, v16  }
0x2ca: {  	v18 =	vperm.xlane v12, v3  }
0x2cb: {  	v19 =	vperm.xlane v16, v4  }
0x2cc: {  	v12 =	vadd.f32 v18, v12  }
0x2cd: {  	v16 =	vadd.f32 v19, v16  }
0x2ce: {  	v18 =	vperm.xlane v12, v4;
	v19 =	vld [tilespmem:s7+$0x0]  }
0x2cf: {  	v20 =	vperm.xlane v16, v5  }
0x2d0: {  	v12 =	vadd.f32 v18, v12;
	v18 =	vmul.f32 v10, v10;
	v10 =	vadd.f32 v10, v15;
	v15 =	vld [tilespmem:s5+$0x0]  }
0x2d1: {  	v13 =	vadd.f32 v17, v13  }
0x2d2: {  	v17 =	vmul.f32 v11, v11;
	v16 =	vadd.f32 v20, v16;
	v20 =	vperm.xlane v12, v5  }
0x2d3: {  	v7 =	vadd.f32 v11, v7;
	v11 =	vadd.f32 v19, v8;
	v8 =	vmul.f32 v19, v19  }
0x2d4: {  	v14 =	vadd.f32 v18, v14;
	v18 =	vperm.xlane v16, v6;
	v12 =	vadd.f32 v20, v12  }
0x2d5: {  	v10 =	vadd.f32 v15, v10;
	v15 =	vmul.f32 v15, v15;
	v13 =	vadd.f32 v8, v13  }
0x2d6: {  	v9 =	vadd.f32 v17, v9;
	v16 =	vadd.f32 v18, v16  }
0x2d7: {  	v17 =	vperm.xlane v12, v6;
	v14 =	vadd.f32 v15, v14;
	v15 =	vperm.xlane v13, v3  }
0x2d8: {  	v8 =	vmul.f32 $1.302083370e-03, v16;
	v16 =	vperm.xlane v11, v3  }
0x2d9: {  	v12 =	vadd.f32 v17, v12;
	v17 =	vperm.xlane v7, v3  }
0x2da: {  	v13 =	vadd.f32 v15, v13;
	v15 =	vperm.xlane v9, v3;
	v11 =	vadd.f32 v16, v11  }
0x2db: {  	v12 =	vmul.f32 $1.302083370e-03, v12;
	v18 =	vmul.f32 v8, v8;
	v7 =	vadd.f32 v17, v7  }
0x2dc: {  	v17 =	vperm.xlane v10, v3;
	v9 =	vadd.f32 v15, v9;
	v16 =	vperm.xlane v11, v4  }
0x2dd: {  	v12 =	vsub.f32 v12, v18;
	v18 =	vperm.xlane v13, v4;
	v19 =	vperm.xlane v7, v4  }
0x2de: {  	v15 =	vperm.xlane v14, v3;
	v10 =	vadd.f32 v17, v10;
	v11 =	vadd.f32 v16, v11  }
0x2df: {  	v13 =	vadd.f32 v18, v13;
	v7 =	vadd.f32 v19, v7;
	v16 =	vperm.xlane v9, v4  }
0x2e0: {  	v14 =	vadd.f32 v15, v14;
	v18 =	vperm.xlane v10, v4;
	v17 =	vperm.xlane v11, v5  }
0x2e1: {  	v15 =	vperm.xlane v13, v5;
	v19 =	vperm.xlane v7, v5;
	v9 =	vadd.f32 v16, v9  }
0x2e2: {  	v10 =	vadd.f32 v18, v10;
	v16 =	vperm.xlane v14, v4;
	v11 =	vadd.f32 v17, v11  }
0x2e3: {  	v13 =	vadd.f32 v15, v13;
	v7 =	vadd.f32 v19, v7;
	v15 =	vperm.xlane v9, v5  }
0x2e4: {  	v18 =	vperm.xlane v10, v5;
	v14 =	vadd.f32 v16, v14;
	v17 =	vperm.xlane v11, v6  }
0x2e5: {  	v16 =	vperm.xlane v13, v6;
	v19 =	vperm.xlane v7, v6;
	v9 =	vadd.f32 v15, v9  }
0x2e6: {  	v10 =	vadd.f32 v18, v10;
	v15 =	vperm.xlane v14, v5;
	v11 =	vadd.f32 v17, v11  }
0x2e7: {  	v13 =	vadd.f32 v16, v13;
	v7 =	vadd.f32 v19, v7;
	v16 =	vperm.xlane v9, v6  }
0x2e8: {  	v17 =	vperm.xlane v10, v6;
	v14 =	vadd.f32 v15, v14;
	v11 =	vmul.f32 $1.302083370e-03, v11  }
0x2e9: {  	v13 =	vmul.f32 $1.302083370e-03, v13;
	v15 =	vmul.f32 $1.302083370e-03, v7;
	v7 =	vadd.f32 v16, v9  }
0x2ea: {  	v10 =	vadd.f32 v17, v10;
	v16 =	vperm.xlane v14, v6;
	v9 =	vmul.f32 v11, v11  }
0x2eb: {  	v12 =	vadd.f32 $1.000000010e-07, v12;
	v7 =	vmul.f32 $1.302083370e-03, v7;
	v17 =	vmul.f32 v15, v15  }
0x2ec: {  	v18 =	vmul.f32 $1.302083370e-03, v10;
	v10 =	vadd.f32 v16, v14  }
0x2ed: {  	v14 =	vmul.f32 $5.000000000e-01, v12;
	v9 =	vsub.f32 v13, v9;
	v7 =	vsub.f32 v7, v17  }
0x2ee: {  	v12 =	vshra.s32 v12, $0x1;
	v10 =	vmul.f32 $1.302083370e-03, v10;
	v13 =	vmul.f32 v18, v18  }
0x2ef: {  	v12 =	vsub.s32 $0x5F3759DF, v12;
	v9 =	vadd.f32 $1.000000010e-07, v9;
	v7 =	vadd.f32 $1.000000010e-07, v7  }
0x2f0: {  	v16 =	vmul.f32 v12, v14;
	v10 =	vsub.f32 v10, v13  }
0x2f1: {  	v13 =	vshra.s32 v9, $0x1;
	v17 =	vshra.s32 v7, $0x1;
	v7 =	vmul.f32 $5.000000000e-01, v7  }
0x2f2: {  	v9 =	vmul.f32 $5.000000000e-01, v9;
	v10 =	vadd.f32 $1.000000010e-07, v10;
	v17 =	vsub.s32 $0x5F3759DF, v17  }
0x2f3: {  	v16 =	vmul.f32 v12, v16;
	v13 =	vsub.s32 $0x5F3759DF, v13;
	v19 =	vmul.f32 v17, v7  }
0x2f4: {  	v20 =	vmul.f32 v13, v9;
	v21 =	vshra.s32 v10, $0x1;
	v10 =	vmul.f32 $5.000000000e-01, v10  }
0x2f5: {  	v16 =	vsub.f32 $1.500000000e+00, v16;
	v21 =	vsub.s32 $0x5F3759DF, v21;
	v19 =	vmul.f32 v17, v19  }
0x2f6: {  	v20 =	vmul.f32 v13, v20;
	v22 =	vmul.f32 v21, v10  }
0x2f7: {  	v12 =	vmul.f32 v12, v16;
	v16 =	vsub.f32 $1.500000000e+00, v19  }
0x2f8: {  	v19 =	vsub.f32 $1.500000000e+00, v20;
	v20 =	vmul.f32 v21, v22  }
0x2f9: {  	v22 =	vmul.f32 v12, v14;
	v16 =	vmul.f32 v17, v16  }
0x2fa: {  	v13 =	vmul.f32 v13, v19;
	v17 =	vsub.f32 $1.500000000e+00, v20  }
0x2fb: {  	v19 =	vmul.f32 v22, v12;
	v20 =	vmul.f32 v16, v7  }
0x2fc: {  	v22 =	vmul.f32 v13, v9;
	v17 =	vmul.f32 v21, v17  }
0x2fd: {  	v19 =	vsub.f32 $1.500000000e+00, v19;
	v20 =	vmul.f32 v20, v16  }
0x2fe: {  	v21 =	vmul.f32 v22, v13;
	v22 =	vmul.f32 v17, v10  }
0x2ff: {  	s17 =	simm.s32 $0x0;
	v12 =	vmul.f32 v19, v12;
	v19 =	vsub.f32 $1.500000000e+00, v20  }
0x300: {  	s1 =	sand.u32 $0x1C00, s17;
	v20 =	vsub.f32 $1.500000000e+00, v21;
	v21 =	vmul.f32 v22, v17  }
0x301: {  	s26 =	sadd.s32 s1, s3;
	v14 =	vmul.f32 v12, v14;
	v16 =	vmul.f32 v19, v16  }
0x302: {  	s6 =	sand.u32 $0x40, s17;
	s15 =	sadd.s32 s2, s26;
	v13 =	vmul.f32 v20, v13;
	v19 =	vsub.f32 $1.500000000e+00, v21  }
0x303: {  	s10 =	sadd.s32 s0, s26;
	s13 =	sadd.s32 s6, s15;
	v14 =	vmul.f32 v14, v12;
	v7 =	vmul.f32 v16, v7  }
0x304: {  	s28 =	sor.u32 $0x30, s6;
	s8 =	sadd.s32 s16, s26;
	s21 =	sadd.s32 s6, s10;
	v23 =	vld [tilespmem:s13+$0x0];
	v9 =	vmul.f32 v13, v9;
	v17 =	vmul.f32 v19, v17  }
0x305: {  	s19 =	sadd.s32 s28, s8;
	v24 =	vld [tilespmem:s21+$0x0];
	v7 =	vmul.f32 v7, v16  }
0x306: {  	s23 =	sadd.s32 s6, s8;
	v20 =	vld [tilespmem:s19+$0x0];
	v14 =	vsub.f32 $1.500000000e+00, v14;
	v22 =	vmul.f32 v9, v13;
	v10 =	vmul.f32 v17, v10  }
0x307: {  	s25 =	simm.s32 $0x18400;
	s24 =	sadd.s32 s4, s26;
	v25 =	vld [tilespmem:s23+$0x0];
	v7 =	vsub.f32 $1.500000000e+00, v7  }
0x308: {  	s30 =	sand.u32 $0x380, s17;
	s29 =	sadd.s32 s6, s24;
	v21 =	vld [tilespmem:s25+$0x0];
	v9 =	vmul.f32 v14, v12;
	v12 =	vsub.f32 $1.500000000e+00, v22;
	v14 =	vmul.f32 v10, v17  }
0x309: {  	s11 =	sor.u32 s30, s28;
	v22 =	vld [tilespmem:s29+$0x0];
	v16 =	vmul.f32 v7, v16  }
0x30a: {  	s9 =	simm.s32 $0x18100;
	v8 =	vmul.f32 v9, v8;
	v7 =	vld [tilespmem:s11+$0x18100];
	v10 =	vmul.f32 v12, v13;
	v12 =	vsub.f32 $1.500000000e+00, v14  }
0x30b: {  	s25 =	sor.u32 $0x10, s6;
	v19 =	vld [tilespmem:s9+$0x0];
	v15 =	vmul.f32 v16, v15;
	v14 =	vmul.f32 v20, v16  }
0x30c: {  	s31 =	sadd.s32 s25, s10;
	v13 =	vld [tilespmem:s11+$0x18400];
	v12 =	vmul.f32 v12, v17;
	v17 =	vmul.f32 v23, v9  }
0x30d: {  	s26 =	sor.u32 $0x20, s6;
	s22 =	sadd.s32 s25, s8;
	v26 =	vld [tilespmem:s31+$0x0];
	v23 =	vmul.f32 v24, v10;
	v24 =	vsub.f32 v14, v15  }
0x30e: {  	v28 =	vld [tilespmem:s22+$0x0];
	s9 =	sadd.s32 s26, s10;
	v11 =	vmul.f32 v10, v11;
	v14 =	vmul.f32 v12, v18;
	v17 =	vsub.f32 v17, v8  }
0x30f: {  	s20 =	sadd.s32 s25, s15;
	v30 =	vld [tilespmem:s9+$0x0];
	v18 =	vmul.f32 v22, v12;
	v24 =	vmul.f32 v24, v7  }
0x310: {  	s18 =	sadd.s32 s25, s24;
	v20 =	vld [tilespmem:s20+$0x0];
	v25 =	vmul.f32 v25, v16;
	v23 =	vsub.f32 v23, v11;
	v17 =	vmul.f32 v17, v19  }
0x311: {  	s11 =	sadd.s32 s26, s15;
	v22 =	vld [tilespmem:s18+$0x0];
	v18 =	vsub.f32 v18, v14;
	v24 =	vadd.f32 v24, v13  }
0x312: {  	s6 =	sadd.s32 s26, s24;
	v29 =	vld [tilespmem:s11+$0x0];
	v25 =	vsub.f32 v25, v15;
	v23 =	vmul.f32 v23, v19;
	v17 =	vadd.f32 v17, v21  }
0x313: {  	s8 =	sadd.s32 s26, s8;
	v31 =	vld [tilespmem:s6+$0x0];
	v27 =	vmul.f32 v18, v19;
	[tilespmem:s19+$0x0] =	vst v24  }
0x314: {  	s12 =	sadd.s32 s28, s15;
	v32 =	vld [tilespmem:s8+$0x0];
	s10 =	sadd.s32 s28, s10;
	v30 =	vmul.f32 v30, v10;
	v23 =	vadd.f32 v23, v21;
	v19 =	vmul.f32 v25, v19;
	[tilespmem:s13+$0x0] =	vst v17  }
0x315: {  	v18 =	vmul.f32 v20, v9;
	v20 =	vmul.f32 v26, v10;
	v24 =	vadd.f32 v27, v21;
	v27 =	vld [tilespmem:s12+$0x0];
	[dreg:$0xb] =	wrdreg s10  }
0x316: {  	s14 =	sadd.s32 s28, s24;
	v26 =	vmul.f32 v28, v16;
	v22 =	vmul.f32 v22, v12;
	v19 =	vadd.f32 v19, v21;
	v17 =	vld [tilespmem:s10+$0x0];
	[tilespmem:s21+$0x0] =	vst v23  }
0x317: {  	s15 =	sor.u32 s30, s25;
	v28 =	vmul.f32 v29, v9;
	v18 =	vsub.f32 v18, v8;
	v20 =	vsub.f32 v20, v11;
	v25 =	vld [tilespmem:s14+$0x0];
	[tilespmem:s29+$0x0] =	vst v24  }
0x318: {  	s25 =	simm.s32 $0x0;
	s26 =	sor.u32 s30, s26;
	v29 =	vmul.f32 v31, v12;
	s13 =	simm.s32 $0x18140;
	v21 =	vsub.f32 v22, v14;
	v23 =	vsub.f32 v26, v15;
	v26 =	vld [tilespmem:s15+$0x18100];
	[tilespmem:s23+$0x0] =	vst v19  }
0x319: {  	v22 =	vsub.f32 v28, v8;
	v28 =	vmul.f32 v32, v16;
	s21 =	simm.s32 $0x200;
	v24 =	vsub.f32 v30, v11;
	v19 =	vld [tilespmem:s26+$0x18100];
	s23 =	simm.s32 $0x18440;
	[dreg:$0x8] =	wrdreg s0  }
.LBB2_17:
0x31a: {  	[smem:$0x7E7] =	sst s22  }
0x31b: {  	[smem:$0x7E8] =	sst s12  }
0x31c: {  	[smem:$0x7E9] =	sst s14  }
0x31d: {  	[dreg:$0x1f] =	wrdreg s8;
	s1 =	sand.u32 $0x1C00, s21  }
0x31e: {  	s7 =	sadd.s32 $0x40, s17;
	s10 =	smov.u32 s31;
	s22 =	smov.u32 s3  }
0x31f: {  	v30 =	vld [tilespmem:s15+$0x18400];
	s24 =	smov.u32 s9;
	s15 =	smov.u32 s18;
	s1 =	sadd.s32 s1, s3  }
0x320: {  	v31 =	vld [tilespmem:s26+$0x18400];
	s12 =	sand.u32 $0x40, s7;
	s26 =	sadd.s32 s2, s1;
	s29 =	sadd.s32 s16, s1  }
0x321: {  	s8 =	sor.u32 $0x30, s12;
	s30 =	sadd.s32 s0, s1;
	s31 =	sadd.s32 s4, s1;
	v27 =	vmul.f32 v27, v9;
	v32 =	vmul.f32 v17, v10  }
0x322: {  	s0 =	sor.u32 $0x10, s12;
	s3 =	sor.u32 $0x20, s12;
	s1 =	smov.u32 s4;
	v25 =	vmul.f32 v25, v12;
	v18 =	vmul.f32 v18, v26  }
0x323: {  	v33 =	vld [tilespmem:s13+$0x0];
	v29 =	vsub.f32 v29, v14;
	s5 =	sadd.s32 s8, s29;
	s14 =	sadd.s32 s12, s26;
	s17 =	sadd.s32 s12, s30;
	v20 =	vmul.f32 v20, v26;
	v21 =	vmul.f32 v21, v26  }
0x324: {  	v28 =	vsub.f32 v28, v15;
	s19 =	sadd.s32 s12, s31;
	s28 =	sadd.s32 s12, s29;
	[dreg:$0x1c] =	wrdreg s5;
	v34 =	vld [tilespmem:s5+$0x0];
	v23 =	vmul.f32 v23, v26;
	v22 =	vmul.f32 v22, v19  }
0x325: {  	s4 =	sadd.s32 s0, s26;
	s9 =	sadd.s32 s0, s30;
	[dreg:$0x10] =	wrdreg s14;
	v26 =	vld [tilespmem:s14+$0x0];
	v24 =	vmul.f32 v24, v19;
	v27 =	vsub.f32 v27, v8;
	v32 =	vsub.f32 v32, v11  }
0x326: {  	s12 =	smov.u32 s16;
	s16 =	sadd.s32 s0, s31;
	v17 =	vld [tilespmem:s23+$0x0];
	[dreg:$0x13] =	wrdreg s17;
	v29 =	vmul.f32 v29, v19;
	v25 =	vsub.f32 v25, v14;
	v18 =	vadd.f32 v18, v30  }
0x327: {  	s14 =	smov.u32 s11;
	s11 =	smov.u32 s2;
	s2 =	sand.u32 $0x380, s7;
	v19 =	vmul.f32 v28, v19;
	v28 =	vld [tilespmem:s19+$0x0];
	v20 =	vadd.f32 v20, v30;
	v22 =	vadd.f32 v22, v31  }
0x328: {  	[dreg:$0x18] =	wrdreg s19;
	v35 =	vld [tilespmem:s17+$0x0];
	s5 =	smov.u32 s6;
	s18 =	sor.u32 s2, s8;
	[tilespmem:s20+$0x0] =	vst v18;
	v18 =	vadd.f32 v21, v30;
	v21 =	vmul.f32 v27, v7;
	v27 =	vmul.f32 v32, v7  }
0x329: {  	s6 =	sadd.s32 s3, s26;
	[tilespmem:s10+$0x0] =	vst v20;
	v20 =	vadd.f32 v23, v30;
	v23 =	vmul.f32 v25, v7;
	v7 =	vld [tilespmem:s18+$0x18100];
	s10 =	sadd.s32 s8, s26;
	s26 =	sor.u32 s2, s3;
	v30 =	vmul.f32 v34, v16  }
0x32a: {  	v25 =	vld [tilespmem:s28+$0x0];
	v26 =	vmul.f32 v26, v9;
	[tilespmem:s15+$0x0] =	vst v18;
	v18 =	vadd.f32 v24, v31;
	v24 =	vadd.f32 v29, v31;
	s15 =	sor.u32 s2, s0;
	s2 =	smov.u32 s11;
	s11 =	sld [smem:$0x7E7]  }
0x32b: {  	s17 =	sadd.s32 s0, s29;
	s19 =	sadd.s32 s3, s30;
	s29 =	sadd.s32 s3, s29;
	v19 =	vadd.f32 v19, v31;
	[tilespmem:s14+$0x0] =	vst v22;
	v29 =	vld [tilespmem:s18+$0x18400];
	v22 =	vadd.f32 v27, v13  }
0x32c: {  	s20 =	sadd.s32 s3, s31;
	s0 =	sadd.s32 s8, s31;
	v31 =	vld [tilespmem:s4+$0x0];
	s31 =	smov.u32 s9;
	v27 =	vmul.f32 v28, v12;
	v30 =	vsub.f32 v30, v15;
	v26 =	vsub.f32 v26, v8;
	[tilespmem:s5+$0x0] =	vst v24  }
0x32d: {  	s3 =	smov.u32 s22;
	s22 =	smov.u32 s17;
	v28 =	vld [tilespmem:s31+$0x0];
	s5 =	sld [smem:$0x7E8];
	[tilespmem:s11+$0x0] =	vst v20;
	v20 =	vadd.f32 v21, v13;
	v21 =	vmul.f32 v35, v10  }
0x32e: {  	s17 =	smov.u32 s7;
	s7 =	rddreg [dreg:$0xb];
	[tilespmem:s24+$0x0] =	vst v18;
	s11 =	smov.u32 s6;
	v18 =	vmul.f32 v30, v7;
	v24 =	vmul.f32 v26, v33;
	v26 =	vsub.f32 v27, v14;
	v27 =	vld [tilespmem:s22+$0x0]  }
0x32f: {  	s25 =	sadd.s32 $0x4, s25;
	s18 =	smov.u32 s16;
	v23 =	vadd.f32 v23, v13;
	[tilespmem:s7+$0x0] =	vst v22;
	v25 =	vmul.f32 v25, v16;
	v30 =	vld [tilespmem:s11+$0x0]  }
0x330: {  	s30 =	sadd.s32 s8, s30;
	s9 =	smov.u32 s19;
	s19 =	sld [smem:$0x7E9];
	v63 =	vsub.f32 v21, v11;
	v21 =	vld [tilespmem:s18+$0x0];
	v18 =	vadd.f32 v18, v29;
	[tilespmem:s5+$0x0] =	vst v20  }
0x331: {  	s14 =	smov.u32 s4;
	s24 =	rddreg [dreg:$0x1f];
	s6 =	smov.u32 s20;
	v13 =	vmovc v29;
	v20 =	vmul.f32 v26, v33;
	v25 =	vsub.f32 v25, v15;
	v26 =	vmul.f32 v31, v9;
	v29 =	vld [tilespmem:s9+$0x0]  }
0x332: {  	s8 =	smov.u32 s29;
	s20 =	smov.u32 s14;
	[tilespmem:s24+$0x0] =	vst v19;
	s14 =	rddreg [dreg:$0x1c];
	v22 =	vadd.f32 v24, v17;
	v24 =	vmul.f32 v28, v10;
	v28 =	vld [tilespmem:s6+$0x0];
	v19 =	vmul.f32 v63, v33  }
0x333: {  	p0 =	slt.u32 s25, $0x2C;
	s24 =	rddreg [dreg:$0x10];
	v31 =	vld [tilespmem:s8+$0x0];
	[tilespmem:s14+$0x0] =	vst v18;
	v18 =	vsub.f32 v26, v8  }
.Ltmp7:
0x334: {  	s16 =	smov.u32 s12;
	s12 =	smov.u32 s10;
	v25 =	vmul.f32 v25, v33;
	[tilespmem:s24+$0x0] =	vst v22;
	v22 =	vadd.f32 v20, v17;
	v26 =	vld [tilespmem:s15+$0x18100];
	v19 =	vadd.f32 v19, v17;
	(pc) =	sbr.rel @p0 .LBB2_17-.Ltmp7, $4  }
0x335: {  	s10 =	smov.u32 s30;
	s29 =	rddreg [dreg:$0x13];
	[tilespmem:s19+$0x0] =	vst v23;
	v20 =	vsub.f32 v24, v11;
	v23 =	vmul.f32 v27, v16;
	v27 =	vld [tilespmem:s12+$0x0];
	v24 =	vmul.f32 v30, v9  }
0x336: {  	s30 =	rddreg [dreg:$0x18];
	s14 =	smov.u32 s0;
	v21 =	vmul.f32 v21, v12;
	v30 =	vmul.f32 v29, v10;
	[tilespmem:s29+$0x0] =	vst v19;
	v19 =	vadd.f32 v25, v17;
	v17 =	vld [tilespmem:s10+$0x0]  }
0x337: {  	s21 =	sadd.s32 $0x200, s21;
	s13 =	sadd.s32 $0x40, s13;
	[dreg:$0xb] =	wrdreg s10;
	[tilespmem:s30+$0x0] =	vst v22;
	v23 =	vsub.f32 v23, v15;
	v25 =	vld [tilespmem:s14+$0x0];
	v22 =	vsub.f32 v24, v8;
	v29 =	vmul.f32 v28, v12  }
0x338: {  	s23 =	sadd.s32 $0x40, s23;
	s4 =	smov.u32 s1;
	s0 =	rddreg [dreg:$0x8];
	v28 =	vmul.f32 v31, v16;
	v21 =	vsub.f32 v21, v14;
	v24 =	vsub.f32 v30, v11;
	[tilespmem:s28+$0x0] =	vst v19;
	v19 =	vld [tilespmem:s26+$0x18100]  }
0x339: {  	v16 =	vld [tilespmem:s15+$0x18400];
	_ =	sdelay $0x1  }
0x33a: {  	v56 =	vld [tilespmem:s26+$0x18400]  }
0x33b: {  	v18 =	vmul.f32 v18, v26  }
0x33c: {  	v20 =	vmul.f32 v20, v26;
	v9 =	vmul.f32 v27, v9  }
0x33d: {  	v57 =	vmul.f32 v22, v19;
	v18 =	vadd.f32 v18, v16  }
0x33e: {  	v21 =	vmul.f32 v21, v26;
	v8 =	vsub.f32 v9, v8;
	v20 =	vadd.f32 v20, v16  }
0x33f: {  	v10 =	vmul.f32 v17, v10;
	v59 =	vmul.f32 v24, v19;
	v17 =	vadd.f32 v57, v56;
	[tilespmem:s20+$0x0] =	vst v18  }
0x340: {  	v29 =	vsub.f32 v29, v14;
	v58 =	vadd.f32 v21, v16;
	v8 =	vmul.f32 v8, v7;
	[tilespmem:s31+$0x0] =	vst v20  }
0x341: {  	v23 =	vmul.f32 v23, v26;
	v15 =	vsub.f32 v28, v15;
	v9 =	vadd.f32 v59, v56;
	[tilespmem:s11+$0x0] =	vst v17  }
0x342: {  	v60 =	vmul.f32 v29, v19;
	v8 =	vadd.f32 v8, v13;
	[tilespmem:s18+$0x0] =	vst v58  }
0x343: {  	v10 =	vsub.f32 v10, v11;
	v61 =	vmul.f32 v15, v19;
	v16 =	vadd.f32 v23, v16;
	[tilespmem:s9+$0x0] =	vst v9  }
0x344: {  	v62 =	vadd.f32 v60, v56;
	[tilespmem:s12+$0x0] =	vst v8  }
0x345: {  	v10 =	vmul.f32 v10, v7;
	v11 =	vadd.f32 v61, v56;
	[tilespmem:s22+$0x0] =	vst v16  }
0x346: {  	[tilespmem:s6+$0x0] =	vst v62  }
0x347: {  	v63 =	vadd.f32 v10, v13;
	[tilespmem:s8+$0x0] =	vst v11  }
0x348: {  	s0 =	rddreg [dreg:$0xb]  }
0x349: {  	[tilespmem:s0+$0x0] =	vst v63  }
0x34a: {  	v12 =	vmul.f32 v25, v12;
	s1 =	sld [smem:$0x7EA];
	_ =	sdelay $0x1  }
0x34b: {  	v12 =	vsub.f32 v12, v14  }
0x34c: {  	p0 =	slt.u32 s1, $0x3C  }
.Ltmp8:
0x34d: {  	v7 =	vmul.f32 v12, v7;
	(pc) =	sbr.rel @p0 .LBB2_14-.Ltmp8, $4  }
0x34e: {  	_ = 	snop  }
0x34f: {  	v7 =	vadd.f32 v7, v13  }
0x350: {  	s31 =	sadd.s32 $0x4, s1  }
0x351: {  	[tilespmem:s14+$0x0] =	vst v7;
	s1 =	smov.u32 s31  }
0x352: {  	s0 =	sld [smem:$0x7FB];
	_ =	sdelay $0x1  }
0x353: {  	s2 =	simm.s32 $0x0;
	s1 =	simm.s32 $0x100;
	s31 =	simm.s32 $0x2  }
0x354: {  	[hbm4b:s0+s2] =	stream.linear.scatter [tilespmem:s1], [sflag:$0x3], $0xC000, $0x38;
	[tilespmem:$0x18700] =	vst v63  }
0x355: {  	_ =	swait.ge [sflag:s31], $0xC000  }
0x356: {  	[sflag:s31] =	ssyncset.done $0x0  }
0x357: {  	s1 =	simm.s32 $0x0;
	[sflag:s31] =	ssyncadd.s32 $0xFFFF4000  }
.LBB2_20:
0x358: {  	s0 =	sshrl.u32 s1, $0x3  }
0x359: {  	s0 =	smul.u32 $0x6000, s0;
	_ =	sdelay $0x1  }
0x35a: {  	s23 =	sshll.u32 s1, $0x7;
	s24 =	simm.s32 $0x0;
	s0 =	sshra.s32 s0, $0x2  }
0x35b: {  	s2 =	sand.u32 $0x200, s23;
	s25 =	sand.u32 $0x1C00, s24;
	s3 =	sadd.s32 $0xC100, s0  }
0x35c: {  	[smem:$0x7E6] =	sst s1;
	s16 =	sor.u32 $0x180, s2;
	s1 =	sadd.s32 s25, s3  }
0x35d: {  	s5 =	sand.u32 $0x70, s24;
	s4 =	sadd.s32 s16, s1  }
0x35e: {  	s0 =	sor.u32 $0x80, s2;
	s6 =	sadd.s32 s2, s1;
	s4 =	sadd.s32 s5, s4  }
0x35f: {  	s7 =	sadd.s32 s0, s1;
	s6 =	sadd.s32 s5, s6;
	v7 =	vld [tilespmem:s4+$0x0]  }
0x360: {  	s26 =	sadd.s32 s5, s7;
	v8 =	vld [tilespmem:s6+$0x0]  }
0x361: {  	s28 =	simm.s32 $0x80;
	v9 =	vld [tilespmem:s26+$0x0];
	s4 =	sor.u32 $0x100, s2  }
0x362: {  	s6 =	sand.u32 $0x1C00, s28;
	s1 =	sadd.s32 s4, s1  }
0x363: {  	s29 =	simm.s32 $0x10;
	s6 =	sadd.s32 s6, s3;
	s5 =	sadd.s32 s5, s1  }
0x364: {  	v12 =	vimm.f32 $0.0e+00;
	v15 =	vimm.f32 $0.0e+00;
	s8 =	sand.u32 $0x70, s29;
	s30 =	sadd.s32 s16, s6;
	v10 =	vld [tilespmem:s5+$0x0]  }
0x365: {  	v14 =	vimm.f32 $0.0e+00;
	s1 =	simm.s32 $0x20;
	s31 =	sadd.s32 s2, s6;
	s7 =	sadd.s32 s8, s30;
	v13 =	vmul.f32 v7, v7;
	v7 =	vadd.f32 v7, v12  }
0x366: {  	s9 =	sadd.s32 s0, s6;
	s6 =	sadd.s32 s4, s6;
	s10 =	sadd.s32 s8, s31;
	v11 =	vld [tilespmem:s7+$0x0];
	v16 =	vadd.f32 v8, v12;
	v19 =	vmul.f32 v8, v8;
	v8 =	vadd.f32 v9, v12  }
0x367: {  	s5 =	sadd.s32 s8, s6;
	s6 =	simm.s32 $0x100;
	s7 =	sadd.s32 s8, s9;
	v18 =	vld [tilespmem:s10+$0x0];
	v17 =	vmul.f32 v9, v9;
	v9 =	vadd.f32 v13, v12;
	v13 =	vimm.f32 $0.0e+00  }
.LBB2_21:
0x368: {  	s8 =	sand.u32 $0x1C00, s6  }
0x369: {  	p0 =	sne.s32 s1, $0x2F0;
	v20 =	vld [tilespmem:s7+$0x0];
	v12 =	vadd.f32 v19, v12;
	v15 =	vadd.f32 v10, v15;
	v19 =	vmul.f32 v10, v10;
	s7 =	smov.u32 s1;
	s1 =	sadd.s32 $0x10, s1  }
.Ltmp9:
0x36a: {  	s8 =	sadd.s32 s8, s3;
	v10 =	vld [tilespmem:s5+$0x0];
	v13 =	vadd.f32 v17, v13;
	(pc) =	sbr.rel @p0 .LBB2_21-.Ltmp9, $4  }
0x36b: {  	s5 =	sand.u32 $0x70, s7;
	s7 =	sadd.s32 s2, s8;
	s9 =	sadd.s32 s16, s8;
	v14 =	vadd.f32 v19, v14  }
0x36c: {  	s10 =	sadd.s32 s0, s8;
	s8 =	sadd.s32 s4, s8;
	s9 =	sadd.s32 s5, s9;
	v7 =	vadd.f32 v11, v7;
	v21 =	vmul.f32 v11, v11  }
0x36d: {  	s11 =	sadd.s32 s5, s7;
	s7 =	sadd.s32 s5, s10;
	s5 =	sadd.s32 s5, s8;
	v11 =	vld [tilespmem:s9+$0x0];
	v16 =	vadd.f32 v18, v16;
	v19 =	vmul.f32 v18, v18  }
0x36e: {  	s6 =	sadd.s32 $0x80, s6;
	v18 =	vld [tilespmem:s11+$0x0];
	v8 =	vadd.f32 v20, v8;
	v17 =	vmul.f32 v20, v20;
	v9 =	vadd.f32 v21, v9  }
0x36f: {  	_ =	sdelay $0x3  }
0x370: {  	v12 =	vadd.f32 v19, v12;
	v16 =	vadd.f32 v18, v16;
	v18 =	vmul.f32 v18, v18;
	_ =	sdelay $0x1  }
0x371: {  	v12 =	vadd.f32 v18, v12;
	v18 =	vperm.xlane v16, v3;
	_ =	sdelay $0x1  }
0x372: {  	v16 =	vadd.f32 v18, v16  }
0x373: {  	v18 =	vperm.xlane v12, v3  }
0x374: {  	v19 =	vperm.xlane v16, v4  }
0x375: {  	v12 =	vadd.f32 v18, v12  }
0x376: {  	v16 =	vadd.f32 v19, v16  }
0x377: {  	v18 =	vperm.xlane v12, v4;
	v19 =	vld [tilespmem:s7+$0x0]  }
0x378: {  	v20 =	vperm.xlane v16, v5  }
0x379: {  	v12 =	vadd.f32 v18, v12;
	v18 =	vmul.f32 v10, v10;
	v10 =	vadd.f32 v10, v15;
	v15 =	vld [tilespmem:s5+$0x0]  }
0x37a: {  	v13 =	vadd.f32 v17, v13  }
0x37b: {  	v17 =	vmul.f32 v11, v11;
	v16 =	vadd.f32 v20, v16;
	v20 =	vperm.xlane v12, v5  }
0x37c: {  	v7 =	vadd.f32 v11, v7;
	v11 =	vadd.f32 v19, v8;
	v8 =	vmul.f32 v19, v19  }
0x37d: {  	v14 =	vadd.f32 v18, v14;
	v18 =	vperm.xlane v16, v6;
	v12 =	vadd.f32 v20, v12  }
0x37e: {  	v10 =	vadd.f32 v15, v10;
	v15 =	vmul.f32 v15, v15;
	v13 =	vadd.f32 v8, v13  }
0x37f: {  	v9 =	vadd.f32 v17, v9;
	v16 =	vadd.f32 v18, v16  }
0x380: {  	v17 =	vperm.xlane v12, v6;
	v14 =	vadd.f32 v15, v14;
	v15 =	vperm.xlane v13, v3  }
0x381: {  	v8 =	vmul.f32 $1.302083370e-03, v16;
	v16 =	vperm.xlane v11, v3  }
0x382: {  	v12 =	vadd.f32 v17, v12;
	v17 =	vperm.xlane v7, v3  }
0x383: {  	v13 =	vadd.f32 v15, v13;
	v15 =	vperm.xlane v9, v3;
	v11 =	vadd.f32 v16, v11  }
0x384: {  	v12 =	vmul.f32 $1.302083370e-03, v12;
	v18 =	vmul.f32 v8, v8;
	v7 =	vadd.f32 v17, v7  }
0x385: {  	v17 =	vperm.xlane v10, v3;
	v9 =	vadd.f32 v15, v9;
	v16 =	vperm.xlane v11, v4  }
0x386: {  	v12 =	vsub.f32 v12, v18;
	v18 =	vperm.xlane v13, v4;
	v19 =	vperm.xlane v7, v4  }
0x387: {  	v15 =	vperm.xlane v14, v3;
	v10 =	vadd.f32 v17, v10;
	v11 =	vadd.f32 v16, v11  }
0x388: {  	v13 =	vadd.f32 v18, v13;
	v7 =	vadd.f32 v19, v7;
	v16 =	vperm.xlane v9, v4  }
0x389: {  	v14 =	vadd.f32 v15, v14;
	v18 =	vperm.xlane v10, v4;
	v17 =	vperm.xlane v11, v5  }
0x38a: {  	v15 =	vperm.xlane v13, v5;
	v19 =	vperm.xlane v7, v5;
	v9 =	vadd.f32 v16, v9  }
0x38b: {  	v10 =	vadd.f32 v18, v10;
	v16 =	vperm.xlane v14, v4;
	v11 =	vadd.f32 v17, v11  }
0x38c: {  	v13 =	vadd.f32 v15, v13;
	v7 =	vadd.f32 v19, v7;
	v15 =	vperm.xlane v9, v5  }
0x38d: {  	v18 =	vperm.xlane v10, v5;
	v14 =	vadd.f32 v16, v14;
	v17 =	vperm.xlane v11, v6  }
0x38e: {  	v16 =	vperm.xlane v13, v6;
	v19 =	vperm.xlane v7, v6;
	v9 =	vadd.f32 v15, v9  }
0x38f: {  	v10 =	vadd.f32 v18, v10;
	v15 =	vperm.xlane v14, v5;
	v11 =	vadd.f32 v17, v11  }
0x390: {  	v13 =	vadd.f32 v16, v13;
	v7 =	vadd.f32 v19, v7;
	v16 =	vperm.xlane v9, v6  }
0x391: {  	v17 =	vperm.xlane v10, v6;
	v14 =	vadd.f32 v15, v14;
	v11 =	vmul.f32 $1.302083370e-03, v11  }
0x392: {  	v13 =	vmul.f32 $1.302083370e-03, v13;
	v15 =	vmul.f32 $1.302083370e-03, v7;
	v7 =	vadd.f32 v16, v9  }
0x393: {  	v10 =	vadd.f32 v17, v10;
	v16 =	vperm.xlane v14, v6;
	v9 =	vmul.f32 v11, v11  }
0x394: {  	v12 =	vadd.f32 $1.000000010e-07, v12;
	v7 =	vmul.f32 $1.302083370e-03, v7;
	v17 =	vmul.f32 v15, v15  }
0x395: {  	v18 =	vmul.f32 $1.302083370e-03, v10;
	v10 =	vadd.f32 v16, v14  }
0x396: {  	v14 =	vmul.f32 $5.000000000e-01, v12;
	v9 =	vsub.f32 v13, v9;
	v7 =	vsub.f32 v7, v17  }
0x397: {  	v12 =	vshra.s32 v12, $0x1;
	v10 =	vmul.f32 $1.302083370e-03, v10;
	v13 =	vmul.f32 v18, v18  }
0x398: {  	v12 =	vsub.s32 $0x5F3759DF, v12;
	v9 =	vadd.f32 $1.000000010e-07, v9;
	v7 =	vadd.f32 $1.000000010e-07, v7  }
0x399: {  	v16 =	vmul.f32 v12, v14;
	v10 =	vsub.f32 v10, v13  }
0x39a: {  	v13 =	vshra.s32 v9, $0x1;
	v17 =	vshra.s32 v7, $0x1;
	v7 =	vmul.f32 $5.000000000e-01, v7  }
0x39b: {  	v9 =	vmul.f32 $5.000000000e-01, v9;
	v10 =	vadd.f32 $1.000000010e-07, v10;
	v17 =	vsub.s32 $0x5F3759DF, v17  }
0x39c: {  	v16 =	vmul.f32 v12, v16;
	v13 =	vsub.s32 $0x5F3759DF, v13;
	v19 =	vmul.f32 v17, v7  }
0x39d: {  	v20 =	vmul.f32 v13, v9;
	v21 =	vshra.s32 v10, $0x1;
	v10 =	vmul.f32 $5.000000000e-01, v10  }
0x39e: {  	v16 =	vsub.f32 $1.500000000e+00, v16;
	v21 =	vsub.s32 $0x5F3759DF, v21;
	v19 =	vmul.f32 v17, v19  }
0x39f: {  	v20 =	vmul.f32 v13, v20;
	v22 =	vmul.f32 v21, v10  }
0x3a0: {  	v12 =	vmul.f32 v12, v16;
	v16 =	vsub.f32 $1.500000000e+00, v19  }
0x3a1: {  	v19 =	vsub.f32 $1.500000000e+00, v20;
	v20 =	vmul.f32 v21, v22  }
0x3a2: {  	v22 =	vmul.f32 v12, v14;
	v16 =	vmul.f32 v17, v16  }
0x3a3: {  	v13 =	vmul.f32 v13, v19;
	v17 =	vsub.f32 $1.500000000e+00, v20  }
0x3a4: {  	v19 =	vmul.f32 v22, v12;
	v20 =	vmul.f32 v16, v7  }
0x3a5: {  	v22 =	vmul.f32 v13, v9;
	v17 =	vmul.f32 v21, v17  }
0x3a6: {  	v19 =	vsub.f32 $1.500000000e+00, v19;
	v20 =	vmul.f32 v20, v16  }
0x3a7: {  	v21 =	vmul.f32 v22, v13;
	v22 =	vmul.f32 v17, v10  }
0x3a8: {  	s17 =	simm.s32 $0x0;
	v12 =	vmul.f32 v19, v12;
	v19 =	vsub.f32 $1.500000000e+00, v20  }
0x3a9: {  	s1 =	sand.u32 $0x1C00, s17;
	v20 =	vsub.f32 $1.500000000e+00, v21;
	v21 =	vmul.f32 v22, v17  }
0x3aa: {  	s26 =	sadd.s32 s1, s3;
	v14 =	vmul.f32 v12, v14;
	v16 =	vmul.f32 v19, v16  }
0x3ab: {  	s6 =	sand.u32 $0x40, s17;
	s15 =	sadd.s32 s2, s26;
	v13 =	vmul.f32 v20, v13;
	v19 =	vsub.f32 $1.500000000e+00, v21  }
0x3ac: {  	s10 =	sadd.s32 s0, s26;
	s13 =	sadd.s32 s6, s15;
	v14 =	vmul.f32 v14, v12;
	v7 =	vmul.f32 v16, v7  }
0x3ad: {  	s28 =	sor.u32 $0x30, s6;
	s8 =	sadd.s32 s16, s26;
	s21 =	sadd.s32 s6, s10;
	v23 =	vld [tilespmem:s13+$0x0];
	v9 =	vmul.f32 v13, v9;
	v17 =	vmul.f32 v19, v17  }
0x3ae: {  	s19 =	sadd.s32 s28, s8;
	v24 =	vld [tilespmem:s21+$0x0];
	v7 =	vmul.f32 v7, v16  }
0x3af: {  	s23 =	sadd.s32 s6, s8;
	v20 =	vld [tilespmem:s19+$0x0];
	v14 =	vsub.f32 $1.500000000e+00, v14;
	v22 =	vmul.f32 v9, v13;
	v10 =	vmul.f32 v17, v10  }
0x3b0: {  	s25 =	simm.s32 $0x18400;
	s24 =	sadd.s32 s4, s26;
	v25 =	vld [tilespmem:s23+$0x0];
	v7 =	vsub.f32 $1.500000000e+00, v7  }
0x3b1: {  	s30 =	sand.u32 $0x380, s17;
	s29 =	sadd.s32 s6, s24;
	v21 =	vld [tilespmem:s25+$0x0];
	v9 =	vmul.f32 v14, v12;
	v12 =	vsub.f32 $1.500000000e+00, v22;
	v14 =	vmul.f32 v10, v17  }
0x3b2: {  	s11 =	sor.u32 s30, s28;
	v22 =	vld [tilespmem:s29+$0x0];
	v16 =	vmul.f32 v7, v16  }
0x3b3: {  	s9 =	simm.s32 $0x18100;
	v8 =	vmul.f32 v9, v8;
	v7 =	vld [tilespmem:s11+$0x18100];
	v10 =	vmul.f32 v12, v13;
	v12 =	vsub.f32 $1.500000000e+00, v14  }
0x3b4: {  	s25 =	sor.u32 $0x10, s6;
	v19 =	vld [tilespmem:s9+$0x0];
	v15 =	vmul.f32 v16, v15;
	v14 =	vmul.f32 v20, v16  }
0x3b5: {  	s31 =	sadd.s32 s25, s10;
	v13 =	vld [tilespmem:s11+$0x18400];
	v12 =	vmul.f32 v12, v17;
	v17 =	vmul.f32 v23, v9  }
0x3b6: {  	s26 =	sor.u32 $0x20, s6;
	s22 =	sadd.s32 s25, s8;
	v26 =	vld [tilespmem:s31+$0x0];
	v23 =	vmul.f32 v24, v10;
	v24 =	vsub.f32 v14, v15  }
0x3b7: {  	v28 =	vld [tilespmem:s22+$0x0];
	s9 =	sadd.s32 s26, s10;
	v11 =	vmul.f32 v10, v11;
	v14 =	vmul.f32 v12, v18;
	v17 =	vsub.f32 v17, v8  }
0x3b8: {  	s20 =	sadd.s32 s25, s15;
	v30 =	vld [tilespmem:s9+$0x0];
	v18 =	vmul.f32 v22, v12;
	v24 =	vmul.f32 v24, v7  }
0x3b9: {  	s18 =	sadd.s32 s25, s24;
	v20 =	vld [tilespmem:s20+$0x0];
	v25 =	vmul.f32 v25, v16;
	v23 =	vsub.f32 v23, v11;
	v17 =	vmul.f32 v17, v19  }
0x3ba: {  	s11 =	sadd.s32 s26, s15;
	v22 =	vld [tilespmem:s18+$0x0];
	v18 =	vsub.f32 v18, v14;
	v24 =	vadd.f32 v24, v13  }
0x3bb: {  	s6 =	sadd.s32 s26, s24;
	v29 =	vld [tilespmem:s11+$0x0];
	v25 =	vsub.f32 v25, v15;
	v23 =	vmul.f32 v23, v19;
	v17 =	vadd.f32 v17, v21  }
0x3bc: {  	s8 =	sadd.s32 s26, s8;
	v31 =	vld [tilespmem:s6+$0x0];
	v27 =	vmul.f32 v18, v19;
	[tilespmem:s19+$0x0] =	vst v24  }
0x3bd: {  	s12 =	sadd.s32 s28, s15;
	v32 =	vld [tilespmem:s8+$0x0];
	s10 =	sadd.s32 s28, s10;
	v30 =	vmul.f32 v30, v10;
	v23 =	vadd.f32 v23, v21;
	v19 =	vmul.f32 v25, v19;
	[tilespmem:s13+$0x0] =	vst v17  }
0x3be: {  	v18 =	vmul.f32 v20, v9;
	v20 =	vmul.f32 v26, v10;
	v24 =	vadd.f32 v27, v21;
	v27 =	vld [tilespmem:s12+$0x0];
	[dreg:$0xc] =	wrdreg s10  }
0x3bf: {  	s14 =	sadd.s32 s28, s24;
	v26 =	vmul.f32 v28, v16;
	v22 =	vmul.f32 v22, v12;
	v19 =	vadd.f32 v19, v21;
	v17 =	vld [tilespmem:s10+$0x0];
	[tilespmem:s21+$0x0] =	vst v23  }
0x3c0: {  	s15 =	sor.u32 s30, s25;
	v28 =	vmul.f32 v29, v9;
	v18 =	vsub.f32 v18, v8;
	v20 =	vsub.f32 v20, v11;
	v25 =	vld [tilespmem:s14+$0x0];
	[tilespmem:s29+$0x0] =	vst v24  }
0x3c1: {  	s25 =	simm.s32 $0x0;
	s26 =	sor.u32 s30, s26;
	v29 =	vmul.f32 v31, v12;
	s13 =	simm.s32 $0x18140;
	v21 =	vsub.f32 v22, v14;
	v23 =	vsub.f32 v26, v15;
	v26 =	vld [tilespmem:s15+$0x18100];
	[tilespmem:s23+$0x0] =	vst v19  }
0x3c2: {  	v22 =	vsub.f32 v28, v8;
	v28 =	vmul.f32 v32, v16;
	s21 =	simm.s32 $0x200;
	v24 =	vsub.f32 v30, v11;
	v19 =	vld [tilespmem:s26+$0x18100];
	s23 =	simm.s32 $0x18440;
	[dreg:$0x9] =	wrdreg s0  }
.LBB2_23:
0x3c3: {  	[smem:$0x7E2] =	sst s22  }
0x3c4: {  	[smem:$0x7E4] =	sst s12  }
0x3c5: {  	[smem:$0x7E5] =	sst s14  }
0x3c6: {  	[smem:$0x7E3] =	sst s8;
	s1 =	sand.u32 $0x1C00, s21  }
0x3c7: {  	s7 =	sadd.s32 $0x40, s17;
	s10 =	smov.u32 s31;
	s22 =	smov.u32 s3  }
0x3c8: {  	v30 =	vld [tilespmem:s15+$0x18400];
	s24 =	smov.u32 s9;
	s15 =	smov.u32 s18;
	s1 =	sadd.s32 s1, s3  }
0x3c9: {  	v31 =	vld [tilespmem:s26+$0x18400];
	s12 =	sand.u32 $0x40, s7;
	s26 =	sadd.s32 s2, s1;
	s29 =	sadd.s32 s16, s1  }
0x3ca: {  	s8 =	sor.u32 $0x30, s12;
	s30 =	sadd.s32 s0, s1;
	s31 =	sadd.s32 s4, s1;
	v27 =	vmul.f32 v27, v9;
	v32 =	vmul.f32 v17, v10  }
0x3cb: {  	s0 =	sor.u32 $0x10, s12;
	s3 =	sor.u32 $0x20, s12;
	s1 =	smov.u32 s4;
	v25 =	vmul.f32 v25, v12;
	v18 =	vmul.f32 v18, v26  }
0x3cc: {  	v33 =	vld [tilespmem:s13+$0x0];
	v29 =	vsub.f32 v29, v14;
	s5 =	sadd.s32 s8, s29;
	s14 =	sadd.s32 s12, s26;
	s17 =	sadd.s32 s12, s30;
	v20 =	vmul.f32 v20, v26;
	v21 =	vmul.f32 v21, v26  }
0x3cd: {  	v28 =	vsub.f32 v28, v15;
	s19 =	sadd.s32 s12, s31;
	s28 =	sadd.s32 s12, s29;
	[dreg:$0x1d] =	wrdreg s5;
	v34 =	vld [tilespmem:s5+$0x0];
	v23 =	vmul.f32 v23, v26;
	v22 =	vmul.f32 v22, v19  }
0x3ce: {  	s4 =	sadd.s32 s0, s26;
	s9 =	sadd.s32 s0, s30;
	[dreg:$0x11] =	wrdreg s14;
	v26 =	vld [tilespmem:s14+$0x0];
	v24 =	vmul.f32 v24, v19;
	v27 =	vsub.f32 v27, v8;
	v32 =	vsub.f32 v32, v11  }
0x3cf: {  	s12 =	smov.u32 s16;
	s16 =	sadd.s32 s0, s31;
	v17 =	vld [tilespmem:s23+$0x0];
	[dreg:$0x14] =	wrdreg s17;
	v29 =	vmul.f32 v29, v19;
	v25 =	vsub.f32 v25, v14;
	v18 =	vadd.f32 v18, v30  }
0x3d0: {  	s14 =	smov.u32 s11;
	s11 =	smov.u32 s2;
	s2 =	sand.u32 $0x380, s7;
	v19 =	vmul.f32 v28, v19;
	v28 =	vld [tilespmem:s19+$0x0];
	v20 =	vadd.f32 v20, v30;
	v22 =	vadd.f32 v22, v31  }
0x3d1: {  	[dreg:$0x19] =	wrdreg s19;
	v35 =	vld [tilespmem:s17+$0x0];
	s5 =	smov.u32 s6;
	s18 =	sor.u32 s2, s8;
	[tilespmem:s20+$0x0] =	vst v18;
	v18 =	vadd.f32 v21, v30;
	v21 =	vmul.f32 v27, v7;
	v27 =	vmul.f32 v32, v7  }
0x3d2: {  	s6 =	sadd.s32 s3, s26;
	[tilespmem:s10+$0x0] =	vst v20;
	v20 =	vadd.f32 v23, v30;
	v23 =	vmul.f32 v25, v7;
	v7 =	vld [tilespmem:s18+$0x18100];
	s10 =	sadd.s32 s8, s26;
	s26 =	sor.u32 s2, s3;
	v30 =	vmul.f32 v34, v16  }
0x3d3: {  	v25 =	vld [tilespmem:s28+$0x0];
	v26 =	vmul.f32 v26, v9;
	[tilespmem:s15+$0x0] =	vst v18;
	v18 =	vadd.f32 v24, v31;
	v24 =	vadd.f32 v29, v31;
	s15 =	sor.u32 s2, s0;
	s2 =	smov.u32 s11;
	s11 =	sld [smem:$0x7E2]  }
0x3d4: {  	s17 =	sadd.s32 s0, s29;
	s19 =	sadd.s32 s3, s30;
	s29 =	sadd.s32 s3, s29;
	v19 =	vadd.f32 v19, v31;
	[tilespmem:s14+$0x0] =	vst v22;
	v29 =	vld [tilespmem:s18+$0x18400];
	v22 =	vadd.f32 v27, v13  }
0x3d5: {  	s20 =	sadd.s32 s3, s31;
	s0 =	sadd.s32 s8, s31;
	v31 =	vld [tilespmem:s4+$0x0];
	s31 =	smov.u32 s9;
	v27 =	vmul.f32 v28, v12;
	v30 =	vsub.f32 v30, v15;
	v26 =	vsub.f32 v26, v8;
	[tilespmem:s5+$0x0] =	vst v24  }
0x3d6: {  	s3 =	smov.u32 s22;
	s22 =	smov.u32 s17;
	v28 =	vld [tilespmem:s31+$0x0];
	s5 =	sld [smem:$0x7E4];
	[tilespmem:s11+$0x0] =	vst v20;
	v20 =	vadd.f32 v21, v13;
	v21 =	vmul.f32 v35, v10  }
0x3d7: {  	s17 =	smov.u32 s7;
	s7 =	rddreg [dreg:$0xc];
	[tilespmem:s24+$0x0] =	vst v18;
	s11 =	smov.u32 s6;
	v18 =	vmul.f32 v30, v7;
	v24 =	vmul.f32 v26, v33;
	v26 =	vsub.f32 v27, v14;
	v27 =	vld [tilespmem:s22+$0x0]  }
0x3d8: {  	s18 =	smov.u32 s16;
	v23 =	vadd.f32 v23, v13;
	s24 =	sld [smem:$0x7E3];
	[tilespmem:s7+$0x0] =	vst v22;
	v25 =	vmul.f32 v25, v16;
	v30 =	vld [tilespmem:s11+$0x0]  }
0x3d9: {  	s25 =	sadd.s32 $0x4, s25;
	s30 =	sadd.s32 s8, s30;
	s9 =	smov.u32 s19;
	v63 =	vsub.f32 v21, v11;
	v21 =	vld [tilespmem:s18+$0x0];
	v18 =	vadd.f32 v18, v29;
	[tilespmem:s5+$0x0] =	vst v20  }
0x3da: {  	s14 =	smov.u32 s4;
	s19 =	sld [smem:$0x7E5];
	s6 =	smov.u32 s20;
	v13 =	vmovc v29;
	v20 =	vmul.f32 v26, v33;
	v25 =	vsub.f32 v25, v15;
	v26 =	vmul.f32 v31, v9;
	v29 =	vld [tilespmem:s9+$0x0]  }
0x3db: {  	s8 =	smov.u32 s29;
	s20 =	smov.u32 s14;
	s14 =	rddreg [dreg:$0x1d];
	[tilespmem:s24+$0x0] =	vst v19;
	v22 =	vadd.f32 v24, v17;
	v24 =	vmul.f32 v28, v10;
	v28 =	vld [tilespmem:s6+$0x0];
	v19 =	vmul.f32 v63, v33  }
0x3dc: {  	p0 =	slt.u32 s25, $0x2C;
	s24 =	rddreg [dreg:$0x11];
	v31 =	vld [tilespmem:s8+$0x0];
	[tilespmem:s14+$0x0] =	vst v18;
	v18 =	vsub.f32 v26, v8  }
.Ltmp10:
0x3dd: {  	s16 =	smov.u32 s12;
	s12 =	smov.u32 s10;
	v25 =	vmul.f32 v25, v33;
	[tilespmem:s24+$0x0] =	vst v22;
	v22 =	vadd.f32 v20, v17;
	v26 =	vld [tilespmem:s15+$0x18100];
	v19 =	vadd.f32 v19, v17;
	(pc) =	sbr.rel @p0 .LBB2_23-.Ltmp10, $4  }
0x3de: {  	s10 =	smov.u32 s30;
	s29 =	rddreg [dreg:$0x14];
	[tilespmem:s19+$0x0] =	vst v23;
	v20 =	vsub.f32 v24, v11;
	v23 =	vmul.f32 v27, v16;
	v27 =	vld [tilespmem:s12+$0x0];
	v24 =	vmul.f32 v30, v9  }
0x3df: {  	s30 =	rddreg [dreg:$0x19];
	s14 =	smov.u32 s0;
	v21 =	vmul.f32 v21, v12;
	v30 =	vmul.f32 v29, v10;
	[tilespmem:s29+$0x0] =	vst v19;
	v19 =	vadd.f32 v25, v17;
	v17 =	vld [tilespmem:s10+$0x0]  }
0x3e0: {  	s21 =	sadd.s32 $0x200, s21;
	s13 =	sadd.s32 $0x40, s13;
	[dreg:$0xc] =	wrdreg s10;
	[tilespmem:s30+$0x0] =	vst v22;
	v23 =	vsub.f32 v23, v15;
	v25 =	vld [tilespmem:s14+$0x0];
	v22 =	vsub.f32 v24, v8;
	v29 =	vmul.f32 v28, v12  }
0x3e1: {  	s23 =	sadd.s32 $0x40, s23;
	s4 =	smov.u32 s1;
	s0 =	rddreg [dreg:$0x9];
	v28 =	vmul.f32 v31, v16;
	v21 =	vsub.f32 v21, v14;
	v24 =	vsub.f32 v30, v11;
	[tilespmem:s28+$0x0] =	vst v19;
	v19 =	vld [tilespmem:s26+$0x18100]  }
0x3e2: {  	v16 =	vld [tilespmem:s15+$0x18400];
	_ =	sdelay $0x1  }
0x3e3: {  	v56 =	vld [tilespmem:s26+$0x18400]  }
0x3e4: {  	v18 =	vmul.f32 v18, v26  }
0x3e5: {  	v20 =	vmul.f32 v20, v26;
	v9 =	vmul.f32 v27, v9  }
0x3e6: {  	v57 =	vmul.f32 v22, v19;
	v18 =	vadd.f32 v18, v16  }
0x3e7: {  	v21 =	vmul.f32 v21, v26;
	v8 =	vsub.f32 v9, v8;
	v20 =	vadd.f32 v20, v16  }
0x3e8: {  	v10 =	vmul.f32 v17, v10;
	v59 =	vmul.f32 v24, v19;
	v17 =	vadd.f32 v57, v56;
	[tilespmem:s20+$0x0] =	vst v18  }
0x3e9: {  	v29 =	vsub.f32 v29, v14;
	v58 =	vadd.f32 v21, v16;
	v8 =	vmul.f32 v8, v7;
	[tilespmem:s31+$0x0] =	vst v20  }
0x3ea: {  	v23 =	vmul.f32 v23, v26;
	v15 =	vsub.f32 v28, v15;
	v9 =	vadd.f32 v59, v56;
	[tilespmem:s11+$0x0] =	vst v17  }
0x3eb: {  	v60 =	vmul.f32 v29, v19;
	v8 =	vadd.f32 v8, v13;
	[tilespmem:s18+$0x0] =	vst v58  }
0x3ec: {  	v10 =	vsub.f32 v10, v11;
	v61 =	vmul.f32 v15, v19;
	v16 =	vadd.f32 v23, v16;
	[tilespmem:s9+$0x0] =	vst v9  }
0x3ed: {  	v62 =	vadd.f32 v60, v56;
	[tilespmem:s12+$0x0] =	vst v8  }
0x3ee: {  	v10 =	vmul.f32 v10, v7;
	v11 =	vadd.f32 v61, v56;
	[tilespmem:s22+$0x0] =	vst v16  }
0x3ef: {  	[tilespmem:s6+$0x0] =	vst v62  }
0x3f0: {  	v63 =	vadd.f32 v10, v13;
	[tilespmem:s8+$0x0] =	vst v11  }
0x3f1: {  	s0 =	rddreg [dreg:$0xc]  }
0x3f2: {  	[tilespmem:s0+$0x0] =	vst v63  }
0x3f3: {  	v12 =	vmul.f32 v25, v12;
	s1 =	sld [smem:$0x7E6];
	_ =	sdelay $0x1  }
0x3f4: {  	v12 =	vsub.f32 v12, v14  }
0x3f5: {  	p0 =	slt.u32 s1, $0x3C  }
.Ltmp11:
0x3f6: {  	v7 =	vmul.f32 v12, v7;
	(pc) =	sbr.rel @p0 .LBB2_20-.Ltmp11, $4  }
0x3f7: {  	_ = 	snop  }
0x3f8: {  	v7 =	vadd.f32 v7, v13  }
0x3f9: {  	s31 =	sadd.s32 $0x4, s1  }
0x3fa: {  	[tilespmem:s14+$0x0] =	vst v7;
	s1 =	smov.u32 s31  }
0x3fb: {  	s0 =	sld [smem:$0x7FC];
	_ =	sdelay $0x1  }
0x3fc: {  	s7 =	simm.s32 $0x0;
	s4 =	simm.s32 $0xC100;
	s30 =	simm.s32 $0x3  }
0x3fd: {  	[hbm4b:s0+s7] =	stream.linear.scatter [tilespmem:s4], [sflag:$0x4], $0xC000, $0x38;
	[tilespmem:$0x18700] =	vst v63  }
0x3fe: {  	_ =	swait.ge [sflag:s30], $0xC000  }
0x3ff: {  	[sflag:s30] =	ssyncset.done $0x0  }
0x400: {  	s1 =	simm.s32 $0x4;
	[sflag:s30] =	ssyncadd.s32 $0xFFFF4000  }
0x401: {  	_ =	swait.ge [sflag:s1], $0xC000  }
0x402: {  	s2 =	sld [smem:$0x7F5]  }
0x403: {  	s31 =	sld [smem:$0x7FD];
	_ =	sdelay $0x1  }
0x404: {  	s2 =	sadd.s32 $0x1, s2  }
0x405: {  	p0 =	sne.s32 s2, s31  }
.Ltmp12:
0x406: {  	_ = 	snop;
	(pc) =	sbr.rel @p0 .LBB2_1-.Ltmp12, $3  }
0x407: {  	_ =	sdelay $0x1  }
0x408: {  	[sflag:s1] =	ssyncset.done $0x0  }
0x409: {  	[sflag:s1] =	ssyncadd.s32 $0xFFFF4000  }
0x40a: {  	_ =	sfence.sel $0x180000  }
0x40b: {  	[bflag:$0x0] =	sbarrier.arrive $0xFFFF  }
0x40c: {  	_ =	strace $0x90000047  }
0x40d: {  	s0 =	stileid.u32;
	[bflag:$0x2] =	sbarrier.arrive $0xFFFF  }
0x40e: {  	p0 =	sne.s32 s0, $0x0;
	s0 =	rddreg [dreg:$0x5]  }
0x40f: {  	s0 =	sadd.s32 @!p0 $0x100000, s0  }
0x410: {  	[sflag:s0] =	ssyncadd.tile.s32 @!p0 $0x1;
	_ =	shalt  }
.Lfunc_end2:
_tile_overlayer_lowered:
.L_overlay_start_2:
0x411: {  	(tag) =	ssettag $0x2  }
0x412: {  	s0 =	rddreg [dreg:$0x0];
	s2 =	stileid.u32  }
0x413: {  	s1 =	rddreg [dreg:$0x1];
	p0 =	sne.s32 s2, $0x0  }
0x414: {  	s3 =	rddreg [dreg:$0x2];
	[bflag:$0x3] =	sbarrier.arrive $0xFFFF;
	s2 =	simm.s32 @!p0 $0x1C05  }
0x415: {  	[timem:s3], [sflag:s2] =	dma.local @!p0 [hbm:s0], s1  }
0x416: {  	s0 =	simm.s32 @!p0 $0x5  }
0x417: {  	_ =	swait.ge @!p0 [sflag:s0], s1  }
0x418: {  	s1 =	ssub.s32 @!p0 $0x0, s1;
	[sflag:s0] =	ssyncset.done @!p0 $0x0  }
0x419: {  	[sflag:s0] =	ssyncadd.s32 @!p0 s1  }
0x41a: {  	[bflag:$0x3] =	sbarrier.arrive $0xFFFF  }
0x41b: {  	_ =	shalt  }

</sc_bundles>
